<compile_context>
chip_gen: v7x
topology: tpu7x:2x2x1
jax: 0.10.2.dev20260603
libtpu: 0.0.44.dev20260713+nightly
codegen_flags: <defaults>
</compile_context>

<pallas_src>
import functools

import jax
import jax.numpy as jnp
from jax import lax
from jax.experimental import pallas as pl
from jax.experimental.pallas import tpu as pltpu
from jax.experimental.pallas import tpu_sc as plsc

N = 10000
E = 320000
D = 128
H = 256
DE = 16

NC = 2
NS = 16
B = 80
B3 = 80
IC = 10
IC3 = 5
OC = 25
NH = N // 2
NPH = 5120
JUNK = NPH - 1
RPTH = NPH // NS
NP = 10240
RPT = NP // NS
BN = 1000
BE = 8000

_f32 = jnp.float32


@functools.partial(
    pl.kernel,
    out_type=(jax.ShapeDtypeStruct((NC, NPH, 128), _f32),
              jax.ShapeDtypeStruct((NC, NPH, 128), _f32)),
    mesh=plsc.VectorSubcoreMesh(core_axis_name="c", subcore_axis_name="s"),
    scratch_types=[
        pltpu.VMEM_SHARED((NPH, 128), _f32),
        pltpu.VMEM((IC, B), jnp.int32),
        pltpu.VMEM((IC, B), jnp.int32),
        pltpu.VMEM((B, 128), _f32),
        pltpu.VMEM((B, 128), _f32),
        pltpu.SemaphoreType.DMA,
        pltpu.SemaphoreType.DMA,
    ],
)
def _sc_layer1(x, srcT, dstC, z128, ones128, cnt_hbm, agg_hbm,
               acc_sh, idx_s, idx_d, rows0, rows1, sem0, sem1):
    c = lax.axis_index("c")
    s = lax.axis_index("s")
    r0 = s * RPTH
    pltpu.sync_copy(z128.at[pl.ds(r0, RPTH), :], acc_sh.at[pl.ds(r0, RPTH), :])
    pltpu.sync_copy(ones128, rows0)
    plsc.subcore_barrier()

    def outer_cnt(o, carry):
        pltpu.sync_copy(dstC.at[c, s, o], idx_d)
        cps = [pltpu.async_copy(rows0, acc_sh.at[idx_d.at[k]], sem0 if
                                k % 2 == 0 else sem1, add=True)
               for k in range(IC)]
        for cp in cps:
            cp.wait()
        return carry

    lax.fori_loop(0, OC, outer_cnt, 0)
    plsc.subcore_barrier()
    pltpu.sync_copy(acc_sh.at[pl.ds(r0, RPTH), :],
                    cnt_hbm.at[c, pl.ds(r0, RPTH), :])
    pltpu.sync_copy(z128.at[pl.ds(r0, RPTH), :], acc_sh.at[pl.ds(r0, RPTH), :])
    plsc.subcore_barrier()

    def outer_agg(o, carry):
        pltpu.sync_copy(srcT.at[s, o], idx_s)
        pltpu.sync_copy(dstC.at[c, s, o], idx_d)
        bufs = (rows0, rows1)
        sems = (sem0, sem1)
        g = pltpu.async_copy(x.at[idx_s.at[0]], bufs[0], sems[0])
        for k in range(IC):
            nxt = None
            if k + 1 < IC:
                nxt = pltpu.async_copy(x.at[idx_s.at[k + 1]],
                                       bufs[(k + 1) % 2], sems[(k + 1) % 2])
            g.wait()
            pltpu.sync_copy(bufs[k % 2], acc_sh.at[idx_d.at[k]], add=True)
            g = nxt
        return carry

    lax.fori_loop(0, OC, outer_agg, 0)
    plsc.subcore_barrier()
    pltpu.sync_copy(acc_sh.at[pl.ds(r0, RPTH), :],
                    agg_hbm.at[c, pl.ds(r0, RPTH), :])


@functools.partial(
    pl.kernel,
    out_type=jax.ShapeDtypeStruct((NC, NP, 128), _f32),
    mesh=plsc.VectorSubcoreMesh(core_axis_name="c", subcore_axis_name="s"),
    scratch_types=[
        pltpu.VMEM_SHARED((NP, 128), _f32),
        pltpu.VMEM((IC, B), jnp.int32),
        pltpu.VMEM((IC, B), jnp.int32),
        pltpu.VMEM((B, 128), _f32),
        pltpu.VMEM((B, 128), _f32),
        pltpu.SemaphoreType.DMA,
        pltpu.SemaphoreType.DMA,
    ],
)
def _sc_layer2(h1f, srcMc, dstT, z128, agg_hbm,
               agg_sh, idx_s, idx_d, rows0, rows1, sem0, sem1):
    c = lax.axis_index("c")
    s = lax.axis_index("s")
    r0 = s * RPT
    pltpu.sync_copy(z128.at[pl.ds(r0, RPT), :], agg_sh.at[pl.ds(r0, RPT), :])
    plsc.subcore_barrier()

    def outer(o, carry):
        pltpu.sync_copy(srcMc.at[c, s, o], idx_s)
        pltpu.sync_copy(dstT.at[s, o], idx_d)
        bufs = (rows0, rows1)
        sems = (sem0, sem1)
        g = pltpu.async_copy(h1f.at[idx_s.at[0]], bufs[0], sems[0])
        for k in range(IC):
            nxt = None
            if k + 1 < IC:
                nxt = pltpu.async_copy(h1f.at[idx_s.at[k + 1]],
                                       bufs[(k + 1) % 2], sems[(k + 1) % 2])
            g.wait()
            pltpu.sync_copy(bufs[k % 2], agg_sh.at[idx_d.at[k]], add=True)
            g = nxt
        return carry

    lax.fori_loop(0, OC, outer, 0)
    plsc.subcore_barrier()
    pltpu.sync_copy(agg_sh.at[pl.ds(r0, RPT), :],
                    agg_hbm.at[c, pl.ds(r0, RPT), :])


@functools.partial(
    pl.kernel,
    out_type=jax.ShapeDtypeStruct((E, 2 * H + DE), _f32),
    mesh=plsc.VectorSubcoreMesh(core_axis_name="c", subcore_axis_name="s"),
    scratch_types=[
        pltpu.VMEM((IC3, B3), jnp.int32),
        pltpu.VMEM((IC3, B3), jnp.int32),
        pltpu.VMEM((B3, H), _f32),
        pltpu.VMEM((B3, H), _f32),
        pltpu.VMEM((B3, H), _f32),
        pltpu.VMEM((B3, DE), _f32),
        pltpu.SemaphoreType.DMA,
        pltpu.SemaphoreType.DMA,
        pltpu.SemaphoreType.DMA,
        pltpu.SemaphoreType.DMA,
        pltpu.SemaphoreType.DMA,
        pltpu.SemaphoreType.DMA,
    ],
)
def _sc_out(g, srcW, dstW, ea, out_hbm,
            idx_s, idx_d, bs0, bs1, bd, be,
            ss0, ss1, sd, ts0, ts1, td):
    c = lax.axis_index("c")
    s = lax.axis_index("s")
    w = s * NC + c

    def outer(o, carry):
        pltpu.sync_copy(srcW.at[w, o], idx_s)
        pltpu.sync_copy(dstW.at[w, o], idx_d)
        bS = (bs0, bs1)
        sS = (ss0, ss1)
        tS = (ts0, ts1)
        st_s = [None, None]
        st_d = [None]
        gs = pltpu.async_copy(g.at[idx_s.at[0]], bS[0], ss0)
        for k in range(IC3):
            p = k % 2
            e0 = (w * OC * IC3 + o * IC3 + k) * B3
            if st_d[0] is not None:
                st_d[0].wait()
                st_d[0] = None
            gd = pltpu.async_copy(g.at[idx_d.at[k]], bd, sd)
            ns = None
            if k + 1 < IC3:
                q = (k + 1) % 2
                if st_s[q] is not None:
                    st_s[q].wait()
                    st_s[q] = None
                ns = pltpu.async_copy(g.at[idx_s.at[k + 1]], bS[q], sS[q])
            pltpu.sync_copy(ea.at[pl.ds(e0, B3), :], be)
            pltpu.sync_copy(be, out_hbm.at[pl.ds(e0, B3), pl.ds(2 * H, DE)])
            gs.wait()
            st_s[p] = pltpu.async_copy(
                bS[p], out_hbm.at[pl.ds(e0, B3), pl.ds(0, H)], tS[p])
            gd.wait()
            st_d[0] = pltpu.async_copy(
                bd, out_hbm.at[pl.ds(e0, B3), pl.ds(H, H)], td)
            gs = ns
        for par in (0, 1):
            if st_s[par] is not None:
                st_s[par].wait()
        if st_d[0] is not None:
            st_d[0].wait()
        return carry

    lax.fori_loop(0, OC, outer, 0)


def _agg_map(i):
    return (i // 5, i % 5, 0)


def _tc1_body(agg_ref, cnt_ref, x_ref, w1l_ref, b1_ref, w1r_ref, o_ref):
    inv = 1.0 / jnp.maximum(cnt_ref[0][:, 0:1], 1.0)
    h = (jnp.dot(agg_ref[0] * inv, w1l_ref[...], preferred_element_type=_f32)
         + jnp.dot(x_ref[...], w1r_ref[...], preferred_element_type=_f32)
         + b1_ref[...])
    h = jnp.maximum(h, 0.0)
    o_ref[0] = h[:, 0:128]
    o_ref[1] = h[:, 128:256]


def _tc1(agg1, cnt, x, w1l, b1, w1r):
    return pl.pallas_call(
        _tc1_body,
        grid=(N // BN,),
        in_specs=[
            pl.BlockSpec((1, BN, 128), _agg_map),
            pl.BlockSpec((1, BN, 128), _agg_map),
            pl.BlockSpec((BN, D), lambda i: (i, 0)),
            pl.BlockSpec((D, H), lambda i: (0, 0)),
            pl.BlockSpec((1, H), lambda i: (0, 0)),
            pl.BlockSpec((D, H), lambda i: (0, 0)),
        ],
        out_specs=pl.BlockSpec((NC, BN, 128), lambda i: (0, i, 0)),
        out_shape=jax.ShapeDtypeStruct((NC, N, 128), _f32),
    )(agg1, cnt, x, w1l, b1, w1r)


def _tc2_body(agg2_ref, cnt_ref, h1_ref, w2l_ref, b2_ref, w2r_ref, o_ref):
    inv = 1.0 / jnp.maximum(cnt_ref[0][:, 0:1], 1.0)
    t = (jnp.dot(agg2_ref[0] * inv, w2l_ref[0:128, :],
                 preferred_element_type=_f32)
         + jnp.dot(agg2_ref[1] * inv, w2l_ref[128:256, :],
                   preferred_element_type=_f32)
         + jnp.dot(h1_ref[0], w2r_ref[0:128, :], preferred_element_type=_f32)
         + jnp.dot(h1_ref[1], w2r_ref[128:256, :],
                   preferred_element_type=_f32)
         + b2_ref[...])
    o_ref[...] = 1.0 / (1.0 + jnp.exp(-t))


def _tc2(agg2, cnt, h1s, w2l, b2, w2r):
    return pl.pallas_call(
        _tc2_body,
        grid=(N // BN,),
        in_specs=[
            pl.BlockSpec((NC, BN, 128), lambda i: (0, i, 0)),
            pl.BlockSpec((1, BN, 128), _agg_map),
            pl.BlockSpec((NC, BN, 128), lambda i: (0, i, 0)),
            pl.BlockSpec((H, H), lambda i: (0, 0)),
            pl.BlockSpec((1, H), lambda i: (0, 0)),
            pl.BlockSpec((H, H), lambda i: (0, 0)),
        ],
        out_specs=pl.BlockSpec((BN, H), lambda i: (i, 0)),
        out_shape=jax.ShapeDtypeStruct((N, H), _f32),
    )(agg2, cnt, h1s, w2l, b2, w2r)


def _tc3_body(ea_ref, o_ref):
    o_ref[...] = 1.0 / (1.0 + jnp.exp(-ea_ref[...]))


def _tc3(edge_attr):
    return pl.pallas_call(
        _tc3_body,
        grid=(E // BE,),
        in_specs=[pl.BlockSpec((BE, DE), lambda i: (i, 0))],
        out_specs=pl.BlockSpec((BE, DE), lambda i: (i, 0)),
        out_shape=jax.ShapeDtypeStruct((E, DE), _f32),
    )(edge_attr)


def kernel(x, edge_index, edge_attr, W1l, b1, W1r, W2l, b2, W2r):
    src = edge_index[0]
    dst = edge_index[1]
    srcT = src.reshape(NS, OC, IC, B)
    srcMc = jnp.stack([srcT, srcT + N])
    dstT = dst.reshape(NS, OC, IC, B)
    dstC = jnp.stack([jnp.where(dst < NH, dst, JUNK),
                      jnp.where(dst >= NH, dst - NH, JUNK)])
    dstC = dstC.reshape(NC, NS, OC, IC, B)
    srcW = src.reshape(NC * NS, OC, IC3, B3)
    dstW = dst.reshape(NC * NS, OC, IC3, B3)
    z128 = jnp.zeros((NP, 128), _f32)
    ones128 = jnp.ones((B, 128), _f32)

    cnt, agg1 = _sc_layer1(x, srcT, dstC, z128, ones128)
    h1s = _tc1(agg1, cnt, x, W1l, b1.reshape(1, H), W1r)
    agg2 = _sc_layer2(h1s.reshape(2 * N, 128), srcMc, dstT, z128)
    g = _tc2(agg2, cnt, h1s, W2l, b2.reshape(1, H), W2r)
    ea = _tc3(edge_attr)
    out = _sc_out(g, srcW, dstW, ea)
    return out

# --- scband reference (transcript-rebuilt; emitter-appended) ---
"""Pipeline reference for scband-gnn-34686155882935 (READ-ONLY COPY).

The authoritative reference and input builder live on the scoring server;
editing this copy changes nothing except your own understanding.
"""

import jax, jax.numpy as jnp
import numpy as np

N = 10000
E = 320000
D = 128
H = 256
DE = 16

def setup_inputs(seed: int = 0) -> dict:
    key = jax.random.key(seed)
    ks = jax.random.split(key, 10)
    x = jax.random.normal(ks[0], (N, D), dtype=jnp.float32)
    edge_index = jax.random.randint(ks[1], (2, E), 0, N, dtype=jnp.int32)
    edge_attr = jax.random.normal(ks[2], (E, DE), dtype=jnp.float32)
    s1 = 1.0 / np.sqrt(D)
    s2 = 1.0 / np.sqrt(H)
    W1l = jax.random.uniform(ks[3], (D, H), jnp.float32, -s1, s1)
    b1 = jax.random.uniform(ks[4], (H,), jnp.float32, -s1, s1)
    W1r = jax.random.uniform(ks[5], (D, H), jnp.float32, -s1, s1)
    W2l = jax.random.uniform(ks[6], (H, H), jnp.float32, -s2, s2)
    b2 = jax.random.uniform(ks[7], (H,), jnp.float32, -s2, s2)
    W2r = jax.random.uniform(ks[8], (H, H), jnp.float32, -s2, s2)
    return {"x": x, "edge_index": edge_index, "edge_attr": edge_attr,
            "W1l": W1l, "b1": b1, "W1r": W1r,
            "W2l": W2l, "b2": b2, "W2r": W2r}

def _sage_conv(h, edge_index, Wl, b, Wr):
    # PyG SAGEConv with mean aggregation: out = lin_l(mean_j x_j) + lin_r(x_i)
    src = edge_index[0]
    dst = edge_index[1]
    msgs = jnp.take(h, src, axis=0)                      # gather [E, d]
    agg = jax.ops.segment_sum(msgs, dst, num_segments=N) # scatter-add [N, d]
    cnt = jax.ops.segment_sum(jnp.ones((E, 1), jnp.float32), dst, num_segments=N)
    mean = agg / jnp.maximum(cnt, 1.0)
    return mean @ Wl + b + h @ Wr

def reference(x, edge_index, edge_attr, W1l, b1, W1r, W2l, b2, W2r):
    h = jax.nn.relu(_sage_conv(x, edge_index, W1l, b1, W1r))
    h = _sage_conv(h, edge_index, W2l, b2, W2r)
    source_embed = jnp.take(h, edge_index[0], axis=0)
    dest_embed = jnp.take(h, edge_index[1], axis=0)
    combined = jnp.concatenate([source_embed, dest_embed, edge_attr], axis=1)
    out = jax.nn.sigmoid(combined)
    return jnp.squeeze(out)  # no-op squeeze, faithful to torch code

if __name__ == "__main__":
    import jax
    _d = setup_inputs()
    print(jax.jit(kernel)(*tuple(_d.values())))

</pallas_src>

<mosaic_0001>
#map = affine_map<(d0, d1) -> (0, 0)>
#map1 = affine_map<(d0, d1) -> (0, 0, 0, 0)>
module attributes {stable_mosaic.version = 14 : i64} {
  func.func @_sc_out(%arg0: i32, %arg1: i32, %arg2: memref<10000x256xf32, #tpu.memory_space<hbm>>, %arg3: memref<32x25x5x80xi32, #tpu.memory_space<hbm>>, %arg4: memref<32x25x5x80xi32, #tpu.memory_space<hbm>>, %arg5: memref<320000x16xf32, #tpu.memory_space<hbm>>, %arg6: memref<320000x528xf32, #tpu.memory_space<hbm>>, %arg7: memref<5x80xi32, #tpu.memory_space<vmem>>, %arg8: memref<5x80xi32, #tpu.memory_space<vmem>>, %arg9: memref<80x256xf32, #tpu.memory_space<vmem>>, %arg10: memref<80x256xf32, #tpu.memory_space<vmem>>, %arg11: memref<80x256xf32, #tpu.memory_space<vmem>>, %arg12: memref<80x16xf32, #tpu.memory_space<vmem>>, %arg13: memref<!tpu.dma_semaphore, #tpu.memory_space<semaphore_mem>>, %arg14: memref<!tpu.dma_semaphore, #tpu.memory_space<semaphore_mem>>, %arg15: memref<!tpu.dma_semaphore, #tpu.memory_space<semaphore_mem>>, %arg16: memref<!tpu.dma_semaphore, #tpu.memory_space<semaphore_mem>>, %arg17: memref<!tpu.dma_semaphore, #tpu.memory_space<semaphore_mem>>, %arg18: memref<!tpu.dma_semaphore, #tpu.memory_space<semaphore_mem>>) attributes {dimension_semantics = [#tpu.dimension_semantics<core_parallel>, #tpu.dimension_semantics<subcore_parallel>], iteration_bounds = array<i64: 2, 16>, scalar_prefetch = 0 : i64, scratch_operands = 12 : i64, tpu.core_type = #tpu.core_type<sc_vector_subcore>, window_params = [{transform_indices = #map}, {transform_indices = #map1}, {transform_indices = #map1}, {transform_indices = #map}, {transform_indices = #map}]} {
    %mul3A = arith.constant 2 : i32
    %mul3A_0 = arith.muli %arg1, %mul3A : i32
    %add3A = arith.addi %mul3A_0, %arg0 : i32
    %scan3A = arith.constant 0 : i32
    %scan3A_1 = arith.constant 0 : i32
    %scan3A_2 = arith.constant 25 : i32
    %scan3A_3 = arith.addi %scan3A_1, %scan3A_2 : i32
    %scan3A_4 = arith.constant 1 : i32
    scf.for %scan3A_6 = %scan3A_1 to %scan3A_3 step %scan3A_4  : i32 {
      "tpu.region"() ({
        %run_scoped3A = tpu.sem_alloc : memref<!tpu.dma_semaphore, #tpu.memory_space<semaphore_mem>>
        %dma_start3A_280 = arith.constant 0 : i32
        %dma_start3A_281 = arith.constant 0 : i32
        %dma_start3A_282 = tpu.memref_slice %arg3[%add3A, %scan3A_6, %dma_start3A_280, %dma_start3A_281] : memref<32x25x5x80xi32, #tpu.memory_space<hbm>> -> memref<1x1x5x80xi32, #tpu.memory_space<hbm>>
        %dma_start3A_283 = tpu.memref_squeeze %dma_start3A_282 : memref<1x1x5x80xi32, #tpu.memory_space<hbm>> -> memref<5x80xi32, #tpu.memory_space<hbm>>
        %dma_start3A_284 = arith.constant 0 : i32
        %dma_start3A_285 = arith.constant 0 : i32
        %dma_start3A_286 = tpu.memref_slice %arg3[%add3A, %scan3A_6, %dma_start3A_284, %dma_start3A_285] : memref<32x25x5x80xi32, #tpu.memory_space<hbm>> -> memref<1x1x5x80xi32, #tpu.memory_space<hbm>>
        %dma_start3A_287 = tpu.memref_squeeze %dma_start3A_286 : memref<1x1x5x80xi32, #tpu.memory_space<hbm>> -> memref<5x80xi32, #tpu.memory_space<hbm>>
        tpu.enqueue_dma source(%dma_start3A_287 : memref<5x80xi32, #tpu.memory_space<hbm>>) target(%arg7 : memref<5x80xi32, #tpu.memory_space<vmem>>) target_semaphore(%run_scoped3A : memref<!tpu.dma_semaphore, #tpu.memory_space<semaphore_mem>>)
        %dma_wait3A_288 = arith.constant 0 : i32
        %dma_wait3A_289 = arith.constant 0 : i32
        %dma_wait3A_290 = tpu.memref_slice %arg3[%add3A, %scan3A_6, %dma_wait3A_288, %dma_wait3A_289] : memref<32x25x5x80xi32, #tpu.memory_space<hbm>> -> memref<1x1x5x80xi32, #tpu.memory_space<hbm>>
        %dma_wait3A_291 = tpu.memref_squeeze %dma_wait3A_290 : memref<1x1x5x80xi32, #tpu.memory_space<hbm>> -> memref<5x80xi32, #tpu.memory_space<hbm>>
        %dma_wait3A_292 = arith.constant 0 : i32
        %dma_wait3A_293 = arith.constant 0 : i32
        %dma_wait3A_294 = tpu.memref_slice %arg3[%add3A, %scan3A_6, %dma_wait3A_292, %dma_wait3A_293] : memref<32x25x5x80xi32, #tpu.memory_space<hbm>> -> memref<1x1x5x80xi32, #tpu.memory_space<hbm>>
        %dma_wait3A_295 = tpu.memref_squeeze %dma_wait3A_294 : memref<1x1x5x80xi32, #tpu.memory_space<hbm>> -> memref<5x80xi32, #tpu.memory_space<hbm>>
        tpu.wait_dma2 semaphore(%run_scoped3A : memref<!tpu.dma_semaphore, #tpu.memory_space<semaphore_mem>>) src(%dma_wait3A_295 : memref<5x80xi32, #tpu.memory_space<hbm>>) dst(%arg7 : memref<5x80xi32, #tpu.memory_space<vmem>>)
        tpu.yield
      }) : () -> ()
      "tpu.region"() ({
        %run_scoped3A = tpu.sem_alloc : memref<!tpu.dma_semaphore, #tpu.memory_space<semaphore_mem>>
        %dma_start3A_280 = arith.constant 0 : i32
        %dma_start3A_281 = arith.constant 0 : i32
        %dma_start3A_282 = tpu.memref_slice %arg4[%add3A, %scan3A_6, %dma_start3A_280, %dma_start3A_281] : memref<32x25x5x80xi32, #tpu.memory_space<hbm>> -> memref<1x1x5x80xi32, #tpu.memory_space<hbm>>
        %dma_start3A_283 = tpu.memref_squeeze %dma_start3A_282 : memref<1x1x5x80xi32, #tpu.memory_space<hbm>> -> memref<5x80xi32, #tpu.memory_space<hbm>>
        %dma_start3A_284 = arith.constant 0 : i32
        %dma_start3A_285 = arith.constant 0 : i32
        %dma_start3A_286 = tpu.memref_slice %arg4[%add3A, %scan3A_6, %dma_start3A_284, %dma_start3A_285] : memref<32x25x5x80xi32, #tpu.memory_space<hbm>> -> memref<1x1x5x80xi32, #tpu.memory_space<hbm>>
        %dma_start3A_287 = tpu.memref_squeeze %dma_start3A_286 : memref<1x1x5x80xi32, #tpu.memory_space<hbm>> -> memref<5x80xi32, #tpu.memory_space<hbm>>
        tpu.enqueue_dma source(%dma_start3A_287 : memref<5x80xi32, #tpu.memory_space<hbm>>) target(%arg8 : memref<5x80xi32, #tpu.memory_space<vmem>>) target_semaphore(%run_scoped3A : memref<!tpu.dma_semaphore, #tpu.memory_space<semaphore_mem>>)
        %dma_wait3A_288 = arith.constant 0 : i32
        %dma_wait3A_289 = arith.constant 0 : i32
        %dma_wait3A_290 = tpu.memref_slice %arg4[%add3A, %scan3A_6, %dma_wait3A_288, %dma_wait3A_289] : memref<32x25x5x80xi32, #tpu.memory_space<hbm>> -> memref<1x1x5x80xi32, #tpu.memory_space<hbm>>
        %dma_wait3A_291 = tpu.memref_squeeze %dma_wait3A_290 : memref<1x1x5x80xi32, #tpu.memory_space<hbm>> -> memref<5x80xi32, #tpu.memory_space<hbm>>
        %dma_wait3A_292 = arith.constant 0 : i32
        %dma_wait3A_293 = arith.constant 0 : i32
        %dma_wait3A_294 = tpu.memref_slice %arg4[%add3A, %scan3A_6, %dma_wait3A_292, %dma_wait3A_293] : memref<32x25x5x80xi32, #tpu.memory_space<hbm>> -> memref<1x1x5x80xi32, #tpu.memory_space<hbm>>
        %dma_wait3A_295 = tpu.memref_squeeze %dma_wait3A_294 : memref<1x1x5x80xi32, #tpu.memory_space<hbm>> -> memref<5x80xi32, #tpu.memory_space<hbm>>
        tpu.wait_dma2 semaphore(%run_scoped3A : memref<!tpu.dma_semaphore, #tpu.memory_space<semaphore_mem>>) src(%dma_wait3A_295 : memref<5x80xi32, #tpu.memory_space<hbm>>) dst(%arg8 : memref<5x80xi32, #tpu.memory_space<vmem>>)
        tpu.yield
      }) : () -> ()
      %dma_start3A = arith.constant 0 : i32
      %dma_start3A_7 = arith.constant 0 : i32
      %dma_start3A_8 = tpu.memref_slice %arg7[%dma_start3A, %dma_start3A_7] : memref<5x80xi32, #tpu.memory_space<vmem>> -> memref<1x80xi32, #tpu.memory_space<vmem>>
      %dma_start3A_9 = tpu.memref_squeeze %dma_start3A_8 : memref<1x80xi32, #tpu.memory_space<vmem>> -> memref<80xi32, #tpu.memory_space<vmem>>
      %dma_start3A_10 = arith.constant 0 : i32
      %dma_start3A_11 = arith.constant 0 : i32
      %dma_start3A_12 = tpu.memref_slice %arg2[%dma_start3A_10, %dma_start3A_11] : memref<10000x256xf32, #tpu.memory_space<hbm>> -> memref<10000x256xf32, #tpu.memory_space<hbm>>
      tpu.enqueue_indirect_dma source(%dma_start3A_12 : memref<10000x256xf32, #tpu.memory_space<hbm>>) target(%arg9 : memref<80x256xf32, #tpu.memory_space<vmem>>) offsets(%dma_start3A_9 : memref<80xi32, #tpu.memory_space<vmem>>) semaphore(%arg13 : memref<!tpu.dma_semaphore, #tpu.memory_space<semaphore_mem>>)
      %mul3A_13 = arith.constant 25 : i32
      %mul3A_14 = arith.muli %add3A, %mul3A_13 : i32
      %mul3A_15 = arith.constant 5 : i32
      %mul3A_16 = arith.muli %mul3A_14, %mul3A_15 : i32
      %mul3A_17 = arith.constant 5 : i32
      %mul3A_18 = arith.muli %scan3A_6, %mul3A_17 : i32
      %add3A_19 = arith.addi %mul3A_16, %mul3A_18 : i32
      %add3A_20 = arith.constant 0 : i32
      %add3A_21 = arith.addi %add3A_19, %add3A_20 : i32
      %mul3A_22 = arith.constant 80 : i32
      %mul3A_23 = arith.muli %add3A_21, %mul3A_22 : i32
      %dma_start3A_24 = arith.constant 0 : i32
      %dma_start3A_25 = arith.constant 0 : i32
      %dma_start3A_26 = tpu.memref_slice %arg8[%dma_start3A_24, %dma_start3A_25] : memref<5x80xi32, #tpu.memory_space<vmem>> -> memref<1x80xi32, #tpu.memory_space<vmem>>
      %dma_start3A_27 = tpu.memref_squeeze %dma_start3A_26 : memref<1x80xi32, #tpu.memory_space<vmem>> -> memref<80xi32, #tpu.memory_space<vmem>>
      %dma_start3A_28 = arith.constant 0 : i32
      %dma_start3A_29 = arith.constant 0 : i32
      %dma_start3A_30 = tpu.memref_slice %arg2[%dma_start3A_28, %dma_start3A_29] : memref<10000x256xf32, #tpu.memory_space<hbm>> -> memref<10000x256xf32, #tpu.memory_space<hbm>>
      tpu.enqueue_indirect_dma source(%dma_start3A_30 : memref<10000x256xf32, #tpu.memory_space<hbm>>) target(%arg11 : memref<80x256xf32, #tpu.memory_space<vmem>>) offsets(%dma_start3A_27 : memref<80xi32, #tpu.memory_space<vmem>>) semaphore(%arg15 : memref<!tpu.dma_semaphore, #tpu.memory_space<semaphore_mem>>)
      %dma_start3A_31 = arith.constant 1 : i32
      %dma_start3A_32 = arith.constant 0 : i32
      %dma_start3A_33 = tpu.memref_slice %arg7[%dma_start3A_31, %dma_start3A_32] : memref<5x80xi32, #tpu.memory_space<vmem>> -> memref<1x80xi32, #tpu.memory_space<vmem>>
      %dma_start3A_34 = tpu.memref_squeeze %dma_start3A_33 : memref<1x80xi32, #tpu.memory_space<vmem>> -> memref<80xi32, #tpu.memory_space<vmem>>
      %dma_start3A_35 = arith.constant 0 : i32
      %dma_start3A_36 = arith.constant 0 : i32
      %dma_start3A_37 = tpu.memref_slice %arg2[%dma_start3A_35, %dma_start3A_36] : memref<10000x256xf32, #tpu.memory_space<hbm>> -> memref<10000x256xf32, #tpu.memory_space<hbm>>
      tpu.enqueue_indirect_dma source(%dma_start3A_37 : memref<10000x256xf32, #tpu.memory_space<hbm>>) target(%arg10 : memref<80x256xf32, #tpu.memory_space<vmem>>) offsets(%dma_start3A_34 : memref<80xi32, #tpu.memory_space<vmem>>) semaphore(%arg14 : memref<!tpu.dma_semaphore, #tpu.memory_space<semaphore_mem>>)
      "tpu.region"() ({
        %run_scoped3A = tpu.sem_alloc : memref<!tpu.dma_semaphore, #tpu.memory_space<semaphore_mem>>
        %dma_start3A_280 = arith.constant 0 : i32
        %dma_start3A_281 = tpu.memref_slice %arg5[%mul3A_23, %dma_start3A_280] : memref<320000x16xf32, #tpu.memory_space<hbm>> -> memref<80x16xf32, #tpu.memory_space<hbm>>
        %dma_start3A_282 = arith.constant 0 : i32
        %dma_start3A_283 = tpu.memref_slice %arg5[%mul3A_23, %dma_start3A_282] : memref<320000x16xf32, #tpu.memory_space<hbm>> -> memref<80x16xf32, #tpu.memory_space<hbm>>
        tpu.enqueue_dma source(%dma_start3A_283 : memref<80x16xf32, #tpu.memory_space<hbm>>) target(%arg12 : memref<80x16xf32, #tpu.memory_space<vmem>>) target_semaphore(%run_scoped3A : memref<!tpu.dma_semaphore, #tpu.memory_space<semaphore_mem>>)
        %dma_wait3A_284 = arith.constant 0 : i32
        %dma_wait3A_285 = tpu.memref_slice %arg5[%mul3A_23, %dma_wait3A_284] : memref<320000x16xf32, #tpu.memory_space<hbm>> -> memref<80x16xf32, #tpu.memory_space<hbm>>
        %dma_wait3A_286 = arith.constant 0 : i32
        %dma_wait3A_287 = tpu.memref_slice %arg5[%mul3A_23, %dma_wait3A_286] : memref<320000x16xf32, #tpu.memory_space<hbm>> -> memref<80x16xf32, #tpu.memory_space<hbm>>
        tpu.wait_dma2 semaphore(%run_scoped3A : memref<!tpu.dma_semaphore, #tpu.memory_space<semaphore_mem>>) src(%dma_wait3A_287 : memref<80x16xf32, #tpu.memory_space<hbm>>) dst(%arg12 : memref<80x16xf32, #tpu.memory_space<vmem>>)
        tpu.yield
      }) : () -> ()
      "tpu.region"() ({
        %run_scoped3A = tpu.sem_alloc : memref<!tpu.dma_semaphore, #tpu.memory_space<semaphore_mem>>
        %dma_start3A_280 = arith.constant 512 : i32
        %dma_start3A_281 = tpu.memref_slice %arg6[%mul3A_23, %dma_start3A_280] : memref<320000x528xf32, #tpu.memory_space<hbm>> -> memref<80x16xf32, #tpu.memory_space<hbm>>
        %dma_start3A_282 = arith.constant 512 : i32
        %dma_start3A_283 = tpu.memref_slice %arg6[%mul3A_23, %dma_start3A_282] : memref<320000x528xf32, #tpu.memory_space<hbm>> -> memref<80x16xf32, #tpu.memory_space<hbm>>
        tpu.enqueue_dma source(%arg12 : memref<80x16xf32, #tpu.memory_space<vmem>>) target(%dma_start3A_283 : memref<80x16xf32, #tpu.memory_space<hbm>>) target_semaphore(%run_scoped3A : memref<!tpu.dma_semaphore, #tpu.memory_space<semaphore_mem>>)
        %dma_wait3A_284 = arith.constant 512 : i32
        %dma_wait3A_285 = tpu.memref_slice %arg6[%mul3A_23, %dma_wait3A_284] : memref<320000x528xf32, #tpu.memory_space<hbm>> -> memref<80x16xf32, #tpu.memory_space<hbm>>
        %dma_wait3A_286 = arith.constant 512 : i32
        %dma_wait3A_287 = tpu.memref_slice %arg6[%mul3A_23, %dma_wait3A_286] : memref<320000x528xf32, #tpu.memory_space<hbm>> -> memref<80x16xf32, #tpu.memory_space<hbm>>
        tpu.wait_dma2 semaphore(%run_scoped3A : memref<!tpu.dma_semaphore, #tpu.memory_space<semaphore_mem>>) src(%arg12 : memref<80x16xf32, #tpu.memory_space<vmem>>) dst(%dma_wait3A_287 : memref<80x16xf32, #tpu.memory_space<hbm>>)
        tpu.yield
      }) : () -> ()
      %dma_wait3A = arith.constant 0 : i32
      %dma_wait3A_38 = arith.constant 0 : i32
      %dma_wait3A_39 = tpu.memref_slice %arg7[%dma_wait3A, %dma_wait3A_38] : memref<5x80xi32, #tpu.memory_space<vmem>> -> memref<1x80xi32, #tpu.memory_space<vmem>>
      %dma_wait3A_40 = tpu.memref_squeeze %dma_wait3A_39 : memref<1x80xi32, #tpu.memory_space<vmem>> -> memref<80xi32, #tpu.memory_space<vmem>>
      %dma_wait3A_41 = arith.constant 0 : i32
      %dma_wait3A_42 = arith.constant 0 : i32
      %dma_wait3A_43 = tpu.memref_slice %arg2[%dma_wait3A_41, %dma_wait3A_42] : memref<10000x256xf32, #tpu.memory_space<hbm>> -> memref<10000x256xf32, #tpu.memory_space<hbm>>
      tpu.wait_indirect_dma semaphore(%arg13 : memref<!tpu.dma_semaphore, #tpu.memory_space<semaphore_mem>>) src(%dma_wait3A_43 : memref<10000x256xf32, #tpu.memory_space<hbm>>) dst(%arg9 : memref<80x256xf32, #tpu.memory_space<vmem>>)
      %dma_start3A_44 = arith.constant 0 : i32
      %dma_start3A_45 = tpu.memref_slice %arg6[%mul3A_23, %dma_start3A_44] : memref<320000x528xf32, #tpu.memory_space<hbm>> -> memref<80x256xf32, #tpu.memory_space<hbm>>
      %dma_start3A_46 = arith.constant 0 : i32
      %dma_start3A_47 = tpu.memref_slice %arg6[%mul3A_23, %dma_start3A_46] : memref<320000x528xf32, #tpu.memory_space<hbm>> -> memref<80x256xf32, #tpu.memory_space<hbm>>
      tpu.enqueue_dma source(%arg9 : memref<80x256xf32, #tpu.memory_space<vmem>>) target(%dma_start3A_47 : memref<80x256xf32, #tpu.memory_space<hbm>>) target_semaphore(%arg16 : memref<!tpu.dma_semaphore, #tpu.memory_space<semaphore_mem>>)
      %dma_wait3A_48 = arith.constant 0 : i32
      %dma_wait3A_49 = arith.constant 0 : i32
      %dma_wait3A_50 = tpu.memref_slice %arg8[%dma_wait3A_48, %dma_wait3A_49] : memref<5x80xi32, #tpu.memory_space<vmem>> -> memref<1x80xi32, #tpu.memory_space<vmem>>
      %dma_wait3A_51 = tpu.memref_squeeze %dma_wait3A_50 : memref<1x80xi32, #tpu.memory_space<vmem>> -> memref<80xi32, #tpu.memory_space<vmem>>
      %dma_wait3A_52 = arith.constant 0 : i32
      %dma_wait3A_53 = arith.constant 0 : i32
      %dma_wait3A_54 = tpu.memref_slice %arg2[%dma_wait3A_52, %dma_wait3A_53] : memref<10000x256xf32, #tpu.memory_space<hbm>> -> memref<10000x256xf32, #tpu.memory_space<hbm>>
      tpu.wait_indirect_dma semaphore(%arg15 : memref<!tpu.dma_semaphore, #tpu.memory_space<semaphore_mem>>) src(%dma_wait3A_54 : memref<10000x256xf32, #tpu.memory_space<hbm>>) dst(%arg11 : memref<80x256xf32, #tpu.memory_space<vmem>>)
      %dma_start3A_55 = arith.constant 256 : i32
      %dma_start3A_56 = tpu.memref_slice %arg6[%mul3A_23, %dma_start3A_55] : memref<320000x528xf32, #tpu.memory_space<hbm>> -> memref<80x256xf32, #tpu.memory_space<hbm>>
      %dma_start3A_57 = arith.constant 256 : i32
      %dma_start3A_58 = tpu.memref_slice %arg6[%mul3A_23, %dma_start3A_57] : memref<320000x528xf32, #tpu.memory_space<hbm>> -> memref<80x256xf32, #tpu.memory_space<hbm>>
      tpu.enqueue_dma source(%arg11 : memref<80x256xf32, #tpu.memory_space<vmem>>) target(%dma_start3A_58 : memref<80x256xf32, #tpu.memory_space<hbm>>) target_semaphore(%arg18 : memref<!tpu.dma_semaphore, #tpu.memory_space<semaphore_mem>>)
      %mul3A_59 = arith.constant 25 : i32
      %mul3A_60 = arith.muli %add3A, %mul3A_59 : i32
      %mul3A_61 = arith.constant 5 : i32
      %mul3A_62 = arith.muli %mul3A_60, %mul3A_61 : i32
      %mul3A_63 = arith.constant 5 : i32
      %mul3A_64 = arith.muli %scan3A_6, %mul3A_63 : i32
      %add3A_65 = arith.addi %mul3A_62, %mul3A_64 : i32
      %add3A_66 = arith.constant 1 : i32
      %add3A_67 = arith.addi %add3A_65, %add3A_66 : i32
      %mul3A_68 = arith.constant 80 : i32
      %mul3A_69 = arith.muli %add3A_67, %mul3A_68 : i32
      %dma_wait3A_70 = arith.constant 256 : i32
      %dma_wait3A_71 = tpu.memref_slice %arg6[%mul3A_23, %dma_wait3A_70] : memref<320000x528xf32, #tpu.memory_space<hbm>> -> memref<80x256xf32, #tpu.memory_space<hbm>>
      %dma_wait3A_72 = arith.constant 256 : i32
      %dma_wait3A_73 = tpu.memref_slice %arg6[%mul3A_23, %dma_wait3A_72] : memref<320000x528xf32, #tpu.memory_space<hbm>> -> memref<80x256xf32, #tpu.memory_space<hbm>>
      tpu.wait_dma2 semaphore(%arg18 : memref<!tpu.dma_semaphore, #tpu.memory_space<semaphore_mem>>) src(%arg11 : memref<80x256xf32, #tpu.memory_space<vmem>>) dst(%dma_wait3A_73 : memref<80x256xf32, #tpu.memory_space<hbm>>)
      %dma_start3A_74 = arith.constant 1 : i32
      %dma_start3A_75 = arith.constant 0 : i32
      %dma_start3A_76 = tpu.memref_slice %arg8[%dma_start3A_74, %dma_start3A_75] : memref<5x80xi32, #tpu.memory_space<vmem>> -> memref<1x80xi32, #tpu.memory_space<vmem>>
      %dma_start3A_77 = tpu.memref_squeeze %dma_start3A_76 : memref<1x80xi32, #tpu.memory_space<vmem>> -> memref<80xi32, #tpu.memory_space<vmem>>
      %dma_start3A_78 = arith.constant 0 : i32
      %dma_start3A_79 = arith.constant 0 : i32
      %dma_start3A_80 = tpu.memref_slice %arg2[%dma_start3A_78, %dma_start3A_79] : memref<10000x256xf32, #tpu.memory_space<hbm>> -> memref<10000x256xf32, #tpu.memory_space<hbm>>
      tpu.enqueue_indirect_dma source(%dma_start3A_80 : memref<10000x256xf32, #tpu.memory_space<hbm>>) target(%arg11 : memref<80x256xf32, #tpu.memory_space<vmem>>) offsets(%dma_start3A_77 : memref<80xi32, #tpu.memory_space<vmem>>) semaphore(%arg15 : memref<!tpu.dma_semaphore, #tpu.memory_space<semaphore_mem>>)
      %dma_wait3A_81 = arith.constant 0 : i32
      %dma_wait3A_82 = tpu.memref_slice %arg6[%mul3A_23, %dma_wait3A_81] : memref<320000x528xf32, #tpu.memory_space<hbm>> -> memref<80x256xf32, #tpu.memory_space<hbm>>
      %dma_wait3A_83 = arith.constant 0 : i32
      %dma_wait3A_84 = tpu.memref_slice %arg6[%mul3A_23, %dma_wait3A_83] : memref<320000x528xf32, #tpu.memory_space<hbm>> -> memref<80x256xf32, #tpu.memory_space<hbm>>
      tpu.wait_dma2 semaphore(%arg16 : memref<!tpu.dma_semaphore, #tpu.memory_space<semaphore_mem>>) src(%arg9 : memref<80x256xf32, #tpu.memory_space<vmem>>) dst(%dma_wait3A_84 : memref<80x256xf32, #tpu.memory_space<hbm>>)
      %dma_start3A_85 = arith.constant 2 : i32
      %dma_start3A_86 = arith.constant 0 : i32
      %dma_start3A_87 = tpu.memref_slice %arg7[%dma_start3A_85, %dma_start3A_86] : memref<5x80xi32, #tpu.memory_space<vmem>> -> memref<1x80xi32, #tpu.memory_space<vmem>>
      %dma_start3A_88 = tpu.memref_squeeze %dma_start3A_87 : memref<1x80xi32, #tpu.memory_space<vmem>> -> memref<80xi32, #tpu.memory_space<vmem>>
      %dma_start3A_89 = arith.constant 0 : i32
      %dma_start3A_90 = arith.constant 0 : i32
      %dma_start3A_91 = tpu.memref_slice %arg2[%dma_start3A_89, %dma_start3A_90] : memref<10000x256xf32, #tpu.memory_space<hbm>> -> memref<10000x256xf32, #tpu.memory_space<hbm>>
      tpu.enqueue_indirect_dma source(%dma_start3A_91 : memref<10000x256xf32, #tpu.memory_space<hbm>>) target(%arg9 : memref<80x256xf32, #tpu.memory_space<vmem>>) offsets(%dma_start3A_88 : memref<80xi32, #tpu.memory_space<vmem>>) semaphore(%arg13 : memref<!tpu.dma_semaphore, #tpu.memory_space<semaphore_mem>>)
      "tpu.region"() ({
        %run_scoped3A = tpu.sem_alloc : memref<!tpu.dma_semaphore, #tpu.memory_space<semaphore_mem>>
        %dma_start3A_280 = arith.constant 0 : i32
        %dma_start3A_281 = tpu.memref_slice %arg5[%mul3A_69, %dma_start3A_280] : memref<320000x16xf32, #tpu.memory_space<hbm>> -> memref<80x16xf32, #tpu.memory_space<hbm>>
        %dma_start3A_282 = arith.constant 0 : i32
        %dma_start3A_283 = tpu.memref_slice %arg5[%mul3A_69, %dma_start3A_282] : memref<320000x16xf32, #tpu.memory_space<hbm>> -> memref<80x16xf32, #tpu.memory_space<hbm>>
        tpu.enqueue_dma source(%dma_start3A_283 : memref<80x16xf32, #tpu.memory_space<hbm>>) target(%arg12 : memref<80x16xf32, #tpu.memory_space<vmem>>) target_semaphore(%run_scoped3A : memref<!tpu.dma_semaphore, #tpu.memory_space<semaphore_mem>>)
        %dma_wait3A_284 = arith.constant 0 : i32
        %dma_wait3A_285 = tpu.memref_slice %arg5[%mul3A_69, %dma_wait3A_284] : memref<320000x16xf32, #tpu.memory_space<hbm>> -> memref<80x16xf32, #tpu.memory_space<hbm>>
        %dma_wait3A_286 = arith.constant 0 : i32
        %dma_wait3A_287 = tpu.memref_slice %arg5[%mul3A_69, %dma_wait3A_286] : memref<320000x16xf32, #tpu.memory_space<hbm>> -> memref<80x16xf32, #tpu.memory_space<hbm>>
        tpu.wait_dma2 semaphore(%run_scoped3A : memref<!tpu.dma_semaphore, #tpu.memory_space<semaphore_mem>>) src(%dma_wait3A_287 : memref<80x16xf32, #tpu.memory_space<hbm>>) dst(%arg12 : memref<80x16xf32, #tpu.memory_space<vmem>>)
        tpu.yield
      }) : () -> ()
      "tpu.region"() ({
        %run_scoped3A = tpu.sem_alloc : memref<!tpu.dma_semaphore, #tpu.memory_space<semaphore_mem>>
        %dma_start3A_280 = arith.constant 512 : i32
        %dma_start3A_281 = tpu.memref_slice %arg6[%mul3A_69, %dma_start3A_280] : memref<320000x528xf32, #tpu.memory_space<hbm>> -> memref<80x16xf32, #tpu.memory_space<hbm>>
        %dma_start3A_282 = arith.constant 512 : i32
        %dma_start3A_283 = tpu.memref_slice %arg6[%mul3A_69, %dma_start3A_282] : memref<320000x528xf32, #tpu.memory_space<hbm>> -> memref<80x16xf32, #tpu.memory_space<hbm>>
        tpu.enqueue_dma source(%arg12 : memref<80x16xf32, #tpu.memory_space<vmem>>) target(%dma_start3A_283 : memref<80x16xf32, #tpu.memory_space<hbm>>) target_semaphore(%run_scoped3A : memref<!tpu.dma_semaphore, #tpu.memory_space<semaphore_mem>>)
        %dma_wait3A_284 = arith.constant 512 : i32
        %dma_wait3A_285 = tpu.memref_slice %arg6[%mul3A_69, %dma_wait3A_284] : memref<320000x528xf32, #tpu.memory_space<hbm>> -> memref<80x16xf32, #tpu.memory_space<hbm>>
        %dma_wait3A_286 = arith.constant 512 : i32
        %dma_wait3A_287 = tpu.memref_slice %arg6[%mul3A_69, %dma_wait3A_286] : memref<320000x528xf32, #tpu.memory_space<hbm>> -> memref<80x16xf32, #tpu.memory_space<hbm>>
        tpu.wait_dma2 semaphore(%run_scoped3A : memref<!tpu.dma_semaphore, #tpu.memory_space<semaphore_mem>>) src(%arg12 : memref<80x16xf32, #tpu.memory_space<vmem>>) dst(%dma_wait3A_287 : memref<80x16xf32, #tpu.memory_space<hbm>>)
        tpu.yield
      }) : () -> ()
      %dma_wait3A_92 = arith.constant 1 : i32
      %dma_wait3A_93 = arith.constant 0 : i32
      %dma_wait3A_94 = tpu.memref_slice %arg7[%dma_wait3A_92, %dma_wait3A_93] : memref<5x80xi32, #tpu.memory_space<vmem>> -> memref<1x80xi32, #tpu.memory_space<vmem>>
      %dma_wait3A_95 = tpu.memref_squeeze %dma_wait3A_94 : memref<1x80xi32, #tpu.memory_space<vmem>> -> memref<80xi32, #tpu.memory_space<vmem>>
      %dma_wait3A_96 = arith.constant 0 : i32
      %dma_wait3A_97 = arith.constant 0 : i32
      %dma_wait3A_98 = tpu.memref_slice %arg2[%dma_wait3A_96, %dma_wait3A_97] : memref<10000x256xf32, #tpu.memory_space<hbm>> -> memref<10000x256xf32, #tpu.memory_space<hbm>>
      tpu.wait_indirect_dma semaphore(%arg14 : memref<!tpu.dma_semaphore, #tpu.memory_space<semaphore_mem>>) src(%dma_wait3A_98 : memref<10000x256xf32, #tpu.memory_space<hbm>>) dst(%arg10 : memref<80x256xf32, #tpu.memory_space<vmem>>)
      %dma_start3A_99 = arith.constant 0 : i32
      %dma_start3A_100 = tpu.memref_slice %arg6[%mul3A_69, %dma_start3A_99] : memref<320000x528xf32, #tpu.memory_space<hbm>> -> memref<80x256xf32, #tpu.memory_space<hbm>>
      %dma_start3A_101 = arith.constant 0 : i32
      %dma_start3A_102 = tpu.memref_slice %arg6[%mul3A_69, %dma_start3A_101] : memref<320000x528xf32, #tpu.memory_space<hbm>> -> memref<80x256xf32, #tpu.memory_space<hbm>>
      tpu.enqueue_dma source(%arg10 : memref<80x256xf32, #tpu.memory_space<vmem>>) target(%dma_start3A_102 : memref<80x256xf32, #tpu.memory_space<hbm>>) target_semaphore(%arg17 : memref<!tpu.dma_semaphore, #tpu.memory_space<semaphore_mem>>)
      %dma_wait3A_103 = arith.constant 1 : i32
      %dma_wait3A_104 = arith.constant 0 : i32
      %dma_wait3A_105 = tpu.memref_slice %arg8[%dma_wait3A_103, %dma_wait3A_104] : memref<5x80xi32, #tpu.memory_space<vmem>> -> memref<1x80xi32, #tpu.memory_space<vmem>>
      %dma_wait3A_106 = tpu.memref_squeeze %dma_wait3A_105 : memref<1x80xi32, #tpu.memory_space<vmem>> -> memref<80xi32, #tpu.memory_space<vmem>>
      %dma_wait3A_107 = arith.constant 0 : i32
      %dma_wait3A_108 = arith.constant 0 : i32
      %dma_wait3A_109 = tpu.memref_slice %arg2[%dma_wait3A_107, %dma_wait3A_108] : memref<10000x256xf32, #tpu.memory_space<hbm>> -> memref<10000x256xf32, #tpu.memory_space<hbm>>
      tpu.wait_indirect_dma semaphore(%arg15 : memref<!tpu.dma_semaphore, #tpu.memory_space<semaphore_mem>>) src(%dma_wait3A_109 : memref<10000x256xf32, #tpu.memory_space<hbm>>) dst(%arg11 : memref<80x256xf32, #tpu.memory_space<vmem>>)
      %dma_start3A_110 = arith.constant 256 : i32
      %dma_start3A_111 = tpu.memref_slice %arg6[%mul3A_69, %dma_start3A_110] : memref<320000x528xf32, #tpu.memory_space<hbm>> -> memref<80x256xf32, #tpu.memory_space<hbm>>
      %dma_start3A_112 = arith.constant 256 : i32
      %dma_start3A_113 = tpu.memref_slice %arg6[%mul3A_69, %dma_start3A_112] : memref<320000x528xf32, #tpu.memory_space<hbm>> -> memref<80x256xf32, #tpu.memory_space<hbm>>
      tpu.enqueue_dma source(%arg11 : memref<80x256xf32, #tpu.memory_space<vmem>>) target(%dma_start3A_113 : memref<80x256xf32, #tpu.memory_space<hbm>>) target_semaphore(%arg18 : memref<!tpu.dma_semaphore, #tpu.memory_space<semaphore_mem>>)
      %mul3A_114 = arith.constant 25 : i32
      %mul3A_115 = arith.muli %add3A, %mul3A_114 : i32
      %mul3A_116 = arith.constant 5 : i32
      %mul3A_117 = arith.muli %mul3A_115, %mul3A_116 : i32
      %mul3A_118 = arith.constant 5 : i32
      %mul3A_119 = arith.muli %scan3A_6, %mul3A_118 : i32
      %add3A_120 = arith.addi %mul3A_117, %mul3A_119 : i32
      %add3A_121 = arith.constant 2 : i32
      %add3A_122 = arith.addi %add3A_120, %add3A_121 : i32
      %mul3A_123 = arith.constant 80 : i32
      %mul3A_124 = arith.muli %add3A_122, %mul3A_123 : i32
      %dma_wait3A_125 = arith.constant 256 : i32
      %dma_wait3A_126 = tpu.memref_slice %arg6[%mul3A_69, %dma_wait3A_125] : memref<320000x528xf32, #tpu.memory_space<hbm>> -> memref<80x256xf32, #tpu.memory_space<hbm>>
      %dma_wait3A_127 = arith.constant 256 : i32
      %dma_wait3A_128 = tpu.memref_slice %arg6[%mul3A_69, %dma_wait3A_127] : memref<320000x528xf32, #tpu.memory_space<hbm>> -> memref<80x256xf32, #tpu.memory_space<hbm>>
      tpu.wait_dma2 semaphore(%arg18 : memref<!tpu.dma_semaphore, #tpu.memory_space<semaphore_mem>>) src(%arg11 : memref<80x256xf32, #tpu.memory_space<vmem>>) dst(%dma_wait3A_128 : memref<80x256xf32, #tpu.memory_space<hbm>>)
      %dma_start3A_129 = arith.constant 2 : i32
      %dma_start3A_130 = arith.constant 0 : i32
      %dma_start3A_131 = tpu.memref_slice %arg8[%dma_start3A_129, %dma_start3A_130] : memref<5x80xi32, #tpu.memory_space<vmem>> -> memref<1x80xi32, #tpu.memory_space<vmem>>
      %dma_start3A_132 = tpu.memref_squeeze %dma_start3A_131 : memref<1x80xi32, #tpu.memory_space<vmem>> -> memref<80xi32, #tpu.memory_space<vmem>>
      %dma_start3A_133 = arith.constant 0 : i32
      %dma_start3A_134 = arith.constant 0 : i32
      %dma_start3A_135 = tpu.memref_slice %arg2[%dma_start3A_133, %dma_start3A_134] : memref<10000x256xf32, #tpu.memory_space<hbm>> -> memref<10000x256xf32, #tpu.memory_space<hbm>>
      tpu.enqueue_indirect_dma source(%dma_start3A_135 : memref<10000x256xf32, #tpu.memory_space<hbm>>) target(%arg11 : memref<80x256xf32, #tpu.memory_space<vmem>>) offsets(%dma_start3A_132 : memref<80xi32, #tpu.memory_space<vmem>>) semaphore(%arg15 : memref<!tpu.dma_semaphore, #tpu.memory_space<semaphore_mem>>)
      %dma_wait3A_136 = arith.constant 0 : i32
      %dma_wait3A_137 = tpu.memref_slice %arg6[%mul3A_69, %dma_wait3A_136] : memref<320000x528xf32, #tpu.memory_space<hbm>> -> memref<80x256xf32, #tpu.memory_space<hbm>>
      %dma_wait3A_138 = arith.constant 0 : i32
      %dma_wait3A_139 = tpu.memref_slice %arg6[%mul3A_69, %dma_wait3A_138] : memref<320000x528xf32, #tpu.memory_space<hbm>> -> memref<80x256xf32, #tpu.memory_space<hbm>>
      tpu.wait_dma2 semaphore(%arg17 : memref<!tpu.dma_semaphore, #tpu.memory_space<semaphore_mem>>) src(%arg10 : memref<80x256xf32, #tpu.memory_space<vmem>>) dst(%dma_wait3A_139 : memref<80x256xf32, #tpu.memory_space<hbm>>)
      %dma_start3A_140 = arith.constant 3 : i32
      %dma_start3A_141 = arith.constant 0 : i32
      %dma_start3A_142 = tpu.memref_slice %arg7[%dma_start3A_140, %dma_start3A_141] : memref<5x80xi32, #tpu.memory_space<vmem>> -> memref<1x80xi32, #tpu.memory_space<vmem>>
      %dma_start3A_143 = tpu.memref_squeeze %dma_start3A_142 : memref<1x80xi32, #tpu.memory_space<vmem>> -> memref<80xi32, #tpu.memory_space<vmem>>
      %dma_start3A_144 = arith.constant 0 : i32
      %dma_start3A_145 = arith.constant 0 : i32
      %dma_start3A_146 = tpu.memref_slice %arg2[%dma_start3A_144, %dma_start3A_145] : memref<10000x256xf32, #tpu.memory_space<hbm>> -> memref<10000x256xf32, #tpu.memory_space<hbm>>
      tpu.enqueue_indirect_dma source(%dma_start3A_146 : memref<10000x256xf32, #tpu.memory_space<hbm>>) target(%arg10 : memref<80x256xf32, #tpu.memory_space<vmem>>) offsets(%dma_start3A_143 : memref<80xi32, #tpu.memory_space<vmem>>) semaphore(%arg14 : memref<!tpu.dma_semaphore, #tpu.memory_space<semaphore_mem>>)
      "tpu.region"() ({
        %run_scoped3A = tpu.sem_alloc : memref<!tpu.dma_semaphore, #tpu.memory_space<semaphore_mem>>
        %dma_start3A_280 = arith.constant 0 : i32
        %dma_start3A_281 = tpu.memref_slice %arg5[%mul3A_124, %dma_start3A_280] : memref<320000x16xf32, #tpu.memory_space<hbm>> -> memref<80x16xf32, #tpu.memory_space<hbm>>
        %dma_start3A_282 = arith.constant 0 : i32
        %dma_start3A_283 = tpu.memref_slice %arg5[%mul3A_124, %dma_start3A_282] : memref<320000x16xf32, #tpu.memory_space<hbm>> -> memref<80x16xf32, #tpu.memory_space<hbm>>
        tpu.enqueue_dma source(%dma_start3A_283 : memref<80x16xf32, #tpu.memory_space<hbm>>) target(%arg12 : memref<80x16xf32, #tpu.memory_space<vmem>>) target_semaphore(%run_scoped3A : memref<!tpu.dma_semaphore, #tpu.memory_space<semaphore_mem>>)
        %dma_wait3A_284 = arith.constant 0 : i32
        %dma_wait3A_285 = tpu.memref_slice %arg5[%mul3A_124, %dma_wait3A_284] : memref<320000x16xf32, #tpu.memory_space<hbm>> -> memref<80x16xf32, #tpu.memory_space<hbm>>
        %dma_wait3A_286 = arith.constant 0 : i32
        %dma_wait3A_287 = tpu.memref_slice %arg5[%mul3A_124, %dma_wait3A_286] : memref<320000x16xf32, #tpu.memory_space<hbm>> -> memref<80x16xf32, #tpu.memory_space<hbm>>
        tpu.wait_dma2 semaphore(%run_scoped3A : memref<!tpu.dma_semaphore, #tpu.memory_space<semaphore_mem>>) src(%dma_wait3A_287 : memref<80x16xf32, #tpu.memory_space<hbm>>) dst(%arg12 : memref<80x16xf32, #tpu.memory_space<vmem>>)
        tpu.yield
      }) : () -> ()
      "tpu.region"() ({
        %run_scoped3A = tpu.sem_alloc : memref<!tpu.dma_semaphore, #tpu.memory_space<semaphore_mem>>
        %dma_start3A_280 = arith.constant 512 : i32
        %dma_start3A_281 = tpu.memref_slice %arg6[%mul3A_124, %dma_start3A_280] : memref<320000x528xf32, #tpu.memory_space<hbm>> -> memref<80x16xf32, #tpu.memory_space<hbm>>
        %dma_start3A_282 = arith.constant 512 : i32
        %dma_start3A_283 = tpu.memref_slice %arg6[%mul3A_124, %dma_start3A_282] : memref<320000x528xf32, #tpu.memory_space<hbm>> -> memref<80x16xf32, #tpu.memory_space<hbm>>
        tpu.enqueue_dma source(%arg12 : memref<80x16xf32, #tpu.memory_space<vmem>>) target(%dma_start3A_283 : memref<80x16xf32, #tpu.memory_space<hbm>>) target_semaphore(%run_scoped3A : memref<!tpu.dma_semaphore, #tpu.memory_space<semaphore_mem>>)
        %dma_wait3A_284 = arith.constant 512 : i32
        %dma_wait3A_285 = tpu.memref_slice %arg6[%mul3A_124, %dma_wait3A_284] : memref<320000x528xf32, #tpu.memory_space<hbm>> -> memref<80x16xf32, #tpu.memory_space<hbm>>
        %dma_wait3A_286 = arith.constant 512 : i32
        %dma_wait3A_287 = tpu.memref_slice %arg6[%mul3A_124, %dma_wait3A_286] : memref<320000x528xf32, #tpu.memory_space<hbm>> -> memref<80x16xf32, #tpu.memory_space<hbm>>
        tpu.wait_dma2 semaphore(%run_scoped3A : memref<!tpu.dma_semaphore, #tpu.memory_space<semaphore_mem>>) src(%arg12 : memref<80x16xf32, #tpu.memory_space<vmem>>) dst(%dma_wait3A_287 : memref<80x16xf32, #tpu.memory_space<hbm>>)
        tpu.yield
      }) : () -> ()
      %dma_wait3A_147 = arith.constant 2 : i32
      %dma_wait3A_148 = arith.constant 0 : i32
      %dma_wait3A_149 = tpu.memref_slice %arg7[%dma_wait3A_147, %dma_wait3A_148] : memref<5x80xi32, #tpu.memory_space<vmem>> -> memref<1x80xi32, #tpu.memory_space<vmem>>
      %dma_wait3A_150 = tpu.memref_squeeze %dma_wait3A_149 : memref<1x80xi32, #tpu.memory_space<vmem>> -> memref<80xi32, #tpu.memory_space<vmem>>
      %dma_wait3A_151 = arith.constant 0 : i32
      %dma_wait3A_152 = arith.constant 0 : i32
      %dma_wait3A_153 = tpu.memref_slice %arg2[%dma_wait3A_151, %dma_wait3A_152] : memref<10000x256xf32, #tpu.memory_space<hbm>> -> memref<10000x256xf32, #tpu.memory_space<hbm>>
      tpu.wait_indirect_dma semaphore(%arg13 : memref<!tpu.dma_semaphore, #tpu.memory_space<semaphore_mem>>) src(%dma_wait3A_153 : memref<10000x256xf32, #tpu.memory_space<hbm>>) dst(%arg9 : memref<80x256xf32, #tpu.memory_space<vmem>>)
      %dma_start3A_154 = arith.constant 0 : i32
      %dma_start3A_155 = tpu.memref_slice %arg6[%mul3A_124, %dma_start3A_154] : memref<320000x528xf32, #tpu.memory_space<hbm>> -> memref<80x256xf32, #tpu.memory_space<hbm>>
      %dma_start3A_156 = arith.constant 0 : i32
      %dma_start3A_157 = tpu.memref_slice %arg6[%mul3A_124, %dma_start3A_156] : memref<320000x528xf32, #tpu.memory_space<hbm>> -> memref<80x256xf32, #tpu.memory_space<hbm>>
      tpu.enqueue_dma source(%arg9 : memref<80x256xf32, #tpu.memory_space<vmem>>) target(%dma_start3A_157 : memref<80x256xf32, #tpu.memory_space<hbm>>) target_semaphore(%arg16 : memref<!tpu.dma_semaphore, #tpu.memory_space<semaphore_mem>>)
      %dma_wait3A_158 = arith.constant 2 : i32
      %dma_wait3A_159 = arith.constant 0 : i32
      %dma_wait3A_160 = tpu.memref_slice %arg8[%dma_wait3A_158, %dma_wait3A_159] : memref<5x80xi32, #tpu.memory_space<vmem>> -> memref<1x80xi32, #tpu.memory_space<vmem>>
      %dma_wait3A_161 = tpu.memref_squeeze %dma_wait3A_160 : memref<1x80xi32, #tpu.memory_space<vmem>> -> memref<80xi32, #tpu.memory_space<vmem>>
      %dma_wait3A_162 = arith.constant 0 : i32
      %dma_wait3A_163 = arith.constant 0 : i32
      %dma_wait3A_164 = tpu.memref_slice %arg2[%dma_wait3A_162, %dma_wait3A_163] : memref<10000x256xf32, #tpu.memory_space<hbm>> -> memref<10000x256xf32, #tpu.memory_space<hbm>>
      tpu.wait_indirect_dma semaphore(%arg15 : memref<!tpu.dma_semaphore, #tpu.memory_space<semaphore_mem>>) src(%dma_wait3A_164 : memref<10000x256xf32, #tpu.memory_space<hbm>>) dst(%arg11 : memref<80x256xf32, #tpu.memory_space<vmem>>)
      %dma_start3A_165 = arith.constant 256 : i32
      %dma_start3A_166 = tpu.memref_slice %arg6[%mul3A_124, %dma_start3A_165] : memref<320000x528xf32, #tpu.memory_space<hbm>> -> memref<80x256xf32, #tpu.memory_space<hbm>>
      %dma_start3A_167 = arith.constant 256 : i32
      %dma_start3A_168 = tpu.memref_slice %arg6[%mul3A_124, %dma_start3A_167] : memref<320000x528xf32, #tpu.memory_space<hbm>> -> memref<80x256xf32, #tpu.memory_space<hbm>>
      tpu.enqueue_dma source(%arg11 : memref<80x256xf32, #tpu.memory_space<vmem>>) target(%dma_start3A_168 : memref<80x256xf32, #tpu.memory_space<hbm>>) target_semaphore(%arg18 : memref<!tpu.dma_semaphore, #tpu.memory_space<semaphore_mem>>)
      %mul3A_169 = arith.constant 25 : i32
      %mul3A_170 = arith.muli %add3A, %mul3A_169 : i32
      %mul3A_171 = arith.constant 5 : i32
      %mul3A_172 = arith.muli %mul3A_170, %mul3A_171 : i32
      %mul3A_173 = arith.constant 5 : i32
      %mul3A_174 = arith.muli %scan3A_6, %mul3A_173 : i32
      %add3A_175 = arith.addi %mul3A_172, %mul3A_174 : i32
      %add3A_176 = arith.constant 3 : i32
      %add3A_177 = arith.addi %add3A_175, %add3A_176 : i32
      %mul3A_178 = arith.constant 80 : i32
      %mul3A_179 = arith.muli %add3A_177, %mul3A_178 : i32
      %dma_wait3A_180 = arith.constant 256 : i32
      %dma_wait3A_181 = tpu.memref_slice %arg6[%mul3A_124, %dma_wait3A_180] : memref<320000x528xf32, #tpu.memory_space<hbm>> -> memref<80x256xf32, #tpu.memory_space<hbm>>
      %dma_wait3A_182 = arith.constant 256 : i32
      %dma_wait3A_183 = tpu.memref_slice %arg6[%mul3A_124, %dma_wait3A_182] : memref<320000x528xf32, #tpu.memory_space<hbm>> -> memref<80x256xf32, #tpu.memory_space<hbm>>
      tpu.wait_dma2 semaphore(%arg18 : memref<!tpu.dma_semaphore, #tpu.memory_space<semaphore_mem>>) src(%arg11 : memref<80x256xf32, #tpu.memory_space<vmem>>) dst(%dma_wait3A_183 : memref<80x256xf32, #tpu.memory_space<hbm>>)
      %dma_start3A_184 = arith.constant 3 : i32
      %dma_start3A_185 = arith.constant 0 : i32
      %dma_start3A_186 = tpu.memref_slice %arg8[%dma_start3A_184, %dma_start3A_185] : memref<5x80xi32, #tpu.memory_space<vmem>> -> memref<1x80xi32, #tpu.memory_space<vmem>>
      %dma_start3A_187 = tpu.memref_squeeze %dma_start3A_186 : memref<1x80xi32, #tpu.memory_space<vmem>> -> memref<80xi32, #tpu.memory_space<vmem>>
      %dma_start3A_188 = arith.constant 0 : i32
      %dma_start3A_189 = arith.constant 0 : i32
      %dma_start3A_190 = tpu.memref_slice %arg2[%dma_start3A_188, %dma_start3A_189] : memref<10000x256xf32, #tpu.memory_space<hbm>> -> memref<10000x256xf32, #tpu.memory_space<hbm>>
      tpu.enqueue_indirect_dma source(%dma_start3A_190 : memref<10000x256xf32, #tpu.memory_space<hbm>>) target(%arg11 : memref<80x256xf32, #tpu.memory_space<vmem>>) offsets(%dma_start3A_187 : memref<80xi32, #tpu.memory_space<vmem>>) semaphore(%arg15 : memref<!tpu.dma_semaphore, #tpu.memory_space<semaphore_mem>>)
      %dma_wait3A_191 = arith.constant 0 : i32
      %dma_wait3A_192 = tpu.memref_slice %arg6[%mul3A_124, %dma_wait3A_191] : memref<320000x528xf32, #tpu.memory_space<hbm>> -> memref<80x256xf32, #tpu.memory_space<hbm>>
      %dma_wait3A_193 = arith.constant 0 : i32
      %dma_wait3A_194 = tpu.memref_slice %arg6[%mul3A_124, %dma_wait3A_193] : memref<320000x528xf32, #tpu.memory_space<hbm>> -> memref<80x256xf32, #tpu.memory_space<hbm>>
      tpu.wait_dma2 semaphore(%arg16 : memref<!tpu.dma_semaphore, #tpu.memory_space<semaphore_mem>>) src(%arg9 : memref<80x256xf32, #tpu.memory_space<vmem>>) dst(%dma_wait3A_194 : memref<80x256xf32, #tpu.memory_space<hbm>>)
      %dma_start3A_195 = arith.constant 4 : i32
      %dma_start3A_196 = arith.constant 0 : i32
      %dma_start3A_197 = tpu.memref_slice %arg7[%dma_start3A_195, %dma_start3A_196] : memref<5x80xi32, #tpu.memory_space<vmem>> -> memref<1x80xi32, #tpu.memory_space<vmem>>
      %dma_start3A_198 = tpu.memref_squeeze %dma_start3A_197 : memref<1x80xi32, #tpu.memory_space<vmem>> -> memref<80xi32, #tpu.memory_space<vmem>>
      %dma_start3A_199 = arith.constant 0 : i32
      %dma_start3A_200 = arith.constant 0 : i32
      %dma_start3A_201 = tpu.memref_slice %arg2[%dma_start3A_199, %dma_start3A_200] : memref<10000x256xf32, #tpu.memory_space<hbm>> -> memref<10000x256xf32, #tpu.memory_space<hbm>>
      tpu.enqueue_indirect_dma source(%dma_start3A_201 : memref<10000x256xf32, #tpu.memory_space<hbm>>) target(%arg9 : memref<80x256xf32, #tpu.memory_space<vmem>>) offsets(%dma_start3A_198 : memref<80xi32, #tpu.memory_space<vmem>>) semaphore(%arg13 : memref<!tpu.dma_semaphore, #tpu.memory_space<semaphore_mem>>)
      "tpu.region"() ({
        %run_scoped3A = tpu.sem_alloc : memref<!tpu.dma_semaphore, #tpu.memory_space<semaphore_mem>>
        %dma_start3A_280 = arith.constant 0 : i32
        %dma_start3A_281 = tpu.memref_slice %arg5[%mul3A_179, %dma_start3A_280] : memref<320000x16xf32, #tpu.memory_space<hbm>> -> memref<80x16xf32, #tpu.memory_space<hbm>>
        %dma_start3A_282 = arith.constant 0 : i32
        %dma_start3A_283 = tpu.memref_slice %arg5[%mul3A_179, %dma_start3A_282] : memref<320000x16xf32, #tpu.memory_space<hbm>> -> memref<80x16xf32, #tpu.memory_space<hbm>>
        tpu.enqueue_dma source(%dma_start3A_283 : memref<80x16xf32, #tpu.memory_space<hbm>>) target(%arg12 : memref<80x16xf32, #tpu.memory_space<vmem>>) target_semaphore(%run_scoped3A : memref<!tpu.dma_semaphore, #tpu.memory_space<semaphore_mem>>)
        %dma_wait3A_284 = arith.constant 0 : i32
        %dma_wait3A_285 = tpu.memref_slice %arg5[%mul3A_179, %dma_wait3A_284] : memref<320000x16xf32, #tpu.memory_space<hbm>> -> memref<80x16xf32, #tpu.memory_space<hbm>>
        %dma_wait3A_286 = arith.constant 0 : i32
        %dma_wait3A_287 = tpu.memref_slice %arg5[%mul3A_179, %dma_wait3A_286] : memref<320000x16xf32, #tpu.memory_space<hbm>> -> memref<80x16xf32, #tpu.memory_space<hbm>>
        tpu.wait_dma2 semaphore(%run_scoped3A : memref<!tpu.dma_semaphore, #tpu.memory_space<semaphore_mem>>) src(%dma_wait3A_287 : memref<80x16xf32, #tpu.memory_space<hbm>>) dst(%arg12 : memref<80x16xf32, #tpu.memory_space<vmem>>)
        tpu.yield
      }) : () -> ()
      "tpu.region"() ({
        %run_scoped3A = tpu.sem_alloc : memref<!tpu.dma_semaphore, #tpu.memory_space<semaphore_mem>>
        %dma_start3A_280 = arith.constant 512 : i32
        %dma_start3A_281 = tpu.memref_slice %arg6[%mul3A_179, %dma_start3A_280] : memref<320000x528xf32, #tpu.memory_space<hbm>> -> memref<80x16xf32, #tpu.memory_space<hbm>>
        %dma_start3A_282 = arith.constant 512 : i32
        %dma_start3A_283 = tpu.memref_slice %arg6[%mul3A_179, %dma_start3A_282] : memref<320000x528xf32, #tpu.memory_space<hbm>> -> memref<80x16xf32, #tpu.memory_space<hbm>>
        tpu.enqueue_dma source(%arg12 : memref<80x16xf32, #tpu.memory_space<vmem>>) target(%dma_start3A_283 : memref<80x16xf32, #tpu.memory_space<hbm>>) target_semaphore(%run_scoped3A : memref<!tpu.dma_semaphore, #tpu.memory_space<semaphore_mem>>)
        %dma_wait3A_284 = arith.constant 512 : i32
        %dma_wait3A_285 = tpu.memref_slice %arg6[%mul3A_179, %dma_wait3A_284] : memref<320000x528xf32, #tpu.memory_space<hbm>> -> memref<80x16xf32, #tpu.memory_space<hbm>>
        %dma_wait3A_286 = arith.constant 512 : i32
        %dma_wait3A_287 = tpu.memref_slice %arg6[%mul3A_179, %dma_wait3A_286] : memref<320000x528xf32, #tpu.memory_space<hbm>> -> memref<80x16xf32, #tpu.memory_space<hbm>>
        tpu.wait_dma2 semaphore(%run_scoped3A : memref<!tpu.dma_semaphore, #tpu.memory_space<semaphore_mem>>) src(%arg12 : memref<80x16xf32, #tpu.memory_space<vmem>>) dst(%dma_wait3A_287 : memref<80x16xf32, #tpu.memory_space<hbm>>)
        tpu.yield
      }) : () -> ()
      %dma_wait3A_202 = arith.constant 3 : i32
      %dma_wait3A_203 = arith.constant 0 : i32
      %dma_wait3A_204 = tpu.memref_slice %arg7[%dma_wait3A_202, %dma_wait3A_203] : memref<5x80xi32, #tpu.memory_space<vmem>> -> memref<1x80xi32, #tpu.memory_space<vmem>>
      %dma_wait3A_205 = tpu.memref_squeeze %dma_wait3A_204 : memref<1x80xi32, #tpu.memory_space<vmem>> -> memref<80xi32, #tpu.memory_space<vmem>>
      %dma_wait3A_206 = arith.constant 0 : i32
      %dma_wait3A_207 = arith.constant 0 : i32
      %dma_wait3A_208 = tpu.memref_slice %arg2[%dma_wait3A_206, %dma_wait3A_207] : memref<10000x256xf32, #tpu.memory_space<hbm>> -> memref<10000x256xf32, #tpu.memory_space<hbm>>
      tpu.wait_indirect_dma semaphore(%arg14 : memref<!tpu.dma_semaphore, #tpu.memory_space<semaphore_mem>>) src(%dma_wait3A_208 : memref<10000x256xf32, #tpu.memory_space<hbm>>) dst(%arg10 : memref<80x256xf32, #tpu.memory_space<vmem>>)
      %dma_start3A_209 = arith.constant 0 : i32
      %dma_start3A_210 = tpu.memref_slice %arg6[%mul3A_179, %dma_start3A_209] : memref<320000x528xf32, #tpu.memory_space<hbm>> -> memref<80x256xf32, #tpu.memory_space<hbm>>
      %dma_start3A_211 = arith.constant 0 : i32
      %dma_start3A_212 = tpu.memref_slice %arg6[%mul3A_179, %dma_start3A_211] : memref<320000x528xf32, #tpu.memory_space<hbm>> -> memref<80x256xf32, #tpu.memory_space<hbm>>
      tpu.enqueue_dma source(%arg10 : memref<80x256xf32, #tpu.memory_space<vmem>>) target(%dma_start3A_212 : memref<80x256xf32, #tpu.memory_space<hbm>>) target_semaphore(%arg17 : memref<!tpu.dma_semaphore, #tpu.memory_space<semaphore_mem>>)
      %dma_wait3A_213 = arith.constant 3 : i32
      %dma_wait3A_214 = arith.constant 0 : i32
      %dma_wait3A_215 = tpu.memref_slice %arg8[%dma_wait3A_213, %dma_wait3A_214] : memref<5x80xi32, #tpu.memory_space<vmem>> -> memref<1x80xi32, #tpu.memory_space<vmem>>
      %dma_wait3A_216 = tpu.memref_squeeze %dma_wait3A_215 : memref<1x80xi32, #tpu.memory_space<vmem>> -> memref<80xi32, #tpu.memory_space<vmem>>
      %dma_wait3A_217 = arith.constant 0 : i32
      %dma_wait3A_218 = arith.constant 0 : i32
      %dma_wait3A_219 = tpu.memref_slice %arg2[%dma_wait3A_217, %dma_wait3A_218] : memref<10000x256xf32, #tpu.memory_space<hbm>> -> memref<10000x256xf32, #tpu.memory_space<hbm>>
      tpu.wait_indirect_dma semaphore(%arg15 : memref<!tpu.dma_semaphore, #tpu.memory_space<semaphore_mem>>) src(%dma_wait3A_219 : memref<10000x256xf32, #tpu.memory_space<hbm>>) dst(%arg11 : memref<80x256xf32, #tpu.memory_space<vmem>>)
      %dma_start3A_220 = arith.constant 256 : i32
      %dma_start3A_221 = tpu.memref_slice %arg6[%mul3A_179, %dma_start3A_220] : memref<320000x528xf32, #tpu.memory_space<hbm>> -> memref<80x256xf32, #tpu.memory_space<hbm>>
      %dma_start3A_222 = arith.constant 256 : i32
      %dma_start3A_223 = tpu.memref_slice %arg6[%mul3A_179, %dma_start3A_222] : memref<320000x528xf32, #tpu.memory_space<hbm>> -> memref<80x256xf32, #tpu.memory_space<hbm>>
      tpu.enqueue_dma source(%arg11 : memref<80x256xf32, #tpu.memory_space<vmem>>) target(%dma_start3A_223 : memref<80x256xf32, #tpu.memory_space<hbm>>) target_semaphore(%arg18 : memref<!tpu.dma_semaphore, #tpu.memory_space<semaphore_mem>>)
      %mul3A_224 = arith.constant 25 : i32
      %mul3A_225 = arith.muli %add3A, %mul3A_224 : i32
      %mul3A_226 = arith.constant 5 : i32
      %mul3A_227 = arith.muli %mul3A_225, %mul3A_226 : i32
      %mul3A_228 = arith.constant 5 : i32
      %mul3A_229 = arith.muli %scan3A_6, %mul3A_228 : i32
      %add3A_230 = arith.addi %mul3A_227, %mul3A_229 : i32
      %add3A_231 = arith.constant 4 : i32
      %add3A_232 = arith.addi %add3A_230, %add3A_231 : i32
      %mul3A_233 = arith.constant 80 : i32
      %mul3A_234 = arith.muli %add3A_232, %mul3A_233 : i32
      %dma_wait3A_235 = arith.constant 256 : i32
      %dma_wait3A_236 = tpu.memref_slice %arg6[%mul3A_179, %dma_wait3A_235] : memref<320000x528xf32, #tpu.memory_space<hbm>> -> memref<80x256xf32, #tpu.memory_space<hbm>>
      %dma_wait3A_237 = arith.constant 256 : i32
      %dma_wait3A_238 = tpu.memref_slice %arg6[%mul3A_179, %dma_wait3A_237] : memref<320000x528xf32, #tpu.memory_space<hbm>> -> memref<80x256xf32, #tpu.memory_space<hbm>>
      tpu.wait_dma2 semaphore(%arg18 : memref<!tpu.dma_semaphore, #tpu.memory_space<semaphore_mem>>) src(%arg11 : memref<80x256xf32, #tpu.memory_space<vmem>>) dst(%dma_wait3A_238 : memref<80x256xf32, #tpu.memory_space<hbm>>)
      %dma_start3A_239 = arith.constant 4 : i32
      %dma_start3A_240 = arith.constant 0 : i32
      %dma_start3A_241 = tpu.memref_slice %arg8[%dma_start3A_239, %dma_start3A_240] : memref<5x80xi32, #tpu.memory_space<vmem>> -> memref<1x80xi32, #tpu.memory_space<vmem>>
      %dma_start3A_242 = tpu.memref_squeeze %dma_start3A_241 : memref<1x80xi32, #tpu.memory_space<vmem>> -> memref<80xi32, #tpu.memory_space<vmem>>
      %dma_start3A_243 = arith.constant 0 : i32
      %dma_start3A_244 = arith.constant 0 : i32
      %dma_start3A_245 = tpu.memref_slice %arg2[%dma_start3A_243, %dma_start3A_244] : memref<10000x256xf32, #tpu.memory_space<hbm>> -> memref<10000x256xf32, #tpu.memory_space<hbm>>
      tpu.enqueue_indirect_dma source(%dma_start3A_245 : memref<10000x256xf32, #tpu.memory_space<hbm>>) target(%arg11 : memref<80x256xf32, #tpu.memory_space<vmem>>) offsets(%dma_start3A_242 : memref<80xi32, #tpu.memory_space<vmem>>) semaphore(%arg15 : memref<!tpu.dma_semaphore, #tpu.memory_space<semaphore_mem>>)
      "tpu.region"() ({
        %run_scoped3A = tpu.sem_alloc : memref<!tpu.dma_semaphore, #tpu.memory_space<semaphore_mem>>
        %dma_start3A_280 = arith.constant 0 : i32
        %dma_start3A_281 = tpu.memref_slice %arg5[%mul3A_234, %dma_start3A_280] : memref<320000x16xf32, #tpu.memory_space<hbm>> -> memref<80x16xf32, #tpu.memory_space<hbm>>
        %dma_start3A_282 = arith.constant 0 : i32
        %dma_start3A_283 = tpu.memref_slice %arg5[%mul3A_234, %dma_start3A_282] : memref<320000x16xf32, #tpu.memory_space<hbm>> -> memref<80x16xf32, #tpu.memory_space<hbm>>
        tpu.enqueue_dma source(%dma_start3A_283 : memref<80x16xf32, #tpu.memory_space<hbm>>) target(%arg12 : memref<80x16xf32, #tpu.memory_space<vmem>>) target_semaphore(%run_scoped3A : memref<!tpu.dma_semaphore, #tpu.memory_space<semaphore_mem>>)
        %dma_wait3A_284 = arith.constant 0 : i32
        %dma_wait3A_285 = tpu.memref_slice %arg5[%mul3A_234, %dma_wait3A_284] : memref<320000x16xf32, #tpu.memory_space<hbm>> -> memref<80x16xf32, #tpu.memory_space<hbm>>
        %dma_wait3A_286 = arith.constant 0 : i32
        %dma_wait3A_287 = tpu.memref_slice %arg5[%mul3A_234, %dma_wait3A_286] : memref<320000x16xf32, #tpu.memory_space<hbm>> -> memref<80x16xf32, #tpu.memory_space<hbm>>
        tpu.wait_dma2 semaphore(%run_scoped3A : memref<!tpu.dma_semaphore, #tpu.memory_space<semaphore_mem>>) src(%dma_wait3A_287 : memref<80x16xf32, #tpu.memory_space<hbm>>) dst(%arg12 : memref<80x16xf32, #tpu.memory_space<vmem>>)
        tpu.yield
      }) : () -> ()
      "tpu.region"() ({
        %run_scoped3A = tpu.sem_alloc : memref<!tpu.dma_semaphore, #tpu.memory_space<semaphore_mem>>
        %dma_start3A_280 = arith.constant 512 : i32
        %dma_start3A_281 = tpu.memref_slice %arg6[%mul3A_234, %dma_start3A_280] : memref<320000x528xf32, #tpu.memory_space<hbm>> -> memref<80x16xf32, #tpu.memory_space<hbm>>
        %dma_start3A_282 = arith.constant 512 : i32
        %dma_start3A_283 = tpu.memref_slice %arg6[%mul3A_234, %dma_start3A_282] : memref<320000x528xf32, #tpu.memory_space<hbm>> -> memref<80x16xf32, #tpu.memory_space<hbm>>
        tpu.enqueue_dma source(%arg12 : memref<80x16xf32, #tpu.memory_space<vmem>>) target(%dma_start3A_283 : memref<80x16xf32, #tpu.memory_space<hbm>>) target_semaphore(%run_scoped3A : memref<!tpu.dma_semaphore, #tpu.memory_space<semaphore_mem>>)
        %dma_wait3A_284 = arith.constant 512 : i32
        %dma_wait3A_285 = tpu.memref_slice %arg6[%mul3A_234, %dma_wait3A_284] : memref<320000x528xf32, #tpu.memory_space<hbm>> -> memref<80x16xf32, #tpu.memory_space<hbm>>
        %dma_wait3A_286 = arith.constant 512 : i32
        %dma_wait3A_287 = tpu.memref_slice %arg6[%mul3A_234, %dma_wait3A_286] : memref<320000x528xf32, #tpu.memory_space<hbm>> -> memref<80x16xf32, #tpu.memory_space<hbm>>
        tpu.wait_dma2 semaphore(%run_scoped3A : memref<!tpu.dma_semaphore, #tpu.memory_space<semaphore_mem>>) src(%arg12 : memref<80x16xf32, #tpu.memory_space<vmem>>) dst(%dma_wait3A_287 : memref<80x16xf32, #tpu.memory_space<hbm>>)
        tpu.yield
      }) : () -> ()
      %dma_wait3A_246 = arith.constant 4 : i32
      %dma_wait3A_247 = arith.constant 0 : i32
      %dma_wait3A_248 = tpu.memref_slice %arg7[%dma_wait3A_246, %dma_wait3A_247] : memref<5x80xi32, #tpu.memory_space<vmem>> -> memref<1x80xi32, #tpu.memory_space<vmem>>
      %dma_wait3A_249 = tpu.memref_squeeze %dma_wait3A_248 : memref<1x80xi32, #tpu.memory_space<vmem>> -> memref<80xi32, #tpu.memory_space<vmem>>
      %dma_wait3A_250 = arith.constant 0 : i32
      %dma_wait3A_251 = arith.constant 0 : i32
      %dma_wait3A_252 = tpu.memref_slice %arg2[%dma_wait3A_250, %dma_wait3A_251] : memref<10000x256xf32, #tpu.memory_space<hbm>> -> memref<10000x256xf32, #tpu.memory_space<hbm>>
      tpu.wait_indirect_dma semaphore(%arg13 : memref<!tpu.dma_semaphore, #tpu.memory_space<semaphore_mem>>) src(%dma_wait3A_252 : memref<10000x256xf32, #tpu.memory_space<hbm>>) dst(%arg9 : memref<80x256xf32, #tpu.memory_space<vmem>>)
      %dma_start3A_253 = arith.constant 0 : i32
      %dma_start3A_254 = tpu.memref_slice %arg6[%mul3A_234, %dma_start3A_253] : memref<320000x528xf32, #tpu.memory_space<hbm>> -> memref<80x256xf32, #tpu.memory_space<hbm>>
      %dma_start3A_255 = arith.constant 0 : i32
      %dma_start3A_256 = tpu.memref_slice %arg6[%mul3A_234, %dma_start3A_255] : memref<320000x528xf32, #tpu.memory_space<hbm>> -> memref<80x256xf32, #tpu.memory_space<hbm>>
      tpu.enqueue_dma source(%arg9 : memref<80x256xf32, #tpu.memory_space<vmem>>) target(%dma_start3A_256 : memref<80x256xf32, #tpu.memory_space<hbm>>) target_semaphore(%arg16 : memref<!tpu.dma_semaphore, #tpu.memory_space<semaphore_mem>>)
      %dma_wait3A_257 = arith.constant 4 : i32
      %dma_wait3A_258 = arith.constant 0 : i32
      %dma_wait3A_259 = tpu.memref_slice %arg8[%dma_wait3A_257, %dma_wait3A_258] : memref<5x80xi32, #tpu.memory_space<vmem>> -> memref<1x80xi32, #tpu.memory_space<vmem>>
      %dma_wait3A_260 = tpu.memref_squeeze %dma_wait3A_259 : memref<1x80xi32, #tpu.memory_space<vmem>> -> memref<80xi32, #tpu.memory_space<vmem>>
      %dma_wait3A_261 = arith.constant 0 : i32
      %dma_wait3A_262 = arith.constant 0 : i32
      %dma_wait3A_263 = tpu.memref_slice %arg2[%dma_wait3A_261, %dma_wait3A_262] : memref<10000x256xf32, #tpu.memory_space<hbm>> -> memref<10000x256xf32, #tpu.memory_space<hbm>>
      tpu.wait_indirect_dma semaphore(%arg15 : memref<!tpu.dma_semaphore, #tpu.memory_space<semaphore_mem>>) src(%dma_wait3A_263 : memref<10000x256xf32, #tpu.memory_space<hbm>>) dst(%arg11 : memref<80x256xf32, #tpu.memory_space<vmem>>)
      %dma_start3A_264 = arith.constant 256 : i32
      %dma_start3A_265 = tpu.memref_slice %arg6[%mul3A_234, %dma_start3A_264] : memref<320000x528xf32, #tpu.memory_space<hbm>> -> memref<80x256xf32, #tpu.memory_space<hbm>>
      %dma_start3A_266 = arith.constant 256 : i32
      %dma_start3A_267 = tpu.memref_slice %arg6[%mul3A_234, %dma_start3A_266] : memref<320000x528xf32, #tpu.memory_space<hbm>> -> memref<80x256xf32, #tpu.memory_space<hbm>>
      tpu.enqueue_dma source(%arg11 : memref<80x256xf32, #tpu.memory_space<vmem>>) target(%dma_start3A_267 : memref<80x256xf32, #tpu.memory_space<hbm>>) target_semaphore(%arg18 : memref<!tpu.dma_semaphore, #tpu.memory_space<semaphore_mem>>)
      %dma_wait3A_268 = arith.constant 0 : i32
      %dma_wait3A_269 = tpu.memref_slice %arg6[%mul3A_234, %dma_wait3A_268] : memref<320000x528xf32, #tpu.memory_space<hbm>> -> memref<80x256xf32, #tpu.memory_space<hbm>>
      %dma_wait3A_270 = arith.constant 0 : i32
      %dma_wait3A_271 = tpu.memref_slice %arg6[%mul3A_234, %dma_wait3A_270] : memref<320000x528xf32, #tpu.memory_space<hbm>> -> memref<80x256xf32, #tpu.memory_space<hbm>>
      tpu.wait_dma2 semaphore(%arg16 : memref<!tpu.dma_semaphore, #tpu.memory_space<semaphore_mem>>) src(%arg9 : memref<80x256xf32, #tpu.memory_space<vmem>>) dst(%dma_wait3A_271 : memref<80x256xf32, #tpu.memory_space<hbm>>)
      %dma_wait3A_272 = arith.constant 0 : i32
      %dma_wait3A_273 = tpu.memref_slice %arg6[%mul3A_179, %dma_wait3A_272] : memref<320000x528xf32, #tpu.memory_space<hbm>> -> memref<80x256xf32, #tpu.memory_space<hbm>>
      %dma_wait3A_274 = arith.constant 0 : i32
      %dma_wait3A_275 = tpu.memref_slice %arg6[%mul3A_179, %dma_wait3A_274] : memref<320000x528xf32, #tpu.memory_space<hbm>> -> memref<80x256xf32, #tpu.memory_space<hbm>>
      tpu.wait_dma2 semaphore(%arg17 : memref<!tpu.dma_semaphore, #tpu.memory_space<semaphore_mem>>) src(%arg10 : memref<80x256xf32, #tpu.memory_space<vmem>>) dst(%dma_wait3A_275 : memref<80x256xf32, #tpu.memory_space<hbm>>)
      %dma_wait3A_276 = arith.constant 256 : i32
      %dma_wait3A_277 = tpu.memref_slice %arg6[%mul3A_234, %dma_wait3A_276] : memref<320000x528xf32, #tpu.memory_space<hbm>> -> memref<80x256xf32, #tpu.memory_space<hbm>>
      %dma_wait3A_278 = arith.constant 256 : i32
      %dma_wait3A_279 = tpu.memref_slice %arg6[%mul3A_234, %dma_wait3A_278] : memref<320000x528xf32, #tpu.memory_space<hbm>> -> memref<80x256xf32, #tpu.memory_space<hbm>>
      tpu.wait_dma2 semaphore(%arg18 : memref<!tpu.dma_semaphore, #tpu.memory_space<semaphore_mem>>) src(%arg11 : memref<80x256xf32, #tpu.memory_space<vmem>>) dst(%dma_wait3A_279 : memref<80x256xf32, #tpu.memory_space<hbm>>)
    }
    %scan3A_5 = arith.constant 25 : i32
    return
  }
}

#map = affine_map<(d0, d1) -> (0, 0)>
#map1 = affine_map<(d0, d1) -> (0, 0, 0, 0, 0)>
#map2 = affine_map<(d0, d1) -> (0, 0, 0, 0)>
#map3 = affine_map<(d0, d1) -> (0, 0, 0)>
module attributes {stable_mosaic.version = 14 : i64} {
  func.func @_sc_layer2(%arg0: i32, %arg1: i32, %arg2: memref<20000x128xf32, #tpu.memory_space<hbm>>, %arg3: memref<2x16x25x10x80xi32, #tpu.memory_space<hbm>>, %arg4: memref<16x25x10x80xi32, #tpu.memory_space<hbm>>, %arg5: memref<10240x128xf32, #tpu.memory_space<hbm>>, %arg6: memref<2x10240x128xf32, #tpu.memory_space<hbm>>, %arg7: memref<10240x128xf32, #tpu.memory_space<vmem_shared>>, %arg8: memref<10x80xi32, #tpu.memory_space<vmem>>, %arg9: memref<10x80xi32, #tpu.memory_space<vmem>>, %arg10: memref<80x128xf32, #tpu.memory_space<vmem>>, %arg11: memref<80x128xf32, #tpu.memory_space<vmem>>, %arg12: memref<!tpu.dma_semaphore, #tpu.memory_space<semaphore_mem>>, %arg13: memref<!tpu.dma_semaphore, #tpu.memory_space<semaphore_mem>>) attributes {dimension_semantics = [#tpu.dimension_semantics<core_parallel>, #tpu.dimension_semantics<subcore_parallel>], iteration_bounds = array<i64: 2, 16>, scalar_prefetch = 0 : i64, scratch_operands = 7 : i64, tpu.core_type = #tpu.core_type<sc_vector_subcore>, window_params = [{transform_indices = #map}, {transform_indices = #map1}, {transform_indices = #map2}, {transform_indices = #map}, {transform_indices = #map3}]} {
    %mul3A = arith.constant 640 : i32
    %mul3A_0 = arith.muli %arg1, %mul3A : i32
    "tpu.region"() ({
      %run_scoped3A = tpu.sem_alloc : memref<!tpu.dma_semaphore, #tpu.memory_space<semaphore_mem>>
      %dma_start3A = arith.constant 0 : i32
      %dma_start3A_7 = tpu.memref_slice %arg7[%mul3A_0, %dma_start3A] : memref<10240x128xf32, #tpu.memory_space<vmem_shared>> -> memref<640x128xf32, #tpu.memory_space<vmem_shared>>
      %dma_start3A_8 = arith.constant 0 : i32
      %dma_start3A_9 = tpu.memref_slice %arg5[%mul3A_0, %dma_start3A_8] : memref<10240x128xf32, #tpu.memory_space<hbm>> -> memref<640x128xf32, #tpu.memory_space<hbm>>
      tpu.enqueue_dma source(%dma_start3A_9 : memref<640x128xf32, #tpu.memory_space<hbm>>) target(%dma_start3A_7 : memref<640x128xf32, #tpu.memory_space<vmem_shared>>) target_semaphore(%run_scoped3A : memref<!tpu.dma_semaphore, #tpu.memory_space<semaphore_mem>>)
      %dma_wait3A = arith.constant 0 : i32
      %dma_wait3A_10 = tpu.memref_slice %arg7[%mul3A_0, %dma_wait3A] : memref<10240x128xf32, #tpu.memory_space<vmem_shared>> -> memref<640x128xf32, #tpu.memory_space<vmem_shared>>
      %dma_wait3A_11 = arith.constant 0 : i32
      %dma_wait3A_12 = tpu.memref_slice %arg5[%mul3A_0, %dma_wait3A_11] : memref<10240x128xf32, #tpu.memory_space<hbm>> -> memref<640x128xf32, #tpu.memory_space<hbm>>
      tpu.wait_dma2 semaphore(%run_scoped3A : memref<!tpu.dma_semaphore, #tpu.memory_space<semaphore_mem>>) src(%dma_wait3A_12 : memref<640x128xf32, #tpu.memory_space<hbm>>) dst(%dma_wait3A_10 : memref<640x128xf32, #tpu.memory_space<vmem_shared>>)
      tpu.yield
    }) : () -> ()
    %barrier3A = arith.constant 0 : index
    tpu.barrier barrier_id(%barrier3A)
    %scan3A = arith.constant 0 : i32
    %scan3A_1 = arith.constant 0 : i32
    %scan3A_2 = arith.constant 25 : i32
    %scan3A_3 = arith.addi %scan3A_1, %scan3A_2 : i32
    %scan3A_4 = arith.constant 1 : i32
    scf.for %scan3A_7 = %scan3A_1 to %scan3A_3 step %scan3A_4  : i32 {
      "tpu.region"() ({
        %run_scoped3A_155 = tpu.sem_alloc : memref<!tpu.dma_semaphore, #tpu.memory_space<semaphore_mem>>
        %dma_start3A_156 = arith.constant 0 : i32
        %dma_start3A_157 = arith.constant 0 : i32
        %dma_start3A_158 = tpu.memref_slice %arg3[%arg0, %arg1, %scan3A_7, %dma_start3A_156, %dma_start3A_157] : memref<2x16x25x10x80xi32, #tpu.memory_space<hbm>> -> memref<1x1x1x10x80xi32, #tpu.memory_space<hbm>>
        %dma_start3A_159 = tpu.memref_squeeze %dma_start3A_158 : memref<1x1x1x10x80xi32, #tpu.memory_space<hbm>> -> memref<10x80xi32, #tpu.memory_space<hbm>>
        %dma_start3A_160 = arith.constant 0 : i32
        %dma_start3A_161 = arith.constant 0 : i32
        %dma_start3A_162 = tpu.memref_slice %arg3[%arg0, %arg1, %scan3A_7, %dma_start3A_160, %dma_start3A_161] : memref<2x16x25x10x80xi32, #tpu.memory_space<hbm>> -> memref<1x1x1x10x80xi32, #tpu.memory_space<hbm>>
        %dma_start3A_163 = tpu.memref_squeeze %dma_start3A_162 : memref<1x1x1x10x80xi32, #tpu.memory_space<hbm>> -> memref<10x80xi32, #tpu.memory_space<hbm>>
        tpu.enqueue_dma source(%dma_start3A_163 : memref<10x80xi32, #tpu.memory_space<hbm>>) target(%arg8 : memref<10x80xi32, #tpu.memory_space<vmem>>) target_semaphore(%run_scoped3A_155 : memref<!tpu.dma_semaphore, #tpu.memory_space<semaphore_mem>>)
        %dma_wait3A_164 = arith.constant 0 : i32
        %dma_wait3A_165 = arith.constant 0 : i32
        %dma_wait3A_166 = tpu.memref_slice %arg3[%arg0, %arg1, %scan3A_7, %dma_wait3A_164, %dma_wait3A_165] : memref<2x16x25x10x80xi32, #tpu.memory_space<hbm>> -> memref<1x1x1x10x80xi32, #tpu.memory_space<hbm>>
        %dma_wait3A_167 = tpu.memref_squeeze %dma_wait3A_166 : memref<1x1x1x10x80xi32, #tpu.memory_space<hbm>> -> memref<10x80xi32, #tpu.memory_space<hbm>>
        %dma_wait3A_168 = arith.constant 0 : i32
        %dma_wait3A_169 = arith.constant 0 : i32
        %dma_wait3A_170 = tpu.memref_slice %arg3[%arg0, %arg1, %scan3A_7, %dma_wait3A_168, %dma_wait3A_169] : memref<2x16x25x10x80xi32, #tpu.memory_space<hbm>> -> memref<1x1x1x10x80xi32, #tpu.memory_space<hbm>>
        %dma_wait3A_171 = tpu.memref_squeeze %dma_wait3A_170 : memref<1x1x1x10x80xi32, #tpu.memory_space<hbm>> -> memref<10x80xi32, #tpu.memory_space<hbm>>
        tpu.wait_dma2 semaphore(%run_scoped3A_155 : memref<!tpu.dma_semaphore, #tpu.memory_space<semaphore_mem>>) src(%dma_wait3A_171 : memref<10x80xi32, #tpu.memory_space<hbm>>) dst(%arg8 : memref<10x80xi32, #tpu.memory_space<vmem>>)
        tpu.yield
      }) : () -> ()
      "tpu.region"() ({
        %run_scoped3A_155 = tpu.sem_alloc : memref<!tpu.dma_semaphore, #tpu.memory_space<semaphore_mem>>
        %dma_start3A_156 = arith.constant 0 : i32
        %dma_start3A_157 = arith.constant 0 : i32
        %dma_start3A_158 = tpu.memref_slice %arg4[%arg1, %scan3A_7, %dma_start3A_156, %dma_start3A_157] : memref<16x25x10x80xi32, #tpu.memory_space<hbm>> -> memref<1x1x10x80xi32, #tpu.memory_space<hbm>>
        %dma_start3A_159 = tpu.memref_squeeze %dma_start3A_158 : memref<1x1x10x80xi32, #tpu.memory_space<hbm>> -> memref<10x80xi32, #tpu.memory_space<hbm>>
        %dma_start3A_160 = arith.constant 0 : i32
        %dma_start3A_161 = arith.constant 0 : i32
        %dma_start3A_162 = tpu.memref_slice %arg4[%arg1, %scan3A_7, %dma_start3A_160, %dma_start3A_161] : memref<16x25x10x80xi32, #tpu.memory_space<hbm>> -> memref<1x1x10x80xi32, #tpu.memory_space<hbm>>
        %dma_start3A_163 = tpu.memref_squeeze %dma_start3A_162 : memref<1x1x10x80xi32, #tpu.memory_space<hbm>> -> memref<10x80xi32, #tpu.memory_space<hbm>>
        tpu.enqueue_dma source(%dma_start3A_163 : memref<10x80xi32, #tpu.memory_space<hbm>>) target(%arg9 : memref<10x80xi32, #tpu.memory_space<vmem>>) target_semaphore(%run_scoped3A_155 : memref<!tpu.dma_semaphore, #tpu.memory_space<semaphore_mem>>)
        %dma_wait3A_164 = arith.constant 0 : i32
        %dma_wait3A_165 = arith.constant 0 : i32
        %dma_wait3A_166 = tpu.memref_slice %arg4[%arg1, %scan3A_7, %dma_wait3A_164, %dma_wait3A_165] : memref<16x25x10x80xi32, #tpu.memory_space<hbm>> -> memref<1x1x10x80xi32, #tpu.memory_space<hbm>>
        %dma_wait3A_167 = tpu.memref_squeeze %dma_wait3A_166 : memref<1x1x10x80xi32, #tpu.memory_space<hbm>> -> memref<10x80xi32, #tpu.memory_space<hbm>>
        %dma_wait3A_168 = arith.constant 0 : i32
        %dma_wait3A_169 = arith.constant 0 : i32
        %dma_wait3A_170 = tpu.memref_slice %arg4[%arg1, %scan3A_7, %dma_wait3A_168, %dma_wait3A_169] : memref<16x25x10x80xi32, #tpu.memory_space<hbm>> -> memref<1x1x10x80xi32, #tpu.memory_space<hbm>>
        %dma_wait3A_171 = tpu.memref_squeeze %dma_wait3A_170 : memref<1x1x10x80xi32, #tpu.memory_space<hbm>> -> memref<10x80xi32, #tpu.memory_space<hbm>>
        tpu.wait_dma2 semaphore(%run_scoped3A_155 : memref<!tpu.dma_semaphore, #tpu.memory_space<semaphore_mem>>) src(%dma_wait3A_171 : memref<10x80xi32, #tpu.memory_space<hbm>>) dst(%arg9 : memref<10x80xi32, #tpu.memory_space<vmem>>)
        tpu.yield
      }) : () -> ()
      %dma_start3A = arith.constant 0 : i32
      %dma_start3A_8 = arith.constant 0 : i32
      %dma_start3A_9 = tpu.memref_slice %arg8[%dma_start3A, %dma_start3A_8] : memref<10x80xi32, #tpu.memory_space<vmem>> -> memref<1x80xi32, #tpu.memory_space<vmem>>
      %dma_start3A_10 = tpu.memref_squeeze %dma_start3A_9 : memref<1x80xi32, #tpu.memory_space<vmem>> -> memref<80xi32, #tpu.memory_space<vmem>>
      %dma_start3A_11 = arith.constant 0 : i32
      %dma_start3A_12 = arith.constant 0 : i32
      %dma_start3A_13 = tpu.memref_slice %arg2[%dma_start3A_11, %dma_start3A_12] : memref<20000x128xf32, #tpu.memory_space<hbm>> -> memref<20000x128xf32, #tpu.memory_space<hbm>>
      tpu.enqueue_indirect_dma source(%dma_start3A_13 : memref<20000x128xf32, #tpu.memory_space<hbm>>) target(%arg10 : memref<80x128xf32, #tpu.memory_space<vmem>>) offsets(%dma_start3A_10 : memref<80xi32, #tpu.memory_space<vmem>>) semaphore(%arg12 : memref<!tpu.dma_semaphore, #tpu.memory_space<semaphore_mem>>)
      %dma_start3A_14 = arith.constant 1 : i32
      %dma_start3A_15 = arith.constant 0 : i32
      %dma_start3A_16 = tpu.memref_slice %arg8[%dma_start3A_14, %dma_start3A_15] : memref<10x80xi32, #tpu.memory_space<vmem>> -> memref<1x80xi32, #tpu.memory_space<vmem>>
      %dma_start3A_17 = tpu.memref_squeeze %dma_start3A_16 : memref<1x80xi32, #tpu.memory_space<vmem>> -> memref<80xi32, #tpu.memory_space<vmem>>
      %dma_start3A_18 = arith.constant 0 : i32
      %dma_start3A_19 = arith.constant 0 : i32
      %dma_start3A_20 = tpu.memref_slice %arg2[%dma_start3A_18, %dma_start3A_19] : memref<20000x128xf32, #tpu.memory_space<hbm>> -> memref<20000x128xf32, #tpu.memory_space<hbm>>
      tpu.enqueue_indirect_dma source(%dma_start3A_20 : memref<20000x128xf32, #tpu.memory_space<hbm>>) target(%arg11 : memref<80x128xf32, #tpu.memory_space<vmem>>) offsets(%dma_start3A_17 : memref<80xi32, #tpu.memory_space<vmem>>) semaphore(%arg13 : memref<!tpu.dma_semaphore, #tpu.memory_space<semaphore_mem>>)
      %dma_wait3A = arith.constant 0 : i32
      %dma_wait3A_21 = arith.constant 0 : i32
      %dma_wait3A_22 = tpu.memref_slice %arg8[%dma_wait3A, %dma_wait3A_21] : memref<10x80xi32, #tpu.memory_space<vmem>> -> memref<1x80xi32, #tpu.memory_space<vmem>>
      %dma_wait3A_23 = tpu.memref_squeeze %dma_wait3A_22 : memref<1x80xi32, #tpu.memory_space<vmem>> -> memref<80xi32, #tpu.memory_space<vmem>>
      %dma_wait3A_24 = arith.constant 0 : i32
      %dma_wait3A_25 = arith.constant 0 : i32
      %dma_wait3A_26 = tpu.memref_slice %arg2[%dma_wait3A_24, %dma_wait3A_25] : memref<20000x128xf32, #tpu.memory_space<hbm>> -> memref<20000x128xf32, #tpu.memory_space<hbm>>
      tpu.wait_indirect_dma semaphore(%arg12 : memref<!tpu.dma_semaphore, #tpu.memory_space<semaphore_mem>>) src(%dma_wait3A_26 : memref<20000x128xf32, #tpu.memory_space<hbm>>) dst(%arg10 : memref<80x128xf32, #tpu.memory_space<vmem>>)
      %run_scoped3A = arith.constant 0 : i32
      "tpu.region"() ({
        %run_scoped3A_155 = tpu.sem_alloc : memref<!tpu.dma_semaphore, #tpu.memory_space<semaphore_mem>>
        %dma_start3A_156 = arith.constant 0 : i32
        %dma_start3A_157 = tpu.memref_slice %arg9[%run_scoped3A, %dma_start3A_156] : memref<10x80xi32, #tpu.memory_space<vmem>> -> memref<1x80xi32, #tpu.memory_space<vmem>>
        %dma_start3A_158 = tpu.memref_squeeze %dma_start3A_157 : memref<1x80xi32, #tpu.memory_space<vmem>> -> memref<80xi32, #tpu.memory_space<vmem>>
        %dma_start3A_159 = arith.constant 0 : i32
        %dma_start3A_160 = arith.constant 0 : i32
        %dma_start3A_161 = tpu.memref_slice %arg7[%dma_start3A_159, %dma_start3A_160] : memref<10240x128xf32, #tpu.memory_space<vmem_shared>> -> memref<10240x128xf32, #tpu.memory_space<vmem_shared>>
        tpu.enqueue_indirect_dma source(%arg10 : memref<80x128xf32, #tpu.memory_space<vmem>>) target(%dma_start3A_161 : memref<10240x128xf32, #tpu.memory_space<vmem_shared>>) offsets(%dma_start3A_158 : memref<80xi32, #tpu.memory_space<vmem>>) semaphore(%run_scoped3A_155 : memref<!tpu.dma_semaphore, #tpu.memory_space<semaphore_mem>>) {add = true}
        %dma_wait3A_162 = arith.constant 0 : i32
        %dma_wait3A_163 = tpu.memref_slice %arg9[%run_scoped3A, %dma_wait3A_162] : memref<10x80xi32, #tpu.memory_space<vmem>> -> memref<1x80xi32, #tpu.memory_space<vmem>>
        %dma_wait3A_164 = tpu.memref_squeeze %dma_wait3A_163 : memref<1x80xi32, #tpu.memory_space<vmem>> -> memref<80xi32, #tpu.memory_space<vmem>>
        %dma_wait3A_165 = arith.constant 0 : i32
        %dma_wait3A_166 = arith.constant 0 : i32
        %dma_wait3A_167 = tpu.memref_slice %arg7[%dma_wait3A_165, %dma_wait3A_166] : memref<10240x128xf32, #tpu.memory_space<vmem_shared>> -> memref<10240x128xf32, #tpu.memory_space<vmem_shared>>
        tpu.wait_indirect_dma semaphore(%run_scoped3A_155 : memref<!tpu.dma_semaphore, #tpu.memory_space<semaphore_mem>>) src(%arg10 : memref<80x128xf32, #tpu.memory_space<vmem>>) dst(%dma_wait3A_167 : memref<10240x128xf32, #tpu.memory_space<vmem_shared>>)
        tpu.yield
      }) : () -> ()
      %dma_start3A_27 = arith.constant 2 : i32
      %dma_start3A_28 = arith.constant 0 : i32
      %dma_start3A_29 = tpu.memref_slice %arg8[%dma_start3A_27, %dma_start3A_28] : memref<10x80xi32, #tpu.memory_space<vmem>> -> memref<1x80xi32, #tpu.memory_space<vmem>>
      %dma_start3A_30 = tpu.memref_squeeze %dma_start3A_29 : memref<1x80xi32, #tpu.memory_space<vmem>> -> memref<80xi32, #tpu.memory_space<vmem>>
      %dma_start3A_31 = arith.constant 0 : i32
      %dma_start3A_32 = arith.constant 0 : i32
      %dma_start3A_33 = tpu.memref_slice %arg2[%dma_start3A_31, %dma_start3A_32] : memref<20000x128xf32, #tpu.memory_space<hbm>> -> memref<20000x128xf32, #tpu.memory_space<hbm>>
      tpu.enqueue_indirect_dma source(%dma_start3A_33 : memref<20000x128xf32, #tpu.memory_space<hbm>>) target(%arg10 : memref<80x128xf32, #tpu.memory_space<vmem>>) offsets(%dma_start3A_30 : memref<80xi32, #tpu.memory_space<vmem>>) semaphore(%arg12 : memref<!tpu.dma_semaphore, #tpu.memory_space<semaphore_mem>>)
      %dma_wait3A_34 = arith.constant 1 : i32
      %dma_wait3A_35 = arith.constant 0 : i32
      %dma_wait3A_36 = tpu.memref_slice %arg8[%dma_wait3A_34, %dma_wait3A_35] : memref<10x80xi32, #tpu.memory_space<vmem>> -> memref<1x80xi32, #tpu.memory_space<vmem>>
      %dma_wait3A_37 = tpu.memref_squeeze %dma_wait3A_36 : memref<1x80xi32, #tpu.memory_space<vmem>> -> memref<80xi32, #tpu.memory_space<vmem>>
      %dma_wait3A_38 = arith.constant 0 : i32
      %dma_wait3A_39 = arith.constant 0 : i32
      %dma_wait3A_40 = tpu.memref_slice %arg2[%dma_wait3A_38, %dma_wait3A_39] : memref<20000x128xf32, #tpu.memory_space<hbm>> -> memref<20000x128xf32, #tpu.memory_space<hbm>>
      tpu.wait_indirect_dma semaphore(%arg13 : memref<!tpu.dma_semaphore, #tpu.memory_space<semaphore_mem>>) src(%dma_wait3A_40 : memref<20000x128xf32, #tpu.memory_space<hbm>>) dst(%arg11 : memref<80x128xf32, #tpu.memory_space<vmem>>)
      %run_scoped3A_41 = arith.constant 1 : i32
      "tpu.region"() ({
        %run_scoped3A_155 = tpu.sem_alloc : memref<!tpu.dma_semaphore, #tpu.memory_space<semaphore_mem>>
        %dma_start3A_156 = arith.constant 0 : i32
        %dma_start3A_157 = tpu.memref_slice %arg9[%run_scoped3A_41, %dma_start3A_156] : memref<10x80xi32, #tpu.memory_space<vmem>> -> memref<1x80xi32, #tpu.memory_space<vmem>>
        %dma_start3A_158 = tpu.memref_squeeze %dma_start3A_157 : memref<1x80xi32, #tpu.memory_space<vmem>> -> memref<80xi32, #tpu.memory_space<vmem>>
        %dma_start3A_159 = arith.constant 0 : i32
        %dma_start3A_160 = arith.constant 0 : i32
        %dma_start3A_161 = tpu.memref_slice %arg7[%dma_start3A_159, %dma_start3A_160] : memref<10240x128xf32, #tpu.memory_space<vmem_shared>> -> memref<10240x128xf32, #tpu.memory_space<vmem_shared>>
        tpu.enqueue_indirect_dma source(%arg11 : memref<80x128xf32, #tpu.memory_space<vmem>>) target(%dma_start3A_161 : memref<10240x128xf32, #tpu.memory_space<vmem_shared>>) offsets(%dma_start3A_158 : memref<80xi32, #tpu.memory_space<vmem>>) semaphore(%run_scoped3A_155 : memref<!tpu.dma_semaphore, #tpu.memory_space<semaphore_mem>>) {add = true}
        %dma_wait3A_162 = arith.constant 0 : i32
        %dma_wait3A_163 = tpu.memref_slice %arg9[%run_scoped3A_41, %dma_wait3A_162] : memref<10x80xi32, #tpu.memory_space<vmem>> -> memref<1x80xi32, #tpu.memory_space<vmem>>
        %dma_wait3A_164 = tpu.memref_squeeze %dma_wait3A_163 : memref<1x80xi32, #tpu.memory_space<vmem>> -> memref<80xi32, #tpu.memory_space<vmem>>
        %dma_wait3A_165 = arith.constant 0 : i32
        %dma_wait3A_166 = arith.constant 0 : i32
        %dma_wait3A_167 = tpu.memref_slice %arg7[%dma_wait3A_165, %dma_wait3A_166] : memref<10240x128xf32, #tpu.memory_space<vmem_shared>> -> memref<10240x128xf32, #tpu.memory_space<vmem_shared>>
        tpu.wait_indirect_dma semaphore(%run_scoped3A_155 : memref<!tpu.dma_semaphore, #tpu.memory_space<semaphore_mem>>) src(%arg11 : memref<80x128xf32, #tpu.memory_space<vmem>>) dst(%dma_wait3A_167 : memref<10240x128xf32, #tpu.memory_space<vmem_shared>>)
        tpu.yield
      }) : () -> ()
      %dma_start3A_42 = arith.constant 3 : i32
      %dma_start3A_43 = arith.constant 0 : i32
      %dma_start3A_44 = tpu.memref_slice %arg8[%dma_start3A_42, %dma_start3A_43] : memref<10x80xi32, #tpu.memory_space<vmem>> -> memref<1x80xi32, #tpu.memory_space<vmem>>
      %dma_start3A_45 = tpu.memref_squeeze %dma_start3A_44 : memref<1x80xi32, #tpu.memory_space<vmem>> -> memref<80xi32, #tpu.memory_space<vmem>>
      %dma_start3A_46 = arith.constant 0 : i32
      %dma_start3A_47 = arith.constant 0 : i32
      %dma_start3A_48 = tpu.memref_slice %arg2[%dma_start3A_46, %dma_start3A_47] : memref<20000x128xf32, #tpu.memory_space<hbm>> -> memref<20000x128xf32, #tpu.memory_space<hbm>>
      tpu.enqueue_indirect_dma source(%dma_start3A_48 : memref<20000x128xf32, #tpu.memory_space<hbm>>) target(%arg11 : memref<80x128xf32, #tpu.memory_space<vmem>>) offsets(%dma_start3A_45 : memref<80xi32, #tpu.memory_space<vmem>>) semaphore(%arg13 : memref<!tpu.dma_semaphore, #tpu.memory_space<semaphore_mem>>)
      %dma_wait3A_49 = arith.constant 2 : i32
      %dma_wait3A_50 = arith.constant 0 : i32
      %dma_wait3A_51 = tpu.memref_slice %arg8[%dma_wait3A_49, %dma_wait3A_50] : memref<10x80xi32, #tpu.memory_space<vmem>> -> memref<1x80xi32, #tpu.memory_space<vmem>>
      %dma_wait3A_52 = tpu.memref_squeeze %dma_wait3A_51 : memref<1x80xi32, #tpu.memory_space<vmem>> -> memref<80xi32, #tpu.memory_space<vmem>>
      %dma_wait3A_53 = arith.constant 0 : i32
      %dma_wait3A_54 = arith.constant 0 : i32
      %dma_wait3A_55 = tpu.memref_slice %arg2[%dma_wait3A_53, %dma_wait3A_54] : memref<20000x128xf32, #tpu.memory_space<hbm>> -> memref<20000x128xf32, #tpu.memory_space<hbm>>
      tpu.wait_indirect_dma semaphore(%arg12 : memref<!tpu.dma_semaphore, #tpu.memory_space<semaphore_mem>>) src(%dma_wait3A_55 : memref<20000x128xf32, #tpu.memory_space<hbm>>) dst(%arg10 : memref<80x128xf32, #tpu.memory_space<vmem>>)
      %run_scoped3A_56 = arith.constant 2 : i32
      "tpu.region"() ({
        %run_scoped3A_155 = tpu.sem_alloc : memref<!tpu.dma_semaphore, #tpu.memory_space<semaphore_mem>>
        %dma_start3A_156 = arith.constant 0 : i32
        %dma_start3A_157 = tpu.memref_slice %arg9[%run_scoped3A_56, %dma_start3A_156] : memref<10x80xi32, #tpu.memory_space<vmem>> -> memref<1x80xi32, #tpu.memory_space<vmem>>
        %dma_start3A_158 = tpu.memref_squeeze %dma_start3A_157 : memref<1x80xi32, #tpu.memory_space<vmem>> -> memref<80xi32, #tpu.memory_space<vmem>>
        %dma_start3A_159 = arith.constant 0 : i32
        %dma_start3A_160 = arith.constant 0 : i32
        %dma_start3A_161 = tpu.memref_slice %arg7[%dma_start3A_159, %dma_start3A_160] : memref<10240x128xf32, #tpu.memory_space<vmem_shared>> -> memref<10240x128xf32, #tpu.memory_space<vmem_shared>>
        tpu.enqueue_indirect_dma source(%arg10 : memref<80x128xf32, #tpu.memory_space<vmem>>) target(%dma_start3A_161 : memref<10240x128xf32, #tpu.memory_space<vmem_shared>>) offsets(%dma_start3A_158 : memref<80xi32, #tpu.memory_space<vmem>>) semaphore(%run_scoped3A_155 : memref<!tpu.dma_semaphore, #tpu.memory_space<semaphore_mem>>) {add = true}
        %dma_wait3A_162 = arith.constant 0 : i32
        %dma_wait3A_163 = tpu.memref_slice %arg9[%run_scoped3A_56, %dma_wait3A_162] : memref<10x80xi32, #tpu.memory_space<vmem>> -> memref<1x80xi32, #tpu.memory_space<vmem>>
        %dma_wait3A_164 = tpu.memref_squeeze %dma_wait3A_163 : memref<1x80xi32, #tpu.memory_space<vmem>> -> memref<80xi32, #tpu.memory_space<vmem>>
        %dma_wait3A_165 = arith.constant 0 : i32
        %dma_wait3A_166 = arith.constant 0 : i32
        %dma_wait3A_167 = tpu.memref_slice %arg7[%dma_wait3A_165, %dma_wait3A_166] : memref<10240x128xf32, #tpu.memory_space<vmem_shared>> -> memref<10240x128xf32, #tpu.memory_space<vmem_shared>>
        tpu.wait_indirect_dma semaphore(%run_scoped3A_155 : memref<!tpu.dma_semaphore, #tpu.memory_space<semaphore_mem>>) src(%arg10 : memref<80x128xf32, #tpu.memory_space<vmem>>) dst(%dma_wait3A_167 : memref<10240x128xf32, #tpu.memory_space<vmem_shared>>)
        tpu.yield
      }) : () -> ()
      %dma_start3A_57 = arith.constant 4 : i32
      %dma_start3A_58 = arith.constant 0 : i32
      %dma_start3A_59 = tpu.memref_slice %arg8[%dma_start3A_57, %dma_start3A_58] : memref<10x80xi32, #tpu.memory_space<vmem>> -> memref<1x80xi32, #tpu.memory_space<vmem>>
      %dma_start3A_60 = tpu.memref_squeeze %dma_start3A_59 : memref<1x80xi32, #tpu.memory_space<vmem>> -> memref<80xi32, #tpu.memory_space<vmem>>
      %dma_start3A_61 = arith.constant 0 : i32
      %dma_start3A_62 = arith.constant 0 : i32
      %dma_start3A_63 = tpu.memref_slice %arg2[%dma_start3A_61, %dma_start3A_62] : memref<20000x128xf32, #tpu.memory_space<hbm>> -> memref<20000x128xf32, #tpu.memory_space<hbm>>
      tpu.enqueue_indirect_dma source(%dma_start3A_63 : memref<20000x128xf32, #tpu.memory_space<hbm>>) target(%arg10 : memref<80x128xf32, #tpu.memory_space<vmem>>) offsets(%dma_start3A_60 : memref<80xi32, #tpu.memory_space<vmem>>) semaphore(%arg12 : memref<!tpu.dma_semaphore, #tpu.memory_space<semaphore_mem>>)
      %dma_wait3A_64 = arith.constant 3 : i32
      %dma_wait3A_65 = arith.constant 0 : i32
      %dma_wait3A_66 = tpu.memref_slice %arg8[%dma_wait3A_64, %dma_wait3A_65] : memref<10x80xi32, #tpu.memory_space<vmem>> -> memref<1x80xi32, #tpu.memory_space<vmem>>
      %dma_wait3A_67 = tpu.memref_squeeze %dma_wait3A_66 : memref<1x80xi32, #tpu.memory_space<vmem>> -> memref<80xi32, #tpu.memory_space<vmem>>
      %dma_wait3A_68 = arith.constant 0 : i32
      %dma_wait3A_69 = arith.constant 0 : i32
      %dma_wait3A_70 = tpu.memref_slice %arg2[%dma_wait3A_68, %dma_wait3A_69] : memref<20000x128xf32, #tpu.memory_space<hbm>> -> memref<20000x128xf32, #tpu.memory_space<hbm>>
      tpu.wait_indirect_dma semaphore(%arg13 : memref<!tpu.dma_semaphore, #tpu.memory_space<semaphore_mem>>) src(%dma_wait3A_70 : memref<20000x128xf32, #tpu.memory_space<hbm>>) dst(%arg11 : memref<80x128xf32, #tpu.memory_space<vmem>>)
      %run_scoped3A_71 = arith.constant 3 : i32
      "tpu.region"() ({
        %run_scoped3A_155 = tpu.sem_alloc : memref<!tpu.dma_semaphore, #tpu.memory_space<semaphore_mem>>
        %dma_start3A_156 = arith.constant 0 : i32
        %dma_start3A_157 = tpu.memref_slice %arg9[%run_scoped3A_71, %dma_start3A_156] : memref<10x80xi32, #tpu.memory_space<vmem>> -> memref<1x80xi32, #tpu.memory_space<vmem>>
        %dma_start3A_158 = tpu.memref_squeeze %dma_start3A_157 : memref<1x80xi32, #tpu.memory_space<vmem>> -> memref<80xi32, #tpu.memory_space<vmem>>
        %dma_start3A_159 = arith.constant 0 : i32
        %dma_start3A_160 = arith.constant 0 : i32
        %dma_start3A_161 = tpu.memref_slice %arg7[%dma_start3A_159, %dma_start3A_160] : memref<10240x128xf32, #tpu.memory_space<vmem_shared>> -> memref<10240x128xf32, #tpu.memory_space<vmem_shared>>
        tpu.enqueue_indirect_dma source(%arg11 : memref<80x128xf32, #tpu.memory_space<vmem>>) target(%dma_start3A_161 : memref<10240x128xf32, #tpu.memory_space<vmem_shared>>) offsets(%dma_start3A_158 : memref<80xi32, #tpu.memory_space<vmem>>) semaphore(%run_scoped3A_155 : memref<!tpu.dma_semaphore, #tpu.memory_space<semaphore_mem>>) {add = true}
        %dma_wait3A_162 = arith.constant 0 : i32
        %dma_wait3A_163 = tpu.memref_slice %arg9[%run_scoped3A_71, %dma_wait3A_162] : memref<10x80xi32, #tpu.memory_space<vmem>> -> memref<1x80xi32, #tpu.memory_space<vmem>>
        %dma_wait3A_164 = tpu.memref_squeeze %dma_wait3A_163 : memref<1x80xi32, #tpu.memory_space<vmem>> -> memref<80xi32, #tpu.memory_space<vmem>>
        %dma_wait3A_165 = arith.constant 0 : i32
        %dma_wait3A_166 = arith.constant 0 : i32
        %dma_wait3A_167 = tpu.memref_slice %arg7[%dma_wait3A_165, %dma_wait3A_166] : memref<10240x128xf32, #tpu.memory_space<vmem_shared>> -> memref<10240x128xf32, #tpu.memory_space<vmem_shared>>
        tpu.wait_indirect_dma semaphore(%run_scoped3A_155 : memref<!tpu.dma_semaphore, #tpu.memory_space<semaphore_mem>>) src(%arg11 : memref<80x128xf32, #tpu.memory_space<vmem>>) dst(%dma_wait3A_167 : memref<10240x128xf32, #tpu.memory_space<vmem_shared>>)
        tpu.yield
      }) : () -> ()
      %dma_start3A_72 = arith.constant 5 : i32
      %dma_start3A_73 = arith.constant 0 : i32
      %dma_start3A_74 = tpu.memref_slice %arg8[%dma_start3A_72, %dma_start3A_73] : memref<10x80xi32, #tpu.memory_space<vmem>> -> memref<1x80xi32, #tpu.memory_space<vmem>>
      %dma_start3A_75 = tpu.memref_squeeze %dma_start3A_74 : memref<1x80xi32, #tpu.memory_space<vmem>> -> memref<80xi32, #tpu.memory_space<vmem>>
      %dma_start3A_76 = arith.constant 0 : i32
      %dma_start3A_77 = arith.constant 0 : i32
      %dma_start3A_78 = tpu.memref_slice %arg2[%dma_start3A_76, %dma_start3A_77] : memref<20000x128xf32, #tpu.memory_space<hbm>> -> memref<20000x128xf32, #tpu.memory_space<hbm>>
      tpu.enqueue_indirect_dma source(%dma_start3A_78 : memref<20000x128xf32, #tpu.memory_space<hbm>>) target(%arg11 : memref<80x128xf32, #tpu.memory_space<vmem>>) offsets(%dma_start3A_75 : memref<80xi32, #tpu.memory_space<vmem>>) semaphore(%arg13 : memref<!tpu.dma_semaphore, #tpu.memory_space<semaphore_mem>>)
      %dma_wait3A_79 = arith.constant 4 : i32
      %dma_wait3A_80 = arith.constant 0 : i32
      %dma_wait3A_81 = tpu.memref_slice %arg8[%dma_wait3A_79, %dma_wait3A_80] : memref<10x80xi32, #tpu.memory_space<vmem>> -> memref<1x80xi32, #tpu.memory_space<vmem>>
      %dma_wait3A_82 = tpu.memref_squeeze %dma_wait3A_81 : memref<1x80xi32, #tpu.memory_space<vmem>> -> memref<80xi32, #tpu.memory_space<vmem>>
      %dma_wait3A_83 = arith.constant 0 : i32
      %dma_wait3A_84 = arith.constant 0 : i32
      %dma_wait3A_85 = tpu.memref_slice %arg2[%dma_wait3A_83, %dma_wait3A_84] : memref<20000x128xf32, #tpu.memory_space<hbm>> -> memref<20000x128xf32, #tpu.memory_space<hbm>>
      tpu.wait_indirect_dma semaphore(%arg12 : memref<!tpu.dma_semaphore, #tpu.memory_space<semaphore_mem>>) src(%dma_wait3A_85 : memref<20000x128xf32, #tpu.memory_space<hbm>>) dst(%arg10 : memref<80x128xf32, #tpu.memory_space<vmem>>)
      %run_scoped3A_86 = arith.constant 4 : i32
      "tpu.region"() ({
        %run_scoped3A_155 = tpu.sem_alloc : memref<!tpu.dma_semaphore, #tpu.memory_space<semaphore_mem>>
        %dma_start3A_156 = arith.constant 0 : i32
        %dma_start3A_157 = tpu.memref_slice %arg9[%run_scoped3A_86, %dma_start3A_156] : memref<10x80xi32, #tpu.memory_space<vmem>> -> memref<1x80xi32, #tpu.memory_space<vmem>>
        %dma_start3A_158 = tpu.memref_squeeze %dma_start3A_157 : memref<1x80xi32, #tpu.memory_space<vmem>> -> memref<80xi32, #tpu.memory_space<vmem>>
        %dma_start3A_159 = arith.constant 0 : i32
        %dma_start3A_160 = arith.constant 0 : i32
        %dma_start3A_161 = tpu.memref_slice %arg7[%dma_start3A_159, %dma_start3A_160] : memref<10240x128xf32, #tpu.memory_space<vmem_shared>> -> memref<10240x128xf32, #tpu.memory_space<vmem_shared>>
        tpu.enqueue_indirect_dma source(%arg10 : memref<80x128xf32, #tpu.memory_space<vmem>>) target(%dma_start3A_161 : memref<10240x128xf32, #tpu.memory_space<vmem_shared>>) offsets(%dma_start3A_158 : memref<80xi32, #tpu.memory_space<vmem>>) semaphore(%run_scoped3A_155 : memref<!tpu.dma_semaphore, #tpu.memory_space<semaphore_mem>>) {add = true}
        %dma_wait3A_162 = arith.constant 0 : i32
        %dma_wait3A_163 = tpu.memref_slice %arg9[%run_scoped3A_86, %dma_wait3A_162] : memref<10x80xi32, #tpu.memory_space<vmem>> -> memref<1x80xi32, #tpu.memory_space<vmem>>
        %dma_wait3A_164 = tpu.memref_squeeze %dma_wait3A_163 : memref<1x80xi32, #tpu.memory_space<vmem>> -> memref<80xi32, #tpu.memory_space<vmem>>
        %dma_wait3A_165 = arith.constant 0 : i32
        %dma_wait3A_166 = arith.constant 0 : i32
        %dma_wait3A_167 = tpu.memref_slice %arg7[%dma_wait3A_165, %dma_wait3A_166] : memref<10240x128xf32, #tpu.memory_space<vmem_shared>> -> memref<10240x128xf32, #tpu.memory_space<vmem_shared>>
        tpu.wait_indirect_dma semaphore(%run_scoped3A_155 : memref<!tpu.dma_semaphore, #tpu.memory_space<semaphore_mem>>) src(%arg10 : memref<80x128xf32, #tpu.memory_space<vmem>>) dst(%dma_wait3A_167 : memref<10240x128xf32, #tpu.memory_space<vmem_shared>>)
        tpu.yield
      }) : () -> ()
      %dma_start3A_87 = arith.constant 6 : i32
      %dma_start3A_88 = arith.constant 0 : i32
      %dma_start3A_89 = tpu.memref_slice %arg8[%dma_start3A_87, %dma_start3A_88] : memref<10x80xi32, #tpu.memory_space<vmem>> -> memref<1x80xi32, #tpu.memory_space<vmem>>
      %dma_start3A_90 = tpu.memref_squeeze %dma_start3A_89 : memref<1x80xi32, #tpu.memory_space<vmem>> -> memref<80xi32, #tpu.memory_space<vmem>>
      %dma_start3A_91 = arith.constant 0 : i32
      %dma_start3A_92 = arith.constant 0 : i32
      %dma_start3A_93 = tpu.memref_slice %arg2[%dma_start3A_91, %dma_start3A_92] : memref<20000x128xf32, #tpu.memory_space<hbm>> -> memref<20000x128xf32, #tpu.memory_space<hbm>>
      tpu.enqueue_indirect_dma source(%dma_start3A_93 : memref<20000x128xf32, #tpu.memory_space<hbm>>) target(%arg10 : memref<80x128xf32, #tpu.memory_space<vmem>>) offsets(%dma_start3A_90 : memref<80xi32, #tpu.memory_space<vmem>>) semaphore(%arg12 : memref<!tpu.dma_semaphore, #tpu.memory_space<semaphore_mem>>)
      %dma_wait3A_94 = arith.constant 5 : i32
      %dma_wait3A_95 = arith.constant 0 : i32
      %dma_wait3A_96 = tpu.memref_slice %arg8[%dma_wait3A_94, %dma_wait3A_95] : memref<10x80xi32, #tpu.memory_space<vmem>> -> memref<1x80xi32, #tpu.memory_space<vmem>>
      %dma_wait3A_97 = tpu.memref_squeeze %dma_wait3A_96 : memref<1x80xi32, #tpu.memory_space<vmem>> -> memref<80xi32, #tpu.memory_space<vmem>>
      %dma_wait3A_98 = arith.constant 0 : i32
      %dma_wait3A_99 = arith.constant 0 : i32
      %dma_wait3A_100 = tpu.memref_slice %arg2[%dma_wait3A_98, %dma_wait3A_99] : memref<20000x128xf32, #tpu.memory_space<hbm>> -> memref<20000x128xf32, #tpu.memory_space<hbm>>
      tpu.wait_indirect_dma semaphore(%arg13 : memref<!tpu.dma_semaphore, #tpu.memory_space<semaphore_mem>>) src(%dma_wait3A_100 : memref<20000x128xf32, #tpu.memory_space<hbm>>) dst(%arg11 : memref<80x128xf32, #tpu.memory_space<vmem>>)
      %run_scoped3A_101 = arith.constant 5 : i32
      "tpu.region"() ({
        %run_scoped3A_155 = tpu.sem_alloc : memref<!tpu.dma_semaphore, #tpu.memory_space<semaphore_mem>>
        %dma_start3A_156 = arith.constant 0 : i32
        %dma_start3A_157 = tpu.memref_slice %arg9[%run_scoped3A_101, %dma_start3A_156] : memref<10x80xi32, #tpu.memory_space<vmem>> -> memref<1x80xi32, #tpu.memory_space<vmem>>
        %dma_start3A_158 = tpu.memref_squeeze %dma_start3A_157 : memref<1x80xi32, #tpu.memory_space<vmem>> -> memref<80xi32, #tpu.memory_space<vmem>>
        %dma_start3A_159 = arith.constant 0 : i32
        %dma_start3A_160 = arith.constant 0 : i32
        %dma_start3A_161 = tpu.memref_slice %arg7[%dma_start3A_159, %dma_start3A_160] : memref<10240x128xf32, #tpu.memory_space<vmem_shared>> -> memref<10240x128xf32, #tpu.memory_space<vmem_shared>>
        tpu.enqueue_indirect_dma source(%arg11 : memref<80x128xf32, #tpu.memory_space<vmem>>) target(%dma_start3A_161 : memref<10240x128xf32, #tpu.memory_space<vmem_shared>>) offsets(%dma_start3A_158 : memref<80xi32, #tpu.memory_space<vmem>>) semaphore(%run_scoped3A_155 : memref<!tpu.dma_semaphore, #tpu.memory_space<semaphore_mem>>) {add = true}
        %dma_wait3A_162 = arith.constant 0 : i32
        %dma_wait3A_163 = tpu.memref_slice %arg9[%run_scoped3A_101, %dma_wait3A_162] : memref<10x80xi32, #tpu.memory_space<vmem>> -> memref<1x80xi32, #tpu.memory_space<vmem>>
        %dma_wait3A_164 = tpu.memref_squeeze %dma_wait3A_163 : memref<1x80xi32, #tpu.memory_space<vmem>> -> memref<80xi32, #tpu.memory_space<vmem>>
        %dma_wait3A_165 = arith.constant 0 : i32
        %dma_wait3A_166 = arith.constant 0 : i32
        %dma_wait3A_167 = tpu.memref_slice %arg7[%dma_wait3A_165, %dma_wait3A_166] : memref<10240x128xf32, #tpu.memory_space<vmem_shared>> -> memref<10240x128xf32, #tpu.memory_space<vmem_shared>>
        tpu.wait_indirect_dma semaphore(%run_scoped3A_155 : memref<!tpu.dma_semaphore, #tpu.memory_space<semaphore_mem>>) src(%arg11 : memref<80x128xf32, #tpu.memory_space<vmem>>) dst(%dma_wait3A_167 : memref<10240x128xf32, #tpu.memory_space<vmem_shared>>)
        tpu.yield
      }) : () -> ()
      %dma_start3A_102 = arith.constant 7 : i32
      %dma_start3A_103 = arith.constant 0 : i32
      %dma_start3A_104 = tpu.memref_slice %arg8[%dma_start3A_102, %dma_start3A_103] : memref<10x80xi32, #tpu.memory_space<vmem>> -> memref<1x80xi32, #tpu.memory_space<vmem>>
      %dma_start3A_105 = tpu.memref_squeeze %dma_start3A_104 : memref<1x80xi32, #tpu.memory_space<vmem>> -> memref<80xi32, #tpu.memory_space<vmem>>
      %dma_start3A_106 = arith.constant 0 : i32
      %dma_start3A_107 = arith.constant 0 : i32
      %dma_start3A_108 = tpu.memref_slice %arg2[%dma_start3A_106, %dma_start3A_107] : memref<20000x128xf32, #tpu.memory_space<hbm>> -> memref<20000x128xf32, #tpu.memory_space<hbm>>
      tpu.enqueue_indirect_dma source(%dma_start3A_108 : memref<20000x128xf32, #tpu.memory_space<hbm>>) target(%arg11 : memref<80x128xf32, #tpu.memory_space<vmem>>) offsets(%dma_start3A_105 : memref<80xi32, #tpu.memory_space<vmem>>) semaphore(%arg13 : memref<!tpu.dma_semaphore, #tpu.memory_space<semaphore_mem>>)
      %dma_wait3A_109 = arith.constant 6 : i32
      %dma_wait3A_110 = arith.constant 0 : i32
      %dma_wait3A_111 = tpu.memref_slice %arg8[%dma_wait3A_109, %dma_wait3A_110] : memref<10x80xi32, #tpu.memory_space<vmem>> -> memref<1x80xi32, #tpu.memory_space<vmem>>
      %dma_wait3A_112 = tpu.memref_squeeze %dma_wait3A_111 : memref<1x80xi32, #tpu.memory_space<vmem>> -> memref<80xi32, #tpu.memory_space<vmem>>
      %dma_wait3A_113 = arith.constant 0 : i32
      %dma_wait3A_114 = arith.constant 0 : i32
      %dma_wait3A_115 = tpu.memref_slice %arg2[%dma_wait3A_113, %dma_wait3A_114] : memref<20000x128xf32, #tpu.memory_space<hbm>> -> memref<20000x128xf32, #tpu.memory_space<hbm>>
      tpu.wait_indirect_dma semaphore(%arg12 : memref<!tpu.dma_semaphore, #tpu.memory_space<semaphore_mem>>) src(%dma_wait3A_115 : memref<20000x128xf32, #tpu.memory_space<hbm>>) dst(%arg10 : memref<80x128xf32, #tpu.memory_space<vmem>>)
      %run_scoped3A_116 = arith.constant 6 : i32
      "tpu.region"() ({
        %run_scoped3A_155 = tpu.sem_alloc : memref<!tpu.dma_semaphore, #tpu.memory_space<semaphore_mem>>
        %dma_start3A_156 = arith.constant 0 : i32
        %dma_start3A_157 = tpu.memref_slice %arg9[%run_scoped3A_116, %dma_start3A_156] : memref<10x80xi32, #tpu.memory_space<vmem>> -> memref<1x80xi32, #tpu.memory_space<vmem>>
        %dma_start3A_158 = tpu.memref_squeeze %dma_start3A_157 : memref<1x80xi32, #tpu.memory_space<vmem>> -> memref<80xi32, #tpu.memory_space<vmem>>
        %dma_start3A_159 = arith.constant 0 : i32
        %dma_start3A_160 = arith.constant 0 : i32
        %dma_start3A_161 = tpu.memref_slice %arg7[%dma_start3A_159, %dma_start3A_160] : memref<10240x128xf32, #tpu.memory_space<vmem_shared>> -> memref<10240x128xf32, #tpu.memory_space<vmem_shared>>
        tpu.enqueue_indirect_dma source(%arg10 : memref<80x128xf32, #tpu.memory_space<vmem>>) target(%dma_start3A_161 : memref<10240x128xf32, #tpu.memory_space<vmem_shared>>) offsets(%dma_start3A_158 : memref<80xi32, #tpu.memory_space<vmem>>) semaphore(%run_scoped3A_155 : memref<!tpu.dma_semaphore, #tpu.memory_space<semaphore_mem>>) {add = true}
        %dma_wait3A_162 = arith.constant 0 : i32
        %dma_wait3A_163 = tpu.memref_slice %arg9[%run_scoped3A_116, %dma_wait3A_162] : memref<10x80xi32, #tpu.memory_space<vmem>> -> memref<1x80xi32, #tpu.memory_space<vmem>>
        %dma_wait3A_164 = tpu.memref_squeeze %dma_wait3A_163 : memref<1x80xi32, #tpu.memory_space<vmem>> -> memref<80xi32, #tpu.memory_space<vmem>>
        %dma_wait3A_165 = arith.constant 0 : i32
        %dma_wait3A_166 = arith.constant 0 : i32
        %dma_wait3A_167 = tpu.memref_slice %arg7[%dma_wait3A_165, %dma_wait3A_166] : memref<10240x128xf32, #tpu.memory_space<vmem_shared>> -> memref<10240x128xf32, #tpu.memory_space<vmem_shared>>
        tpu.wait_indirect_dma semaphore(%run_scoped3A_155 : memref<!tpu.dma_semaphore, #tpu.memory_space<semaphore_mem>>) src(%arg10 : memref<80x128xf32, #tpu.memory_space<vmem>>) dst(%dma_wait3A_167 : memref<10240x128xf32, #tpu.memory_space<vmem_shared>>)
        tpu.yield
      }) : () -> ()
      %dma_start3A_117 = arith.constant 8 : i32
      %dma_start3A_118 = arith.constant 0 : i32
      %dma_start3A_119 = tpu.memref_slice %arg8[%dma_start3A_117, %dma_start3A_118] : memref<10x80xi32, #tpu.memory_space<vmem>> -> memref<1x80xi32, #tpu.memory_space<vmem>>
      %dma_start3A_120 = tpu.memref_squeeze %dma_start3A_119 : memref<1x80xi32, #tpu.memory_space<vmem>> -> memref<80xi32, #tpu.memory_space<vmem>>
      %dma_start3A_121 = arith.constant 0 : i32
      %dma_start3A_122 = arith.constant 0 : i32
      %dma_start3A_123 = tpu.memref_slice %arg2[%dma_start3A_121, %dma_start3A_122] : memref<20000x128xf32, #tpu.memory_space<hbm>> -> memref<20000x128xf32, #tpu.memory_space<hbm>>
      tpu.enqueue_indirect_dma source(%dma_start3A_123 : memref<20000x128xf32, #tpu.memory_space<hbm>>) target(%arg10 : memref<80x128xf32, #tpu.memory_space<vmem>>) offsets(%dma_start3A_120 : memref<80xi32, #tpu.memory_space<vmem>>) semaphore(%arg12 : memref<!tpu.dma_semaphore, #tpu.memory_space<semaphore_mem>>)
      %dma_wait3A_124 = arith.constant 7 : i32
      %dma_wait3A_125 = arith.constant 0 : i32
      %dma_wait3A_126 = tpu.memref_slice %arg8[%dma_wait3A_124, %dma_wait3A_125] : memref<10x80xi32, #tpu.memory_space<vmem>> -> memref<1x80xi32, #tpu.memory_space<vmem>>
      %dma_wait3A_127 = tpu.memref_squeeze %dma_wait3A_126 : memref<1x80xi32, #tpu.memory_space<vmem>> -> memref<80xi32, #tpu.memory_space<vmem>>
      %dma_wait3A_128 = arith.constant 0 : i32
      %dma_wait3A_129 = arith.constant 0 : i32
      %dma_wait3A_130 = tpu.memref_slice %arg2[%dma_wait3A_128, %dma_wait3A_129] : memref<20000x128xf32, #tpu.memory_space<hbm>> -> memref<20000x128xf32, #tpu.memory_space<hbm>>
      tpu.wait_indirect_dma semaphore(%arg13 : memref<!tpu.dma_semaphore, #tpu.memory_space<semaphore_mem>>) src(%dma_wait3A_130 : memref<20000x128xf32, #tpu.memory_space<hbm>>) dst(%arg11 : memref<80x128xf32, #tpu.memory_space<vmem>>)
      %run_scoped3A_131 = arith.constant 7 : i32
      "tpu.region"() ({
        %run_scoped3A_155 = tpu.sem_alloc : memref<!tpu.dma_semaphore, #tpu.memory_space<semaphore_mem>>
        %dma_start3A_156 = arith.constant 0 : i32
        %dma_start3A_157 = tpu.memref_slice %arg9[%run_scoped3A_131, %dma_start3A_156] : memref<10x80xi32, #tpu.memory_space<vmem>> -> memref<1x80xi32, #tpu.memory_space<vmem>>
        %dma_start3A_158 = tpu.memref_squeeze %dma_start3A_157 : memref<1x80xi32, #tpu.memory_space<vmem>> -> memref<80xi32, #tpu.memory_space<vmem>>
        %dma_start3A_159 = arith.constant 0 : i32
        %dma_start3A_160 = arith.constant 0 : i32
        %dma_start3A_161 = tpu.memref_slice %arg7[%dma_start3A_159, %dma_start3A_160] : memref<10240x128xf32, #tpu.memory_space<vmem_shared>> -> memref<10240x128xf32, #tpu.memory_space<vmem_shared>>
        tpu.enqueue_indirect_dma source(%arg11 : memref<80x128xf32, #tpu.memory_space<vmem>>) target(%dma_start3A_161 : memref<10240x128xf32, #tpu.memory_space<vmem_shared>>) offsets(%dma_start3A_158 : memref<80xi32, #tpu.memory_space<vmem>>) semaphore(%run_scoped3A_155 : memref<!tpu.dma_semaphore, #tpu.memory_space<semaphore_mem>>) {add = true}
        %dma_wait3A_162 = arith.constant 0 : i32
        %dma_wait3A_163 = tpu.memref_slice %arg9[%run_scoped3A_131, %dma_wait3A_162] : memref<10x80xi32, #tpu.memory_space<vmem>> -> memref<1x80xi32, #tpu.memory_space<vmem>>
        %dma_wait3A_164 = tpu.memref_squeeze %dma_wait3A_163 : memref<1x80xi32, #tpu.memory_space<vmem>> -> memref<80xi32, #tpu.memory_space<vmem>>
        %dma_wait3A_165 = arith.constant 0 : i32
        %dma_wait3A_166 = arith.constant 0 : i32
        %dma_wait3A_167 = tpu.memref_slice %arg7[%dma_wait3A_165, %dma_wait3A_166] : memref<10240x128xf32, #tpu.memory_space<vmem_shared>> -> memref<10240x128xf32, #tpu.memory_space<vmem_shared>>
        tpu.wait_indirect_dma semaphore(%run_scoped3A_155 : memref<!tpu.dma_semaphore, #tpu.memory_space<semaphore_mem>>) src(%arg11 : memref<80x128xf32, #tpu.memory_space<vmem>>) dst(%dma_wait3A_167 : memref<10240x128xf32, #tpu.memory_space<vmem_shared>>)
        tpu.yield
      }) : () -> ()
      %dma_start3A_132 = arith.constant 9 : i32
      %dma_start3A_133 = arith.constant 0 : i32
      %dma_start3A_134 = tpu.memref_slice %arg8[%dma_start3A_132, %dma_start3A_133] : memref<10x80xi32, #tpu.memory_space<vmem>> -> memref<1x80xi32, #tpu.memory_space<vmem>>
      %dma_start3A_135 = tpu.memref_squeeze %dma_start3A_134 : memref<1x80xi32, #tpu.memory_space<vmem>> -> memref<80xi32, #tpu.memory_space<vmem>>
      %dma_start3A_136 = arith.constant 0 : i32
      %dma_start3A_137 = arith.constant 0 : i32
      %dma_start3A_138 = tpu.memref_slice %arg2[%dma_start3A_136, %dma_start3A_137] : memref<20000x128xf32, #tpu.memory_space<hbm>> -> memref<20000x128xf32, #tpu.memory_space<hbm>>
      tpu.enqueue_indirect_dma source(%dma_start3A_138 : memref<20000x128xf32, #tpu.memory_space<hbm>>) target(%arg11 : memref<80x128xf32, #tpu.memory_space<vmem>>) offsets(%dma_start3A_135 : memref<80xi32, #tpu.memory_space<vmem>>) semaphore(%arg13 : memref<!tpu.dma_semaphore, #tpu.memory_space<semaphore_mem>>)
      %dma_wait3A_139 = arith.constant 8 : i32
      %dma_wait3A_140 = arith.constant 0 : i32
      %dma_wait3A_141 = tpu.memref_slice %arg8[%dma_wait3A_139, %dma_wait3A_140] : memref<10x80xi32, #tpu.memory_space<vmem>> -> memref<1x80xi32, #tpu.memory_space<vmem>>
      %dma_wait3A_142 = tpu.memref_squeeze %dma_wait3A_141 : memref<1x80xi32, #tpu.memory_space<vmem>> -> memref<80xi32, #tpu.memory_space<vmem>>
      %dma_wait3A_143 = arith.constant 0 : i32
      %dma_wait3A_144 = arith.constant 0 : i32
      %dma_wait3A_145 = tpu.memref_slice %arg2[%dma_wait3A_143, %dma_wait3A_144] : memref<20000x128xf32, #tpu.memory_space<hbm>> -> memref<20000x128xf32, #tpu.memory_space<hbm>>
      tpu.wait_indirect_dma semaphore(%arg12 : memref<!tpu.dma_semaphore, #tpu.memory_space<semaphore_mem>>) src(%dma_wait3A_145 : memref<20000x128xf32, #tpu.memory_space<hbm>>) dst(%arg10 : memref<80x128xf32, #tpu.memory_space<vmem>>)
      %run_scoped3A_146 = arith.constant 8 : i32
      "tpu.region"() ({
        %run_scoped3A_155 = tpu.sem_alloc : memref<!tpu.dma_semaphore, #tpu.memory_space<semaphore_mem>>
        %dma_start3A_156 = arith.constant 0 : i32
        %dma_start3A_157 = tpu.memref_slice %arg9[%run_scoped3A_146, %dma_start3A_156] : memref<10x80xi32, #tpu.memory_space<vmem>> -> memref<1x80xi32, #tpu.memory_space<vmem>>
        %dma_start3A_158 = tpu.memref_squeeze %dma_start3A_157 : memref<1x80xi32, #tpu.memory_space<vmem>> -> memref<80xi32, #tpu.memory_space<vmem>>
        %dma_start3A_159 = arith.constant 0 : i32
        %dma_start3A_160 = arith.constant 0 : i32
        %dma_start3A_161 = tpu.memref_slice %arg7[%dma_start3A_159, %dma_start3A_160] : memref<10240x128xf32, #tpu.memory_space<vmem_shared>> -> memref<10240x128xf32, #tpu.memory_space<vmem_shared>>
        tpu.enqueue_indirect_dma source(%arg10 : memref<80x128xf32, #tpu.memory_space<vmem>>) target(%dma_start3A_161 : memref<10240x128xf32, #tpu.memory_space<vmem_shared>>) offsets(%dma_start3A_158 : memref<80xi32, #tpu.memory_space<vmem>>) semaphore(%run_scoped3A_155 : memref<!tpu.dma_semaphore, #tpu.memory_space<semaphore_mem>>) {add = true}
        %dma_wait3A_162 = arith.constant 0 : i32
        %dma_wait3A_163 = tpu.memref_slice %arg9[%run_scoped3A_146, %dma_wait3A_162] : memref<10x80xi32, #tpu.memory_space<vmem>> -> memref<1x80xi32, #tpu.memory_space<vmem>>
        %dma_wait3A_164 = tpu.memref_squeeze %dma_wait3A_163 : memref<1x80xi32, #tpu.memory_space<vmem>> -> memref<80xi32, #tpu.memory_space<vmem>>
        %dma_wait3A_165 = arith.constant 0 : i32
        %dma_wait3A_166 = arith.constant 0 : i32
        %dma_wait3A_167 = tpu.memref_slice %arg7[%dma_wait3A_165, %dma_wait3A_166] : memref<10240x128xf32, #tpu.memory_space<vmem_shared>> -> memref<10240x128xf32, #tpu.memory_space<vmem_shared>>
        tpu.wait_indirect_dma semaphore(%run_scoped3A_155 : memref<!tpu.dma_semaphore, #tpu.memory_space<semaphore_mem>>) src(%arg10 : memref<80x128xf32, #tpu.memory_space<vmem>>) dst(%dma_wait3A_167 : memref<10240x128xf32, #tpu.memory_space<vmem_shared>>)
        tpu.yield
      }) : () -> ()
      %dma_wait3A_147 = arith.constant 9 : i32
      %dma_wait3A_148 = arith.constant 0 : i32
      %dma_wait3A_149 = tpu.memref_slice %arg8[%dma_wait3A_147, %dma_wait3A_148] : memref<10x80xi32, #tpu.memory_space<vmem>> -> memref<1x80xi32, #tpu.memory_space<vmem>>
      %dma_wait3A_150 = tpu.memref_squeeze %dma_wait3A_149 : memref<1x80xi32, #tpu.memory_space<vmem>> -> memref<80xi32, #tpu.memory_space<vmem>>
      %dma_wait3A_151 = arith.constant 0 : i32
      %dma_wait3A_152 = arith.constant 0 : i32
      %dma_wait3A_153 = tpu.memref_slice %arg2[%dma_wait3A_151, %dma_wait3A_152] : memref<20000x128xf32, #tpu.memory_space<hbm>> -> memref<20000x128xf32, #tpu.memory_space<hbm>>
      tpu.wait_indirect_dma semaphore(%arg13 : memref<!tpu.dma_semaphore, #tpu.memory_space<semaphore_mem>>) src(%dma_wait3A_153 : memref<20000x128xf32, #tpu.memory_space<hbm>>) dst(%arg11 : memref<80x128xf32, #tpu.memory_space<vmem>>)
      %run_scoped3A_154 = arith.constant 9 : i32
      "tpu.region"() ({
        %run_scoped3A_155 = tpu.sem_alloc : memref<!tpu.dma_semaphore, #tpu.memory_space<semaphore_mem>>
        %dma_start3A_156 = arith.constant 0 : i32
        %dma_start3A_157 = tpu.memref_slice %arg9[%run_scoped3A_154, %dma_start3A_156] : memref<10x80xi32, #tpu.memory_space<vmem>> -> memref<1x80xi32, #tpu.memory_space<vmem>>
        %dma_start3A_158 = tpu.memref_squeeze %dma_start3A_157 : memref<1x80xi32, #tpu.memory_space<vmem>> -> memref<80xi32, #tpu.memory_space<vmem>>
        %dma_start3A_159 = arith.constant 0 : i32
        %dma_start3A_160 = arith.constant 0 : i32
        %dma_start3A_161 = tpu.memref_slice %arg7[%dma_start3A_159, %dma_start3A_160] : memref<10240x128xf32, #tpu.memory_space<vmem_shared>> -> memref<10240x128xf32, #tpu.memory_space<vmem_shared>>
        tpu.enqueue_indirect_dma source(%arg11 : memref<80x128xf32, #tpu.memory_space<vmem>>) target(%dma_start3A_161 : memref<10240x128xf32, #tpu.memory_space<vmem_shared>>) offsets(%dma_start3A_158 : memref<80xi32, #tpu.memory_space<vmem>>) semaphore(%run_scoped3A_155 : memref<!tpu.dma_semaphore, #tpu.memory_space<semaphore_mem>>) {add = true}
        %dma_wait3A_162 = arith.constant 0 : i32
        %dma_wait3A_163 = tpu.memref_slice %arg9[%run_scoped3A_154, %dma_wait3A_162] : memref<10x80xi32, #tpu.memory_space<vmem>> -> memref<1x80xi32, #tpu.memory_space<vmem>>
        %dma_wait3A_164 = tpu.memref_squeeze %dma_wait3A_163 : memref<1x80xi32, #tpu.memory_space<vmem>> -> memref<80xi32, #tpu.memory_space<vmem>>
        %dma_wait3A_165 = arith.constant 0 : i32
        %dma_wait3A_166 = arith.constant 0 : i32
        %dma_wait3A_167 = tpu.memref_slice %arg7[%dma_wait3A_165, %dma_wait3A_166] : memref<10240x128xf32, #tpu.memory_space<vmem_shared>> -> memref<10240x128xf32, #tpu.memory_space<vmem_shared>>
        tpu.wait_indirect_dma semaphore(%run_scoped3A_155 : memref<!tpu.dma_semaphore, #tpu.memory_space<semaphore_mem>>) src(%arg11 : memref<80x128xf32, #tpu.memory_space<vmem>>) dst(%dma_wait3A_167 : memref<10240x128xf32, #tpu.memory_space<vmem_shared>>)
        tpu.yield
      }) : () -> ()
    }
    %scan3A_5 = arith.constant 25 : i32
    %barrier3A_6 = arith.constant 0 : index
    tpu.barrier barrier_id(%barrier3A_6)
    "tpu.region"() ({
      %run_scoped3A = tpu.sem_alloc : memref<!tpu.dma_semaphore, #tpu.memory_space<semaphore_mem>>
      %dma_start3A = arith.constant 0 : i32
      %dma_start3A_7 = tpu.memref_slice %arg6[%arg0, %mul3A_0, %dma_start3A] : memref<2x10240x128xf32, #tpu.memory_space<hbm>> -> memref<1x640x128xf32, #tpu.memory_space<hbm>>
      %dma_start3A_8 = tpu.memref_squeeze %dma_start3A_7 : memref<1x640x128xf32, #tpu.memory_space<hbm>> -> memref<640x128xf32, #tpu.memory_space<hbm>>
      %dma_start3A_9 = arith.constant 0 : i32
      %dma_start3A_10 = tpu.memref_slice %arg7[%mul3A_0, %dma_start3A_9] : memref<10240x128xf32, #tpu.memory_space<vmem_shared>> -> memref<640x128xf32, #tpu.memory_space<vmem_shared>>
      tpu.enqueue_dma source(%dma_start3A_10 : memref<640x128xf32, #tpu.memory_space<vmem_shared>>) target(%dma_start3A_8 : memref<640x128xf32, #tpu.memory_space<hbm>>) target_semaphore(%run_scoped3A : memref<!tpu.dma_semaphore, #tpu.memory_space<semaphore_mem>>)
      %dma_wait3A = arith.constant 0 : i32
      %dma_wait3A_11 = tpu.memref_slice %arg6[%arg0, %mul3A_0, %dma_wait3A] : memref<2x10240x128xf32, #tpu.memory_space<hbm>> -> memref<1x640x128xf32, #tpu.memory_space<hbm>>
      %dma_wait3A_12 = tpu.memref_squeeze %dma_wait3A_11 : memref<1x640x128xf32, #tpu.memory_space<hbm>> -> memref<640x128xf32, #tpu.memory_space<hbm>>
      %dma_wait3A_13 = arith.constant 0 : i32
      %dma_wait3A_14 = tpu.memref_slice %arg7[%mul3A_0, %dma_wait3A_13] : memref<10240x128xf32, #tpu.memory_space<vmem_shared>> -> memref<640x128xf32, #tpu.memory_space<vmem_shared>>
      tpu.wait_dma2 semaphore(%run_scoped3A : memref<!tpu.dma_semaphore, #tpu.memory_space<semaphore_mem>>) src(%dma_wait3A_14 : memref<640x128xf32, #tpu.memory_space<vmem_shared>>) dst(%dma_wait3A_12 : memref<640x128xf32, #tpu.memory_space<hbm>>)
      tpu.yield
    }) : () -> ()
    return
  }
}

#map = affine_map<(d0, d1) -> (0, 0)>
#map1 = affine_map<(d0, d1) -> (0, 0, 0, 0)>
#map2 = affine_map<(d0, d1) -> (0, 0, 0, 0, 0)>
#map3 = affine_map<(d0, d1) -> (0, 0, 0)>
module attributes {stable_mosaic.version = 14 : i64} {
  func.func @_sc_layer1(%arg0: i32, %arg1: i32, %arg2: memref<10000x128xf32, #tpu.memory_space<hbm>>, %arg3: memref<16x25x10x80xi32, #tpu.memory_space<hbm>>, %arg4: memref<2x16x25x10x80xi32, #tpu.memory_space<hbm>>, %arg5: memref<10240x128xf32, #tpu.memory_space<hbm>>, %arg6: memref<80x128xf32, #tpu.memory_space<hbm>>, %arg7: memref<2x5120x128xf32, #tpu.memory_space<hbm>>, %arg8: memref<2x5120x128xf32, #tpu.memory_space<hbm>>, %arg9: memref<5120x128xf32, #tpu.memory_space<vmem_shared>>, %arg10: memref<10x80xi32, #tpu.memory_space<vmem>>, %arg11: memref<10x80xi32, #tpu.memory_space<vmem>>, %arg12: memref<80x128xf32, #tpu.memory_space<vmem>>, %arg13: memref<80x128xf32, #tpu.memory_space<vmem>>, %arg14: memref<!tpu.dma_semaphore, #tpu.memory_space<semaphore_mem>>, %arg15: memref<!tpu.dma_semaphore, #tpu.memory_space<semaphore_mem>>) attributes {dimension_semantics = [#tpu.dimension_semantics<core_parallel>, #tpu.dimension_semantics<subcore_parallel>], iteration_bounds = array<i64: 2, 16>, scalar_prefetch = 0 : i64, scratch_operands = 7 : i64, tpu.core_type = #tpu.core_type<sc_vector_subcore>, window_params = [{transform_indices = #map}, {transform_indices = #map1}, {transform_indices = #map2}, {transform_indices = #map}, {transform_indices = #map}, {transform_indices = #map3}, {transform_indices = #map3}]} {
    %mul3A = arith.constant 320 : i32
    %mul3A_0 = arith.muli %arg1, %mul3A : i32
    "tpu.region"() ({
      %run_scoped3A = tpu.sem_alloc : memref<!tpu.dma_semaphore, #tpu.memory_space<semaphore_mem>>
      %dma_start3A = arith.constant 0 : i32
      %dma_start3A_15 = tpu.memref_slice %arg9[%mul3A_0, %dma_start3A] : memref<5120x128xf32, #tpu.memory_space<vmem_shared>> -> memref<320x128xf32, #tpu.memory_space<vmem_shared>>
      %dma_start3A_16 = arith.constant 0 : i32
      %dma_start3A_17 = tpu.memref_slice %arg5[%mul3A_0, %dma_start3A_16] : memref<10240x128xf32, #tpu.memory_space<hbm>> -> memref<320x128xf32, #tpu.memory_space<hbm>>
      tpu.enqueue_dma source(%dma_start3A_17 : memref<320x128xf32, #tpu.memory_space<hbm>>) target(%dma_start3A_15 : memref<320x128xf32, #tpu.memory_space<vmem_shared>>) target_semaphore(%run_scoped3A : memref<!tpu.dma_semaphore, #tpu.memory_space<semaphore_mem>>)
      %dma_wait3A = arith.constant 0 : i32
      %dma_wait3A_18 = tpu.memref_slice %arg9[%mul3A_0, %dma_wait3A] : memref<5120x128xf32, #tpu.memory_space<vmem_shared>> -> memref<320x128xf32, #tpu.memory_space<vmem_shared>>
      %dma_wait3A_19 = arith.constant 0 : i32
      %dma_wait3A_20 = tpu.memref_slice %arg5[%mul3A_0, %dma_wait3A_19] : memref<10240x128xf32, #tpu.memory_space<hbm>> -> memref<320x128xf32, #tpu.memory_space<hbm>>
      tpu.wait_dma2 semaphore(%run_scoped3A : memref<!tpu.dma_semaphore, #tpu.memory_space<semaphore_mem>>) src(%dma_wait3A_20 : memref<320x128xf32, #tpu.memory_space<hbm>>) dst(%dma_wait3A_18 : memref<320x128xf32, #tpu.memory_space<vmem_shared>>)
      tpu.yield
    }) : () -> ()
    "tpu.region"() ({
      %run_scoped3A = tpu.sem_alloc : memref<!tpu.dma_semaphore, #tpu.memory_space<semaphore_mem>>
      tpu.enqueue_dma source(%arg6 : memref<80x128xf32, #tpu.memory_space<hbm>>) target(%arg12 : memref<80x128xf32, #tpu.memory_space<vmem>>) target_semaphore(%run_scoped3A : memref<!tpu.dma_semaphore, #tpu.memory_space<semaphore_mem>>)
      tpu.wait_dma2 semaphore(%run_scoped3A : memref<!tpu.dma_semaphore, #tpu.memory_space<semaphore_mem>>) src(%arg6 : memref<80x128xf32, #tpu.memory_space<hbm>>) dst(%arg12 : memref<80x128xf32, #tpu.memory_space<vmem>>)
      tpu.yield
    }) : () -> ()
    %barrier3A = arith.constant 0 : index
    tpu.barrier barrier_id(%barrier3A)
    %scan3A = arith.constant 0 : i32
    %scan3A_1 = arith.constant 0 : i32
    %scan3A_2 = arith.constant 25 : i32
    %scan3A_3 = arith.addi %scan3A_1, %scan3A_2 : i32
    %scan3A_4 = arith.constant 1 : i32
    scf.for %scan3A_15 = %scan3A_1 to %scan3A_3 step %scan3A_4  : i32 {
      "tpu.region"() ({
        %run_scoped3A = tpu.sem_alloc : memref<!tpu.dma_semaphore, #tpu.memory_space<semaphore_mem>>
        %dma_start3A_154 = arith.constant 0 : i32
        %dma_start3A_155 = arith.constant 0 : i32
        %dma_start3A_156 = tpu.memref_slice %arg4[%arg0, %arg1, %scan3A_15, %dma_start3A_154, %dma_start3A_155] : memref<2x16x25x10x80xi32, #tpu.memory_space<hbm>> -> memref<1x1x1x10x80xi32, #tpu.memory_space<hbm>>
        %dma_start3A_157 = tpu.memref_squeeze %dma_start3A_156 : memref<1x1x1x10x80xi32, #tpu.memory_space<hbm>> -> memref<10x80xi32, #tpu.memory_space<hbm>>
        %dma_start3A_158 = arith.constant 0 : i32
        %dma_start3A_159 = arith.constant 0 : i32
        %dma_start3A_160 = tpu.memref_slice %arg4[%arg0, %arg1, %scan3A_15, %dma_start3A_158, %dma_start3A_159] : memref<2x16x25x10x80xi32, #tpu.memory_space<hbm>> -> memref<1x1x1x10x80xi32, #tpu.memory_space<hbm>>
        %dma_start3A_161 = tpu.memref_squeeze %dma_start3A_160 : memref<1x1x1x10x80xi32, #tpu.memory_space<hbm>> -> memref<10x80xi32, #tpu.memory_space<hbm>>
        tpu.enqueue_dma source(%dma_start3A_161 : memref<10x80xi32, #tpu.memory_space<hbm>>) target(%arg11 : memref<10x80xi32, #tpu.memory_space<vmem>>) target_semaphore(%run_scoped3A : memref<!tpu.dma_semaphore, #tpu.memory_space<semaphore_mem>>)
        %dma_wait3A_162 = arith.constant 0 : i32
        %dma_wait3A_163 = arith.constant 0 : i32
        %dma_wait3A_164 = tpu.memref_slice %arg4[%arg0, %arg1, %scan3A_15, %dma_wait3A_162, %dma_wait3A_163] : memref<2x16x25x10x80xi32, #tpu.memory_space<hbm>> -> memref<1x1x1x10x80xi32, #tpu.memory_space<hbm>>
        %dma_wait3A_165 = tpu.memref_squeeze %dma_wait3A_164 : memref<1x1x1x10x80xi32, #tpu.memory_space<hbm>> -> memref<10x80xi32, #tpu.memory_space<hbm>>
        %dma_wait3A_166 = arith.constant 0 : i32
        %dma_wait3A_167 = arith.constant 0 : i32
        %dma_wait3A_168 = tpu.memref_slice %arg4[%arg0, %arg1, %scan3A_15, %dma_wait3A_166, %dma_wait3A_167] : memref<2x16x25x10x80xi32, #tpu.memory_space<hbm>> -> memref<1x1x1x10x80xi32, #tpu.memory_space<hbm>>
        %dma_wait3A_169 = tpu.memref_squeeze %dma_wait3A_168 : memref<1x1x1x10x80xi32, #tpu.memory_space<hbm>> -> memref<10x80xi32, #tpu.memory_space<hbm>>
        tpu.wait_dma2 semaphore(%run_scoped3A : memref<!tpu.dma_semaphore, #tpu.memory_space<semaphore_mem>>) src(%dma_wait3A_169 : memref<10x80xi32, #tpu.memory_space<hbm>>) dst(%arg11 : memref<10x80xi32, #tpu.memory_space<vmem>>)
        tpu.yield
      }) : () -> ()
      %dma_start3A = arith.constant 0 : i32
      %dma_start3A_16 = arith.constant 0 : i32
      %dma_start3A_17 = tpu.memref_slice %arg11[%dma_start3A, %dma_start3A_16] : memref<10x80xi32, #tpu.memory_space<vmem>> -> memref<1x80xi32, #tpu.memory_space<vmem>>
      %dma_start3A_18 = tpu.memref_squeeze %dma_start3A_17 : memref<1x80xi32, #tpu.memory_space<vmem>> -> memref<80xi32, #tpu.memory_space<vmem>>
      %dma_start3A_19 = arith.constant 0 : i32
      %dma_start3A_20 = arith.constant 0 : i32
      %dma_start3A_21 = tpu.memref_slice %arg9[%dma_start3A_19, %dma_start3A_20] : memref<5120x128xf32, #tpu.memory_space<vmem_shared>> -> memref<5120x128xf32, #tpu.memory_space<vmem_shared>>
      tpu.enqueue_indirect_dma source(%arg12 : memref<80x128xf32, #tpu.memory_space<vmem>>) target(%dma_start3A_21 : memref<5120x128xf32, #tpu.memory_space<vmem_shared>>) offsets(%dma_start3A_18 : memref<80xi32, #tpu.memory_space<vmem>>) semaphore(%arg14 : memref<!tpu.dma_semaphore, #tpu.memory_space<semaphore_mem>>) {add = true}
      %dma_start3A_22 = arith.constant 1 : i32
      %dma_start3A_23 = arith.constant 0 : i32
      %dma_start3A_24 = tpu.memref_slice %arg11[%dma_start3A_22, %dma_start3A_23] : memref<10x80xi32, #tpu.memory_space<vmem>> -> memref<1x80xi32, #tpu.memory_space<vmem>>
      %dma_start3A_25 = tpu.memref_squeeze %dma_start3A_24 : memref<1x80xi32, #tpu.memory_space<vmem>> -> memref<80xi32, #tpu.memory_space<vmem>>
      %dma_start3A_26 = arith.constant 0 : i32
      %dma_start3A_27 = arith.constant 0 : i32
      %dma_start3A_28 = tpu.memref_slice %arg9[%dma_start3A_26, %dma_start3A_27] : memref<5120x128xf32, #tpu.memory_space<vmem_shared>> -> memref<5120x128xf32, #tpu.memory_space<vmem_shared>>
      tpu.enqueue_indirect_dma source(%arg12 : memref<80x128xf32, #tpu.memory_space<vmem>>) target(%dma_start3A_28 : memref<5120x128xf32, #tpu.memory_space<vmem_shared>>) offsets(%dma_start3A_25 : memref<80xi32, #tpu.memory_space<vmem>>) semaphore(%arg15 : memref<!tpu.dma_semaphore, #tpu.memory_space<semaphore_mem>>) {add = true}
      %dma_start3A_29 = arith.constant 2 : i32
      %dma_start3A_30 = arith.constant 0 : i32
      %dma_start3A_31 = tpu.memref_slice %arg11[%dma_start3A_29, %dma_start3A_30] : memref<10x80xi32, #tpu.memory_space<vmem>> -> memref<1x80xi32, #tpu.memory_space<vmem>>
      %dma_start3A_32 = tpu.memref_squeeze %dma_start3A_31 : memref<1x80xi32, #tpu.memory_space<vmem>> -> memref<80xi32, #tpu.memory_space<vmem>>
      %dma_start3A_33 = arith.constant 0 : i32
      %dma_start3A_34 = arith.constant 0 : i32
      %dma_start3A_35 = tpu.memref_slice %arg9[%dma_start3A_33, %dma_start3A_34] : memref<5120x128xf32, #tpu.memory_space<vmem_shared>> -> memref<5120x128xf32, #tpu.memory_space<vmem_shared>>
      tpu.enqueue_indirect_dma source(%arg12 : memref<80x128xf32, #tpu.memory_space<vmem>>) target(%dma_start3A_35 : memref<5120x128xf32, #tpu.memory_space<vmem_shared>>) offsets(%dma_start3A_32 : memref<80xi32, #tpu.memory_space<vmem>>) semaphore(%arg14 : memref<!tpu.dma_semaphore, #tpu.memory_space<semaphore_mem>>) {add = true}
      %dma_start3A_36 = arith.constant 3 : i32
      %dma_start3A_37 = arith.constant 0 : i32
      %dma_start3A_38 = tpu.memref_slice %arg11[%dma_start3A_36, %dma_start3A_37] : memref<10x80xi32, #tpu.memory_space<vmem>> -> memref<1x80xi32, #tpu.memory_space<vmem>>
      %dma_start3A_39 = tpu.memref_squeeze %dma_start3A_38 : memref<1x80xi32, #tpu.memory_space<vmem>> -> memref<80xi32, #tpu.memory_space<vmem>>
      %dma_start3A_40 = arith.constant 0 : i32
      %dma_start3A_41 = arith.constant 0 : i32
      %dma_start3A_42 = tpu.memref_slice %arg9[%dma_start3A_40, %dma_start3A_41] : memref<5120x128xf32, #tpu.memory_space<vmem_shared>> -> memref<5120x128xf32, #tpu.memory_space<vmem_shared>>
      tpu.enqueue_indirect_dma source(%arg12 : memref<80x128xf32, #tpu.memory_space<vmem>>) target(%dma_start3A_42 : memref<5120x128xf32, #tpu.memory_space<vmem_shared>>) offsets(%dma_start3A_39 : memref<80xi32, #tpu.memory_space<vmem>>) semaphore(%arg15 : memref<!tpu.dma_semaphore, #tpu.memory_space<semaphore_mem>>) {add = true}
      %dma_start3A_43 = arith.constant 4 : i32
      %dma_start3A_44 = arith.constant 0 : i32
      %dma_start3A_45 = tpu.memref_slice %arg11[%dma_start3A_43, %dma_start3A_44] : memref<10x80xi32, #tpu.memory_space<vmem>> -> memref<1x80xi32, #tpu.memory_space<vmem>>
      %dma_start3A_46 = tpu.memref_squeeze %dma_start3A_45 : memref<1x80xi32, #tpu.memory_space<vmem>> -> memref<80xi32, #tpu.memory_space<vmem>>
      %dma_start3A_47 = arith.constant 0 : i32
      %dma_start3A_48 = arith.constant 0 : i32
      %dma_start3A_49 = tpu.memref_slice %arg9[%dma_start3A_47, %dma_start3A_48] : memref<5120x128xf32, #tpu.memory_space<vmem_shared>> -> memref<5120x128xf32, #tpu.memory_space<vmem_shared>>
      tpu.enqueue_indirect_dma source(%arg12 : memref<80x128xf32, #tpu.memory_space<vmem>>) target(%dma_start3A_49 : memref<5120x128xf32, #tpu.memory_space<vmem_shared>>) offsets(%dma_start3A_46 : memref<80xi32, #tpu.memory_space<vmem>>) semaphore(%arg14 : memref<!tpu.dma_semaphore, #tpu.memory_space<semaphore_mem>>) {add = true}
      %dma_start3A_50 = arith.constant 5 : i32
      %dma_start3A_51 = arith.constant 0 : i32
      %dma_start3A_52 = tpu.memref_slice %arg11[%dma_start3A_50, %dma_start3A_51] : memref<10x80xi32, #tpu.memory_space<vmem>> -> memref<1x80xi32, #tpu.memory_space<vmem>>
      %dma_start3A_53 = tpu.memref_squeeze %dma_start3A_52 : memref<1x80xi32, #tpu.memory_space<vmem>> -> memref<80xi32, #tpu.memory_space<vmem>>
      %dma_start3A_54 = arith.constant 0 : i32
      %dma_start3A_55 = arith.constant 0 : i32
      %dma_start3A_56 = tpu.memref_slice %arg9[%dma_start3A_54, %dma_start3A_55] : memref<5120x128xf32, #tpu.memory_space<vmem_shared>> -> memref<5120x128xf32, #tpu.memory_space<vmem_shared>>
      tpu.enqueue_indirect_dma source(%arg12 : memref<80x128xf32, #tpu.memory_space<vmem>>) target(%dma_start3A_56 : memref<5120x128xf32, #tpu.memory_space<vmem_shared>>) offsets(%dma_start3A_53 : memref<80xi32, #tpu.memory_space<vmem>>) semaphore(%arg15 : memref<!tpu.dma_semaphore, #tpu.memory_space<semaphore_mem>>) {add = true}
      %dma_start3A_57 = arith.constant 6 : i32
      %dma_start3A_58 = arith.constant 0 : i32
      %dma_start3A_59 = tpu.memref_slice %arg11[%dma_start3A_57, %dma_start3A_58] : memref<10x80xi32, #tpu.memory_space<vmem>> -> memref<1x80xi32, #tpu.memory_space<vmem>>
      %dma_start3A_60 = tpu.memref_squeeze %dma_start3A_59 : memref<1x80xi32, #tpu.memory_space<vmem>> -> memref<80xi32, #tpu.memory_space<vmem>>
      %dma_start3A_61 = arith.constant 0 : i32
      %dma_start3A_62 = arith.constant 0 : i32
      %dma_start3A_63 = tpu.memref_slice %arg9[%dma_start3A_61, %dma_start3A_62] : memref<5120x128xf32, #tpu.memory_space<vmem_shared>> -> memref<5120x128xf32, #tpu.memory_space<vmem_shared>>
      tpu.enqueue_indirect_dma source(%arg12 : memref<80x128xf32, #tpu.memory_space<vmem>>) target(%dma_start3A_63 : memref<5120x128xf32, #tpu.memory_space<vmem_shared>>) offsets(%dma_start3A_60 : memref<80xi32, #tpu.memory_space<vmem>>) semaphore(%arg14 : memref<!tpu.dma_semaphore, #tpu.memory_space<semaphore_mem>>) {add = true}
      %dma_start3A_64 = arith.constant 7 : i32
      %dma_start3A_65 = arith.constant 0 : i32
      %dma_start3A_66 = tpu.memref_slice %arg11[%dma_start3A_64, %dma_start3A_65] : memref<10x80xi32, #tpu.memory_space<vmem>> -> memref<1x80xi32, #tpu.memory_space<vmem>>
      %dma_start3A_67 = tpu.memref_squeeze %dma_start3A_66 : memref<1x80xi32, #tpu.memory_space<vmem>> -> memref<80xi32, #tpu.memory_space<vmem>>
      %dma_start3A_68 = arith.constant 0 : i32
      %dma_start3A_69 = arith.constant 0 : i32
      %dma_start3A_70 = tpu.memref_slice %arg9[%dma_start3A_68, %dma_start3A_69] : memref<5120x128xf32, #tpu.memory_space<vmem_shared>> -> memref<5120x128xf32, #tpu.memory_space<vmem_shared>>
      tpu.enqueue_indirect_dma source(%arg12 : memref<80x128xf32, #tpu.memory_space<vmem>>) target(%dma_start3A_70 : memref<5120x128xf32, #tpu.memory_space<vmem_shared>>) offsets(%dma_start3A_67 : memref<80xi32, #tpu.memory_space<vmem>>) semaphore(%arg15 : memref<!tpu.dma_semaphore, #tpu.memory_space<semaphore_mem>>) {add = true}
      %dma_start3A_71 = arith.constant 8 : i32
      %dma_start3A_72 = arith.constant 0 : i32
      %dma_start3A_73 = tpu.memref_slice %arg11[%dma_start3A_71, %dma_start3A_72] : memref<10x80xi32, #tpu.memory_space<vmem>> -> memref<1x80xi32, #tpu.memory_space<vmem>>
      %dma_start3A_74 = tpu.memref_squeeze %dma_start3A_73 : memref<1x80xi32, #tpu.memory_space<vmem>> -> memref<80xi32, #tpu.memory_space<vmem>>
      %dma_start3A_75 = arith.constant 0 : i32
      %dma_start3A_76 = arith.constant 0 : i32
      %dma_start3A_77 = tpu.memref_slice %arg9[%dma_start3A_75, %dma_start3A_76] : memref<5120x128xf32, #tpu.memory_space<vmem_shared>> -> memref<5120x128xf32, #tpu.memory_space<vmem_shared>>
      tpu.enqueue_indirect_dma source(%arg12 : memref<80x128xf32, #tpu.memory_space<vmem>>) target(%dma_start3A_77 : memref<5120x128xf32, #tpu.memory_space<vmem_shared>>) offsets(%dma_start3A_74 : memref<80xi32, #tpu.memory_space<vmem>>) semaphore(%arg14 : memref<!tpu.dma_semaphore, #tpu.memory_space<semaphore_mem>>) {add = true}
      %dma_start3A_78 = arith.constant 9 : i32
      %dma_start3A_79 = arith.constant 0 : i32
      %dma_start3A_80 = tpu.memref_slice %arg11[%dma_start3A_78, %dma_start3A_79] : memref<10x80xi32, #tpu.memory_space<vmem>> -> memref<1x80xi32, #tpu.memory_space<vmem>>
      %dma_start3A_81 = tpu.memref_squeeze %dma_start3A_80 : memref<1x80xi32, #tpu.memory_space<vmem>> -> memref<80xi32, #tpu.memory_space<vmem>>
      %dma_start3A_82 = arith.constant 0 : i32
      %dma_start3A_83 = arith.constant 0 : i32
      %dma_start3A_84 = tpu.memref_slice %arg9[%dma_start3A_82, %dma_start3A_83] : memref<5120x128xf32, #tpu.memory_space<vmem_shared>> -> memref<5120x128xf32, #tpu.memory_space<vmem_shared>>
      tpu.enqueue_indirect_dma source(%arg12 : memref<80x128xf32, #tpu.memory_space<vmem>>) target(%dma_start3A_84 : memref<5120x128xf32, #tpu.memory_space<vmem_shared>>) offsets(%dma_start3A_81 : memref<80xi32, #tpu.memory_space<vmem>>) semaphore(%arg15 : memref<!tpu.dma_semaphore, #tpu.memory_space<semaphore_mem>>) {add = true}
      %dma_wait3A = arith.constant 0 : i32
      %dma_wait3A_85 = arith.constant 0 : i32
      %dma_wait3A_86 = tpu.memref_slice %arg11[%dma_wait3A, %dma_wait3A_85] : memref<10x80xi32, #tpu.memory_space<vmem>> -> memref<1x80xi32, #tpu.memory_space<vmem>>
      %dma_wait3A_87 = tpu.memref_squeeze %dma_wait3A_86 : memref<1x80xi32, #tpu.memory_space<vmem>> -> memref<80xi32, #tpu.memory_space<vmem>>
      %dma_wait3A_88 = arith.constant 0 : i32
      %dma_wait3A_89 = arith.constant 0 : i32
      %dma_wait3A_90 = tpu.memref_slice %arg9[%dma_wait3A_88, %dma_wait3A_89] : memref<5120x128xf32, #tpu.memory_space<vmem_shared>> -> memref<5120x128xf32, #tpu.memory_space<vmem_shared>>
      tpu.wait_indirect_dma semaphore(%arg14 : memref<!tpu.dma_semaphore, #tpu.memory_space<semaphore_mem>>) src(%arg12 : memref<80x128xf32, #tpu.memory_space<vmem>>) dst(%dma_wait3A_90 : memref<5120x128xf32, #tpu.memory_space<vmem_shared>>)
      %dma_wait3A_91 = arith.constant 1 : i32
      %dma_wait3A_92 = arith.constant 0 : i32
      %dma_wait3A_93 = tpu.memref_slice %arg11[%dma_wait3A_91, %dma_wait3A_92] : memref<10x80xi32, #tpu.memory_space<vmem>> -> memref<1x80xi32, #tpu.memory_space<vmem>>
      %dma_wait3A_94 = tpu.memref_squeeze %dma_wait3A_93 : memref<1x80xi32, #tpu.memory_space<vmem>> -> memref<80xi32, #tpu.memory_space<vmem>>
      %dma_wait3A_95 = arith.constant 0 : i32
      %dma_wait3A_96 = arith.constant 0 : i32
      %dma_wait3A_97 = tpu.memref_slice %arg9[%dma_wait3A_95, %dma_wait3A_96] : memref<5120x128xf32, #tpu.memory_space<vmem_shared>> -> memref<5120x128xf32, #tpu.memory_space<vmem_shared>>
      tpu.wait_indirect_dma semaphore(%arg15 : memref<!tpu.dma_semaphore, #tpu.memory_space<semaphore_mem>>) src(%arg12 : memref<80x128xf32, #tpu.memory_space<vmem>>) dst(%dma_wait3A_97 : memref<5120x128xf32, #tpu.memory_space<vmem_shared>>)
      %dma_wait3A_98 = arith.constant 2 : i32
      %dma_wait3A_99 = arith.constant 0 : i32
      %dma_wait3A_100 = tpu.memref_slice %arg11[%dma_wait3A_98, %dma_wait3A_99] : memref<10x80xi32, #tpu.memory_space<vmem>> -> memref<1x80xi32, #tpu.memory_space<vmem>>
      %dma_wait3A_101 = tpu.memref_squeeze %dma_wait3A_100 : memref<1x80xi32, #tpu.memory_space<vmem>> -> memref<80xi32, #tpu.memory_space<vmem>>
      %dma_wait3A_102 = arith.constant 0 : i32
      %dma_wait3A_103 = arith.constant 0 : i32
      %dma_wait3A_104 = tpu.memref_slice %arg9[%dma_wait3A_102, %dma_wait3A_103] : memref<5120x128xf32, #tpu.memory_space<vmem_shared>> -> memref<5120x128xf32, #tpu.memory_space<vmem_shared>>
      tpu.wait_indirect_dma semaphore(%arg14 : memref<!tpu.dma_semaphore, #tpu.memory_space<semaphore_mem>>) src(%arg12 : memref<80x128xf32, #tpu.memory_space<vmem>>) dst(%dma_wait3A_104 : memref<5120x128xf32, #tpu.memory_space<vmem_shared>>)
      %dma_wait3A_105 = arith.constant 3 : i32
      %dma_wait3A_106 = arith.constant 0 : i32
      %dma_wait3A_107 = tpu.memref_slice %arg11[%dma_wait3A_105, %dma_wait3A_106] : memref<10x80xi32, #tpu.memory_space<vmem>> -> memref<1x80xi32, #tpu.memory_space<vmem>>
      %dma_wait3A_108 = tpu.memref_squeeze %dma_wait3A_107 : memref<1x80xi32, #tpu.memory_space<vmem>> -> memref<80xi32, #tpu.memory_space<vmem>>
      %dma_wait3A_109 = arith.constant 0 : i32
      %dma_wait3A_110 = arith.constant 0 : i32
      %dma_wait3A_111 = tpu.memref_slice %arg9[%dma_wait3A_109, %dma_wait3A_110] : memref<5120x128xf32, #tpu.memory_space<vmem_shared>> -> memref<5120x128xf32, #tpu.memory_space<vmem_shared>>
      tpu.wait_indirect_dma semaphore(%arg15 : memref<!tpu.dma_semaphore, #tpu.memory_space<semaphore_mem>>) src(%arg12 : memref<80x128xf32, #tpu.memory_space<vmem>>) dst(%dma_wait3A_111 : memref<5120x128xf32, #tpu.memory_space<vmem_shared>>)
      %dma_wait3A_112 = arith.constant 4 : i32
      %dma_wait3A_113 = arith.constant 0 : i32
      %dma_wait3A_114 = tpu.memref_slice %arg11[%dma_wait3A_112, %dma_wait3A_113] : memref<10x80xi32, #tpu.memory_space<vmem>> -> memref<1x80xi32, #tpu.memory_space<vmem>>
      %dma_wait3A_115 = tpu.memref_squeeze %dma_wait3A_114 : memref<1x80xi32, #tpu.memory_space<vmem>> -> memref<80xi32, #tpu.memory_space<vmem>>
      %dma_wait3A_116 = arith.constant 0 : i32
      %dma_wait3A_117 = arith.constant 0 : i32
      %dma_wait3A_118 = tpu.memref_slice %arg9[%dma_wait3A_116, %dma_wait3A_117] : memref<5120x128xf32, #tpu.memory_space<vmem_shared>> -> memref<5120x128xf32, #tpu.memory_space<vmem_shared>>
      tpu.wait_indirect_dma semaphore(%arg14 : memref<!tpu.dma_semaphore, #tpu.memory_space<semaphore_mem>>) src(%arg12 : memref<80x128xf32, #tpu.memory_space<vmem>>) dst(%dma_wait3A_118 : memref<5120x128xf32, #tpu.memory_space<vmem_shared>>)
      %dma_wait3A_119 = arith.constant 5 : i32
      %dma_wait3A_120 = arith.constant 0 : i32
      %dma_wait3A_121 = tpu.memref_slice %arg11[%dma_wait3A_119, %dma_wait3A_120] : memref<10x80xi32, #tpu.memory_space<vmem>> -> memref<1x80xi32, #tpu.memory_space<vmem>>
      %dma_wait3A_122 = tpu.memref_squeeze %dma_wait3A_121 : memref<1x80xi32, #tpu.memory_space<vmem>> -> memref<80xi32, #tpu.memory_space<vmem>>
      %dma_wait3A_123 = arith.constant 0 : i32
      %dma_wait3A_124 = arith.constant 0 : i32
      %dma_wait3A_125 = tpu.memref_slice %arg9[%dma_wait3A_123, %dma_wait3A_124] : memref<5120x128xf32, #tpu.memory_space<vmem_shared>> -> memref<5120x128xf32, #tpu.memory_space<vmem_shared>>
      tpu.wait_indirect_dma semaphore(%arg15 : memref<!tpu.dma_semaphore, #tpu.memory_space<semaphore_mem>>) src(%arg12 : memref<80x128xf32, #tpu.memory_space<vmem>>) dst(%dma_wait3A_125 : memref<5120x128xf32, #tpu.memory_space<vmem_shared>>)
      %dma_wait3A_126 = arith.constant 6 : i32
      %dma_wait3A_127 = arith.constant 0 : i32
      %dma_wait3A_128 = tpu.memref_slice %arg11[%dma_wait3A_126, %dma_wait3A_127] : memref<10x80xi32, #tpu.memory_space<vmem>> -> memref<1x80xi32, #tpu.memory_space<vmem>>
      %dma_wait3A_129 = tpu.memref_squeeze %dma_wait3A_128 : memref<1x80xi32, #tpu.memory_space<vmem>> -> memref<80xi32, #tpu.memory_space<vmem>>
      %dma_wait3A_130 = arith.constant 0 : i32
      %dma_wait3A_131 = arith.constant 0 : i32
      %dma_wait3A_132 = tpu.memref_slice %arg9[%dma_wait3A_130, %dma_wait3A_131] : memref<5120x128xf32, #tpu.memory_space<vmem_shared>> -> memref<5120x128xf32, #tpu.memory_space<vmem_shared>>
      tpu.wait_indirect_dma semaphore(%arg14 : memref<!tpu.dma_semaphore, #tpu.memory_space<semaphore_mem>>) src(%arg12 : memref<80x128xf32, #tpu.memory_space<vmem>>) dst(%dma_wait3A_132 : memref<5120x128xf32, #tpu.memory_space<vmem_shared>>)
      %dma_wait3A_133 = arith.constant 7 : i32
      %dma_wait3A_134 = arith.constant 0 : i32
      %dma_wait3A_135 = tpu.memref_slice %arg11[%dma_wait3A_133, %dma_wait3A_134] : memref<10x80xi32, #tpu.memory_space<vmem>> -> memref<1x80xi32, #tpu.memory_space<vmem>>
      %dma_wait3A_136 = tpu.memref_squeeze %dma_wait3A_135 : memref<1x80xi32, #tpu.memory_space<vmem>> -> memref<80xi32, #tpu.memory_space<vmem>>
      %dma_wait3A_137 = arith.constant 0 : i32
      %dma_wait3A_138 = arith.constant 0 : i32
      %dma_wait3A_139 = tpu.memref_slice %arg9[%dma_wait3A_137, %dma_wait3A_138] : memref<5120x128xf32, #tpu.memory_space<vmem_shared>> -> memref<5120x128xf32, #tpu.memory_space<vmem_shared>>
      tpu.wait_indirect_dma semaphore(%arg15 : memref<!tpu.dma_semaphore, #tpu.memory_space<semaphore_mem>>) src(%arg12 : memref<80x128xf32, #tpu.memory_space<vmem>>) dst(%dma_wait3A_139 : memref<5120x128xf32, #tpu.memory_space<vmem_shared>>)
      %dma_wait3A_140 = arith.constant 8 : i32
      %dma_wait3A_141 = arith.constant 0 : i32
      %dma_wait3A_142 = tpu.memref_slice %arg11[%dma_wait3A_140, %dma_wait3A_141] : memref<10x80xi32, #tpu.memory_space<vmem>> -> memref<1x80xi32, #tpu.memory_space<vmem>>
      %dma_wait3A_143 = tpu.memref_squeeze %dma_wait3A_142 : memref<1x80xi32, #tpu.memory_space<vmem>> -> memref<80xi32, #tpu.memory_space<vmem>>
      %dma_wait3A_144 = arith.constant 0 : i32
      %dma_wait3A_145 = arith.constant 0 : i32
      %dma_wait3A_146 = tpu.memref_slice %arg9[%dma_wait3A_144, %dma_wait3A_145] : memref<5120x128xf32, #tpu.memory_space<vmem_shared>> -> memref<5120x128xf32, #tpu.memory_space<vmem_shared>>
      tpu.wait_indirect_dma semaphore(%arg14 : memref<!tpu.dma_semaphore, #tpu.memory_space<semaphore_mem>>) src(%arg12 : memref<80x128xf32, #tpu.memory_space<vmem>>) dst(%dma_wait3A_146 : memref<5120x128xf32, #tpu.memory_space<vmem_shared>>)
      %dma_wait3A_147 = arith.constant 9 : i32
      %dma_wait3A_148 = arith.constant 0 : i32
      %dma_wait3A_149 = tpu.memref_slice %arg11[%dma_wait3A_147, %dma_wait3A_148] : memref<10x80xi32, #tpu.memory_space<vmem>> -> memref<1x80xi32, #tpu.memory_space<vmem>>
      %dma_wait3A_150 = tpu.memref_squeeze %dma_wait3A_149 : memref<1x80xi32, #tpu.memory_space<vmem>> -> memref<80xi32, #tpu.memory_space<vmem>>
      %dma_wait3A_151 = arith.constant 0 : i32
      %dma_wait3A_152 = arith.constant 0 : i32
      %dma_wait3A_153 = tpu.memref_slice %arg9[%dma_wait3A_151, %dma_wait3A_152] : memref<5120x128xf32, #tpu.memory_space<vmem_shared>> -> memref<5120x128xf32, #tpu.memory_space<vmem_shared>>
      tpu.wait_indirect_dma semaphore(%arg15 : memref<!tpu.dma_semaphore, #tpu.memory_space<semaphore_mem>>) src(%arg12 : memref<80x128xf32, #tpu.memory_space<vmem>>) dst(%dma_wait3A_153 : memref<5120x128xf32, #tpu.memory_space<vmem_shared>>)
    }
    %scan3A_5 = arith.constant 25 : i32
    %barrier3A_6 = arith.constant 0 : index
    tpu.barrier barrier_id(%barrier3A_6)
    "tpu.region"() ({
      %run_scoped3A = tpu.sem_alloc : memref<!tpu.dma_semaphore, #tpu.memory_space<semaphore_mem>>
      %dma_start3A = arith.constant 0 : i32
      %dma_start3A_15 = tpu.memref_slice %arg7[%arg0, %mul3A_0, %dma_start3A] : memref<2x5120x128xf32, #tpu.memory_space<hbm>> -> memref<1x320x128xf32, #tpu.memory_space<hbm>>
      %dma_start3A_16 = tpu.memref_squeeze %dma_start3A_15 : memref<1x320x128xf32, #tpu.memory_space<hbm>> -> memref<320x128xf32, #tpu.memory_space<hbm>>
      %dma_start3A_17 = arith.constant 0 : i32
      %dma_start3A_18 = tpu.memref_slice %arg9[%mul3A_0, %dma_start3A_17] : memref<5120x128xf32, #tpu.memory_space<vmem_shared>> -> memref<320x128xf32, #tpu.memory_space<vmem_shared>>
      tpu.enqueue_dma source(%dma_start3A_18 : memref<320x128xf32, #tpu.memory_space<vmem_shared>>) target(%dma_start3A_16 : memref<320x128xf32, #tpu.memory_space<hbm>>) target_semaphore(%run_scoped3A : memref<!tpu.dma_semaphore, #tpu.memory_space<semaphore_mem>>)
      %dma_wait3A = arith.constant 0 : i32
      %dma_wait3A_19 = tpu.memref_slice %arg7[%arg0, %mul3A_0, %dma_wait3A] : memref<2x5120x128xf32, #tpu.memory_space<hbm>> -> memref<1x320x128xf32, #tpu.memory_space<hbm>>
      %dma_wait3A_20 = tpu.memref_squeeze %dma_wait3A_19 : memref<1x320x128xf32, #tpu.memory_space<hbm>> -> memref<320x128xf32, #tpu.memory_space<hbm>>
      %dma_wait3A_21 = arith.constant 0 : i32
      %dma_wait3A_22 = tpu.memref_slice %arg9[%mul3A_0, %dma_wait3A_21] : memref<5120x128xf32, #tpu.memory_space<vmem_shared>> -> memref<320x128xf32, #tpu.memory_space<vmem_shared>>
      tpu.wait_dma2 semaphore(%run_scoped3A : memref<!tpu.dma_semaphore, #tpu.memory_space<semaphore_mem>>) src(%dma_wait3A_22 : memref<320x128xf32, #tpu.memory_space<vmem_shared>>) dst(%dma_wait3A_20 : memref<320x128xf32, #tpu.memory_space<hbm>>)
      tpu.yield
    }) : () -> ()
    "tpu.region"() ({
      %run_scoped3A = tpu.sem_alloc : memref<!tpu.dma_semaphore, #tpu.memory_space<semaphore_mem>>
      %dma_start3A = arith.constant 0 : i32
      %dma_start3A_15 = tpu.memref_slice %arg9[%mul3A_0, %dma_start3A] : memref<5120x128xf32, #tpu.memory_space<vmem_shared>> -> memref<320x128xf32, #tpu.memory_space<vmem_shared>>
      %dma_start3A_16 = arith.constant 0 : i32
      %dma_start3A_17 = tpu.memref_slice %arg5[%mul3A_0, %dma_start3A_16] : memref<10240x128xf32, #tpu.memory_space<hbm>> -> memref<320x128xf32, #tpu.memory_space<hbm>>
      tpu.enqueue_dma source(%dma_start3A_17 : memref<320x128xf32, #tpu.memory_space<hbm>>) target(%dma_start3A_15 : memref<320x128xf32, #tpu.memory_space<vmem_shared>>) target_semaphore(%run_scoped3A : memref<!tpu.dma_semaphore, #tpu.memory_space<semaphore_mem>>)
      %dma_wait3A = arith.constant 0 : i32
      %dma_wait3A_18 = tpu.memref_slice %arg9[%mul3A_0, %dma_wait3A] : memref<5120x128xf32, #tpu.memory_space<vmem_shared>> -> memref<320x128xf32, #tpu.memory_space<vmem_shared>>
      %dma_wait3A_19 = arith.constant 0 : i32
      %dma_wait3A_20 = tpu.memref_slice %arg5[%mul3A_0, %dma_wait3A_19] : memref<10240x128xf32, #tpu.memory_space<hbm>> -> memref<320x128xf32, #tpu.memory_space<hbm>>
      tpu.wait_dma2 semaphore(%run_scoped3A : memref<!tpu.dma_semaphore, #tpu.memory_space<semaphore_mem>>) src(%dma_wait3A_20 : memref<320x128xf32, #tpu.memory_space<hbm>>) dst(%dma_wait3A_18 : memref<320x128xf32, #tpu.memory_space<vmem_shared>>)
      tpu.yield
    }) : () -> ()
    %barrier3A_7 = arith.constant 0 : index
    tpu.barrier barrier_id(%barrier3A_7)
    %scan3A_8 = arith.constant 0 : i32
    %scan3A_9 = arith.constant 0 : i32
    %scan3A_10 = arith.constant 25 : i32
    %scan3A_11 = arith.addi %scan3A_9, %scan3A_10 : i32
    %scan3A_12 = arith.constant 1 : i32
    scf.for %scan3A_15 = %scan3A_9 to %scan3A_11 step %scan3A_12  : i32 {
      "tpu.region"() ({
        %run_scoped3A_163 = tpu.sem_alloc : memref<!tpu.dma_semaphore, #tpu.memory_space<semaphore_mem>>
        %dma_start3A_164 = arith.constant 0 : i32
        %dma_start3A_165 = arith.constant 0 : i32
        %dma_start3A_166 = tpu.memref_slice %arg3[%arg1, %scan3A_15, %dma_start3A_164, %dma_start3A_165] : memref<16x25x10x80xi32, #tpu.memory_space<hbm>> -> memref<1x1x10x80xi32, #tpu.memory_space<hbm>>
        %dma_start3A_167 = tpu.memref_squeeze %dma_start3A_166 : memref<1x1x10x80xi32, #tpu.memory_space<hbm>> -> memref<10x80xi32, #tpu.memory_space<hbm>>
        %dma_start3A_168 = arith.constant 0 : i32
        %dma_start3A_169 = arith.constant 0 : i32
        %dma_start3A_170 = tpu.memref_slice %arg3[%arg1, %scan3A_15, %dma_start3A_168, %dma_start3A_169] : memref<16x25x10x80xi32, #tpu.memory_space<hbm>> -> memref<1x1x10x80xi32, #tpu.memory_space<hbm>>
        %dma_start3A_171 = tpu.memref_squeeze %dma_start3A_170 : memref<1x1x10x80xi32, #tpu.memory_space<hbm>> -> memref<10x80xi32, #tpu.memory_space<hbm>>
        tpu.enqueue_dma source(%dma_start3A_171 : memref<10x80xi32, #tpu.memory_space<hbm>>) target(%arg10 : memref<10x80xi32, #tpu.memory_space<vmem>>) target_semaphore(%run_scoped3A_163 : memref<!tpu.dma_semaphore, #tpu.memory_space<semaphore_mem>>)
        %dma_wait3A_172 = arith.constant 0 : i32
        %dma_wait3A_173 = arith.constant 0 : i32
        %dma_wait3A_174 = tpu.memref_slice %arg3[%arg1, %scan3A_15, %dma_wait3A_172, %dma_wait3A_173] : memref<16x25x10x80xi32, #tpu.memory_space<hbm>> -> memref<1x1x10x80xi32, #tpu.memory_space<hbm>>
        %dma_wait3A_175 = tpu.memref_squeeze %dma_wait3A_174 : memref<1x1x10x80xi32, #tpu.memory_space<hbm>> -> memref<10x80xi32, #tpu.memory_space<hbm>>
        %dma_wait3A_176 = arith.constant 0 : i32
        %dma_wait3A_177 = arith.constant 0 : i32
        %dma_wait3A_178 = tpu.memref_slice %arg3[%arg1, %scan3A_15, %dma_wait3A_176, %dma_wait3A_177] : memref<16x25x10x80xi32, #tpu.memory_space<hbm>> -> memref<1x1x10x80xi32, #tpu.memory_space<hbm>>
        %dma_wait3A_179 = tpu.memref_squeeze %dma_wait3A_178 : memref<1x1x10x80xi32, #tpu.memory_space<hbm>> -> memref<10x80xi32, #tpu.memory_space<hbm>>
        tpu.wait_dma2 semaphore(%run_scoped3A_163 : memref<!tpu.dma_semaphore, #tpu.memory_space<semaphore_mem>>) src(%dma_wait3A_179 : memref<10x80xi32, #tpu.memory_space<hbm>>) dst(%arg10 : memref<10x80xi32, #tpu.memory_space<vmem>>)
        tpu.yield
      }) : () -> ()
      "tpu.region"() ({
        %run_scoped3A_163 = tpu.sem_alloc : memref<!tpu.dma_semaphore, #tpu.memory_space<semaphore_mem>>
        %dma_start3A_164 = arith.constant 0 : i32
        %dma_start3A_165 = arith.constant 0 : i32
        %dma_start3A_166 = tpu.memref_slice %arg4[%arg0, %arg1, %scan3A_15, %dma_start3A_164, %dma_start3A_165] : memref<2x16x25x10x80xi32, #tpu.memory_space<hbm>> -> memref<1x1x1x10x80xi32, #tpu.memory_space<hbm>>
        %dma_start3A_167 = tpu.memref_squeeze %dma_start3A_166 : memref<1x1x1x10x80xi32, #tpu.memory_space<hbm>> -> memref<10x80xi32, #tpu.memory_space<hbm>>
        %dma_start3A_168 = arith.constant 0 : i32
        %dma_start3A_169 = arith.constant 0 : i32
        %dma_start3A_170 = tpu.memref_slice %arg4[%arg0, %arg1, %scan3A_15, %dma_start3A_168, %dma_start3A_169] : memref<2x16x25x10x80xi32, #tpu.memory_space<hbm>> -> memref<1x1x1x10x80xi32, #tpu.memory_space<hbm>>
        %dma_start3A_171 = tpu.memref_squeeze %dma_start3A_170 : memref<1x1x1x10x80xi32, #tpu.memory_space<hbm>> -> memref<10x80xi32, #tpu.memory_space<hbm>>
        tpu.enqueue_dma source(%dma_start3A_171 : memref<10x80xi32, #tpu.memory_space<hbm>>) target(%arg11 : memref<10x80xi32, #tpu.memory_space<vmem>>) target_semaphore(%run_scoped3A_163 : memref<!tpu.dma_semaphore, #tpu.memory_space<semaphore_mem>>)
        %dma_wait3A_172 = arith.constant 0 : i32
        %dma_wait3A_173 = arith.constant 0 : i32
        %dma_wait3A_174 = tpu.memref_slice %arg4[%arg0, %arg1, %scan3A_15, %dma_wait3A_172, %dma_wait3A_173] : memref<2x16x25x10x80xi32, #tpu.memory_space<hbm>> -> memref<1x1x1x10x80xi32, #tpu.memory_space<hbm>>
        %dma_wait3A_175 = tpu.memref_squeeze %dma_wait3A_174 : memref<1x1x1x10x80xi32, #tpu.memory_space<hbm>> -> memref<10x80xi32, #tpu.memory_space<hbm>>
        %dma_wait3A_176 = arith.constant 0 : i32
        %dma_wait3A_177 = arith.constant 0 : i32
        %dma_wait3A_178 = tpu.memref_slice %arg4[%arg0, %arg1, %scan3A_15, %dma_wait3A_176, %dma_wait3A_177] : memref<2x16x25x10x80xi32, #tpu.memory_space<hbm>> -> memref<1x1x1x10x80xi32, #tpu.memory_space<hbm>>
        %dma_wait3A_179 = tpu.memref_squeeze %dma_wait3A_178 : memref<1x1x1x10x80xi32, #tpu.memory_space<hbm>> -> memref<10x80xi32, #tpu.memory_space<hbm>>
        tpu.wait_dma2 semaphore(%run_scoped3A_163 : memref<!tpu.dma_semaphore, #tpu.memory_space<semaphore_mem>>) src(%dma_wait3A_179 : memref<10x80xi32, #tpu.memory_space<hbm>>) dst(%arg11 : memref<10x80xi32, #tpu.memory_space<vmem>>)
        tpu.yield
      }) : () -> ()
      %dma_start3A = arith.constant 0 : i32
      %dma_start3A_16 = arith.constant 0 : i32
      %dma_start3A_17 = tpu.memref_slice %arg10[%dma_start3A, %dma_start3A_16] : memref<10x80xi32, #tpu.memory_space<vmem>> -> memref<1x80xi32, #tpu.memory_space<vmem>>
      %dma_start3A_18 = tpu.memref_squeeze %dma_start3A_17 : memref<1x80xi32, #tpu.memory_space<vmem>> -> memref<80xi32, #tpu.memory_space<vmem>>
      %dma_start3A_19 = arith.constant 0 : i32
      %dma_start3A_20 = arith.constant 0 : i32
      %dma_start3A_21 = tpu.memref_slice %arg2[%dma_start3A_19, %dma_start3A_20] : memref<10000x128xf32, #tpu.memory_space<hbm>> -> memref<10000x128xf32, #tpu.memory_space<hbm>>
      tpu.enqueue_indirect_dma source(%dma_start3A_21 : memref<10000x128xf32, #tpu.memory_space<hbm>>) target(%arg12 : memref<80x128xf32, #tpu.memory_space<vmem>>) offsets(%dma_start3A_18 : memref<80xi32, #tpu.memory_space<vmem>>) semaphore(%arg14 : memref<!tpu.dma_semaphore, #tpu.memory_space<semaphore_mem>>)
      %dma_start3A_22 = arith.constant 1 : i32
      %dma_start3A_23 = arith.constant 0 : i32
      %dma_start3A_24 = tpu.memref_slice %arg10[%dma_start3A_22, %dma_start3A_23] : memref<10x80xi32, #tpu.memory_space<vmem>> -> memref<1x80xi32, #tpu.memory_space<vmem>>
      %dma_start3A_25 = tpu.memref_squeeze %dma_start3A_24 : memref<1x80xi32, #tpu.memory_space<vmem>> -> memref<80xi32, #tpu.memory_space<vmem>>
      %dma_start3A_26 = arith.constant 0 : i32
      %dma_start3A_27 = arith.constant 0 : i32
      %dma_start3A_28 = tpu.memref_slice %arg2[%dma_start3A_26, %dma_start3A_27] : memref<10000x128xf32, #tpu.memory_space<hbm>> -> memref<10000x128xf32, #tpu.memory_space<hbm>>
      tpu.enqueue_indirect_dma source(%dma_start3A_28 : memref<10000x128xf32, #tpu.memory_space<hbm>>) target(%arg13 : memref<80x128xf32, #tpu.memory_space<vmem>>) offsets(%dma_start3A_25 : memref<80xi32, #tpu.memory_space<vmem>>) semaphore(%arg15 : memref<!tpu.dma_semaphore, #tpu.memory_space<semaphore_mem>>)
      %dma_wait3A = arith.constant 0 : i32
      %dma_wait3A_29 = arith.constant 0 : i32
      %dma_wait3A_30 = tpu.memref_slice %arg10[%dma_wait3A, %dma_wait3A_29] : memref<10x80xi32, #tpu.memory_space<vmem>> -> memref<1x80xi32, #tpu.memory_space<vmem>>
      %dma_wait3A_31 = tpu.memref_squeeze %dma_wait3A_30 : memref<1x80xi32, #tpu.memory_space<vmem>> -> memref<80xi32, #tpu.memory_space<vmem>>
      %dma_wait3A_32 = arith.constant 0 : i32
      %dma_wait3A_33 = arith.constant 0 : i32
      %dma_wait3A_34 = tpu.memref_slice %arg2[%dma_wait3A_32, %dma_wait3A_33] : memref<10000x128xf32, #tpu.memory_space<hbm>> -> memref<10000x128xf32, #tpu.memory_space<hbm>>
      tpu.wait_indirect_dma semaphore(%arg14 : memref<!tpu.dma_semaphore, #tpu.memory_space<semaphore_mem>>) src(%dma_wait3A_34 : memref<10000x128xf32, #tpu.memory_space<hbm>>) dst(%arg12 : memref<80x128xf32, #tpu.memory_space<vmem>>)
      %run_scoped3A = arith.constant 0 : i32
      "tpu.region"() ({
        %run_scoped3A_163 = tpu.sem_alloc : memref<!tpu.dma_semaphore, #tpu.memory_space<semaphore_mem>>
        %dma_start3A_164 = arith.constant 0 : i32
        %dma_start3A_165 = tpu.memref_slice %arg11[%run_scoped3A, %dma_start3A_164] : memref<10x80xi32, #tpu.memory_space<vmem>> -> memref<1x80xi32, #tpu.memory_space<vmem>>
        %dma_start3A_166 = tpu.memref_squeeze %dma_start3A_165 : memref<1x80xi32, #tpu.memory_space<vmem>> -> memref<80xi32, #tpu.memory_space<vmem>>
        %dma_start3A_167 = arith.constant 0 : i32
        %dma_start3A_168 = arith.constant 0 : i32
        %dma_start3A_169 = tpu.memref_slice %arg9[%dma_start3A_167, %dma_start3A_168] : memref<5120x128xf32, #tpu.memory_space<vmem_shared>> -> memref<5120x128xf32, #tpu.memory_space<vmem_shared>>
        tpu.enqueue_indirect_dma source(%arg12 : memref<80x128xf32, #tpu.memory_space<vmem>>) target(%dma_start3A_169 : memref<5120x128xf32, #tpu.memory_space<vmem_shared>>) offsets(%dma_start3A_166 : memref<80xi32, #tpu.memory_space<vmem>>) semaphore(%run_scoped3A_163 : memref<!tpu.dma_semaphore, #tpu.memory_space<semaphore_mem>>) {add = true}
        %dma_wait3A_170 = arith.constant 0 : i32
        %dma_wait3A_171 = tpu.memref_slice %arg11[%run_scoped3A, %dma_wait3A_170] : memref<10x80xi32, #tpu.memory_space<vmem>> -> memref<1x80xi32, #tpu.memory_space<vmem>>
        %dma_wait3A_172 = tpu.memref_squeeze %dma_wait3A_171 : memref<1x80xi32, #tpu.memory_space<vmem>> -> memref<80xi32, #tpu.memory_space<vmem>>
        %dma_wait3A_173 = arith.constant 0 : i32
        %dma_wait3A_174 = arith.constant 0 : i32
        %dma_wait3A_175 = tpu.memref_slice %arg9[%dma_wait3A_173, %dma_wait3A_174] : memref<5120x128xf32, #tpu.memory_space<vmem_shared>> -> memref<5120x128xf32, #tpu.memory_space<vmem_shared>>
        tpu.wait_indirect_dma semaphore(%run_scoped3A_163 : memref<!tpu.dma_semaphore, #tpu.memory_space<semaphore_mem>>) src(%arg12 : memref<80x128xf32, #tpu.memory_space<vmem>>) dst(%dma_wait3A_175 : memref<5120x128xf32, #tpu.memory_space<vmem_shared>>)
        tpu.yield
      }) : () -> ()
      %dma_start3A_35 = arith.constant 2 : i32
      %dma_start3A_36 = arith.constant 0 : i32
      %dma_start3A_37 = tpu.memref_slice %arg10[%dma_start3A_35, %dma_start3A_36] : memref<10x80xi32, #tpu.memory_space<vmem>> -> memref<1x80xi32, #tpu.memory_space<vmem>>
      %dma_start3A_38 = tpu.memref_squeeze %dma_start3A_37 : memref<1x80xi32, #tpu.memory_space<vmem>> -> memref<80xi32, #tpu.memory_space<vmem>>
      %dma_start3A_39 = arith.constant 0 : i32
      %dma_start3A_40 = arith.constant 0 : i32
      %dma_start3A_41 = tpu.memref_slice %arg2[%dma_start3A_39, %dma_start3A_40] : memref<10000x128xf32, #tpu.memory_space<hbm>> -> memref<10000x128xf32, #tpu.memory_space<hbm>>
      tpu.enqueue_indirect_dma source(%dma_start3A_41 : memref<10000x128xf32, #tpu.memory_space<hbm>>) target(%arg12 : memref<80x128xf32, #tpu.memory_space<vmem>>) offsets(%dma_start3A_38 : memref<80xi32, #tpu.memory_space<vmem>>) semaphore(%arg14 : memref<!tpu.dma_semaphore, #tpu.memory_space<semaphore_mem>>)
      %dma_wait3A_42 = arith.constant 1 : i32
      %dma_wait3A_43 = arith.constant 0 : i32
      %dma_wait3A_44 = tpu.memref_slice %arg10[%dma_wait3A_42, %dma_wait3A_43] : memref<10x80xi32, #tpu.memory_space<vmem>> -> memref<1x80xi32, #tpu.memory_space<vmem>>
      %dma_wait3A_45 = tpu.memref_squeeze %dma_wait3A_44 : memref<1x80xi32, #tpu.memory_space<vmem>> -> memref<80xi32, #tpu.memory_space<vmem>>
      %dma_wait3A_46 = arith.constant 0 : i32
      %dma_wait3A_47 = arith.constant 0 : i32
      %dma_wait3A_48 = tpu.memref_slice %arg2[%dma_wait3A_46, %dma_wait3A_47] : memref<10000x128xf32, #tpu.memory_space<hbm>> -> memref<10000x128xf32, #tpu.memory_space<hbm>>
      tpu.wait_indirect_dma semaphore(%arg15 : memref<!tpu.dma_semaphore, #tpu.memory_space<semaphore_mem>>) src(%dma_wait3A_48 : memref<10000x128xf32, #tpu.memory_space<hbm>>) dst(%arg13 : memref<80x128xf32, #tpu.memory_space<vmem>>)
      %run_scoped3A_49 = arith.constant 1 : i32
      "tpu.region"() ({
        %run_scoped3A_163 = tpu.sem_alloc : memref<!tpu.dma_semaphore, #tpu.memory_space<semaphore_mem>>
        %dma_start3A_164 = arith.constant 0 : i32
        %dma_start3A_165 = tpu.memref_slice %arg11[%run_scoped3A_49, %dma_start3A_164] : memref<10x80xi32, #tpu.memory_space<vmem>> -> memref<1x80xi32, #tpu.memory_space<vmem>>
        %dma_start3A_166 = tpu.memref_squeeze %dma_start3A_165 : memref<1x80xi32, #tpu.memory_space<vmem>> -> memref<80xi32, #tpu.memory_space<vmem>>
        %dma_start3A_167 = arith.constant 0 : i32
        %dma_start3A_168 = arith.constant 0 : i32
        %dma_start3A_169 = tpu.memref_slice %arg9[%dma_start3A_167, %dma_start3A_168] : memref<5120x128xf32, #tpu.memory_space<vmem_shared>> -> memref<5120x128xf32, #tpu.memory_space<vmem_shared>>
        tpu.enqueue_indirect_dma source(%arg13 : memref<80x128xf32, #tpu.memory_space<vmem>>) target(%dma_start3A_169 : memref<5120x128xf32, #tpu.memory_space<vmem_shared>>) offsets(%dma_start3A_166 : memref<80xi32, #tpu.memory_space<vmem>>) semaphore(%run_scoped3A_163 : memref<!tpu.dma_semaphore, #tpu.memory_space<semaphore_mem>>) {add = true}
        %dma_wait3A_170 = arith.constant 0 : i32
        %dma_wait3A_171 = tpu.memref_slice %arg11[%run_scoped3A_49, %dma_wait3A_170] : memref<10x80xi32, #tpu.memory_space<vmem>> -> memref<1x80xi32, #tpu.memory_space<vmem>>
        %dma_wait3A_172 = tpu.memref_squeeze %dma_wait3A_171 : memref<1x80xi32, #tpu.memory_space<vmem>> -> memref<80xi32, #tpu.memory_space<vmem>>
        %dma_wait3A_173 = arith.constant 0 : i32
        %dma_wait3A_174 = arith.constant 0 : i32
        %dma_wait3A_175 = tpu.memref_slice %arg9[%dma_wait3A_173, %dma_wait3A_174] : memref<5120x128xf32, #tpu.memory_space<vmem_shared>> -> memref<5120x128xf32, #tpu.memory_space<vmem_shared>>
        tpu.wait_indirect_dma semaphore(%run_scoped3A_163 : memref<!tpu.dma_semaphore, #tpu.memory_space<semaphore_mem>>) src(%arg13 : memref<80x128xf32, #tpu.memory_space<vmem>>) dst(%dma_wait3A_175 : memref<5120x128xf32, #tpu.memory_space<vmem_shared>>)
        tpu.yield
      }) : () -> ()
      %dma_start3A_50 = arith.constant 3 : i32
      %dma_start3A_51 = arith.constant 0 : i32
      %dma_start3A_52 = tpu.memref_slice %arg10[%dma_start3A_50, %dma_start3A_51] : memref<10x80xi32, #tpu.memory_space<vmem>> -> memref<1x80xi32, #tpu.memory_space<vmem>>
      %dma_start3A_53 = tpu.memref_squeeze %dma_start3A_52 : memref<1x80xi32, #tpu.memory_space<vmem>> -> memref<80xi32, #tpu.memory_space<vmem>>
      %dma_start3A_54 = arith.constant 0 : i32
      %dma_start3A_55 = arith.constant 0 : i32
      %dma_start3A_56 = tpu.memref_slice %arg2[%dma_start3A_54, %dma_start3A_55] : memref<10000x128xf32, #tpu.memory_space<hbm>> -> memref<10000x128xf32, #tpu.memory_space<hbm>>
      tpu.enqueue_indirect_dma source(%dma_start3A_56 : memref<10000x128xf32, #tpu.memory_space<hbm>>) target(%arg13 : memref<80x128xf32, #tpu.memory_space<vmem>>) offsets(%dma_start3A_53 : memref<80xi32, #tpu.memory_space<vmem>>) semaphore(%arg15 : memref<!tpu.dma_semaphore, #tpu.memory_space<semaphore_mem>>)
      %dma_wait3A_57 = arith.constant 2 : i32
      %dma_wait3A_58 = arith.constant 0 : i32
      %dma_wait3A_59 = tpu.memref_slice %arg10[%dma_wait3A_57, %dma_wait3A_58] : memref<10x80xi32, #tpu.memory_space<vmem>> -> memref<1x80xi32, #tpu.memory_space<vmem>>
      %dma_wait3A_60 = tpu.memref_squeeze %dma_wait3A_59 : memref<1x80xi32, #tpu.memory_space<vmem>> -> memref<80xi32, #tpu.memory_space<vmem>>
      %dma_wait3A_61 = arith.constant 0 : i32
      %dma_wait3A_62 = arith.constant 0 : i32
      %dma_wait3A_63 = tpu.memref_slice %arg2[%dma_wait3A_61, %dma_wait3A_62] : memref<10000x128xf32, #tpu.memory_space<hbm>> -> memref<10000x128xf32, #tpu.memory_space<hbm>>
      tpu.wait_indirect_dma semaphore(%arg14 : memref<!tpu.dma_semaphore, #tpu.memory_space<semaphore_mem>>) src(%dma_wait3A_63 : memref<10000x128xf32, #tpu.memory_space<hbm>>) dst(%arg12 : memref<80x128xf32, #tpu.memory_space<vmem>>)
      %run_scoped3A_64 = arith.constant 2 : i32
      "tpu.region"() ({
        %run_scoped3A_163 = tpu.sem_alloc : memref<!tpu.dma_semaphore, #tpu.memory_space<semaphore_mem>>
        %dma_start3A_164 = arith.constant 0 : i32
        %dma_start3A_165 = tpu.memref_slice %arg11[%run_scoped3A_64, %dma_start3A_164] : memref<10x80xi32, #tpu.memory_space<vmem>> -> memref<1x80xi32, #tpu.memory_space<vmem>>
        %dma_start3A_166 = tpu.memref_squeeze %dma_start3A_165 : memref<1x80xi32, #tpu.memory_space<vmem>> -> memref<80xi32, #tpu.memory_space<vmem>>
        %dma_start3A_167 = arith.constant 0 : i32
        %dma_start3A_168 = arith.constant 0 : i32
        %dma_start3A_169 = tpu.memref_slice %arg9[%dma_start3A_167, %dma_start3A_168] : memref<5120x128xf32, #tpu.memory_space<vmem_shared>> -> memref<5120x128xf32, #tpu.memory_space<vmem_shared>>
        tpu.enqueue_indirect_dma source(%arg12 : memref<80x128xf32, #tpu.memory_space<vmem>>) target(%dma_start3A_169 : memref<5120x128xf32, #tpu.memory_space<vmem_shared>>) offsets(%dma_start3A_166 : memref<80xi32, #tpu.memory_space<vmem>>) semaphore(%run_scoped3A_163 : memref<!tpu.dma_semaphore, #tpu.memory_space<semaphore_mem>>) {add = true}
        %dma_wait3A_170 = arith.constant 0 : i32
        %dma_wait3A_171 = tpu.memref_slice %arg11[%run_scoped3A_64, %dma_wait3A_170] : memref<10x80xi32, #tpu.memory_space<vmem>> -> memref<1x80xi32, #tpu.memory_space<vmem>>
        %dma_wait3A_172 = tpu.memref_squeeze %dma_wait3A_171 : memref<1x80xi32, #tpu.memory_space<vmem>> -> memref<80xi32, #tpu.memory_space<vmem>>
        %dma_wait3A_173 = arith.constant 0 : i32
        %dma_wait3A_174 = arith.constant 0 : i32
        %dma_wait3A_175 = tpu.memref_slice %arg9[%dma_wait3A_173, %dma_wait3A_174] : memref<5120x128xf32, #tpu.memory_space<vmem_shared>> -> memref<5120x128xf32, #tpu.memory_space<vmem_shared>>
        tpu.wait_indirect_dma semaphore(%run_scoped3A_163 : memref<!tpu.dma_semaphore, #tpu.memory_space<semaphore_mem>>) src(%arg12 : memref<80x128xf32, #tpu.memory_space<vmem>>) dst(%dma_wait3A_175 : memref<5120x128xf32, #tpu.memory_space<vmem_shared>>)
        tpu.yield
      }) : () -> ()
      %dma_start3A_65 = arith.constant 4 : i32
      %dma_start3A_66 = arith.constant 0 : i32
      %dma_start3A_67 = tpu.memref_slice %arg10[%dma_start3A_65, %dma_start3A_66] : memref<10x80xi32, #tpu.memory_space<vmem>> -> memref<1x80xi32, #tpu.memory_space<vmem>>
      %dma_start3A_68 = tpu.memref_squeeze %dma_start3A_67 : memref<1x80xi32, #tpu.memory_space<vmem>> -> memref<80xi32, #tpu.memory_space<vmem>>
      %dma_start3A_69 = arith.constant 0 : i32
      %dma_start3A_70 = arith.constant 0 : i32
      %dma_start3A_71 = tpu.memref_slice %arg2[%dma_start3A_69, %dma_start3A_70] : memref<10000x128xf32, #tpu.memory_space<hbm>> -> memref<10000x128xf32, #tpu.memory_space<hbm>>
      tpu.enqueue_indirect_dma source(%dma_start3A_71 : memref<10000x128xf32, #tpu.memory_space<hbm>>) target(%arg12 : memref<80x128xf32, #tpu.memory_space<vmem>>) offsets(%dma_start3A_68 : memref<80xi32, #tpu.memory_space<vmem>>) semaphore(%arg14 : memref<!tpu.dma_semaphore, #tpu.memory_space<semaphore_mem>>)
      %dma_wait3A_72 = arith.constant 3 : i32
      %dma_wait3A_73 = arith.constant 0 : i32
      %dma_wait3A_74 = tpu.memref_slice %arg10[%dma_wait3A_72, %dma_wait3A_73] : memref<10x80xi32, #tpu.memory_space<vmem>> -> memref<1x80xi32, #tpu.memory_space<vmem>>
      %dma_wait3A_75 = tpu.memref_squeeze %dma_wait3A_74 : memref<1x80xi32, #tpu.memory_space<vmem>> -> memref<80xi32, #tpu.memory_space<vmem>>
      %dma_wait3A_76 = arith.constant 0 : i32
      %dma_wait3A_77 = arith.constant 0 : i32
      %dma_wait3A_78 = tpu.memref_slice %arg2[%dma_wait3A_76, %dma_wait3A_77] : memref<10000x128xf32, #tpu.memory_space<hbm>> -> memref<10000x128xf32, #tpu.memory_space<hbm>>
      tpu.wait_indirect_dma semaphore(%arg15 : memref<!tpu.dma_semaphore, #tpu.memory_space<semaphore_mem>>) src(%dma_wait3A_78 : memref<10000x128xf32, #tpu.memory_space<hbm>>) dst(%arg13 : memref<80x128xf32, #tpu.memory_space<vmem>>)
      %run_scoped3A_79 = arith.constant 3 : i32
      "tpu.region"() ({
        %run_scoped3A_163 = tpu.sem_alloc : memref<!tpu.dma_semaphore, #tpu.memory_space<semaphore_mem>>
        %dma_start3A_164 = arith.constant 0 : i32
        %dma_start3A_165 = tpu.memref_slice %arg11[%run_scoped3A_79, %dma_start3A_164] : memref<10x80xi32, #tpu.memory_space<vmem>> -> memref<1x80xi32, #tpu.memory_space<vmem>>
        %dma_start3A_166 = tpu.memref_squeeze %dma_start3A_165 : memref<1x80xi32, #tpu.memory_space<vmem>> -> memref<80xi32, #tpu.memory_space<vmem>>
        %dma_start3A_167 = arith.constant 0 : i32
        %dma_start3A_168 = arith.constant 0 : i32
        %dma_start3A_169 = tpu.memref_slice %arg9[%dma_start3A_167, %dma_start3A_168] : memref<5120x128xf32, #tpu.memory_space<vmem_shared>> -> memref<5120x128xf32, #tpu.memory_space<vmem_shared>>
        tpu.enqueue_indirect_dma source(%arg13 : memref<80x128xf32, #tpu.memory_space<vmem>>) target(%dma_start3A_169 : memref<5120x128xf32, #tpu.memory_space<vmem_shared>>) offsets(%dma_start3A_166 : memref<80xi32, #tpu.memory_space<vmem>>) semaphore(%run_scoped3A_163 : memref<!tpu.dma_semaphore, #tpu.memory_space<semaphore_mem>>) {add = true}
        %dma_wait3A_170 = arith.constant 0 : i32
        %dma_wait3A_171 = tpu.memref_slice %arg11[%run_scoped3A_79, %dma_wait3A_170] : memref<10x80xi32, #tpu.memory_space<vmem>> -> memref<1x80xi32, #tpu.memory_space<vmem>>
        %dma_wait3A_172 = tpu.memref_squeeze %dma_wait3A_171 : memref<1x80xi32, #tpu.memory_space<vmem>> -> memref<80xi32, #tpu.memory_space<vmem>>
        %dma_wait3A_173 = arith.constant 0 : i32
        %dma_wait3A_174 = arith.constant 0 : i32
        %dma_wait3A_175 = tpu.memref_slice %arg9[%dma_wait3A_173, %dma_wait3A_174] : memref<5120x128xf32, #tpu.memory_space<vmem_shared>> -> memref<5120x128xf32, #tpu.memory_space<vmem_shared>>
        tpu.wait_indirect_dma semaphore(%run_scoped3A_163 : memref<!tpu.dma_semaphore, #tpu.memory_space<semaphore_mem>>) src(%arg13 : memref<80x128xf32, #tpu.memory_space<vmem>>) dst(%dma_wait3A_175 : memref<5120x128xf32, #tpu.memory_space<vmem_shared>>)
        tpu.yield
      }) : () -> ()
      %dma_start3A_80 = arith.constant 5 : i32
      %dma_start3A_81 = arith.constant 0 : i32
      %dma_start3A_82 = tpu.memref_slice %arg10[%dma_start3A_80, %dma_start3A_81] : memref<10x80xi32, #tpu.memory_space<vmem>> -> memref<1x80xi32, #tpu.memory_space<vmem>>
      %dma_start3A_83 = tpu.memref_squeeze %dma_start3A_82 : memref<1x80xi32, #tpu.memory_space<vmem>> -> memref<80xi32, #tpu.memory_space<vmem>>
      %dma_start3A_84 = arith.constant 0 : i32
      %dma_start3A_85 = arith.constant 0 : i32
      %dma_start3A_86 = tpu.memref_slice %arg2[%dma_start3A_84, %dma_start3A_85] : memref<10000x128xf32, #tpu.memory_space<hbm>> -> memref<10000x128xf32, #tpu.memory_space<hbm>>
      tpu.enqueue_indirect_dma source(%dma_start3A_86 : memref<10000x128xf32, #tpu.memory_space<hbm>>) target(%arg13 : memref<80x128xf32, #tpu.memory_space<vmem>>) offsets(%dma_start3A_83 : memref<80xi32, #tpu.memory_space<vmem>>) semaphore(%arg15 : memref<!tpu.dma_semaphore, #tpu.memory_space<semaphore_mem>>)
      %dma_wait3A_87 = arith.constant 4 : i32
      %dma_wait3A_88 = arith.constant 0 : i32
      %dma_wait3A_89 = tpu.memref_slice %arg10[%dma_wait3A_87, %dma_wait3A_88] : memref<10x80xi32, #tpu.memory_space<vmem>> -> memref<1x80xi32, #tpu.memory_space<vmem>>
      %dma_wait3A_90 = tpu.memref_squeeze %dma_wait3A_89 : memref<1x80xi32, #tpu.memory_space<vmem>> -> memref<80xi32, #tpu.memory_space<vmem>>
      %dma_wait3A_91 = arith.constant 0 : i32
      %dma_wait3A_92 = arith.constant 0 : i32
      %dma_wait3A_93 = tpu.memref_slice %arg2[%dma_wait3A_91, %dma_wait3A_92] : memref<10000x128xf32, #tpu.memory_space<hbm>> -> memref<10000x128xf32, #tpu.memory_space<hbm>>
      tpu.wait_indirect_dma semaphore(%arg14 : memref<!tpu.dma_semaphore, #tpu.memory_space<semaphore_mem>>) src(%dma_wait3A_93 : memref<10000x128xf32, #tpu.memory_space<hbm>>) dst(%arg12 : memref<80x128xf32, #tpu.memory_space<vmem>>)
      %run_scoped3A_94 = arith.constant 4 : i32
      "tpu.region"() ({
        %run_scoped3A_163 = tpu.sem_alloc : memref<!tpu.dma_semaphore, #tpu.memory_space<semaphore_mem>>
        %dma_start3A_164 = arith.constant 0 : i32
        %dma_start3A_165 = tpu.memref_slice %arg11[%run_scoped3A_94, %dma_start3A_164] : memref<10x80xi32, #tpu.memory_space<vmem>> -> memref<1x80xi32, #tpu.memory_space<vmem>>
        %dma_start3A_166 = tpu.memref_squeeze %dma_start3A_165 : memref<1x80xi32, #tpu.memory_space<vmem>> -> memref<80xi32, #tpu.memory_space<vmem>>
        %dma_start3A_167 = arith.constant 0 : i32
        %dma_start3A_168 = arith.constant 0 : i32
        %dma_start3A_169 = tpu.memref_slice %arg9[%dma_start3A_167, %dma_start3A_168] : memref<5120x128xf32, #tpu.memory_space<vmem_shared>> -> memref<5120x128xf32, #tpu.memory_space<vmem_shared>>
        tpu.enqueue_indirect_dma source(%arg12 : memref<80x128xf32, #tpu.memory_space<vmem>>) target(%dma_start3A_169 : memref<5120x128xf32, #tpu.memory_space<vmem_shared>>) offsets(%dma_start3A_166 : memref<80xi32, #tpu.memory_space<vmem>>) semaphore(%run_scoped3A_163 : memref<!tpu.dma_semaphore, #tpu.memory_space<semaphore_mem>>) {add = true}
        %dma_wait3A_170 = arith.constant 0 : i32
        %dma_wait3A_171 = tpu.memref_slice %arg11[%run_scoped3A_94, %dma_wait3A_170] : memref<10x80xi32, #tpu.memory_space<vmem>> -> memref<1x80xi32, #tpu.memory_space<vmem>>
        %dma_wait3A_172 = tpu.memref_squeeze %dma_wait3A_171 : memref<1x80xi32, #tpu.memory_space<vmem>> -> memref<80xi32, #tpu.memory_space<vmem>>
        %dma_wait3A_173 = arith.constant 0 : i32
        %dma_wait3A_174 = arith.constant 0 : i32
        %dma_wait3A_175 = tpu.memref_slice %arg9[%dma_wait3A_173, %dma_wait3A_174] : memref<5120x128xf32, #tpu.memory_space<vmem_shared>> -> memref<5120x128xf32, #tpu.memory_space<vmem_shared>>
        tpu.wait_indirect_dma semaphore(%run_scoped3A_163 : memref<!tpu.dma_semaphore, #tpu.memory_space<semaphore_mem>>) src(%arg12 : memref<80x128xf32, #tpu.memory_space<vmem>>) dst(%dma_wait3A_175 : memref<5120x128xf32, #tpu.memory_space<vmem_shared>>)
        tpu.yield
      }) : () -> ()
      %dma_start3A_95 = arith.constant 6 : i32
      %dma_start3A_96 = arith.constant 0 : i32
      %dma_start3A_97 = tpu.memref_slice %arg10[%dma_start3A_95, %dma_start3A_96] : memref<10x80xi32, #tpu.memory_space<vmem>> -> memref<1x80xi32, #tpu.memory_space<vmem>>
      %dma_start3A_98 = tpu.memref_squeeze %dma_start3A_97 : memref<1x80xi32, #tpu.memory_space<vmem>> -> memref<80xi32, #tpu.memory_space<vmem>>
      %dma_start3A_99 = arith.constant 0 : i32
      %dma_start3A_100 = arith.constant 0 : i32
      %dma_start3A_101 = tpu.memref_slice %arg2[%dma_start3A_99, %dma_start3A_100] : memref<10000x128xf32, #tpu.memory_space<hbm>> -> memref<10000x128xf32, #tpu.memory_space<hbm>>
      tpu.enqueue_indirect_dma source(%dma_start3A_101 : memref<10000x128xf32, #tpu.memory_space<hbm>>) target(%arg12 : memref<80x128xf32, #tpu.memory_space<vmem>>) offsets(%dma_start3A_98 : memref<80xi32, #tpu.memory_space<vmem>>) semaphore(%arg14 : memref<!tpu.dma_semaphore, #tpu.memory_space<semaphore_mem>>)
      %dma_wait3A_102 = arith.constant 5 : i32
      %dma_wait3A_103 = arith.constant 0 : i32
      %dma_wait3A_104 = tpu.memref_slice %arg10[%dma_wait3A_102, %dma_wait3A_103] : memref<10x80xi32, #tpu.memory_space<vmem>> -> memref<1x80xi32, #tpu.memory_space<vmem>>
      %dma_wait3A_105 = tpu.memref_squeeze %dma_wait3A_104 : memref<1x80xi32, #tpu.memory_space<vmem>> -> memref<80xi32, #tpu.memory_space<vmem>>
      %dma_wait3A_106 = arith.constant 0 : i32
      %dma_wait3A_107 = arith.constant 0 : i32
      %dma_wait3A_108 = tpu.memref_slice %arg2[%dma_wait3A_106, %dma_wait3A_107] : memref<10000x128xf32, #tpu.memory_space<hbm>> -> memref<10000x128xf32, #tpu.memory_space<hbm>>
      tpu.wait_indirect_dma semaphore(%arg15 : memref<!tpu.dma_semaphore, #tpu.memory_space<semaphore_mem>>) src(%dma_wait3A_108 : memref<10000x128xf32, #tpu.memory_space<hbm>>) dst(%arg13 : memref<80x128xf32, #tpu.memory_space<vmem>>)
      %run_scoped3A_109 = arith.constant 5 : i32
      "tpu.region"() ({
        %run_scoped3A_163 = tpu.sem_alloc : memref<!tpu.dma_semaphore, #tpu.memory_space<semaphore_mem>>
        %dma_start3A_164 = arith.constant 0 : i32
        %dma_start3A_165 = tpu.memref_slice %arg11[%run_scoped3A_109, %dma_start3A_164] : memref<10x80xi32, #tpu.memory_space<vmem>> -> memref<1x80xi32, #tpu.memory_space<vmem>>
        %dma_start3A_166 = tpu.memref_squeeze %dma_start3A_165 : memref<1x80xi32, #tpu.memory_space<vmem>> -> memref<80xi32, #tpu.memory_space<vmem>>
        %dma_start3A_167 = arith.constant 0 : i32
        %dma_start3A_168 = arith.constant 0 : i32
        %dma_start3A_169 = tpu.memref_slice %arg9[%dma_start3A_167, %dma_start3A_168] : memref<5120x128xf32, #tpu.memory_space<vmem_shared>> -> memref<5120x128xf32, #tpu.memory_space<vmem_shared>>
        tpu.enqueue_indirect_dma source(%arg13 : memref<80x128xf32, #tpu.memory_space<vmem>>) target(%dma_start3A_169 : memref<5120x128xf32, #tpu.memory_space<vmem_shared>>) offsets(%dma_start3A_166 : memref<80xi32, #tpu.memory_space<vmem>>) semaphore(%run_scoped3A_163 : memref<!tpu.dma_semaphore, #tpu.memory_space<semaphore_mem>>) {add = true}
        %dma_wait3A_170 = arith.constant 0 : i32
        %dma_wait3A_171 = tpu.memref_slice %arg11[%run_scoped3A_109, %dma_wait3A_170] : memref<10x80xi32, #tpu.memory_space<vmem>> -> memref<1x80xi32, #tpu.memory_space<vmem>>
        %dma_wait3A_172 = tpu.memref_squeeze %dma_wait3A_171 : memref<1x80xi32, #tpu.memory_space<vmem>> -> memref<80xi32, #tpu.memory_space<vmem>>
        %dma_wait3A_173 = arith.constant 0 : i32
        %dma_wait3A_174 = arith.constant 0 : i32
        %dma_wait3A_175 = tpu.memref_slice %arg9[%dma_wait3A_173, %dma_wait3A_174] : memref<5120x128xf32, #tpu.memory_space<vmem_shared>> -> memref<5120x128xf32, #tpu.memory_space<vmem_shared>>
        tpu.wait_indirect_dma semaphore(%run_scoped3A_163 : memref<!tpu.dma_semaphore, #tpu.memory_space<semaphore_mem>>) src(%arg13 : memref<80x128xf32, #tpu.memory_space<vmem>>) dst(%dma_wait3A_175 : memref<5120x128xf32, #tpu.memory_space<vmem_shared>>)
        tpu.yield
      }) : () -> ()
      %dma_start3A_110 = arith.constant 7 : i32
      %dma_start3A_111 = arith.constant 0 : i32
      %dma_start3A_112 = tpu.memref_slice %arg10[%dma_start3A_110, %dma_start3A_111] : memref<10x80xi32, #tpu.memory_space<vmem>> -> memref<1x80xi32, #tpu.memory_space<vmem>>
      %dma_start3A_113 = tpu.memref_squeeze %dma_start3A_112 : memref<1x80xi32, #tpu.memory_space<vmem>> -> memref<80xi32, #tpu.memory_space<vmem>>
      %dma_start3A_114 = arith.constant 0 : i32
      %dma_start3A_115 = arith.constant 0 : i32
      %dma_start3A_116 = tpu.memref_slice %arg2[%dma_start3A_114, %dma_start3A_115] : memref<10000x128xf32, #tpu.memory_space<hbm>> -> memref<10000x128xf32, #tpu.memory_space<hbm>>
      tpu.enqueue_indirect_dma source(%dma_start3A_116 : memref<10000x128xf32, #tpu.memory_space<hbm>>) target(%arg13 : memref<80x128xf32, #tpu.memory_space<vmem>>) offsets(%dma_start3A_113 : memref<80xi32, #tpu.memory_space<vmem>>) semaphore(%arg15 : memref<!tpu.dma_semaphore, #tpu.memory_space<semaphore_mem>>)
      %dma_wait3A_117 = arith.constant 6 : i32
      %dma_wait3A_118 = arith.constant 0 : i32
      %dma_wait3A_119 = tpu.memref_slice %arg10[%dma_wait3A_117, %dma_wait3A_118] : memref<10x80xi32, #tpu.memory_space<vmem>> -> memref<1x80xi32, #tpu.memory_space<vmem>>
      %dma_wait3A_120 = tpu.memref_squeeze %dma_wait3A_119 : memref<1x80xi32, #tpu.memory_space<vmem>> -> memref<80xi32, #tpu.memory_space<vmem>>
      %dma_wait3A_121 = arith.constant 0 : i32
      %dma_wait3A_122 = arith.constant 0 : i32
      %dma_wait3A_123 = tpu.memref_slice %arg2[%dma_wait3A_121, %dma_wait3A_122] : memref<10000x128xf32, #tpu.memory_space<hbm>> -> memref<10000x128xf32, #tpu.memory_space<hbm>>
      tpu.wait_indirect_dma semaphore(%arg14 : memref<!tpu.dma_semaphore, #tpu.memory_space<semaphore_mem>>) src(%dma_wait3A_123 : memref<10000x128xf32, #tpu.memory_space<hbm>>) dst(%arg12 : memref<80x128xf32, #tpu.memory_space<vmem>>)
      %run_scoped3A_124 = arith.constant 6 : i32
      "tpu.region"() ({
        %run_scoped3A_163 = tpu.sem_alloc : memref<!tpu.dma_semaphore, #tpu.memory_space<semaphore_mem>>
        %dma_start3A_164 = arith.constant 0 : i32
        %dma_start3A_165 = tpu.memref_slice %arg11[%run_scoped3A_124, %dma_start3A_164] : memref<10x80xi32, #tpu.memory_space<vmem>> -> memref<1x80xi32, #tpu.memory_space<vmem>>
        %dma_start3A_166 = tpu.memref_squeeze %dma_start3A_165 : memref<1x80xi32, #tpu.memory_space<vmem>> -> memref<80xi32, #tpu.memory_space<vmem>>
        %dma_start3A_167 = arith.constant 0 : i32
        %dma_start3A_168 = arith.constant 0 : i32
        %dma_start3A_169 = tpu.memref_slice %arg9[%dma_start3A_167, %dma_start3A_168] : memref<5120x128xf32, #tpu.memory_space<vmem_shared>> -> memref<5120x128xf32, #tpu.memory_space<vmem_shared>>
        tpu.enqueue_indirect_dma source(%arg12 : memref<80x128xf32, #tpu.memory_space<vmem>>) target(%dma_start3A_169 : memref<5120x128xf32, #tpu.memory_space<vmem_shared>>) offsets(%dma_start3A_166 : memref<80xi32, #tpu.memory_space<vmem>>) semaphore(%run_scoped3A_163 : memref<!tpu.dma_semaphore, #tpu.memory_space<semaphore_mem>>) {add = true}
        %dma_wait3A_170 = arith.constant 0 : i32
        %dma_wait3A_171 = tpu.memref_slice %arg11[%run_scoped3A_124, %dma_wait3A_170] : memref<10x80xi32, #tpu.memory_space<vmem>> -> memref<1x80xi32, #tpu.memory_space<vmem>>
        %dma_wait3A_172 = tpu.memref_squeeze %dma_wait3A_171 : memref<1x80xi32, #tpu.memory_space<vmem>> -> memref<80xi32, #tpu.memory_space<vmem>>
        %dma_wait3A_173 = arith.constant 0 : i32
        %dma_wait3A_174 = arith.constant 0 : i32
        %dma_wait3A_175 = tpu.memref_slice %arg9[%dma_wait3A_173, %dma_wait3A_174] : memref<5120x128xf32, #tpu.memory_space<vmem_shared>> -> memref<5120x128xf32, #tpu.memory_space<vmem_shared>>
        tpu.wait_indirect_dma semaphore(%run_scoped3A_163 : memref<!tpu.dma_semaphore, #tpu.memory_space<semaphore_mem>>) src(%arg12 : memref<80x128xf32, #tpu.memory_space<vmem>>) dst(%dma_wait3A_175 : memref<5120x128xf32, #tpu.memory_space<vmem_shared>>)
        tpu.yield
      }) : () -> ()
      %dma_start3A_125 = arith.constant 8 : i32
      %dma_start3A_126 = arith.constant 0 : i32
      %dma_start3A_127 = tpu.memref_slice %arg10[%dma_start3A_125, %dma_start3A_126] : memref<10x80xi32, #tpu.memory_space<vmem>> -> memref<1x80xi32, #tpu.memory_space<vmem>>
      %dma_start3A_128 = tpu.memref_squeeze %dma_start3A_127 : memref<1x80xi32, #tpu.memory_space<vmem>> -> memref<80xi32, #tpu.memory_space<vmem>>
      %dma_start3A_129 = arith.constant 0 : i32
      %dma_start3A_130 = arith.constant 0 : i32
      %dma_start3A_131 = tpu.memref_slice %arg2[%dma_start3A_129, %dma_start3A_130] : memref<10000x128xf32, #tpu.memory_space<hbm>> -> memref<10000x128xf32, #tpu.memory_space<hbm>>
      tpu.enqueue_indirect_dma source(%dma_start3A_131 : memref<10000x128xf32, #tpu.memory_space<hbm>>) target(%arg12 : memref<80x128xf32, #tpu.memory_space<vmem>>) offsets(%dma_start3A_128 : memref<80xi32, #tpu.memory_space<vmem>>) semaphore(%arg14 : memref<!tpu.dma_semaphore, #tpu.memory_space<semaphore_mem>>)
      %dma_wait3A_132 = arith.constant 7 : i32
      %dma_wait3A_133 = arith.constant 0 : i32
      %dma_wait3A_134 = tpu.memref_slice %arg10[%dma_wait3A_132, %dma_wait3A_133] : memref<10x80xi32, #tpu.memory_space<vmem>> -> memref<1x80xi32, #tpu.memory_space<vmem>>
      %dma_wait3A_135 = tpu.memref_squeeze %dma_wait3A_134 : memref<1x80xi32, #tpu.memory_space<vmem>> -> memref<80xi32, #tpu.memory_space<vmem>>
      %dma_wait3A_136 = arith.constant 0 : i32
      %dma_wait3A_137 = arith.constant 0 : i32
      %dma_wait3A_138 = tpu.memref_slice %arg2[%dma_wait3A_136, %dma_wait3A_137] : memref<10000x128xf32, #tpu.memory_space<hbm>> -> memref<10000x128xf32, #tpu.memory_space<hbm>>
      tpu.wait_indirect_dma semaphore(%arg15 : memref<!tpu.dma_semaphore, #tpu.memory_space<semaphore_mem>>) src(%dma_wait3A_138 : memref<10000x128xf32, #tpu.memory_space<hbm>>) dst(%arg13 : memref<80x128xf32, #tpu.memory_space<vmem>>)
      %run_scoped3A_139 = arith.constant 7 : i32
      "tpu.region"() ({
        %run_scoped3A_163 = tpu.sem_alloc : memref<!tpu.dma_semaphore, #tpu.memory_space<semaphore_mem>>
        %dma_start3A_164 = arith.constant 0 : i32
        %dma_start3A_165 = tpu.memref_slice %arg11[%run_scoped3A_139, %dma_start3A_164] : memref<10x80xi32, #tpu.memory_space<vmem>> -> memref<1x80xi32, #tpu.memory_space<vmem>>
        %dma_start3A_166 = tpu.memref_squeeze %dma_start3A_165 : memref<1x80xi32, #tpu.memory_space<vmem>> -> memref<80xi32, #tpu.memory_space<vmem>>
        %dma_start3A_167 = arith.constant 0 : i32
        %dma_start3A_168 = arith.constant 0 : i32
        %dma_start3A_169 = tpu.memref_slice %arg9[%dma_start3A_167, %dma_start3A_168] : memref<5120x128xf32, #tpu.memory_space<vmem_shared>> -> memref<5120x128xf32, #tpu.memory_space<vmem_shared>>
        tpu.enqueue_indirect_dma source(%arg13 : memref<80x128xf32, #tpu.memory_space<vmem>>) target(%dma_start3A_169 : memref<5120x128xf32, #tpu.memory_space<vmem_shared>>) offsets(%dma_start3A_166 : memref<80xi32, #tpu.memory_space<vmem>>) semaphore(%run_scoped3A_163 : memref<!tpu.dma_semaphore, #tpu.memory_space<semaphore_mem>>) {add = true}
        %dma_wait3A_170 = arith.constant 0 : i32
        %dma_wait3A_171 = tpu.memref_slice %arg11[%run_scoped3A_139, %dma_wait3A_170] : memref<10x80xi32, #tpu.memory_space<vmem>> -> memref<1x80xi32, #tpu.memory_space<vmem>>
        %dma_wait3A_172 = tpu.memref_squeeze %dma_wait3A_171 : memref<1x80xi32, #tpu.memory_space<vmem>> -> memref<80xi32, #tpu.memory_space<vmem>>
        %dma_wait3A_173 = arith.constant 0 : i32
        %dma_wait3A_174 = arith.constant 0 : i32
        %dma_wait3A_175 = tpu.memref_slice %arg9[%dma_wait3A_173, %dma_wait3A_174] : memref<5120x128xf32, #tpu.memory_space<vmem_shared>> -> memref<5120x128xf32, #tpu.memory_space<vmem_shared>>
        tpu.wait_indirect_dma semaphore(%run_scoped3A_163 : memref<!tpu.dma_semaphore, #tpu.memory_space<semaphore_mem>>) src(%arg13 : memref<80x128xf32, #tpu.memory_space<vmem>>) dst(%dma_wait3A_175 : memref<5120x128xf32, #tpu.memory_space<vmem_shared>>)
        tpu.yield
      }) : () -> ()
      %dma_start3A_140 = arith.constant 9 : i32
      %dma_start3A_141 = arith.constant 0 : i32
      %dma_start3A_142 = tpu.memref_slice %arg10[%dma_start3A_140, %dma_start3A_141] : memref<10x80xi32, #tpu.memory_space<vmem>> -> memref<1x80xi32, #tpu.memory_space<vmem>>
      %dma_start3A_143 = tpu.memref_squeeze %dma_start3A_142 : memref<1x80xi32, #tpu.memory_space<vmem>> -> memref<80xi32, #tpu.memory_space<vmem>>
      %dma_start3A_144 = arith.constant 0 : i32
      %dma_start3A_145 = arith.constant 0 : i32
      %dma_start3A_146 = tpu.memref_slice %arg2[%dma_start3A_144, %dma_start3A_145] : memref<10000x128xf32, #tpu.memory_space<hbm>> -> memref<10000x128xf32, #tpu.memory_space<hbm>>
      tpu.enqueue_indirect_dma source(%dma_start3A_146 : memref<10000x128xf32, #tpu.memory_space<hbm>>) target(%arg13 : memref<80x128xf32, #tpu.memory_space<vmem>>) offsets(%dma_start3A_143 : memref<80xi32, #tpu.memory_space<vmem>>) semaphore(%arg15 : memref<!tpu.dma_semaphore, #tpu.memory_space<semaphore_mem>>)
      %dma_wait3A_147 = arith.constant 8 : i32
      %dma_wait3A_148 = arith.constant 0 : i32
      %dma_wait3A_149 = tpu.memref_slice %arg10[%dma_wait3A_147, %dma_wait3A_148] : memref<10x80xi32, #tpu.memory_space<vmem>> -> memref<1x80xi32, #tpu.memory_space<vmem>>
      %dma_wait3A_150 = tpu.memref_squeeze %dma_wait3A_149 : memref<1x80xi32, #tpu.memory_space<vmem>> -> memref<80xi32, #tpu.memory_space<vmem>>
      %dma_wait3A_151 = arith.constant 0 : i32
      %dma_wait3A_152 = arith.constant 0 : i32
      %dma_wait3A_153 = tpu.memref_slice %arg2[%dma_wait3A_151, %dma_wait3A_152] : memref<10000x128xf32, #tpu.memory_space<hbm>> -> memref<10000x128xf32, #tpu.memory_space<hbm>>
      tpu.wait_indirect_dma semaphore(%arg14 : memref<!tpu.dma_semaphore, #tpu.memory_space<semaphore_mem>>) src(%dma_wait3A_153 : memref<10000x128xf32, #tpu.memory_space<hbm>>) dst(%arg12 : memref<80x128xf32, #tpu.memory_space<vmem>>)
      %run_scoped3A_154 = arith.constant 8 : i32
      "tpu.region"() ({
        %run_scoped3A_163 = tpu.sem_alloc : memref<!tpu.dma_semaphore, #tpu.memory_space<semaphore_mem>>
        %dma_start3A_164 = arith.constant 0 : i32
        %dma_start3A_165 = tpu.memref_slice %arg11[%run_scoped3A_154, %dma_start3A_164] : memref<10x80xi32, #tpu.memory_space<vmem>> -> memref<1x80xi32, #tpu.memory_space<vmem>>
        %dma_start3A_166 = tpu.memref_squeeze %dma_start3A_165 : memref<1x80xi32, #tpu.memory_space<vmem>> -> memref<80xi32, #tpu.memory_space<vmem>>
        %dma_start3A_167 = arith.constant 0 : i32
        %dma_start3A_168 = arith.constant 0 : i32
        %dma_start3A_169 = tpu.memref_slice %arg9[%dma_start3A_167, %dma_start3A_168] : memref<5120x128xf32, #tpu.memory_space<vmem_shared>> -> memref<5120x128xf32, #tpu.memory_space<vmem_shared>>
        tpu.enqueue_indirect_dma source(%arg12 : memref<80x128xf32, #tpu.memory_space<vmem>>) target(%dma_start3A_169 : memref<5120x128xf32, #tpu.memory_space<vmem_shared>>) offsets(%dma_start3A_166 : memref<80xi32, #tpu.memory_space<vmem>>) semaphore(%run_scoped3A_163 : memref<!tpu.dma_semaphore, #tpu.memory_space<semaphore_mem>>) {add = true}
        %dma_wait3A_170 = arith.constant 0 : i32
        %dma_wait3A_171 = tpu.memref_slice %arg11[%run_scoped3A_154, %dma_wait3A_170] : memref<10x80xi32, #tpu.memory_space<vmem>> -> memref<1x80xi32, #tpu.memory_space<vmem>>
        %dma_wait3A_172 = tpu.memref_squeeze %dma_wait3A_171 : memref<1x80xi32, #tpu.memory_space<vmem>> -> memref<80xi32, #tpu.memory_space<vmem>>
        %dma_wait3A_173 = arith.constant 0 : i32
        %dma_wait3A_174 = arith.constant 0 : i32
        %dma_wait3A_175 = tpu.memref_slice %arg9[%dma_wait3A_173, %dma_wait3A_174] : memref<5120x128xf32, #tpu.memory_space<vmem_shared>> -> memref<5120x128xf32, #tpu.memory_space<vmem_shared>>
        tpu.wait_indirect_dma semaphore(%run_scoped3A_163 : memref<!tpu.dma_semaphore, #tpu.memory_space<semaphore_mem>>) src(%arg12 : memref<80x128xf32, #tpu.memory_space<vmem>>) dst(%dma_wait3A_175 : memref<5120x128xf32, #tpu.memory_space<vmem_shared>>)
        tpu.yield
      }) : () -> ()
      %dma_wait3A_155 = arith.constant 9 : i32
      %dma_wait3A_156 = arith.constant 0 : i32
      %dma_wait3A_157 = tpu.memref_slice %arg10[%dma_wait3A_155, %dma_wait3A_156] : memref<10x80xi32, #tpu.memory_space<vmem>> -> memref<1x80xi32, #tpu.memory_space<vmem>>
      %dma_wait3A_158 = tpu.memref_squeeze %dma_wait3A_157 : memref<1x80xi32, #tpu.memory_space<vmem>> -> memref<80xi32, #tpu.memory_space<vmem>>
      %dma_wait3A_159 = arith.constant 0 : i32
      %dma_wait3A_160 = arith.constant 0 : i32
      %dma_wait3A_161 = tpu.memref_slice %arg2[%dma_wait3A_159, %dma_wait3A_160] : memref<10000x128xf32, #tpu.memory_space<hbm>> -> memref<10000x128xf32, #tpu.memory_space<hbm>>
      tpu.wait_indirect_dma semaphore(%arg15 : memref<!tpu.dma_semaphore, #tpu.memory_space<semaphore_mem>>) src(%dma_wait3A_161 : memref<10000x128xf32, #tpu.memory_space<hbm>>) dst(%arg13 : memref<80x128xf32, #tpu.memory_space<vmem>>)
      %run_scoped3A_162 = arith.constant 9 : i32
      "tpu.region"() ({
        %run_scoped3A_163 = tpu.sem_alloc : memref<!tpu.dma_semaphore, #tpu.memory_space<semaphore_mem>>
        %dma_start3A_164 = arith.constant 0 : i32
        %dma_start3A_165 = tpu.memref_slice %arg11[%run_scoped3A_162, %dma_start3A_164] : memref<10x80xi32, #tpu.memory_space<vmem>> -> memref<1x80xi32, #tpu.memory_space<vmem>>
        %dma_start3A_166 = tpu.memref_squeeze %dma_start3A_165 : memref<1x80xi32, #tpu.memory_space<vmem>> -> memref<80xi32, #tpu.memory_space<vmem>>
        %dma_start3A_167 = arith.constant 0 : i32
        %dma_start3A_168 = arith.constant 0 : i32
        %dma_start3A_169 = tpu.memref_slice %arg9[%dma_start3A_167, %dma_start3A_168] : memref<5120x128xf32, #tpu.memory_space<vmem_shared>> -> memref<5120x128xf32, #tpu.memory_space<vmem_shared>>
        tpu.enqueue_indirect_dma source(%arg13 : memref<80x128xf32, #tpu.memory_space<vmem>>) target(%dma_start3A_169 : memref<5120x128xf32, #tpu.memory_space<vmem_shared>>) offsets(%dma_start3A_166 : memref<80xi32, #tpu.memory_space<vmem>>) semaphore(%run_scoped3A_163 : memref<!tpu.dma_semaphore, #tpu.memory_space<semaphore_mem>>) {add = true}
        %dma_wait3A_170 = arith.constant 0 : i32
        %dma_wait3A_171 = tpu.memref_slice %arg11[%run_scoped3A_162, %dma_wait3A_170] : memref<10x80xi32, #tpu.memory_space<vmem>> -> memref<1x80xi32, #tpu.memory_space<vmem>>
        %dma_wait3A_172 = tpu.memref_squeeze %dma_wait3A_171 : memref<1x80xi32, #tpu.memory_space<vmem>> -> memref<80xi32, #tpu.memory_space<vmem>>
        %dma_wait3A_173 = arith.constant 0 : i32
        %dma_wait3A_174 = arith.constant 0 : i32
        %dma_wait3A_175 = tpu.memref_slice %arg9[%dma_wait3A_173, %dma_wait3A_174] : memref<5120x128xf32, #tpu.memory_space<vmem_shared>> -> memref<5120x128xf32, #tpu.memory_space<vmem_shared>>
        tpu.wait_indirect_dma semaphore(%run_scoped3A_163 : memref<!tpu.dma_semaphore, #tpu.memory_space<semaphore_mem>>) src(%arg13 : memref<80x128xf32, #tpu.memory_space<vmem>>) dst(%dma_wait3A_175 : memref<5120x128xf32, #tpu.memory_space<vmem_shared>>)
        tpu.yield
      }) : () -> ()
    }
    %scan3A_13 = arith.constant 25 : i32
    %barrier3A_14 = arith.constant 0 : index
    tpu.barrier barrier_id(%barrier3A_14)
    "tpu.region"() ({
      %run_scoped3A = tpu.sem_alloc : memref<!tpu.dma_semaphore, #tpu.memory_space<semaphore_mem>>
      %dma_start3A = arith.constant 0 : i32
      %dma_start3A_15 = tpu.memref_slice %arg8[%arg0, %mul3A_0, %dma_start3A] : memref<2x5120x128xf32, #tpu.memory_space<hbm>> -> memref<1x320x128xf32, #tpu.memory_space<hbm>>
      %dma_start3A_16 = tpu.memref_squeeze %dma_start3A_15 : memref<1x320x128xf32, #tpu.memory_space<hbm>> -> memref<320x128xf32, #tpu.memory_space<hbm>>
      %dma_start3A_17 = arith.constant 0 : i32
      %dma_start3A_18 = tpu.memref_slice %arg9[%mul3A_0, %dma_start3A_17] : memref<5120x128xf32, #tpu.memory_space<vmem_shared>> -> memref<320x128xf32, #tpu.memory_space<vmem_shared>>
      tpu.enqueue_dma source(%dma_start3A_18 : memref<320x128xf32, #tpu.memory_space<vmem_shared>>) target(%dma_start3A_16 : memref<320x128xf32, #tpu.memory_space<hbm>>) target_semaphore(%run_scoped3A : memref<!tpu.dma_semaphore, #tpu.memory_space<semaphore_mem>>)
      %dma_wait3A = arith.constant 0 : i32
      %dma_wait3A_19 = tpu.memref_slice %arg8[%arg0, %mul3A_0, %dma_wait3A] : memref<2x5120x128xf32, #tpu.memory_space<hbm>> -> memref<1x320x128xf32, #tpu.memory_space<hbm>>
      %dma_wait3A_20 = tpu.memref_squeeze %dma_wait3A_19 : memref<1x320x128xf32, #tpu.memory_space<hbm>> -> memref<320x128xf32, #tpu.memory_space<hbm>>
      %dma_wait3A_21 = arith.constant 0 : i32
      %dma_wait3A_22 = tpu.memref_slice %arg9[%mul3A_0, %dma_wait3A_21] : memref<5120x128xf32, #tpu.memory_space<vmem_shared>> -> memref<320x128xf32, #tpu.memory_space<vmem_shared>>
      tpu.wait_dma2 semaphore(%run_scoped3A : memref<!tpu.dma_semaphore, #tpu.memory_space<semaphore_mem>>) src(%dma_wait3A_22 : memref<320x128xf32, #tpu.memory_space<vmem_shared>>) dst(%dma_wait3A_20 : memref<320x128xf32, #tpu.memory_space<hbm>>)
      tpu.yield
    }) : () -> ()
    return
  }
}

module attributes {stable_mosaic.version = 14 : i64} {
  func.func @_tc1_body(%arg0: i32, %arg1: memref<1x1000x128xf32, #tpu.memory_space<vmem>>, %arg2: memref<1x1000x128xf32, #tpu.memory_space<vmem>>, %arg3: memref<1000x128xf32, #tpu.memory_space<vmem>>, %arg4: memref<128x256xf32, #tpu.memory_space<vmem>>, %arg5: memref<1x256xf32, #tpu.memory_space<vmem>>, %arg6: memref<128x256xf32, #tpu.memory_space<vmem>>, %arg7: memref<2x1000x128xf32, #tpu.memory_space<vmem>>) attributes {dimension_semantics = [#tpu.dimension_semantics<arbitrary>], iteration_bounds = array<i64: 10>, scalar_prefetch = 0 : i64, scratch_operands = 0 : i64, tpu.core_type = #tpu.core_type<tc>, window_params = [{transform_indices = @transform_0, window_bounds = array<i64: 1, 1000, 128>}, {transform_indices = @transform_1, window_bounds = array<i64: 1, 1000, 128>}, {transform_indices = @transform_2, window_bounds = array<i64: 1000, 128>}, {pipeline_mode = #tpu.pipeline_mode<synchronous>, transform_indices = @transform_3, window_bounds = array<i64: 128, 256>}, {pipeline_mode = #tpu.pipeline_mode<synchronous>, transform_indices = @transform_4, window_bounds = array<i64: 1, 256>}, {pipeline_mode = #tpu.pipeline_mode<synchronous>, transform_indices = @transform_5, window_bounds = array<i64: 128, 256>}, {transform_indices = @transform_6, window_bounds = array<i64: 2, 1000, 128>}]} {
    %get3A = arith.constant 0 : index
    %get3A_0 = arith.constant 0 : index
    %get3A_1 = arith.constant 0 : index
    %get3A_2 = vector.load %arg2[%get3A, %get3A_0, %get3A_1] : memref<1x1000x128xf32, #tpu.memory_space<vmem>>, vector<1x1000x128xf32>
    %get3A_3 = vector.shape_cast %get3A_2 : vector<1x1000x128xf32> to vector<1000x128xf32>
    %slice3A = vector.extract_strided_slice %get3A_3 {offsets = [0, 0], sizes = [1000, 1], strides = [1, 1]} : vector<1000x128xf32> to vector<1000x1xf32>
    %max3A = arith.constant 1.000000e+00 : f32
    %max3A_4 = vector.broadcast %max3A : f32 to vector<1000x1xf32>
    %max3A_5 = arith.maximumf %slice3A, %max3A_4 : vector<1000x1xf32>
    %div3A = arith.constant 1.000000e+00 : f32
    %div3A_6 = vector.broadcast %div3A : f32 to vector<1000x1xf32>
    %div3A_7 = arith.divf %div3A_6, %max3A_5 : vector<1000x1xf32>
    %get3A_8 = arith.constant 0 : index
    %get3A_9 = arith.constant 0 : index
    %get3A_10 = arith.constant 0 : index
    %get3A_11 = vector.load %arg1[%get3A_8, %get3A_9, %get3A_10] : memref<1x1000x128xf32, #tpu.memory_space<vmem>>, vector<1x1000x128xf32>
    %get3A_12 = vector.shape_cast %get3A_11 : vector<1x1000x128xf32> to vector<1000x128xf32>
    %mul3A = vector.broadcast %div3A_7 : vector<1000x1xf32> to vector<1000x128xf32>
    %mul3A_13 = arith.mulf %get3A_12, %mul3A : vector<1000x128xf32>
    %get3A_14 = arith.constant 0 : index
    %get3A_15 = arith.constant 0 : index
    %get3A_16 = vector.load %arg4[%get3A_14, %get3A_15] : memref<128x256xf32, #tpu.memory_space<vmem>>, vector<128x256xf32>
    %dot_general3A = arith.constant dense<0.000000e+00> : vector<1000x256xf32>
    %dot_general3A_17 = tpu.matmul %mul3A_13, %get3A_16, %dot_general3A {dimension_numbers = #tpu.dot_dimension_numbers<[1], [0], [0], [1], [0, 0, 1, 1], [], []>, transpose_lhs_hint = false} : vector<1000x128xf32>, vector<128x256xf32>, vector<1000x256xf32> -> vector<1000x256xf32>
    %get3A_18 = arith.constant 0 : index
    %get3A_19 = arith.constant 0 : index
    %get3A_20 = vector.load %arg3[%get3A_18, %get3A_19] : memref<1000x128xf32, #tpu.memory_space<vmem>>, vector<1000x128xf32>
    %get3A_21 = arith.constant 0 : index
    %get3A_22 = arith.constant 0 : index
    %get3A_23 = vector.load %arg6[%get3A_21, %get3A_22] : memref<128x256xf32, #tpu.memory_space<vmem>>, vector<128x256xf32>
    %dot_general3A_24 = arith.constant dense<0.000000e+00> : vector<1000x256xf32>
    %dot_general3A_25 = tpu.matmul %get3A_20, %get3A_23, %dot_general3A_24 {dimension_numbers = #tpu.dot_dimension_numbers<[1], [0], [0], [1], [0, 0, 1, 1], [], []>, transpose_lhs_hint = false} : vector<1000x128xf32>, vector<128x256xf32>, vector<1000x256xf32> -> vector<1000x256xf32>
    %add3A = arith.addf %dot_general3A_17, %dot_general3A_25 : vector<1000x256xf32>
    %get3A_26 = arith.constant 0 : index
    %get3A_27 = arith.constant 0 : index
    %get3A_28 = vector.load %arg5[%get3A_26, %get3A_27] : memref<1x256xf32, #tpu.memory_space<vmem>>, vector<1x256xf32>
    %add3A_29 = vector.broadcast %get3A_28 : vector<1x256xf32> to vector<1000x256xf32>
    %add3A_30 = arith.addf %add3A, %add3A_29 : vector<1000x256xf32>
    %max3A_31 = arith.constant 0.000000e+00 : f32
    %max3A_32 = vector.broadcast %max3A_31 : f32 to vector<1000x256xf32>
    %max3A_33 = arith.maximumf %add3A_30, %max3A_32 : vector<1000x256xf32>
    %slice3A_34 = vector.extract_strided_slice %max3A_33 {offsets = [0, 0], sizes = [1000, 128], strides = [1, 1]} : vector<1000x256xf32> to vector<1000x128xf32>
    %swap3A = arith.constant 0 : index
    %swap3A_35 = arith.constant 0 : index
    %swap3A_36 = arith.constant 0 : index
    %swap3A_37 = vector.load %arg7[%swap3A, %swap3A_35, %swap3A_36] : memref<2x1000x128xf32, #tpu.memory_space<vmem>>, vector<1x1000x128xf32>
    %swap3A_38 = vector.shape_cast %swap3A_37 : vector<1x1000x128xf32> to vector<1000x128xf32>
    %swap3A_39 = vector.shape_cast %slice3A_34 : vector<1000x128xf32> to vector<1x1000x128xf32>
    tpu.vector_store %arg7[%swap3A, %swap3A_35, %swap3A_36], %swap3A_39 {strides = array<i32>} : memref<2x1000x128xf32, #tpu.memory_space<vmem>>, vector<1x1000x128xf32>,
    %slice3A_40 = vector.extract_strided_slice %max3A_33 {offsets = [0, 128], sizes = [1000, 128], strides = [1, 1]} : vector<1000x256xf32> to vector<1000x128xf32>
    %swap3A_41 = arith.constant 1 : index
    %swap3A_42 = arith.constant 0 : index
    %swap3A_43 = arith.constant 0 : index
    %swap3A_44 = vector.load %arg7[%swap3A_41, %swap3A_42, %swap3A_43] : memref<2x1000x128xf32, #tpu.memory_space<vmem>>, vector<1x1000x128xf32>
    %swap3A_45 = vector.shape_cast %swap3A_44 : vector<1x1000x128xf32> to vector<1000x128xf32>
    %swap3A_46 = vector.shape_cast %slice3A_40 : vector<1000x128xf32> to vector<1x1000x128xf32>
    tpu.vector_store %arg7[%swap3A_41, %swap3A_42, %swap3A_43], %swap3A_46 {strides = array<i32>} : memref<2x1000x128xf32, #tpu.memory_space<vmem>>, vector<1x1000x128xf32>,
    return
  }
  func.func @transform_0(%arg0: i32) -> (i32, i32, i32) {
    %jit3A = arith.constant 5 : i32
    %div3A = arith.divsi %arg0, %jit3A : i32
    %sign3A = arith.constant 0 : i32
    %sign3A_0 = arith.cmpi sgt, %arg0, %sign3A : i32
    %sign3A_1 = arith.extui %sign3A_0 : i1 to i32
    %sign3A_2 = arith.constant 0 : i32
    %sign3A_3 = arith.cmpi slt, %arg0, %sign3A_2 : i32
    %sign3A_4 = arith.extui %sign3A_3 : i1 to i32
    %sign3A_5 = arith.subi %sign3A_1, %sign3A_4 : i32
    %sign3A_6 = arith.constant 0 : i32
    %sign3A_7 = arith.cmpi sgt, %jit3A, %sign3A_6 : i32
    %sign3A_8 = arith.extui %sign3A_7 : i1 to i32
    %sign3A_9 = arith.constant 0 : i32
    %sign3A_10 = arith.cmpi slt, %jit3A, %sign3A_9 : i32
    %sign3A_11 = arith.extui %sign3A_10 : i1 to i32
    %sign3A_12 = arith.subi %sign3A_8, %sign3A_11 : i32
    %ne3A = arith.cmpi ne, %sign3A_5, %sign3A_12 : i32
    %rem3A = arith.remsi %arg0, %jit3A : i32
    %ne3A_13 = arith.constant 0 : i32
    %ne3A_14 = arith.cmpi ne, %rem3A, %ne3A_13 : i32
    %and3A = arith.andi %ne3A, %ne3A_14 : i1
    %sub3A = arith.constant 1 : i32
    %sub3A_15 = arith.subi %div3A, %sub3A : i32
    %select_n3A = arith.select %and3A, %sub3A_15, %div3A : i32
    %jit3A_16 = arith.constant 5 : i32
    %eq3A = arith.constant 0 : i32
    %eq3A_17 = arith.cmpi eq, %jit3A_16, %eq3A : i32
    %jit3A_18 = arith.constant 1 : i32
    %select_n3A_19 = arith.select %eq3A_17, %jit3A_18, %jit3A_16 : i32
    %rem3A_20 = arith.remsi %arg0, %select_n3A_19 : i32
    %ne3A_21 = arith.constant 0 : i32
    %ne3A_22 = arith.cmpi ne, %rem3A_20, %ne3A_21 : i32
    %lt3A = arith.constant 0 : i32
    %lt3A_23 = arith.cmpi slt, %rem3A_20, %lt3A : i32
    %lt3A_24 = arith.constant 0 : i32
    %lt3A_25 = arith.cmpi slt, %select_n3A_19, %lt3A_24 : i32
    %ne3A_26 = arith.xori %lt3A_23, %lt3A_25 : i1
    %and3A_27 = arith.andi %ne3A_26, %ne3A_22 : i1
    %add3A = arith.addi %rem3A_20, %select_n3A_19 : i32
    %select_n3A_28 = arith.select %and3A_27, %add3A, %rem3A_20 : i32
    %c0_i32 = arith.constant 0 : i32
    %c0_i32_29 = arith.constant 0 : i32
    return %select_n3A, %select_n3A_28, %c0_i32 : i32, i32, i32
  }
  func.func @transform_1(%arg0: i32) -> (i32, i32, i32) {
    %jit3A = arith.constant 5 : i32
    %div3A = arith.divsi %arg0, %jit3A : i32
    %sign3A = arith.constant 0 : i32
    %sign3A_0 = arith.cmpi sgt, %arg0, %sign3A : i32
    %sign3A_1 = arith.extui %sign3A_0 : i1 to i32
    %sign3A_2 = arith.constant 0 : i32
    %sign3A_3 = arith.cmpi slt, %arg0, %sign3A_2 : i32
    %sign3A_4 = arith.extui %sign3A_3 : i1 to i32
    %sign3A_5 = arith.subi %sign3A_1, %sign3A_4 : i32
    %sign3A_6 = arith.constant 0 : i32
    %sign3A_7 = arith.cmpi sgt, %jit3A, %sign3A_6 : i32
    %sign3A_8 = arith.extui %sign3A_7 : i1 to i32
    %sign3A_9 = arith.constant 0 : i32
    %sign3A_10 = arith.cmpi slt, %jit3A, %sign3A_9 : i32
    %sign3A_11 = arith.extui %sign3A_10 : i1 to i32
    %sign3A_12 = arith.subi %sign3A_8, %sign3A_11 : i32
    %ne3A = arith.cmpi ne, %sign3A_5, %sign3A_12 : i32
    %rem3A = arith.remsi %arg0, %jit3A : i32
    %ne3A_13 = arith.constant 0 : i32
    %ne3A_14 = arith.cmpi ne, %rem3A, %ne3A_13 : i32
    %and3A = arith.andi %ne3A, %ne3A_14 : i1
    %sub3A = arith.constant 1 : i32
    %sub3A_15 = arith.subi %div3A, %sub3A : i32
    %select_n3A = arith.select %and3A, %sub3A_15, %div3A : i32
    %jit3A_16 = arith.constant 5 : i32
    %eq3A = arith.constant 0 : i32
    %eq3A_17 = arith.cmpi eq, %jit3A_16, %eq3A : i32
    %jit3A_18 = arith.constant 1 : i32
    %select_n3A_19 = arith.select %eq3A_17, %jit3A_18, %jit3A_16 : i32
    %rem3A_20 = arith.remsi %arg0, %select_n3A_19 : i32
    %ne3A_21 = arith.constant 0 : i32
    %ne3A_22 = arith.cmpi ne, %rem3A_20, %ne3A_21 : i32
    %lt3A = arith.constant 0 : i32
    %lt3A_23 = arith.cmpi slt, %rem3A_20, %lt3A : i32
    %lt3A_24 = arith.constant 0 : i32
    %lt3A_25 = arith.cmpi slt, %select_n3A_19, %lt3A_24 : i32
    %ne3A_26 = arith.xori %lt3A_23, %lt3A_25 : i1
    %and3A_27 = arith.andi %ne3A_26, %ne3A_22 : i1
    %add3A = arith.addi %rem3A_20, %select_n3A_19 : i32
    %select_n3A_28 = arith.select %and3A_27, %add3A, %rem3A_20 : i32
    %c0_i32 = arith.constant 0 : i32
    %c0_i32_29 = arith.constant 0 : i32
    return %select_n3A, %select_n3A_28, %c0_i32 : i32, i32, i32
  }
  func.func @transform_2(%arg0: i32) -> (i32, i32) {
    %c0_i32 = arith.constant 0 : i32
    %c0_i32_0 = arith.constant 0 : i32
    return %arg0, %c0_i32 : i32, i32
  }
  func.func @transform_3(%arg0: i32) -> (i32, i32) {
    %c0_i32 = arith.constant 0 : i32
    %c0_i32_0 = arith.constant 0 : i32
    %c0_i32_1 = arith.constant 0 : i32
    return %c0_i32, %c0_i32_0 : i32, i32
  }
  func.func @transform_4(%arg0: i32) -> (i32, i32) {
    %c0_i32 = arith.constant 0 : i32
    %c0_i32_0 = arith.constant 0 : i32
    %c0_i32_1 = arith.constant 0 : i32
    return %c0_i32, %c0_i32_0 : i32, i32
  }
  func.func @transform_5(%arg0: i32) -> (i32, i32) {
    %c0_i32 = arith.constant 0 : i32
    %c0_i32_0 = arith.constant 0 : i32
    %c0_i32_1 = arith.constant 0 : i32
    return %c0_i32, %c0_i32_0 : i32, i32
  }
  func.func @transform_6(%arg0: i32) -> (i32, i32, i32) {
    %c0_i32 = arith.constant 0 : i32
    %c0_i32_0 = arith.constant 0 : i32
    %c0_i32_1 = arith.constant 0 : i32
    return %c0_i32, %arg0, %c0_i32_0 : i32, i32, i32
  }
}

module attributes {stable_mosaic.version = 14 : i64} {
  func.func @_tc3_body(%arg0: i32, %arg1: memref<8000x16xf32, #tpu.memory_space<vmem>>, %arg2: memref<8000x16xf32, #tpu.memory_space<vmem>>) attributes {dimension_semantics = [#tpu.dimension_semantics<arbitrary>], iteration_bounds = array<i64: 40>, scalar_prefetch = 0 : i64, scratch_operands = 0 : i64, tpu.core_type = #tpu.core_type<tc>, window_params = [{transform_indices = @transform_0, window_bounds = array<i64: 8000, 16>}, {transform_indices = @transform_1, window_bounds = array<i64: 8000, 16>}]} {
    %get3A = arith.constant 0 : index
    %get3A_0 = arith.constant 0 : index
    %get3A_1 = vector.load %arg1[%get3A, %get3A_0] : memref<8000x16xf32, #tpu.memory_space<vmem>>, vector<8000x16xf32>
    %neg3A = arith.constant 0.000000e+00 : f32
    %neg3A_2 = vector.broadcast %neg3A : f32 to vector<8000x16xf32>
    %neg3A_3 = arith.subf %neg3A_2, %get3A_1 : vector<8000x16xf32>
    %exp3A = math.exp %neg3A_3 : vector<8000x16xf32>
    %add3A = arith.constant 1.000000e+00 : f32
    %add3A_4 = vector.broadcast %add3A : f32 to vector<8000x16xf32>
    %add3A_5 = arith.addf %add3A_4, %exp3A : vector<8000x16xf32>
    %div3A = arith.constant 1.000000e+00 : f32
    %div3A_6 = vector.broadcast %div3A : f32 to vector<8000x16xf32>
    %div3A_7 = arith.divf %div3A_6, %add3A_5 : vector<8000x16xf32>
    %swap3A = arith.constant 0 : index
    %swap3A_8 = arith.constant 0 : index
    %swap3A_9 = vector.load %arg2[%swap3A, %swap3A_8] : memref<8000x16xf32, #tpu.memory_space<vmem>>, vector<8000x16xf32>
    tpu.vector_store %arg2[%swap3A, %swap3A_8], %div3A_7 {strides = array<i32>} : memref<8000x16xf32, #tpu.memory_space<vmem>>, vector<8000x16xf32>,
    return
  }
  func.func @transform_0(%arg0: i32) -> (i32, i32) {
    %c0_i32 = arith.constant 0 : i32
    %c0_i32_0 = arith.constant 0 : i32
    return %arg0, %c0_i32 : i32, i32
  }
  func.func @transform_1(%arg0: i32) -> (i32, i32) {
    %c0_i32 = arith.constant 0 : i32
    %c0_i32_0 = arith.constant 0 : i32
    return %arg0, %c0_i32 : i32, i32
  }
}

module attributes {stable_mosaic.version = 14 : i64} {
  func.func @_tc2_body(%arg0: i32, %arg1: memref<2x1000x128xf32, #tpu.memory_space<vmem>>, %arg2: memref<1x1000x128xf32, #tpu.memory_space<vmem>>, %arg3: memref<2x1000x128xf32, #tpu.memory_space<vmem>>, %arg4: memref<256x256xf32, #tpu.memory_space<vmem>>, %arg5: memref<1x256xf32, #tpu.memory_space<vmem>>, %arg6: memref<256x256xf32, #tpu.memory_space<vmem>>, %arg7: memref<1000x256xf32, #tpu.memory_space<vmem>>) attributes {dimension_semantics = [#tpu.dimension_semantics<arbitrary>], iteration_bounds = array<i64: 10>, scalar_prefetch = 0 : i64, scratch_operands = 0 : i64, tpu.core_type = #tpu.core_type<tc>, window_params = [{transform_indices = @transform_0, window_bounds = array<i64: 2, 1000, 128>}, {transform_indices = @transform_1, window_bounds = array<i64: 1, 1000, 128>}, {transform_indices = @transform_2, window_bounds = array<i64: 2, 1000, 128>}, {pipeline_mode = #tpu.pipeline_mode<synchronous>, transform_indices = @transform_3, window_bounds = array<i64: 256, 256>}, {pipeline_mode = #tpu.pipeline_mode<synchronous>, transform_indices = @transform_4, window_bounds = array<i64: 1, 256>}, {pipeline_mode = #tpu.pipeline_mode<synchronous>, transform_indices = @transform_5, window_bounds = array<i64: 256, 256>}, {transform_indices = @transform_6, window_bounds = array<i64: 1000, 256>}]} {
    %get3A = arith.constant 0 : index
    %get3A_0 = arith.constant 0 : index
    %get3A_1 = arith.constant 0 : index
    %get3A_2 = vector.load %arg2[%get3A, %get3A_0, %get3A_1] : memref<1x1000x128xf32, #tpu.memory_space<vmem>>, vector<1x1000x128xf32>
    %get3A_3 = vector.shape_cast %get3A_2 : vector<1x1000x128xf32> to vector<1000x128xf32>
    %slice3A = vector.extract_strided_slice %get3A_3 {offsets = [0, 0], sizes = [1000, 1], strides = [1, 1]} : vector<1000x128xf32> to vector<1000x1xf32>
    %max3A = arith.constant 1.000000e+00 : f32
    %max3A_4 = vector.broadcast %max3A : f32 to vector<1000x1xf32>
    %max3A_5 = arith.maximumf %slice3A, %max3A_4 : vector<1000x1xf32>
    %div3A = arith.constant 1.000000e+00 : f32
    %div3A_6 = vector.broadcast %div3A : f32 to vector<1000x1xf32>
    %div3A_7 = arith.divf %div3A_6, %max3A_5 : vector<1000x1xf32>
    %get3A_8 = arith.constant 0 : index
    %get3A_9 = arith.constant 0 : index
    %get3A_10 = arith.constant 0 : index
    %get3A_11 = vector.load %arg1[%get3A_8, %get3A_9, %get3A_10] : memref<2x1000x128xf32, #tpu.memory_space<vmem>>, vector<1x1000x128xf32>
    %get3A_12 = vector.shape_cast %get3A_11 : vector<1x1000x128xf32> to vector<1000x128xf32>
    %mul3A = vector.broadcast %div3A_7 : vector<1000x1xf32> to vector<1000x128xf32>
    %mul3A_13 = arith.mulf %get3A_12, %mul3A : vector<1000x128xf32>
    %get3A_14 = arith.constant 0 : index
    %get3A_15 = arith.constant 0 : index
    %get3A_16 = vector.load %arg4[%get3A_14, %get3A_15] : memref<256x256xf32, #tpu.memory_space<vmem>>, vector<128x256xf32>
    %dot_general3A = arith.constant dense<0.000000e+00> : vector<1000x256xf32>
    %dot_general3A_17 = tpu.matmul %mul3A_13, %get3A_16, %dot_general3A {dimension_numbers = #tpu.dot_dimension_numbers<[1], [0], [0], [1], [0, 0, 1, 1], [], []>, transpose_lhs_hint = false} : vector<1000x128xf32>, vector<128x256xf32>, vector<1000x256xf32> -> vector<1000x256xf32>
    %get3A_18 = arith.constant 1 : index
    %get3A_19 = arith.constant 0 : index
    %get3A_20 = arith.constant 0 : index
    %get3A_21 = vector.load %arg1[%get3A_18, %get3A_19, %get3A_20] : memref<2x1000x128xf32, #tpu.memory_space<vmem>>, vector<1x1000x128xf32>
    %get3A_22 = vector.shape_cast %get3A_21 : vector<1x1000x128xf32> to vector<1000x128xf32>
    %mul3A_23 = vector.broadcast %div3A_7 : vector<1000x1xf32> to vector<1000x128xf32>
    %mul3A_24 = arith.mulf %get3A_22, %mul3A_23 : vector<1000x128xf32>
    %get3A_25 = arith.constant 128 : index
    %get3A_26 = arith.constant 0 : index
    %get3A_27 = vector.load %arg4[%get3A_25, %get3A_26] : memref<256x256xf32, #tpu.memory_space<vmem>>, vector<128x256xf32>
    %dot_general3A_28 = arith.constant dense<0.000000e+00> : vector<1000x256xf32>
    %dot_general3A_29 = tpu.matmul %mul3A_24, %get3A_27, %dot_general3A_28 {dimension_numbers = #tpu.dot_dimension_numbers<[1], [0], [0], [1], [0, 0, 1, 1], [], []>, transpose_lhs_hint = false} : vector<1000x128xf32>, vector<128x256xf32>, vector<1000x256xf32> -> vector<1000x256xf32>
    %add3A = arith.addf %dot_general3A_17, %dot_general3A_29 : vector<1000x256xf32>
    %get3A_30 = arith.constant 0 : index
    %get3A_31 = arith.constant 0 : index
    %get3A_32 = arith.constant 0 : index
    %get3A_33 = vector.load %arg3[%get3A_30, %get3A_31, %get3A_32] : memref<2x1000x128xf32, #tpu.memory_space<vmem>>, vector<1x1000x128xf32>
    %get3A_34 = vector.shape_cast %get3A_33 : vector<1x1000x128xf32> to vector<1000x128xf32>
    %get3A_35 = arith.constant 0 : index
    %get3A_36 = arith.constant 0 : index
    %get3A_37 = vector.load %arg6[%get3A_35, %get3A_36] : memref<256x256xf32, #tpu.memory_space<vmem>>, vector<128x256xf32>
    %dot_general3A_38 = arith.constant dense<0.000000e+00> : vector<1000x256xf32>
    %dot_general3A_39 = tpu.matmul %get3A_34, %get3A_37, %dot_general3A_38 {dimension_numbers = #tpu.dot_dimension_numbers<[1], [0], [0], [1], [0, 0, 1, 1], [], []>, transpose_lhs_hint = false} : vector<1000x128xf32>, vector<128x256xf32>, vector<1000x256xf32> -> vector<1000x256xf32>
    %add3A_40 = arith.addf %add3A, %dot_general3A_39 : vector<1000x256xf32>
    %get3A_41 = arith.constant 1 : index
    %get3A_42 = arith.constant 0 : index
    %get3A_43 = arith.constant 0 : index
    %get3A_44 = vector.load %arg3[%get3A_41, %get3A_42, %get3A_43] : memref<2x1000x128xf32, #tpu.memory_space<vmem>>, vector<1x1000x128xf32>
    %get3A_45 = vector.shape_cast %get3A_44 : vector<1x1000x128xf32> to vector<1000x128xf32>
    %get3A_46 = arith.constant 128 : index
    %get3A_47 = arith.constant 0 : index
    %get3A_48 = vector.load %arg6[%get3A_46, %get3A_47] : memref<256x256xf32, #tpu.memory_space<vmem>>, vector<128x256xf32>
    %dot_general3A_49 = arith.constant dense<0.000000e+00> : vector<1000x256xf32>
    %dot_general3A_50 = tpu.matmul %get3A_45, %get3A_48, %dot_general3A_49 {dimension_numbers = #tpu.dot_dimension_numbers<[1], [0], [0], [1], [0, 0, 1, 1], [], []>, transpose_lhs_hint = false} : vector<1000x128xf32>, vector<128x256xf32>, vector<1000x256xf32> -> vector<1000x256xf32>
    %add3A_51 = arith.addf %add3A_40, %dot_general3A_50 : vector<1000x256xf32>
    %get3A_52 = arith.constant 0 : index
    %get3A_53 = arith.constant 0 : index
    %get3A_54 = vector.load %arg5[%get3A_52, %get3A_53] : memref<1x256xf32, #tpu.memory_space<vmem>>, vector<1x256xf32>
    %add3A_55 = vector.broadcast %get3A_54 : vector<1x256xf32> to vector<1000x256xf32>
    %add3A_56 = arith.addf %add3A_51, %add3A_55 : vector<1000x256xf32>
    %neg3A = arith.constant 0.000000e+00 : f32
    %neg3A_57 = vector.broadcast %neg3A : f32 to vector<1000x256xf32>
    %neg3A_58 = arith.subf %neg3A_57, %add3A_56 : vector<1000x256xf32>
    %exp3A = math.exp %neg3A_58 : vector<1000x256xf32>
    %add3A_59 = arith.constant 1.000000e+00 : f32
    %add3A_60 = vector.broadcast %add3A_59 : f32 to vector<1000x256xf32>
    %add3A_61 = arith.addf %add3A_60, %exp3A : vector<1000x256xf32>
    %div3A_62 = arith.constant 1.000000e+00 : f32
    %div3A_63 = vector.broadcast %div3A_62 : f32 to vector<1000x256xf32>
    %div3A_64 = arith.divf %div3A_63, %add3A_61 : vector<1000x256xf32>
    %swap3A = arith.constant 0 : index
    %swap3A_65 = arith.constant 0 : index
    %swap3A_66 = vector.load %arg7[%swap3A, %swap3A_65] : memref<1000x256xf32, #tpu.memory_space<vmem>>, vector<1000x256xf32>
    tpu.vector_store %arg7[%swap3A, %swap3A_65], %div3A_64 {strides = array<i32>} : memref<1000x256xf32, #tpu.memory_space<vmem>>, vector<1000x256xf32>,
    return
  }
  func.func @transform_0(%arg0: i32) -> (i32, i32, i32) {
    %c0_i32 = arith.constant 0 : i32
    %c0_i32_0 = arith.constant 0 : i32
    %c0_i32_1 = arith.constant 0 : i32
    return %c0_i32, %arg0, %c0_i32_0 : i32, i32, i32
  }
  func.func @transform_1(%arg0: i32) -> (i32, i32, i32) {
    %jit3A = arith.constant 5 : i32
    %div3A = arith.divsi %arg0, %jit3A : i32
    %sign3A = arith.constant 0 : i32
    %sign3A_0 = arith.cmpi sgt, %arg0, %sign3A : i32
    %sign3A_1 = arith.extui %sign3A_0 : i1 to i32
    %sign3A_2 = arith.constant 0 : i32
    %sign3A_3 = arith.cmpi slt, %arg0, %sign3A_2 : i32
    %sign3A_4 = arith.extui %sign3A_3 : i1 to i32
    %sign3A_5 = arith.subi %sign3A_1, %sign3A_4 : i32
    %sign3A_6 = arith.constant 0 : i32
    %sign3A_7 = arith.cmpi sgt, %jit3A, %sign3A_6 : i32
    %sign3A_8 = arith.extui %sign3A_7 : i1 to i32
    %sign3A_9 = arith.constant 0 : i32
    %sign3A_10 = arith.cmpi slt, %jit3A, %sign3A_9 : i32
    %sign3A_11 = arith.extui %sign3A_10 : i1 to i32
    %sign3A_12 = arith.subi %sign3A_8, %sign3A_11 : i32
    %ne3A = arith.cmpi ne, %sign3A_5, %sign3A_12 : i32
    %rem3A = arith.remsi %arg0, %jit3A : i32
    %ne3A_13 = arith.constant 0 : i32
    %ne3A_14 = arith.cmpi ne, %rem3A, %ne3A_13 : i32
    %and3A = arith.andi %ne3A, %ne3A_14 : i1
    %sub3A = arith.constant 1 : i32
    %sub3A_15 = arith.subi %div3A, %sub3A : i32
    %select_n3A = arith.select %and3A, %sub3A_15, %div3A : i32
    %jit3A_16 = arith.constant 5 : i32
    %eq3A = arith.constant 0 : i32
    %eq3A_17 = arith.cmpi eq, %jit3A_16, %eq3A : i32
    %jit3A_18 = arith.constant 1 : i32
    %select_n3A_19 = arith.select %eq3A_17, %jit3A_18, %jit3A_16 : i32
    %rem3A_20 = arith.remsi %arg0, %select_n3A_19 : i32
    %ne3A_21 = arith.constant 0 : i32
    %ne3A_22 = arith.cmpi ne, %rem3A_20, %ne3A_21 : i32
    %lt3A = arith.constant 0 : i32
    %lt3A_23 = arith.cmpi slt, %rem3A_20, %lt3A : i32
    %lt3A_24 = arith.constant 0 : i32
    %lt3A_25 = arith.cmpi slt, %select_n3A_19, %lt3A_24 : i32
    %ne3A_26 = arith.xori %lt3A_23, %lt3A_25 : i1
    %and3A_27 = arith.andi %ne3A_26, %ne3A_22 : i1
    %add3A = arith.addi %rem3A_20, %select_n3A_19 : i32
    %select_n3A_28 = arith.select %and3A_27, %add3A, %rem3A_20 : i32
    %c0_i32 = arith.constant 0 : i32
    %c0_i32_29 = arith.constant 0 : i32
    return %select_n3A, %select_n3A_28, %c0_i32 : i32, i32, i32
  }
  func.func @transform_2(%arg0: i32) -> (i32, i32, i32) {
    %c0_i32 = arith.constant 0 : i32
    %c0_i32_0 = arith.constant 0 : i32
    %c0_i32_1 = arith.constant 0 : i32
    return %c0_i32, %arg0, %c0_i32_0 : i32, i32, i32
  }
  func.func @transform_3(%arg0: i32) -> (i32, i32) {
    %c0_i32 = arith.constant 0 : i32
    %c0_i32_0 = arith.constant 0 : i32
    %c0_i32_1 = arith.constant 0 : i32
    return %c0_i32, %c0_i32_0 : i32, i32
  }
  func.func @transform_4(%arg0: i32) -> (i32, i32) {
    %c0_i32 = arith.constant 0 : i32
    %c0_i32_0 = arith.constant 0 : i32
    %c0_i32_1 = arith.constant 0 : i32
    return %c0_i32, %c0_i32_0 : i32, i32
  }
  func.func @transform_5(%arg0: i32) -> (i32, i32) {
    %c0_i32 = arith.constant 0 : i32
    %c0_i32_0 = arith.constant 0 : i32
    %c0_i32_1 = arith.constant 0 : i32
    return %c0_i32, %c0_i32_0 : i32, i32
  }
  func.func @transform_6(%arg0: i32) -> (i32, i32) {
    %c0_i32 = arith.constant 0 : i32
    %c0_i32_0 = arith.constant 0 : i32
    return %arg0, %c0_i32 : i32, i32
  }
}

</mosaic_0001>

<sc_bundles>
// kernel: kernel.11.cloned.1.call-start
scs
__scs_entry_jumppad:
0x0: {  	(pc) =	sbr.rel $0x88, $3  }
0x1: {  	(tag) =	ssettag $0x0;
	lr =	simm.s32 $0x1  }
0x2: {  	[smem:$0x3F98] =	sst lr;
	_ =	strace $0xD0000000  }
0x3: {  	_ = 	snop  }
0x4: {  	_ = 	snop  }
0x5: {  	_ = 	snop  }
0x6: {  	_ = 	snop  }
0x7: {  	_ = 	snop  }
__scs_overlays_trampoline_lowered:
0x8: {  	[smem:$0x3FA7] =	sst s0  }
0x9: {  	[smem:$0x3FA8] =	sst s1  }
0xa: {  	[smem:$0x3FA9] =	sst s2  }
0xb: {  	[smem:$0x3FAA] =	sst s3  }
0xc: {  	[smem:$0x3FAB] =	sst s4  }
0xd: {  	[smem:$0x3FAC] =	sst s5  }
0xe: {  	[smem:$0x3FAD] =	sst s6  }
0xf: {  	[smem:$0x3FAE] =	sst s7  }
0x10: {  	[smem:$0x3FAF] =	sst s8  }
0x11: {  	[smem:$0x3FB0] =	sst s9;
	s0 =	simm.s32 @!p0 $0x0  }
0x12: {  	s1 =	sld [smem:$0x3F96];
	s0 =	simm.s32 @p0 $0x1  }
0x13: {  	[smem:$0x3FB1] =	sst s0;
	s0 =	simm.s32 @!p1 $0x0  }
0x14: {  	s2 =	sld [smem:$0x3F95];
	s0 =	simm.s32 @p1 $0x1  }
0x15: {  	[smem:$0x3FB2] =	sst s0;
	s0 =	simm.s32 @!p2 $0x0  }
0x16: {  	s3 =	sld [smem:$0x3FDB];
	s0 =	simm.s32 @p2 $0x1  }
0x17: {  	s4 =	simm.s32 $0x1BF5;
	[smem:$0x3FB4] =	sst s0  }
0x18: {  	s0 =	sld [smem:$0x3F97];
	_ =	swait.ge [sflag:s4], $0x0  }
0x19: {  	s7 =	sld [smem:$0x3F98]  }
0x1a: {  	s8 =	sadd.s32 $0xFFFFE003, lr  }
0x1b: {  	s9 =	sadd.s32 $0xFFFFFEF7, lr;
	s5 =	simm.s32 $0xFFFFFFFF;
	p2 =	slt.u32 s8, $0xFFFFF086  }
0x1c: {  	p1 =	slt.u32 s9, $0xF7A;
	s5 =	simm.s32 @!p2 $0x0  }
0x1d: {  	s5 =	simm.s32 @p1 $0x1;
	p0 =	seq.s32 s7, s2  }
0x1e: {  	s7 =	smul.u32 @!p0 $0xF7A, s2;
	p2 =	seq.s32 @!p0 s5, $0x0  }
0x1f: {  	s9 =	smul.u32 $0xF7A, s1;
	s8 =	simm.s32 @!p0 $0x1BF5;
	p2 =	por !p2, p0  }
0x20: {  	[sflag:s8] =	ssyncset.s32 @!p0 $0xFFFFF086;
	s6 =	sadd.s32 @!p0 s3, s7;
	s7 =	simm.s32 @!p0 $0x108  }
0x21: {  	s3 =	sadd.s32 s3, s9;
	s6 =	sadd.s32 @!p0 $0x88, s6;
	s7 =	simm.s32 @p2 $0x1082  }
0x22: {  	[simem:s7], [sflag:s8] =	dma.local @!p0 [hbm:s6], $0xF7A  }
0x23: {  	s9 =	sor.u32 $0xD0000000, s2;
	s6 =	simm.s32 $0x108;
	_ =	swait.ge @!p0 [sflag:s8], $0x0  }
0x24: {  	s3 =	sadd.s32 $0x88, s3;
	s6 =	simm.s32 @!p1 $0x1082;
	[sflag:s4] =	ssyncset.s32 $0xFFFFF086  }
0x25: {  	[simem:s6], [sflag:s4] =	dma.local [hbm:s3], $0xF7A  }
0x26: {  	[smem:$0x3F98] =	sst s1;
	(tag) =	ssettag s2;
	_ =	strace s9  }
0x27: {  	s1 =	sld [smem:$0x3FA8]  }
0x28: {  	s2 =	sld [smem:$0x3FA9]  }
0x29: {  	s4 =	sld [smem:$0x3FAB]  }
0x2a: {  	p0 =	seq.s32 s5, $0x0;
	s5 =	sld [smem:$0x3FAC]  }
0x2b: {  	s6 =	sld [smem:$0x3FAD]  }
0x2c: {  	s7 =	sld [smem:$0x3FAE]  }
0x2d: {  	s3 =	simm.s32 $0x108;
	s8 =	sld [smem:$0x3FAF]  }
0x2e: {  	s3 =	simm.s32 @!p0 $0x1082;
	s9 =	sld [smem:$0x3FB0]  }
0x2f: {  	lr =	sadd.s32 s0, s3;
	s0 =	sld [smem:$0x3FA7]  }
0x30: {  	s3 =	sld [smem:$0x3FAA]  }
0x31: {  	[smem:$0x3FB3] =	sst s10  }
0x32: {  	s10 =	sld [smem:$0x3FB1];
	_ =	sdelay $0x3  }
0x33: {  	p0 =	seq.s32 s10, $0x1;
	s10 =	sld [smem:$0x3FB3];
	_ =	sdelay $0x3  }
0x34: {  	[smem:$0x3FB3] =	sst s10  }
0x35: {  	s10 =	sld [smem:$0x3FB2];
	_ =	sdelay $0x3  }
0x36: {  	p1 =	seq.s32 s10, $0x1;
	s10 =	sld [smem:$0x3FB3];
	_ =	sdelay $0x3  }
0x37: {  	[smem:$0x3FB3] =	sst s10  }
0x38: {  	s10 =	sld [smem:$0x3FB4]  }
0x39: {  	_ = 	snop;
	(pc) =	sbr.ind lr, $3  }
0x3a: {  	_ = 	snop  }
0x3b: {  	_ = 	snop  }
0x3c: {  	p2 =	seq.s32 s10, $0x1;
	s10 =	sld [smem:$0x3FB3]  }
0x3d: {  	_ =	shalt  }
0x3e: {  	_ =	shalt  }
0x3f: {  	_ =	shalt  }
0x40: {  	_ =	shalt  }
0x41: {  	_ =	shalt  }
0x42: {  	_ =	shalt  }
0x43: {  	_ =	shalt  }
0x44: {  	_ =	shalt  }
0x45: {  	_ =	shalt  }
0x46: {  	_ =	shalt  }
0x47: {  	_ =	shalt  }
0x48: {  	_ =	shalt  }
0x49: {  	_ =	shalt  }
0x4a: {  	_ =	shalt  }
0x4b: {  	_ =	shalt  }
0x4c: {  	_ =	shalt  }
0x4d: {  	_ =	shalt  }
0x4e: {  	_ =	shalt  }
0x4f: {  	_ =	shalt  }
0x50: {  	_ =	shalt  }
0x51: {  	_ =	shalt  }
0x52: {  	_ =	shalt  }
0x53: {  	_ =	shalt  }
0x54: {  	_ =	shalt  }
0x55: {  	_ =	shalt  }
0x56: {  	_ =	shalt  }
0x57: {  	_ =	shalt  }
0x58: {  	_ =	shalt  }
0x59: {  	_ =	shalt  }
0x5a: {  	_ =	shalt  }
0x5b: {  	_ =	shalt  }
0x5c: {  	_ =	shalt  }
0x5d: {  	_ =	shalt  }
0x5e: {  	_ =	shalt  }
0x5f: {  	_ =	shalt  }
0x60: {  	_ =	shalt  }
0x61: {  	_ =	shalt  }
0x62: {  	_ =	shalt  }
0x63: {  	_ =	shalt  }
0x64: {  	_ =	shalt  }
0x65: {  	_ =	shalt  }
0x66: {  	_ =	shalt  }
0x67: {  	_ =	shalt  }
0x68: {  	_ =	shalt  }
0x69: {  	_ =	shalt  }
0x6a: {  	_ =	shalt  }
0x6b: {  	_ =	shalt  }
0x6c: {  	_ =	shalt  }
0x6d: {  	_ =	shalt  }
0x6e: {  	_ =	shalt  }
0x6f: {  	_ =	shalt  }
0x70: {  	_ =	shalt  }
0x71: {  	_ =	shalt  }
0x72: {  	_ =	shalt  }
0x73: {  	_ =	shalt  }
0x74: {  	_ =	shalt  }
0x75: {  	_ =	shalt  }
0x76: {  	_ =	shalt  }
0x77: {  	_ =	shalt  }
0x78: {  	_ =	shalt  }
0x79: {  	_ =	shalt  }
0x7a: {  	_ =	shalt  }
0x7b: {  	_ =	shalt  }
0x7c: {  	_ =	shalt  }
0x7d: {  	_ =	shalt  }
0x7e: {  	_ =	shalt  }
0x7f: {  	_ =	shalt  }
0x80: {  	_ =	shalt  }
0x81: {  	_ =	shalt  }
0x82: {  	_ =	shalt  }
0x83: {  	_ =	shalt  }
0x84: {  	_ =	shalt  }
0x85: {  	_ =	shalt  }
0x86: {  	_ =	shalt  }
0x87: {  	_ =	shalt  }
.Lfunc_end0:
.L_simem_size_0:
called_computation.1_lowered:
.L_overlay_start_0:
0x88: {  	s2 =	sld [smem:$0x3FD9]  }
0x89: {  	s3 =	sld [smem:$0x3FFE];
	_ =	sdelay $0x1  }
0x8a: {  	s1 =	srdreg.scid  }
0x8b: {  	s0 =	sand.u32 $0x1, s1  }
0x8c: {  	s16 =	sshll.u32 s0, $0xA;
	s2 =	sadd.s32 s3, s2  }
0x8d: {  	s2 =	sadd.s32 s2, s16  }
0x8e: {  	[smem:$0x3FBF] =	sst s2  }
0x8f: {  	_ = 	snop  }
0x90: {  	(tm) =	ssettm $0x1  }
0x91: {  	s17 =	sld [smem:$0x3FFB];
	_ =	sdelay $0x3  }
0x92: {  	_ =	strace s17  }
0x93: {  	s2 =	sld [smem:$0x3FFC];
	_ =	sdelay $0x3  }
0x94: {  	_ =	strace s2  }
0x95: {  	s2 =	sld [smem:$0x3FFD];
	_ =	sdelay $0x3  }
0x96: {  	_ =	strace s2  }
0x97: {  	_ =	strace $0x8FFFFFFF  }
0x98: {  	s18 =	sld [smem:$0x3FDB];
	_ =	sdelay $0x1  }
0x99: {  	s19 =	simm.s32 $_scs_section_size  }
0x9a: {  	s4 =	simm.s32 $_size__tile_overlayer_lowered;
	s5 =	simm.s32 $_tile_overlayer_lowered  }
0x9b: {  	s22 =	simm.s32 $0x1BFF;
	s21 =	sshll.u32 s5, $0x1;
	s2 =	sadd.s32 s19, s18  }
0x9c: {  	s6 =	simm.s32 $0x0;
	s20 =	sshll.u32 s4, $0x1;
	s4 =	sadd.s32 s21, s2  }
0x9d: {  	[timem:s6], [sflag:s22] =	dma.local [hbm:s4], s20  }
0x9e: {  	_ =	swait.ge [sflag:s22], s20  }
0x9f: {  	s3 =	ssub.s32 $0x0, s20;
	[sflag:s22] =	ssyncset.done $0x0  }
0xa0: {  	[sflag:s22] =	ssyncadd.s32 s3;
	_ =	sdelay $0x1  }
0xa1: {  	s23 =	simm.s32 $0x1B8B  }
0xa2: {  	_ =	swait.ge [sflag:s23], $0x1  }
0xa3: {  	[sflag:s23] =	ssyncset.done $0x0  }
0xa4: {  	s25 =	simm.s32 $0x1B8E;
	s24 =	sld [smem:$0x3FFE];
	[sflag:s23] =	ssyncadd.s32 $0xFFFFFFFF  }
0xa5: {  	s26 =	simm.s32 $execute0_lowered;
	[smem:$0x3FD2] =	sst s25  }
0xa6: {  	s4 =	sshll.u32 s26, $0x1;
	_ =	strace $0x80000049;
	[dreg:$0x1] =	wrdreg $0xFFFFFFFF  }
0xa7: {  	s28 =	simm.s32 $_size_execute0_lowered;
	s2 =	sadd.s32 s2, s4;
	[dreg:$0x0] =	wrdreg $0x0  }
0xa8: {  	s4 =	sshll.u32 s28, $0x1;
	[dreg:$0x2] =	wrdreg s2  }
0xa9: {  	[dreg:$0x3] =	wrdreg s4  }
0xaa: {  	[dreg:$0x4] =	wrdreg $0xC0  }
0xab: {  	_ =	task [dreg:s6], $0x5FFFF  }
0xac: {  	[dreg:$0x1] =	wrdreg $0xFFFFFFFF  }
0xad: {  	[dreg:$0x0] =	wrdreg $0x60  }
0xae: {  	[dreg:$0x2] =	wrdreg s24  }
0xaf: {  	[dreg:$0x3] =	wrdreg $0x0  }
0xb0: {  	[dreg:$0x4] =	wrdreg $0x9  }
0xb1: {  	_ =	task.clear_ibuf [dreg:s6], $0x5FFFF;
	_ =	strace $0x90000049  }
0xb2: {  	s29 =	simm.s32 $0x9;
	_ =	strace $0x8000004B  }
0xb3: {  	_ =	swait.ge [sflag:s29], $0x1  }
0xb4: {  	[sflag:s29] =	ssyncadd.s32 $0xFFFFFFFF  }
0xb5: {  	_ =	strace $0x9000004B  }
0xb6: {  	_ =	sfence  }
0xb7: {  	s30 =	sld [smem:$0x0];
	_ =	sdelay $0x2  }
0xb8: {  	s31 =	sshll.u32 s1, $0xD;
	s1 =	sshrl.u32 s1, $0x2  }
0xb9: {  	s3 =	sand.u32 $0x4000, s31;
	s1 =	sadd.s32 s1, s30  }
0xba: {  	s0 =	sor.u32 s3, s0;
	s1 =	sshll.u32 s1, $0x11  }
0xbb: {  	s0 =	sor.u32 s1, s0  }
0xbc: {  	s0 =	sadd.s32 $0x8F2B, s0  }
0xbd: {  	[sflag:s0] =	ssyncadd.remote.s32 $0x1  }
0xbe: {  	_ =	sfence.sel $0xFFFF  }
0xbf: {  	[dreg:$0x0] =	wrdreg $0xFFFFFFFF;
	(pc) =	sbr.abs _section_cstart, $3  }
0xc0: {  	[dreg:$0x1] =	wrdreg $0xFFFFFFFF  }
0xc1: {  	_ =	task.clear_ibuf [dreg:s6], $0x2FFFF;
	_ =	strace $0x9FFFFFFF  }
0xc2: {  	(tm) =	ssettm $0x7FFFFFFF  }
0xc3: {  	_ =	shalt  }
tec
execute0_lowered:
.L_overlay_start_1:
0x0: {  	(tag) =	ssettag $0x1  }
0x1: {  	s0 =	srdreg.scid;
	s1 =	rddreg [dreg:$0x0]  }
0x2: {  	s11 =	stileid.u32;
	s2 =	rddreg [dreg:$0x1]  }
0x3: {  	s3 =	simm.s32 $0x0;
	s12 =	simm.s32 $0x14800;
	s13 =	simm.s32 $0x50  }
0x4: {  	s25 =	simm.s32 $0x14080;
	s14 =	simm.s32 $0x15000;
	s26 =	simm.s32 $0x14100  }
0x5: {  	s15 =	simm.s32 $0x17800;
	s16 =	simm.s32 $0x1;
	s17 =	simm.s32 $0x2  }
0x6: {  	s18 =	simm.s32 $0x14880;
	s28 =	simm.s32 $0x14380;
	s5 =	smul.u32 $0xC800, s11  }
0x7: {  	s29 =	simm.s32 $0x14B00;
	s30 =	simm.s32 $0x14400;
	s19 =	smul.u32 $0x1900, s11  }
0x8: {  	s31 =	simm.s32 $0x14B80;
	s0 =	sand.u32 $0x1, s0;
	s7 =	smul.u32 $0x14000, s11  }
0x9: {  	[smem:$0x7FF] =	sst s3;
	s10 =	smul.u32 $0x50000, s11;
	s23 =	sshll.u32 s11, $0x6  }
0xa: {  	s11 =	simm.s32 $0x14000;
	s4 =	smul.u32 $0xC8000, s0;
	_ =	strace $0x8000004A  }
0xb: {  	s8 =	smul.u32 $0x140000, s0;
	s0 =	ssub.s32 $0x2, s0;
	[dreg:$0x5] =	wrdreg s25  }
0xc: {  	[dreg:$0x6] =	wrdreg s26;
	s25 =	simm.s32 $0x14300;
	s26 =	simm.s32 $0x14A80  }
0xd: {  	s9 =	sshrl.u32 s7, $0x3;
	s20 =	sshrl.u32 s0, $0x1;
	s10 =	sshrl.u32 s10, $0x2  }
0xe: {  	s4 =	sadd.s32 s4, s5;
	s5 =	sadd.s32 s19, s1;
	s9 =	sadd.s32 s9, s1  }
0xf: {  	s7 =	sadd.s32 s7, s8;
	s0 =	ssub.s32 s0, s20;
	s21 =	sadd.s32 s10, s2  }
0x10: {  	s8 =	sor.u32 $0x1C03, s23;
	s10 =	simm.s32 $0x3;
	s19 =	simm.s32 $0x14180  }
0x11: {  	s20 =	simm.s32 $0x14900;
	s23 =	simm.s32 $0x14280;
	s6 =	sshrl.u32 s4, $0x3  }
0x12: {  	s4 =	sadd.s32 $0xDF800, s1;
	s7 =	sshrl.u32 s7, $0x3;
	s22 =	sadd.s32 $0x1C800, s9  }
0x13: {  	s5 =	sadd.s32 $0x94800, s5;
	s0 =	smax.u32 s0, $0x1;
	[dreg:$0x8] =	wrdreg s8  }
0x14: {  	s9 =	sshrl.u32 s21, $0x3;
	s21 =	simm.s32 $0x14200;
	[dreg:$0x7] =	wrdreg s22  }
0x15: {  	s6 =	sadd.s32 s6, s1;
	s1 =	sadd.s32 s7, s1;
	[dreg:$0xa] =	wrdreg s0  }
0x16: {  	[dreg:$0x4] =	wrdreg s5;
	s22 =	simm.s32 $0x14980;
	s0 =	simm.s32 $0x14C00  }
0x17: {  	s5 =	simm.s32 $0x14C80;
	[dreg:$0xb] =	wrdreg s9;
	s24 =	sadd.s32 $0xAD800, s6  }
0x18: {  	s7 =	simm.s32 $0x0;
	s1 =	sadd.s32 $0x12DA00, s1;
	[dreg:$0x3] =	wrdreg s24  }
0x19: {  	[dreg:$0x9] =	wrdreg s1;
	s24 =	simm.s32 $0x14A00;
	s1 =	simm.s32 $0x14480  }
.LBB2_1:
0x1a: {  	s6 =	rddreg [dreg:$0x7]  }
0x1b: {  	[spmem:s9], [sflag:s8] =	dma.local [hbm:s6], $0x2800  }
0x1c: {  	_ =	swait.ge [sflag:s10], $0x2800  }
0x1d: {  	[sflag:s10] =	ssyncset.done $0x0  }
0x1e: {  	[sflag:s10] =	ssyncadd.s32 $0xFFFFD800  }
0x1f: {  	[bflag:$0x0] =	sbarrier.arrive $0xFFFF  }
0x20: {  	s6 =	rddreg [dreg:$0x3]  }
0x21: {  	s8 =	sadd.s32 $0x0, s6  }
0x22: {  	[tilespmem:s11], [sflag:$0x3] =	stream.linear.gather [hbm4b:s8+s3], $0x500, $0x38;
	[tilespmem:$0x1A000] =	vst v63  }
0x23: {  	_ =	swait.ge [sflag:s10], $0x500  }
0x24: {  	s9 =	rddreg [dreg:$0x4];
	[sflag:s10] =	ssyncset.done $0x0  }
0x25: {  	[sflag:s10] =	ssyncadd.s32 $0xFFFFFB00;
	s8 =	sadd.s32 $0x0, s9  }
0x26: {  	[tilespmem:s12], [sflag:$0x3] =	stream.linear.gather [hbm4b:s8+s3], $0x500, $0x38;
	[tilespmem:$0x1A000] =	vst v63  }
0x27: {  	_ =	swait.ge [sflag:s10], $0x500  }
0x28: {  	[sflag:s10] =	ssyncset.done $0x0  }
0x29: {  	[sflag:s10] =	ssyncadd.s32 $0xFFFFFB00  }
0x2a: {  	[tilespmem:s14], [sflag:$0x1] =	stream.indirect.gather [hbm4b:s4+s13], $0x80, s11, s13, $0xb8;
	[tilespmem:$0x1A000] =	vst v63  }
0x2b: {  	s6 =	rddreg [dreg:$0x5]  }
0x2c: {  	[tilespmem:s15], [sflag:$0x2] =	stream.indirect.gather [hbm4b:s4+s13], $0x80, s6, s13, $0xb8;
	[tilespmem:$0x1A000] =	vst v63  }
0x2d: {  	_ =	swait.ge [sflag:s16], $0x2800  }
0x2e: {  	[sflag:s16] =	ssyncset.done $0x0  }
0x2f: {  	[sflag:s16] =	ssyncadd.s32 $0xFFFFD800  }
0x30: {  	[spmem:s2] =	stream.indirect.scatter.add.f32 [tilespmem:s14], [sflag:$0x3], $0x80, s12, s13, $0xb8;
	[tilespmem:$0x1A000] =	vst v63  }
0x31: {  	_ =	swait.ge [sflag:s10], $0x2800  }
0x32: {  	[sflag:s10] =	ssyncset.done $0x0  }
0x33: {  	s9 =	rddreg [dreg:$0x6];
	[sflag:s10] =	ssyncadd.s32 $0xFFFFD800  }
0x34: {  	[tilespmem:s14], [sflag:$0x1] =	stream.indirect.gather [hbm4b:s4+s13], $0x80, s9, s13, $0xb8;
	[tilespmem:$0x1A000] =	vst v63  }
0x35: {  	_ =	swait.ge [sflag:s17], $0x2800  }
0x36: {  	[sflag:s17] =	ssyncset.done $0x0  }
0x37: {  	[sflag:s17] =	ssyncadd.s32 $0xFFFFD800  }
0x38: {  	[spmem:s2] =	stream.indirect.scatter.add.f32 [tilespmem:s15], [sflag:$0x3], $0x80, s18, s13, $0xb8;
	[tilespmem:$0x1A000] =	vst v63  }
0x39: {  	_ =	swait.ge [sflag:s10], $0x2800  }
0x3a: {  	[sflag:s10] =	ssyncset.done $0x0  }
0x3b: {  	[sflag:s10] =	ssyncadd.s32 $0xFFFFD800  }
0x3c: {  	[tilespmem:s15], [sflag:$0x2] =	stream.indirect.gather [hbm4b:s4+s13], $0x80, s19, s13, $0xb8;
	[tilespmem:$0x1A000] =	vst v63  }
0x3d: {  	_ =	swait.ge [sflag:s16], $0x2800  }
0x3e: {  	[sflag:s16] =	ssyncset.done $0x0  }
0x3f: {  	[sflag:s16] =	ssyncadd.s32 $0xFFFFD800  }
0x40: {  	[spmem:s2] =	stream.indirect.scatter.add.f32 [tilespmem:s14], [sflag:$0x3], $0x80, s20, s13, $0xb8;
	[tilespmem:$0x1A000] =	vst v63  }
0x41: {  	_ =	swait.ge [sflag:s10], $0x2800  }
0x42: {  	[sflag:s10] =	ssyncset.done $0x0  }
0x43: {  	[sflag:s10] =	ssyncadd.s32 $0xFFFFD800  }
0x44: {  	[tilespmem:s14], [sflag:$0x1] =	stream.indirect.gather [hbm4b:s4+s13], $0x80, s21, s13, $0xb8;
	[tilespmem:$0x1A000] =	vst v63  }
0x45: {  	_ =	swait.ge [sflag:s17], $0x2800  }
0x46: {  	[sflag:s17] =	ssyncset.done $0x0  }
0x47: {  	[sflag:s17] =	ssyncadd.s32 $0xFFFFD800  }
0x48: {  	[spmem:s2] =	stream.indirect.scatter.add.f32 [tilespmem:s15], [sflag:$0x3], $0x80, s22, s13, $0xb8;
	[tilespmem:$0x1A000] =	vst v63  }
0x49: {  	_ =	swait.ge [sflag:s10], $0x2800  }
0x4a: {  	[sflag:s10] =	ssyncset.done $0x0  }
0x4b: {  	[sflag:s10] =	ssyncadd.s32 $0xFFFFD800  }
0x4c: {  	[tilespmem:s15], [sflag:$0x2] =	stream.indirect.gather [hbm4b:s4+s13], $0x80, s23, s13, $0xb8;
	[tilespmem:$0x1A000] =	vst v63  }
0x4d: {  	_ =	swait.ge [sflag:s16], $0x2800  }
0x4e: {  	[sflag:s16] =	ssyncset.done $0x0  }
0x4f: {  	[sflag:s16] =	ssyncadd.s32 $0xFFFFD800  }
0x50: {  	[spmem:s2] =	stream.indirect.scatter.add.f32 [tilespmem:s14], [sflag:$0x3], $0x80, s24, s13, $0xb8;
	[tilespmem:$0x1A000] =	vst v63  }
0x51: {  	_ =	swait.ge [sflag:s10], $0x2800  }
0x52: {  	[sflag:s10] =	ssyncset.done $0x0  }
0x53: {  	[sflag:s10] =	ssyncadd.s32 $0xFFFFD800  }
0x54: {  	[tilespmem:s14], [sflag:$0x1] =	stream.indirect.gather [hbm4b:s4+s13], $0x80, s25, s13, $0xb8;
	[tilespmem:$0x1A000] =	vst v63  }
0x55: {  	_ =	swait.ge [sflag:s17], $0x2800  }
0x56: {  	[sflag:s17] =	ssyncset.done $0x0  }
0x57: {  	[sflag:s17] =	ssyncadd.s32 $0xFFFFD800  }
0x58: {  	[spmem:s2] =	stream.indirect.scatter.add.f32 [tilespmem:s15], [sflag:$0x3], $0x80, s26, s13, $0xb8;
	[tilespmem:$0x1A000] =	vst v63  }
0x59: {  	_ =	swait.ge [sflag:s10], $0x2800  }
0x5a: {  	[sflag:s10] =	ssyncset.done $0x0  }
0x5b: {  	[sflag:s10] =	ssyncadd.s32 $0xFFFFD800  }
0x5c: {  	[tilespmem:s15], [sflag:$0x2] =	stream.indirect.gather [hbm4b:s4+s13], $0x80, s28, s13, $0xb8;
	[tilespmem:$0x1A000] =	vst v63  }
0x5d: {  	_ =	swait.ge [sflag:s16], $0x2800  }
0x5e: {  	[sflag:s16] =	ssyncset.done $0x0  }
0x5f: {  	[sflag:s16] =	ssyncadd.s32 $0xFFFFD800  }
0x60: {  	[spmem:s2] =	stream.indirect.scatter.add.f32 [tilespmem:s14], [sflag:$0x3], $0x80, s29, s13, $0xb8;
	[tilespmem:$0x1A000] =	vst v63  }
0x61: {  	_ =	swait.ge [sflag:s10], $0x2800  }
0x62: {  	[sflag:s10] =	ssyncset.done $0x0  }
0x63: {  	[sflag:s10] =	ssyncadd.s32 $0xFFFFD800  }
0x64: {  	[tilespmem:s14], [sflag:$0x1] =	stream.indirect.gather [hbm4b:s4+s13], $0x80, s30, s13, $0xb8;
	[tilespmem:$0x1A000] =	vst v63  }
0x65: {  	_ =	swait.ge [sflag:s17], $0x2800  }
0x66: {  	[sflag:s17] =	ssyncset.done $0x0  }
0x67: {  	[sflag:s17] =	ssyncadd.s32 $0xFFFFD800  }
0x68: {  	[spmem:s2] =	stream.indirect.scatter.add.f32 [tilespmem:s15], [sflag:$0x3], $0x80, s31, s13, $0xb8;
	[tilespmem:$0x1A000] =	vst v63  }
0x69: {  	_ =	swait.ge [sflag:s10], $0x2800  }
0x6a: {  	[sflag:s10] =	ssyncset.done $0x0  }
0x6b: {  	[sflag:s10] =	ssyncadd.s32 $0xFFFFD800  }
0x6c: {  	[tilespmem:s15], [sflag:$0x2] =	stream.indirect.gather [hbm4b:s4+s13], $0x80, s1, s13, $0xb8;
	[tilespmem:$0x1A000] =	vst v63  }
0x6d: {  	_ =	swait.ge [sflag:s16], $0x2800  }
0x6e: {  	[sflag:s16] =	ssyncset.done $0x0  }
0x6f: {  	[sflag:s16] =	ssyncadd.s32 $0xFFFFD800  }
0x70: {  	[spmem:s2] =	stream.indirect.scatter.add.f32 [tilespmem:s14], [sflag:$0x3], $0x80, s0, s13, $0xb8;
	[tilespmem:$0x1A000] =	vst v63  }
0x71: {  	_ =	swait.ge [sflag:s10], $0x2800  }
0x72: {  	[sflag:s10] =	ssyncset.done $0x0  }
0x73: {  	[sflag:s10] =	ssyncadd.s32 $0xFFFFD800  }
0x74: {  	_ =	swait.ge [sflag:s17], $0x2800  }
0x75: {  	[sflag:s17] =	ssyncset.done $0x0  }
0x76: {  	[sflag:s17] =	ssyncadd.s32 $0xFFFFD800  }
0x77: {  	[spmem:s2] =	stream.indirect.scatter.add.f32 [tilespmem:s15], [sflag:$0x3], $0x80, s5, s13, $0xb8;
	[tilespmem:$0x1A000] =	vst v63  }
0x78: {  	s8 =	simm.s32 $0x100;
	_ =	swait.ge [sflag:s10], $0x2800  }
.LBB2_2:
0x79: {  	s6 =	rddreg [dreg:$0x3];
	s9 =	smov.u32 s8;
	[sflag:s10] =	ssyncset.done $0x0  }
0x7a: {  	s6 =	sadd.s32 s9, s6;
	[sflag:s10] =	ssyncadd.s32 $0xFFFFD800  }
0x7b: {  	[tilespmem:s11], [sflag:$0x3] =	stream.linear.gather [hbm4b:s6+s3], $0x500, $0x38;
	[tilespmem:$0x1A000] =	vst v63  }
0x7c: {  	_ =	swait.ge [sflag:s10], $0x500  }
0x7d: {  	s6 =	rddreg [dreg:$0x4];
	[sflag:s10] =	ssyncset.done $0x0  }
0x7e: {  	[sflag:s10] =	ssyncadd.s32 $0xFFFFFB00;
	s6 =	sadd.s32 s9, s6  }
0x7f: {  	[tilespmem:s12], [sflag:$0x3] =	stream.linear.gather [hbm4b:s6+s3], $0x500, $0x38;
	[tilespmem:$0x1A000] =	vst v63  }
0x80: {  	_ =	swait.ge [sflag:s10], $0x500  }
0x81: {  	[sflag:s10] =	ssyncset.done $0x0  }
0x82: {  	[sflag:s10] =	ssyncadd.s32 $0xFFFFFB00  }
0x83: {  	[tilespmem:s14], [sflag:$0x1] =	stream.indirect.gather [hbm4b:s4+s13], $0x80, s11, s13, $0xb8;
	[tilespmem:$0x1A000] =	vst v63  }
0x84: {  	s9 =	rddreg [dreg:$0x5]  }
0x85: {  	[tilespmem:s15], [sflag:$0x2] =	stream.indirect.gather [hbm4b:s4+s13], $0x80, s9, s13, $0xb8;
	[tilespmem:$0x1A000] =	vst v63  }
0x86: {  	_ =	swait.ge [sflag:s16], $0x2800  }
0x87: {  	[sflag:s16] =	ssyncset.done $0x0  }
0x88: {  	[sflag:s16] =	ssyncadd.s32 $0xFFFFD800  }
0x89: {  	[spmem:s2] =	stream.indirect.scatter.add.f32 [tilespmem:s14], [sflag:$0x3], $0x80, s12, s13, $0xb8;
	[tilespmem:$0x1A000] =	vst v63  }
0x8a: {  	_ =	swait.ge [sflag:s10], $0x2800  }
0x8b: {  	[sflag:s10] =	ssyncset.done $0x0  }
0x8c: {  	s9 =	rddreg [dreg:$0x6];
	[sflag:s10] =	ssyncadd.s32 $0xFFFFD800  }
0x8d: {  	[tilespmem:s14], [sflag:$0x1] =	stream.indirect.gather [hbm4b:s4+s13], $0x80, s9, s13, $0xb8;
	[tilespmem:$0x1A000] =	vst v63  }
0x8e: {  	_ =	swait.ge [sflag:s17], $0x2800  }
0x8f: {  	[sflag:s17] =	ssyncset.done $0x0  }
0x90: {  	[sflag:s17] =	ssyncadd.s32 $0xFFFFD800  }
0x91: {  	[spmem:s2] =	stream.indirect.scatter.add.f32 [tilespmem:s15], [sflag:$0x3], $0x80, s18, s13, $0xb8;
	[tilespmem:$0x1A000] =	vst v63  }
0x92: {  	_ =	swait.ge [sflag:s10], $0x2800  }
0x93: {  	[sflag:s10] =	ssyncset.done $0x0  }
0x94: {  	[sflag:s10] =	ssyncadd.s32 $0xFFFFD800  }
0x95: {  	[tilespmem:s15], [sflag:$0x2] =	stream.indirect.gather [hbm4b:s4+s13], $0x80, s19, s13, $0xb8;
	[tilespmem:$0x1A000] =	vst v63  }
0x96: {  	_ =	swait.ge [sflag:s16], $0x2800  }
0x97: {  	[sflag:s16] =	ssyncset.done $0x0  }
0x98: {  	[sflag:s16] =	ssyncadd.s32 $0xFFFFD800  }
0x99: {  	[spmem:s2] =	stream.indirect.scatter.add.f32 [tilespmem:s14], [sflag:$0x3], $0x80, s20, s13, $0xb8;
	[tilespmem:$0x1A000] =	vst v63  }
0x9a: {  	_ =	swait.ge [sflag:s10], $0x2800  }
0x9b: {  	[sflag:s10] =	ssyncset.done $0x0  }
0x9c: {  	[sflag:s10] =	ssyncadd.s32 $0xFFFFD800  }
0x9d: {  	[tilespmem:s14], [sflag:$0x1] =	stream.indirect.gather [hbm4b:s4+s13], $0x80, s21, s13, $0xb8;
	[tilespmem:$0x1A000] =	vst v63  }
0x9e: {  	_ =	swait.ge [sflag:s17], $0x2800  }
0x9f: {  	[sflag:s17] =	ssyncset.done $0x0  }
0xa0: {  	[sflag:s17] =	ssyncadd.s32 $0xFFFFD800  }
0xa1: {  	[spmem:s2] =	stream.indirect.scatter.add.f32 [tilespmem:s15], [sflag:$0x3], $0x80, s22, s13, $0xb8;
	[tilespmem:$0x1A000] =	vst v63  }
0xa2: {  	_ =	swait.ge [sflag:s10], $0x2800  }
0xa3: {  	[sflag:s10] =	ssyncset.done $0x0  }
0xa4: {  	[sflag:s10] =	ssyncadd.s32 $0xFFFFD800  }
0xa5: {  	[tilespmem:s15], [sflag:$0x2] =	stream.indirect.gather [hbm4b:s4+s13], $0x80, s23, s13, $0xb8;
	[tilespmem:$0x1A000] =	vst v63  }
0xa6: {  	_ =	swait.ge [sflag:s16], $0x2800  }
0xa7: {  	[sflag:s16] =	ssyncset.done $0x0  }
0xa8: {  	[sflag:s16] =	ssyncadd.s32 $0xFFFFD800  }
0xa9: {  	[spmem:s2] =	stream.indirect.scatter.add.f32 [tilespmem:s14], [sflag:$0x3], $0x80, s24, s13, $0xb8;
	[tilespmem:$0x1A000] =	vst v63  }
0xaa: {  	_ =	swait.ge [sflag:s10], $0x2800  }
0xab: {  	[sflag:s10] =	ssyncset.done $0x0  }
0xac: {  	[sflag:s10] =	ssyncadd.s32 $0xFFFFD800  }
0xad: {  	[tilespmem:s14], [sflag:$0x1] =	stream.indirect.gather [hbm4b:s4+s13], $0x80, s25, s13, $0xb8;
	[tilespmem:$0x1A000] =	vst v63  }
0xae: {  	_ =	swait.ge [sflag:s17], $0x2800  }
0xaf: {  	[sflag:s17] =	ssyncset.done $0x0  }
0xb0: {  	[sflag:s17] =	ssyncadd.s32 $0xFFFFD800  }
0xb1: {  	[spmem:s2] =	stream.indirect.scatter.add.f32 [tilespmem:s15], [sflag:$0x3], $0x80, s26, s13, $0xb8;
	[tilespmem:$0x1A000] =	vst v63  }
0xb2: {  	_ =	swait.ge [sflag:s10], $0x2800  }
0xb3: {  	[sflag:s10] =	ssyncset.done $0x0  }
0xb4: {  	[sflag:s10] =	ssyncadd.s32 $0xFFFFD800  }
0xb5: {  	[tilespmem:s15], [sflag:$0x2] =	stream.indirect.gather [hbm4b:s4+s13], $0x80, s28, s13, $0xb8;
	[tilespmem:$0x1A000] =	vst v63  }
0xb6: {  	_ =	swait.ge [sflag:s16], $0x2800  }
0xb7: {  	[sflag:s16] =	ssyncset.done $0x0  }
0xb8: {  	[sflag:s16] =	ssyncadd.s32 $0xFFFFD800  }
0xb9: {  	[spmem:s2] =	stream.indirect.scatter.add.f32 [tilespmem:s14], [sflag:$0x3], $0x80, s29, s13, $0xb8;
	[tilespmem:$0x1A000] =	vst v63  }
0xba: {  	_ =	swait.ge [sflag:s10], $0x2800  }
0xbb: {  	[sflag:s10] =	ssyncset.done $0x0  }
0xbc: {  	[sflag:s10] =	ssyncadd.s32 $0xFFFFD800  }
0xbd: {  	[tilespmem:s14], [sflag:$0x1] =	stream.indirect.gather [hbm4b:s4+s13], $0x80, s30, s13, $0xb8;
	[tilespmem:$0x1A000] =	vst v63  }
0xbe: {  	_ =	swait.ge [sflag:s17], $0x2800  }
0xbf: {  	[sflag:s17] =	ssyncset.done $0x0  }
0xc0: {  	[sflag:s17] =	ssyncadd.s32 $0xFFFFD800  }
0xc1: {  	[spmem:s2] =	stream.indirect.scatter.add.f32 [tilespmem:s15], [sflag:$0x3], $0x80, s31, s13, $0xb8;
	[tilespmem:$0x1A000] =	vst v63  }
0xc2: {  	_ =	swait.ge [sflag:s10], $0x2800  }
0xc3: {  	[sflag:s10] =	ssyncset.done $0x0  }
0xc4: {  	[sflag:s10] =	ssyncadd.s32 $0xFFFFD800  }
0xc5: {  	[tilespmem:s15], [sflag:$0x2] =	stream.indirect.gather [hbm4b:s4+s13], $0x80, s1, s13, $0xb8;
	[tilespmem:$0x1A000] =	vst v63  }
0xc6: {  	_ =	swait.ge [sflag:s16], $0x2800  }
0xc7: {  	[sflag:s16] =	ssyncset.done $0x0  }
0xc8: {  	[sflag:s16] =	ssyncadd.s32 $0xFFFFD800  }
0xc9: {  	[spmem:s2] =	stream.indirect.scatter.add.f32 [tilespmem:s14], [sflag:$0x3], $0x80, s0, s13, $0xb8;
	[tilespmem:$0x1A000] =	vst v63  }
0xca: {  	_ =	swait.ge [sflag:s10], $0x2800  }
0xcb: {  	[sflag:s10] =	ssyncset.done $0x0  }
0xcc: {  	p0 =	sne.s32 s8, $0x1800;
	[sflag:s10] =	ssyncadd.s32 $0xFFFFD800  }
.Ltmp0:
0xcd: {  	_ =	swait.ge [sflag:s17], $0x2800;
	(pc) =	sbr.rel @p0 .LBB2_2-.Ltmp0, $4  }
0xce: {  	[sflag:s17] =	ssyncset.done $0x0  }
0xcf: {  	[sflag:s17] =	ssyncadd.s32 $0xFFFFD800  }
0xd0: {  	[spmem:s2] =	stream.indirect.scatter.add.f32 [tilespmem:s15], [sflag:$0x3], $0x80, s5, s13, $0xb8;
	[tilespmem:$0x1A000] =	vst v63  }
0xd1: {  	s8 =	sadd.s32 $0x100, s8;
	_ =	swait.ge [sflag:s10], $0x2800  }
0xd2: {  	[sflag:s10] =	ssyncset.done $0x0  }
0xd3: {  	[sflag:s10] =	ssyncadd.s32 $0xFFFFD800  }
0xd4: {  	[bflag:$0x0] =	sbarrier.arrive $0xFFFF  }
0xd5: {  	s8 =	rddreg [dreg:$0x8]  }
0xd6: {  	s6 =	rddreg [dreg:$0x9]  }
0xd7: {  	s9 =	rddreg [dreg:$0xb]  }
0xd8: {  	[hbm:s6], [sflag:s8] =	dma.local [spmem:s9], $0x2800  }
0xd9: {  	_ =	swait.ge [sflag:s10], $0x2800  }
0xda: {  	s7 =	sadd.s32 $0x1, s7;
	s6 =	rddreg [dreg:$0xa]  }
0xdb: {  	p0 =	sne.s32 s7, s6  }
.Ltmp1:
0xdc: {  	_ = 	snop;
	(pc) =	sbr.rel @p0 .LBB2_1-.Ltmp1, $3  }
0xdd: {  	_ =	sdelay $0x1  }
0xde: {  	[sflag:s10] =	ssyncset.done $0x0  }
0xdf: {  	[sflag:s10] =	ssyncadd.s32 $0xFFFFD800  }
0xe0: {  	_ =	sfence.sel $0x180000  }
0xe1: {  	[bflag:$0x0] =	sbarrier.arrive $0xFFFF  }
0xe2: {  	_ =	strace $0x9000004A  }
0xe3: {  	s0 =	stileid.u32;
	[bflag:$0x2] =	sbarrier.arrive $0xFFFF  }
0xe4: {  	p0 =	sne.s32 s0, $0x0;
	s0 =	rddreg [dreg:$0x2]  }
0xe5: {  	s0 =	sadd.s32 @!p0 $0x100000, s0  }
0xe6: {  	[sflag:s0] =	ssyncadd.tile.s32 @!p0 $0x1;
	_ =	shalt  }
.Lfunc_end2:
_tile_overlayer_lowered:
.L_overlay_start_2:
0xe7: {  	(tag) =	ssettag $0x2  }
0xe8: {  	s0 =	rddreg [dreg:$0x0];
	s2 =	stileid.u32  }
0xe9: {  	s1 =	rddreg [dreg:$0x1];
	p0 =	sne.s32 s2, $0x0  }
0xea: {  	s3 =	rddreg [dreg:$0x2];
	[bflag:$0x3] =	sbarrier.arrive $0xFFFF;
	s2 =	simm.s32 @!p0 $0x1C03  }
0xeb: {  	[timem:s3], [sflag:s2] =	dma.local @!p0 [hbm:s0], s1  }
0xec: {  	s0 =	simm.s32 @!p0 $0x3  }
0xed: {  	_ =	swait.ge @!p0 [sflag:s0], s1  }
0xee: {  	s1 =	ssub.s32 @!p0 $0x0, s1;
	[sflag:s0] =	ssyncset.done @!p0 $0x0  }
0xef: {  	[sflag:s0] =	ssyncadd.s32 @!p0 s1  }
0xf0: {  	[bflag:$0x3] =	sbarrier.arrive $0xFFFF  }
0xf1: {  	_ =	shalt  }

// kernel: kernel.14.cloned.1.call-start
scs
__scs_entry_jumppad:
0x0: {  	(pc) =	sbr.rel $0x88, $3  }
0x1: {  	(tag) =	ssettag $0x0;
	lr =	simm.s32 $0x1  }
0x2: {  	[smem:$0x3F98] =	sst lr;
	_ =	strace $0xD0000000  }
0x3: {  	_ = 	snop  }
0x4: {  	_ = 	snop  }
0x5: {  	_ = 	snop  }
0x6: {  	_ = 	snop  }
0x7: {  	_ = 	snop  }
__scs_overlays_trampoline_lowered:
0x8: {  	[smem:$0x3FA7] =	sst s0  }
0x9: {  	[smem:$0x3FA8] =	sst s1  }
0xa: {  	[smem:$0x3FA9] =	sst s2  }
0xb: {  	[smem:$0x3FAA] =	sst s3  }
0xc: {  	[smem:$0x3FAB] =	sst s4  }
0xd: {  	[smem:$0x3FAC] =	sst s5  }
0xe: {  	[smem:$0x3FAD] =	sst s6  }
0xf: {  	[smem:$0x3FAE] =	sst s7  }
0x10: {  	[smem:$0x3FAF] =	sst s8  }
0x11: {  	[smem:$0x3FB0] =	sst s9;
	s0 =	simm.s32 @!p0 $0x0  }
0x12: {  	s1 =	sld [smem:$0x3F96];
	s0 =	simm.s32 @p0 $0x1  }
0x13: {  	[smem:$0x3FB1] =	sst s0;
	s0 =	simm.s32 @!p1 $0x0  }
0x14: {  	s2 =	sld [smem:$0x3F95];
	s0 =	simm.s32 @p1 $0x1  }
0x15: {  	[smem:$0x3FB2] =	sst s0;
	s0 =	simm.s32 @!p2 $0x0  }
0x16: {  	s3 =	sld [smem:$0x3FDB];
	s0 =	simm.s32 @p2 $0x1  }
0x17: {  	s4 =	simm.s32 $0x1BF5;
	[smem:$0x3FB4] =	sst s0  }
0x18: {  	s0 =	sld [smem:$0x3F97];
	_ =	swait.ge [sflag:s4], $0x0  }
0x19: {  	s7 =	sld [smem:$0x3F98]  }
0x1a: {  	s8 =	sadd.s32 $0xFFFFE003, lr  }
0x1b: {  	s9 =	sadd.s32 $0xFFFFFEF7, lr;
	s5 =	simm.s32 $0xFFFFFFFF;
	p2 =	slt.u32 s8, $0xFFFFF086  }
0x1c: {  	p1 =	slt.u32 s9, $0xF7A;
	s5 =	simm.s32 @!p2 $0x0  }
0x1d: {  	s5 =	simm.s32 @p1 $0x1;
	p0 =	seq.s32 s7, s2  }
0x1e: {  	s7 =	smul.u32 @!p0 $0xF7A, s2;
	p2 =	seq.s32 @!p0 s5, $0x0  }
0x1f: {  	s9 =	smul.u32 $0xF7A, s1;
	s8 =	simm.s32 @!p0 $0x1BF5;
	p2 =	por !p2, p0  }
0x20: {  	[sflag:s8] =	ssyncset.s32 @!p0 $0xFFFFF086;
	s6 =	sadd.s32 @!p0 s3, s7;
	s7 =	simm.s32 @!p0 $0x108  }
0x21: {  	s3 =	sadd.s32 s3, s9;
	s6 =	sadd.s32 @!p0 $0x88, s6;
	s7 =	simm.s32 @p2 $0x1082  }
0x22: {  	[simem:s7], [sflag:s8] =	dma.local @!p0 [hbm:s6], $0xF7A  }
0x23: {  	s9 =	sor.u32 $0xD0000000, s2;
	s6 =	simm.s32 $0x108;
	_ =	swait.ge @!p0 [sflag:s8], $0x0  }
0x24: {  	s3 =	sadd.s32 $0x88, s3;
	s6 =	simm.s32 @!p1 $0x1082;
	[sflag:s4] =	ssyncset.s32 $0xFFFFF086  }
0x25: {  	[simem:s6], [sflag:s4] =	dma.local [hbm:s3], $0xF7A  }
0x26: {  	[smem:$0x3F98] =	sst s1;
	(tag) =	ssettag s2;
	_ =	strace s9  }
0x27: {  	s1 =	sld [smem:$0x3FA8]  }
0x28: {  	s2 =	sld [smem:$0x3FA9]  }
0x29: {  	s4 =	sld [smem:$0x3FAB]  }
0x2a: {  	p0 =	seq.s32 s5, $0x0;
	s5 =	sld [smem:$0x3FAC]  }
0x2b: {  	s6 =	sld [smem:$0x3FAD]  }
0x2c: {  	s7 =	sld [smem:$0x3FAE]  }
0x2d: {  	s3 =	simm.s32 $0x108;
	s8 =	sld [smem:$0x3FAF]  }
0x2e: {  	s3 =	simm.s32 @!p0 $0x1082;
	s9 =	sld [smem:$0x3FB0]  }
0x2f: {  	lr =	sadd.s32 s0, s3;
	s0 =	sld [smem:$0x3FA7]  }
0x30: {  	s3 =	sld [smem:$0x3FAA]  }
0x31: {  	[smem:$0x3FB3] =	sst s10  }
0x32: {  	s10 =	sld [smem:$0x3FB1];
	_ =	sdelay $0x3  }
0x33: {  	p0 =	seq.s32 s10, $0x1;
	s10 =	sld [smem:$0x3FB3];
	_ =	sdelay $0x3  }
0x34: {  	[smem:$0x3FB3] =	sst s10  }
0x35: {  	s10 =	sld [smem:$0x3FB2];
	_ =	sdelay $0x3  }
0x36: {  	p1 =	seq.s32 s10, $0x1;
	s10 =	sld [smem:$0x3FB3];
	_ =	sdelay $0x3  }
0x37: {  	[smem:$0x3FB3] =	sst s10  }
0x38: {  	s10 =	sld [smem:$0x3FB4]  }
0x39: {  	_ = 	snop;
	(pc) =	sbr.ind lr, $3  }
0x3a: {  	_ = 	snop  }
0x3b: {  	_ = 	snop  }
0x3c: {  	p2 =	seq.s32 s10, $0x1;
	s10 =	sld [smem:$0x3FB3]  }
0x3d: {  	_ =	shalt  }
0x3e: {  	_ =	shalt  }
0x3f: {  	_ =	shalt  }
0x40: {  	_ =	shalt  }
0x41: {  	_ =	shalt  }
0x42: {  	_ =	shalt  }
0x43: {  	_ =	shalt  }
0x44: {  	_ =	shalt  }
0x45: {  	_ =	shalt  }
0x46: {  	_ =	shalt  }
0x47: {  	_ =	shalt  }
0x48: {  	_ =	shalt  }
0x49: {  	_ =	shalt  }
0x4a: {  	_ =	shalt  }
0x4b: {  	_ =	shalt  }
0x4c: {  	_ =	shalt  }
0x4d: {  	_ =	shalt  }
0x4e: {  	_ =	shalt  }
0x4f: {  	_ =	shalt  }
0x50: {  	_ =	shalt  }
0x51: {  	_ =	shalt  }
0x52: {  	_ =	shalt  }
0x53: {  	_ =	shalt  }
0x54: {  	_ =	shalt  }
0x55: {  	_ =	shalt  }
0x56: {  	_ =	shalt  }
0x57: {  	_ =	shalt  }
0x58: {  	_ =	shalt  }
0x59: {  	_ =	shalt  }
0x5a: {  	_ =	shalt  }
0x5b: {  	_ =	shalt  }
0x5c: {  	_ =	shalt  }
0x5d: {  	_ =	shalt  }
0x5e: {  	_ =	shalt  }
0x5f: {  	_ =	shalt  }
0x60: {  	_ =	shalt  }
0x61: {  	_ =	shalt  }
0x62: {  	_ =	shalt  }
0x63: {  	_ =	shalt  }
0x64: {  	_ =	shalt  }
0x65: {  	_ =	shalt  }
0x66: {  	_ =	shalt  }
0x67: {  	_ =	shalt  }
0x68: {  	_ =	shalt  }
0x69: {  	_ =	shalt  }
0x6a: {  	_ =	shalt  }
0x6b: {  	_ =	shalt  }
0x6c: {  	_ =	shalt  }
0x6d: {  	_ =	shalt  }
0x6e: {  	_ =	shalt  }
0x6f: {  	_ =	shalt  }
0x70: {  	_ =	shalt  }
0x71: {  	_ =	shalt  }
0x72: {  	_ =	shalt  }
0x73: {  	_ =	shalt  }
0x74: {  	_ =	shalt  }
0x75: {  	_ =	shalt  }
0x76: {  	_ =	shalt  }
0x77: {  	_ =	shalt  }
0x78: {  	_ =	shalt  }
0x79: {  	_ =	shalt  }
0x7a: {  	_ =	shalt  }
0x7b: {  	_ =	shalt  }
0x7c: {  	_ =	shalt  }
0x7d: {  	_ =	shalt  }
0x7e: {  	_ =	shalt  }
0x7f: {  	_ =	shalt  }
0x80: {  	_ =	shalt  }
0x81: {  	_ =	shalt  }
0x82: {  	_ =	shalt  }
0x83: {  	_ =	shalt  }
0x84: {  	_ =	shalt  }
0x85: {  	_ =	shalt  }
0x86: {  	_ =	shalt  }
0x87: {  	_ =	shalt  }
.Lfunc_end0:
.L_simem_size_0:
called_computation.2_lowered:
.L_overlay_start_0:
0x88: {  	s2 =	sld [smem:$0x3FD9]  }
0x89: {  	s3 =	sld [smem:$0x3FFE];
	_ =	sdelay $0x1  }
0x8a: {  	s1 =	srdreg.scid  }
0x8b: {  	s0 =	sand.u32 $0x1, s1  }
0x8c: {  	s17 =	sshll.u32 s0, $0xA;
	s2 =	sadd.s32 s3, s2  }
0x8d: {  	s2 =	sadd.s32 s2, s17  }
0x8e: {  	[smem:$0x3FBF] =	sst s2  }
0x8f: {  	_ = 	snop  }
0x90: {  	s2 =	sld [smem:$0x3FD0];
	(tm) =	ssettm $0x1  }
0x91: {  	s18 =	sld [smem:$0x3FFB];
	_ =	sdelay $0x3  }
0x92: {  	_ =	strace s18  }
0x93: {  	s3 =	sld [smem:$0x3FFC];
	_ =	sdelay $0x3  }
0x94: {  	_ =	strace s3  }
0x95: {  	s3 =	sld [smem:$0x3FFD];
	_ =	sdelay $0x3  }
0x96: {  	_ =	strace s3  }
0x97: {  	_ =	strace $0x8FFFFFFF  }
0x98: {  	s19 =	sld [smem:$0x3FDB];
	_ =	sdelay $0x1  }
0x99: {  	s4 =	simm.s32 $_scs_section_size  }
0x9a: {  	s5 =	simm.s32 $_size__tile_overlayer_lowered;
	s6 =	simm.s32 $_tile_overlayer_lowered  }
0x9b: {  	s22 =	simm.s32 $0x1BFF;
	s21 =	sshll.u32 s6, $0x1;
	s3 =	sadd.s32 s4, s19  }
0x9c: {  	s7 =	simm.s32 $0x0;
	s20 =	sshll.u32 s5, $0x1;
	s5 =	sadd.s32 s21, s3  }
0x9d: {  	[timem:s7], [sflag:s22] =	dma.local [hbm:s5], s20  }
0x9e: {  	_ =	swait.ge [sflag:s22], s20  }
0x9f: {  	s4 =	ssub.s32 $0x0, s20;
	[sflag:s22] =	ssyncset.done $0x0  }
0xa0: {  	[sflag:s22] =	ssyncadd.s32 s4;
	_ =	sdelay $0x1  }
0xa1: {  	s23 =	simm.s32 $0x1B8B  }
0xa2: {  	_ =	swait.ge [sflag:s23], $0x1  }
0xa3: {  	[sflag:s23] =	ssyncset.done $0x0  }
0xa4: {  	s25 =	simm.s32 $0x1B8E;
	s24 =	sld [smem:$0x3FFE];
	[sflag:s23] =	ssyncadd.s32 $0xFFFFFFFF  }
0xa5: {  	s26 =	simm.s32 $execute0_lowered;
	[smem:$0x3FD2] =	sst s25  }
0xa6: {  	s5 =	sshll.u32 s26, $0x1;
	_ =	strace $0x8000004C;
	[dreg:$0x1] =	wrdreg $0xFFFFFFFF  }
0xa7: {  	s28 =	simm.s32 $_size_execute0_lowered;
	s3 =	sadd.s32 s3, s5;
	[dreg:$0x0] =	wrdreg $0x0  }
0xa8: {  	s5 =	sshll.u32 s28, $0x1;
	[dreg:$0x2] =	wrdreg s3  }
0xa9: {  	[dreg:$0x3] =	wrdreg s5  }
0xaa: {  	[dreg:$0x4] =	wrdreg $0xC0  }
0xab: {  	_ =	task [dreg:s7], $0x5FFFF  }
0xac: {  	[dreg:$0x1] =	wrdreg $0xFFFFFFFF  }
0xad: {  	[dreg:$0x0] =	wrdreg $0x60  }
0xae: {  	[dreg:$0x2] =	wrdreg s2  }
0xaf: {  	[dreg:$0x3] =	wrdreg s24  }
0xb0: {  	[dreg:$0x4] =	wrdreg $0x9  }
0xb1: {  	_ =	task.clear_ibuf [dreg:s7], $0x5FFFF;
	_ =	strace $0x9000004C  }
0xb2: {  	s29 =	simm.s32 $0x9;
	_ =	strace $0x8000004E  }
0xb3: {  	_ =	swait.ge [sflag:s29], $0x1  }
0xb4: {  	[sflag:s29] =	ssyncadd.s32 $0xFFFFFFFF  }
0xb5: {  	_ =	strace $0x9000004E  }
0xb6: {  	_ =	sfence  }
0xb7: {  	s30 =	sld [smem:$0x0];
	_ =	sdelay $0x2  }
0xb8: {  	s31 =	sshll.u32 s1, $0xD;
	s1 =	sshrl.u32 s1, $0x2  }
0xb9: {  	s3 =	sand.u32 $0x4000, s31;
	s1 =	sadd.s32 s1, s30  }
0xba: {  	s0 =	sor.u32 s3, s0;
	s1 =	sshll.u32 s1, $0x11  }
0xbb: {  	s0 =	sor.u32 s1, s0  }
0xbc: {  	s0 =	sadd.s32 $0x8F2B, s0  }
0xbd: {  	[sflag:s0] =	ssyncadd.remote.s32 $0x1  }
0xbe: {  	_ =	sfence.sel $0xFFFF  }
0xbf: {  	[dreg:$0x0] =	wrdreg $0xFFFFFFFF;
	(pc) =	sbr.abs _section_cstart, $3  }
0xc0: {  	[dreg:$0x1] =	wrdreg $0xFFFFFFFF  }
0xc1: {  	_ =	task.clear_ibuf [dreg:s7], $0x2FFFF;
	_ =	strace $0x9FFFFFFF  }
0xc2: {  	(tm) =	ssettm $0x7FFFFFFF  }
0xc3: {  	_ =	shalt  }
tec
execute0_lowered:
.L_overlay_start_1:
0x0: {  	(tag) =	ssettag $0x1  }
0x1: {  	s2 =	rddreg [dreg:$0x0];
	s10 =	stileid.u32  }
0x2: {  	s0 =	srdreg.scid;
	s4 =	smul.u32 $0xC800, s10  }
0x3: {  	s1 =	rddreg [dreg:$0x1];
	s6 =	smul.u32 $0x4E200, s10  }
0x4: {  	s3 =	simm.s32 $0x0;
	s31 =	simm.s32 $0x2800;
	s13 =	smul.u32 $0xC35000, s10  }
0x5: {  	s28 =	simm.s32 $0xB000;
	s0 =	sand.u32 $0x1, s0;
	s16 =	smul.u32 $0x4E20, s10  }
0x6: {  	s29 =	simm.s32 $0xB800;
	s30 =	simm.s32 $0xC000;
	s5 =	smul.u32 $0x6400, s0  }
0x7: {  	[smem:$0x7FF] =	sst s3;
	s10 =	simm.s32 $0x800;
	s8 =	smul.u32 $0x61A800, s0  }
0x8: {  	_ =	strace $0x8000004D;
	s7 =	ssub.s32 $0x2, s0;
	s17 =	smul.u32 $0x2710, s0  }
0x9: {  	s0 =	smul.u32 $0x27100, s0;
	s6 =	sadd.s32 s6, s1;
	s9 =	sshrl.u32 s7, $0x1  }
0xa: {  	s4 =	sadd.s32 s5, s4;
	s7 =	ssub.s32 s7, s9;
	s5 =	sadd.s32 s8, s13  }
0xb: {  	s19 =	sadd.s32 s17, s16;
	s0 =	sadd.s32 s0, s6;
	s9 =	simm.s32 $0x400  }
0xc: {  	s17 =	simm.s32 $0x1000;
	s6 =	simm.s32 $0x1400;
	s4 =	sshrl.u32 s4, $0x3  }
0xd: {  	s7 =	smax.u32 s7, $0x1;
	s15 =	sshrl.u32 s5, $0x3;
	s8 =	sadd.s32 $0x800, s5  }
0xe: {  	s5 =	sadd.s32 $0x1000, s5;
	s20 =	sadd.s32 $0x140, s19;
	s21 =	sadd.s32 $0xF0, s19  }
0xf: {  	s0 =	sadd.s32 $0x17DA00, s0;
	s4 =	sadd.s32 s4, s1;
	[dreg:$0xa] =	wrdreg s7  }
0x10: {  	s1 =	sadd.s32 $0x65FA00, s1;
	[dreg:$0xd] =	wrdreg s0;
	s14 =	sadd.s32 $0x3200, s4  }
0x11: {  	s8 =	sshrl.u32 s8, $0x3;
	s7 =	sadd.s32 s15, s1;
	[dreg:$0xb] =	wrdreg s14  }
0x12: {  	s22 =	sadd.s32 $0xA0, s19;
	s18 =	sadd.s32 s8, s1;
	[dreg:$0x3] =	wrdreg s7  }
0x13: {  	s5 =	sshrl.u32 s5, $0x3;
	s4 =	sadd.s32 $0x44800, s4;
	[dreg:$0x4] =	wrdreg s18  }
0x14: {  	s0 =	simm.s32 $0x6;
	s5 =	sadd.s32 s5, s1;
	[dreg:$0xc] =	wrdreg s4  }
0x15: {  	s8 =	sshrl.u32 s22, $0x3;
	s22 =	simm.s32 $0xC800;
	[dreg:$0x5] =	wrdreg s5  }
0x16: {  	s4 =	sshrl.u32 s20, $0x3;
	s5 =	sshrl.u32 s21, $0x3;
	s7 =	sadd.s32 $0x50, s19  }
0x17: {  	s8 =	smul.u32 $0x280, s8;
	s19 =	simm.s32 $0x1800;
	s18 =	simm.s32 $0x2000  }
0x18: {  	s21 =	simm.s32 $0x3000;
	s20 =	simm.s32 $0xA800;
	s4 =	smul.u32 $0x280, s4  }
0x19: {  	s14 =	simm.s32 $0x0;
	s5 =	smul.u32 $0x280, s5;
	s7 =	sshrl.u32 s7, $0x3  }
0x1a: {  	s24 =	smul.u32 $0x280, s7;
	s25 =	sadd.s32 s8, s1;
	s8 =	simm.s32 $0x7  }
0x1b: {  	s7 =	simm.s32 $0x1;
	s4 =	sadd.s32 s4, s1;
	[dreg:$0x8] =	wrdreg s25  }
0x1c: {  	s23 =	sadd.s32 s5, s1;
	s5 =	simm.s32 $0xF800;
	[dreg:$0x6] =	wrdreg s4  }
0x1d: {  	v2 =	vlaneseq.u32;
	s25 =	simm.s32 $0xE800;
	[dreg:$0x7] =	wrdreg s23;
	s26 =	sadd.s32 s24, s1  }
0x1e: {  	vm0 =	vmmov $0xffff;
	v1 =	vshrl.u32 v2, $0x3;
	s1 =	simm.s32 $0x3;
	s4 =	simm.s32 $0x4;
	s23 =	simm.s32 $0xD800  }
0x1f: {  	v0 =	vand.u32 $0x7, v2;
	v2 =	vor.u32 $0x8, v2;
	v1 =	vmul.u32 $0x8, v1;
	s24 =	simm.s32 $0xE000;
	[dreg:$0x9] =	wrdreg s26;
	s26 =	simm.s32 $0xF000  }
.LBB2_1:
0x20: {  	[dreg:$0xe] =	wrdreg s14  }
0x21: {  	s13 =	rddreg [dreg:$0xd]  }
0x22: {  	s15 =	rddreg [dreg:$0xc]  }
0x23: {  	s14 =	simm.s32 $0x0;
	s16 =	rddreg [dreg:$0xb]  }
.LBB2_2:
0x24: {  	[tilespmem:s3], [sflag:$0x7] =	stream.linear.gather [hbm4b:s15+s3], $0x280, $0x38;
	[tilespmem:$0x12000] =	vst v63  }
0x25: {  	_ =	swait.ge [sflag:s8], $0x280  }
0x26: {  	[sflag:s8] =	ssyncset.done $0x0  }
0x27: {  	[sflag:s8] =	ssyncadd.s32 $0xFFFFFD80  }
0x28: {  	[tilespmem:s9], [sflag:$0x7] =	stream.linear.gather [hbm4b:s16+s3], $0x280, $0x38;
	[tilespmem:$0x12000] =	vst v63  }
0x29: {  	_ =	swait.ge [sflag:s8], $0x280  }
0x2a: {  	[sflag:s8] =	ssyncset.done $0x0  }
0x2b: {  	[sflag:s8] =	ssyncadd.s32 $0xFFFFFD80  }
0x2c: {  	v3 =	vld [tilespmem:$0x0];
	_ =	sdelay $0x4  }
0x2d: {  	v4 =	vshll.u32 v3, $0x1  }
0x2e: {  	v3 =	vand.u32 $0x7, v3;
	v4 =	vand.u32 $0xFFFFFFF0, v4  }
0x2f: {  	v3 =	vor.u32 v3, v4  }
0x30: {  	v4 =	vperm.xlane v3, v0;
	_ =	sdelay $0x1  }
0x31: {  	v3 =	vperm.xlane v3, v2;
	v4 =	vadd.s32 v1, v4;
	_ =	sdelay $0x1  }
0x32: {  	v3 =	vadd.s32 v1, v3;
	_ =	sdelay $0x2  }
0x33: {  	[tilespmem:s10], [sflag:$0x1] =	stream.indirect_vreg.gather [hbm4b:s2+s3], $0x80, v4, vm0, $0xb8;
	[tilespmem:$0x12000] =	vst v63  }
0x34: {  	_ = 	snop  }
0x35: {  	[tilespmem:s17], [sflag:$0x1] =	stream.indirect_vreg.gather [hbm4b:s2+s3], $0x80, v3, vm0, $0xb8;
	[tilespmem:$0x12000] =	vst v63  }
0x36: {  	v3 =	vld [tilespmem:$0x10];
	_ =	sdelay $0x4  }
0x37: {  	v15 =	vshll.u32 v3, $0x1  }
0x38: {  	v3 =	vand.u32 $0x7, v3;
	v4 =	vand.u32 $0xFFFFFFF0, v15  }
0x39: {  	v3 =	vor.u32 v3, v4  }
0x3a: {  	v4 =	vperm.xlane v3, v0;
	_ =	sdelay $0x1  }
0x3b: {  	v3 =	vperm.xlane v3, v2;
	v4 =	vadd.s32 v1, v4;
	_ =	sdelay $0x1  }
0x3c: {  	v3 =	vadd.s32 v1, v3;
	_ =	sdelay $0x2  }
0x3d: {  	[tilespmem:s19], [sflag:$0x1] =	stream.indirect_vreg.gather [hbm4b:s2+s3], $0x80, v4, vm0, $0xb8;
	[tilespmem:$0x12000] =	vst v63  }
0x3e: {  	_ = 	snop  }
0x3f: {  	[tilespmem:s18], [sflag:$0x1] =	stream.indirect_vreg.gather [hbm4b:s2+s3], $0x80, v3, vm0, $0xb8;
	[tilespmem:$0x12000] =	vst v63  }
0x40: {  	v3 =	vld [tilespmem:$0x20];
	_ =	sdelay $0x4  }
0x41: {  	v16 =	vshll.u32 v3, $0x1  }
0x42: {  	v3 =	vand.u32 $0x7, v3;
	v4 =	vand.u32 $0xFFFFFFF0, v16  }
0x43: {  	v3 =	vor.u32 v3, v4  }
0x44: {  	v4 =	vperm.xlane v3, v0;
	_ =	sdelay $0x1  }
0x45: {  	v3 =	vperm.xlane v3, v2;
	v4 =	vadd.s32 v1, v4;
	_ =	sdelay $0x1  }
0x46: {  	v3 =	vadd.s32 v1, v3;
	_ =	sdelay $0x2  }
0x47: {  	[tilespmem:s31], [sflag:$0x1] =	stream.indirect_vreg.gather [hbm4b:s2+s3], $0x80, v4, vm0, $0xb8;
	[tilespmem:$0x12000] =	vst v63  }
0x48: {  	_ = 	snop  }
0x49: {  	[tilespmem:s21], [sflag:$0x1] =	stream.indirect_vreg.gather [hbm4b:s2+s3], $0x80, v3, vm0, $0xb8;
	[tilespmem:$0x12000] =	vst v63  }
0x4a: {  	v3 =	vld [tilespmem:$0x30];
	_ =	sdelay $0x4  }
0x4b: {  	v17 =	vshll.u32 v3, $0x1  }
0x4c: {  	v3 =	vand.u32 $0x7, v3;
	v4 =	vand.u32 $0xFFFFFFF0, v17  }
0x4d: {  	v3 =	vor.u32 v3, v4  }
0x4e: {  	v4 =	vperm.xlane v3, v0;
	_ =	sdelay $0x1  }
0x4f: {  	v3 =	vperm.xlane v3, v2;
	v4 =	vadd.s32 v1, v4;
	_ =	sdelay $0x1  }
0x50: {  	v3 =	vadd.s32 v1, v3;
	_ =	sdelay $0x1  }
0x51: {  	s12 =	simm.s32 $0x3800  }
0x52: {  	[tilespmem:s12], [sflag:$0x1] =	stream.indirect_vreg.gather [hbm4b:s2+s3], $0x80, v4, vm0, $0xb8;
	[tilespmem:$0x12000] =	vst v63  }
0x53: {  	s17 =	simm.s32 $0x4000  }
0x54: {  	[tilespmem:s17], [sflag:$0x1] =	stream.indirect_vreg.gather [hbm4b:s2+s3], $0x80, v3, vm0, $0xb8;
	[tilespmem:$0x12000] =	vst v63  }
0x55: {  	v3 =	vld [tilespmem:$0x40];
	_ =	sdelay $0x4  }
0x56: {  	v18 =	vshll.u32 v3, $0x1  }
0x57: {  	v3 =	vand.u32 $0x7, v3;
	v4 =	vand.u32 $0xFFFFFFF0, v18  }
0x58: {  	v3 =	vor.u32 v3, v4  }
0x59: {  	v4 =	vperm.xlane v3, v0;
	_ =	sdelay $0x1  }
0x5a: {  	v3 =	vperm.xlane v3, v2;
	v4 =	vadd.s32 v1, v4;
	_ =	sdelay $0x1  }
0x5b: {  	v3 =	vadd.s32 v1, v3;
	_ =	sdelay $0x1  }
0x5c: {  	s18 =	simm.s32 $0x4800  }
0x5d: {  	[tilespmem:s18], [sflag:$0x1] =	stream.indirect_vreg.gather [hbm4b:s2+s3], $0x80, v4, vm0, $0xb8;
	[tilespmem:$0x12000] =	vst v63  }
0x5e: {  	s19 =	simm.s32 $0x5000  }
0x5f: {  	[tilespmem:s19], [sflag:$0x1] =	stream.indirect_vreg.gather [hbm4b:s2+s3], $0x80, v3, vm0, $0xb8;
	[tilespmem:$0x12000] =	vst v63  }
0x60: {  	v3 =	vld [tilespmem:$0x400];
	_ =	sdelay $0x4  }
0x61: {  	v19 =	vshll.u32 v3, $0x1  }
0x62: {  	v3 =	vand.u32 $0x7, v3;
	v4 =	vand.u32 $0xFFFFFFF0, v19  }
0x63: {  	v3 =	vor.u32 v3, v4  }
0x64: {  	v4 =	vperm.xlane v3, v0;
	_ =	sdelay $0x1  }
0x65: {  	v3 =	vperm.xlane v3, v2;
	v4 =	vadd.s32 v1, v4;
	_ =	sdelay $0x1  }
0x66: {  	v3 =	vadd.s32 v1, v3;
	_ =	sdelay $0x2  }
0x67: {  	[tilespmem:s20], [sflag:$0x3] =	stream.indirect_vreg.gather [hbm4b:s2+s3], $0x80, v4, vm0, $0xb8;
	[tilespmem:$0x12000] =	vst v63  }
0x68: {  	_ = 	snop  }
0x69: {  	[tilespmem:s28], [sflag:$0x3] =	stream.indirect_vreg.gather [hbm4b:s2+s3], $0x80, v3, vm0, $0xb8;
	[tilespmem:$0x12000] =	vst v63  }
0x6a: {  	v3 =	vld [tilespmem:$0x410];
	_ =	sdelay $0x4  }
0x6b: {  	v20 =	vshll.u32 v3, $0x1  }
0x6c: {  	v3 =	vand.u32 $0x7, v3;
	v4 =	vand.u32 $0xFFFFFFF0, v20  }
0x6d: {  	v3 =	vor.u32 v3, v4  }
0x6e: {  	v4 =	vperm.xlane v3, v0;
	_ =	sdelay $0x1  }
0x6f: {  	v3 =	vperm.xlane v3, v2;
	v4 =	vadd.s32 v1, v4;
	_ =	sdelay $0x1  }
0x70: {  	v3 =	vadd.s32 v1, v3;
	_ =	sdelay $0x2  }
0x71: {  	[tilespmem:s29], [sflag:$0x3] =	stream.indirect_vreg.gather [hbm4b:s2+s3], $0x80, v4, vm0, $0xb8;
	[tilespmem:$0x12000] =	vst v63  }
0x72: {  	_ = 	snop  }
0x73: {  	[tilespmem:s30], [sflag:$0x3] =	stream.indirect_vreg.gather [hbm4b:s2+s3], $0x80, v3, vm0, $0xb8;
	[tilespmem:$0x12000] =	vst v63  }
0x74: {  	v3 =	vld [tilespmem:$0x420];
	_ =	sdelay $0x4  }
0x75: {  	v21 =	vshll.u32 v3, $0x1  }
0x76: {  	v3 =	vand.u32 $0x7, v3;
	v4 =	vand.u32 $0xFFFFFFF0, v21  }
0x77: {  	v3 =	vor.u32 v3, v4  }
0x78: {  	v4 =	vperm.xlane v3, v0;
	_ =	sdelay $0x1  }
0x79: {  	v3 =	vperm.xlane v3, v2;
	v4 =	vadd.s32 v1, v4;
	_ =	sdelay $0x1  }
0x7a: {  	v3 =	vadd.s32 v1, v3;
	_ =	sdelay $0x2  }
0x7b: {  	[tilespmem:s22], [sflag:$0x3] =	stream.indirect_vreg.gather [hbm4b:s2+s3], $0x80, v4, vm0, $0xb8;
	[tilespmem:$0x12000] =	vst v63  }
0x7c: {  	s9 =	simm.s32 $0xD000  }
0x7d: {  	[tilespmem:s9], [sflag:$0x3] =	stream.indirect_vreg.gather [hbm4b:s2+s3], $0x80, v3, vm0, $0xb8;
	[tilespmem:$0x12000] =	vst v63  }
0x7e: {  	v3 =	vld [tilespmem:$0x430];
	_ =	sdelay $0x4  }
0x7f: {  	v22 =	vshll.u32 v3, $0x1  }
0x80: {  	v3 =	vand.u32 $0x7, v3;
	v4 =	vand.u32 $0xFFFFFFF0, v22  }
0x81: {  	v3 =	vor.u32 v3, v4  }
0x82: {  	v4 =	vperm.xlane v3, v0;
	_ =	sdelay $0x1  }
0x83: {  	v3 =	vperm.xlane v3, v2;
	v4 =	vadd.s32 v1, v4;
	_ =	sdelay $0x1  }
0x84: {  	v3 =	vadd.s32 v1, v3;
	_ =	sdelay $0x2  }
0x85: {  	[tilespmem:s23], [sflag:$0x3] =	stream.indirect_vreg.gather [hbm4b:s2+s3], $0x80, v4, vm0, $0xb8;
	[tilespmem:$0x12000] =	vst v63  }
0x86: {  	_ = 	snop  }
0x87: {  	[tilespmem:s24], [sflag:$0x3] =	stream.indirect_vreg.gather [hbm4b:s2+s3], $0x80, v3, vm0, $0xb8;
	[tilespmem:$0x12000] =	vst v63  }
0x88: {  	v3 =	vld [tilespmem:$0x440];
	_ =	sdelay $0x4  }
0x89: {  	v23 =	vshll.u32 v3, $0x1  }
0x8a: {  	v3 =	vand.u32 $0x7, v3;
	v4 =	vand.u32 $0xFFFFFFF0, v23  }
0x8b: {  	v3 =	vor.u32 v3, v4  }
0x8c: {  	v4 =	vperm.xlane v3, v0;
	_ =	sdelay $0x1  }
0x8d: {  	v3 =	vperm.xlane v3, v2;
	v4 =	vadd.s32 v1, v4;
	_ =	sdelay $0x1  }
0x8e: {  	v3 =	vadd.s32 v1, v3;
	_ =	sdelay $0x2  }
0x8f: {  	[tilespmem:s25], [sflag:$0x3] =	stream.indirect_vreg.gather [hbm4b:s2+s3], $0x80, v4, vm0, $0xb8;
	[tilespmem:$0x12000] =	vst v63  }
0x90: {  	_ = 	snop  }
0x91: {  	[tilespmem:s26], [sflag:$0x3] =	stream.indirect_vreg.gather [hbm4b:s2+s3], $0x80, v3, vm0, $0xb8;
	[tilespmem:$0x12000] =	vst v63  }
0x92: {  	v3 =	vld [tilespmem:$0x80];
	_ =	sdelay $0x4  }
0x93: {  	v24 =	vshll.u32 v3, $0x1  }
0x94: {  	v3 =	vand.u32 $0x7, v3;
	v4 =	vand.u32 $0xFFFFFFF0, v24  }
0x95: {  	v3 =	vor.u32 v3, v4  }
0x96: {  	v4 =	vperm.xlane v3, v0;
	_ =	sdelay $0x1  }
0x97: {  	v3 =	vperm.xlane v3, v2;
	v4 =	vadd.s32 v1, v4;
	_ =	sdelay $0x1  }
0x98: {  	v3 =	vadd.s32 v1, v3;
	_ =	sdelay $0x1  }
0x99: {  	s11 =	simm.s32 $0x5800  }
0x9a: {  	[tilespmem:s11], [sflag:$0x2] =	stream.indirect_vreg.gather [hbm4b:s2+s3], $0x80, v4, vm0, $0xb8;
	[tilespmem:$0x12000] =	vst v63  }
0x9b: {  	s11 =	simm.s32 $0x6000  }
0x9c: {  	[tilespmem:s11], [sflag:$0x2] =	stream.indirect_vreg.gather [hbm4b:s2+s3], $0x80, v3, vm0, $0xb8;
	[tilespmem:$0x12000] =	vst v63  }
0x9d: {  	v3 =	vld [tilespmem:$0x90];
	_ =	sdelay $0x4  }
0x9e: {  	v25 =	vshll.u32 v3, $0x1  }
0x9f: {  	v3 =	vand.u32 $0x7, v3;
	v4 =	vand.u32 $0xFFFFFFF0, v25  }
0xa0: {  	v3 =	vor.u32 v3, v4  }
0xa1: {  	v4 =	vperm.xlane v3, v0;
	_ =	sdelay $0x1  }
0xa2: {  	v3 =	vperm.xlane v3, v2;
	v4 =	vadd.s32 v1, v4;
	_ =	sdelay $0x1  }
0xa3: {  	v3 =	vadd.s32 v1, v3;
	_ =	sdelay $0x1  }
0xa4: {  	s19 =	simm.s32 $0x6800  }
0xa5: {  	[tilespmem:s19], [sflag:$0x2] =	stream.indirect_vreg.gather [hbm4b:s2+s3], $0x80, v4, vm0, $0xb8;
	[tilespmem:$0x12000] =	vst v63  }
0xa6: {  	s21 =	simm.s32 $0x7000  }
0xa7: {  	[tilespmem:s21], [sflag:$0x2] =	stream.indirect_vreg.gather [hbm4b:s2+s3], $0x80, v3, vm0, $0xb8;
	[tilespmem:$0x12000] =	vst v63  }
0xa8: {  	v3 =	vld [tilespmem:$0xA0];
	_ =	sdelay $0x4  }
0xa9: {  	v26 =	vshll.u32 v3, $0x1  }
0xaa: {  	v3 =	vand.u32 $0x7, v3;
	v4 =	vand.u32 $0xFFFFFFF0, v26  }
0xab: {  	v3 =	vor.u32 v3, v4  }
0xac: {  	v4 =	vperm.xlane v3, v0;
	_ =	sdelay $0x1  }
0xad: {  	v3 =	vperm.xlane v3, v2;
	v4 =	vadd.s32 v1, v4;
	_ =	sdelay $0x1  }
0xae: {  	v3 =	vadd.s32 v1, v3;
	_ =	sdelay $0x1  }
0xaf: {  	s18 =	simm.s32 $0x7800  }
0xb0: {  	[tilespmem:s18], [sflag:$0x2] =	stream.indirect_vreg.gather [hbm4b:s2+s3], $0x80, v4, vm0, $0xb8;
	[tilespmem:$0x12000] =	vst v63  }
0xb1: {  	s21 =	simm.s32 $0x8000  }
0xb2: {  	[tilespmem:s21], [sflag:$0x2] =	stream.indirect_vreg.gather [hbm4b:s2+s3], $0x80, v3, vm0, $0xb8;
	[tilespmem:$0x12000] =	vst v63  }
0xb3: {  	v3 =	vld [tilespmem:$0xB0];
	_ =	sdelay $0x4  }
0xb4: {  	v27 =	vshll.u32 v3, $0x1  }
0xb5: {  	v3 =	vand.u32 $0x7, v3;
	v4 =	vand.u32 $0xFFFFFFF0, v27  }
0xb6: {  	v3 =	vor.u32 v3, v4  }
0xb7: {  	v4 =	vperm.xlane v3, v0;
	_ =	sdelay $0x1  }
0xb8: {  	v3 =	vperm.xlane v3, v2;
	v4 =	vadd.s32 v1, v4;
	_ =	sdelay $0x1  }
0xb9: {  	v3 =	vadd.s32 v1, v3;
	_ =	sdelay $0x1  }
0xba: {  	s18 =	simm.s32 $0x8800  }
0xbb: {  	[tilespmem:s18], [sflag:$0x2] =	stream.indirect_vreg.gather [hbm4b:s2+s3], $0x80, v4, vm0, $0xb8;
	[tilespmem:$0x12000] =	vst v63  }
0xbc: {  	s21 =	simm.s32 $0x9000  }
0xbd: {  	[tilespmem:s21], [sflag:$0x2] =	stream.indirect_vreg.gather [hbm4b:s2+s3], $0x80, v3, vm0, $0xb8;
	[tilespmem:$0x12000] =	vst v63  }
0xbe: {  	v3 =	vld [tilespmem:$0xC0];
	_ =	sdelay $0x4  }
0xbf: {  	v28 =	vshll.u32 v3, $0x1  }
0xc0: {  	v3 =	vand.u32 $0x7, v3;
	v4 =	vand.u32 $0xFFFFFFF0, v28  }
0xc1: {  	v3 =	vor.u32 v3, v4  }
0xc2: {  	v4 =	vperm.xlane v3, v0;
	_ =	sdelay $0x1  }
0xc3: {  	v3 =	vperm.xlane v3, v2;
	v4 =	vadd.s32 v1, v4;
	_ =	sdelay $0x1  }
0xc4: {  	v3 =	vadd.s32 v1, v3;
	_ =	sdelay $0x1  }
0xc5: {  	s18 =	simm.s32 $0x9800  }
0xc6: {  	[tilespmem:s18], [sflag:$0x2] =	stream.indirect_vreg.gather [hbm4b:s2+s3], $0x80, v4, vm0, $0xb8;
	[tilespmem:$0x12000] =	vst v63  }
0xc7: {  	s21 =	simm.s32 $0xA000  }
0xc8: {  	[tilespmem:s21], [sflag:$0x2] =	stream.indirect_vreg.gather [hbm4b:s2+s3], $0x80, v3, vm0, $0xb8;
	[tilespmem:$0x12000] =	vst v63  }
0xc9: {  	_ = 	snop  }
0xca: {  	[tilespmem:s5], [sflag:$0x7] =	stream.linear.gather [hbm4b:s13+s3], $0x2800, $0x38;
	[tilespmem:$0x12000] =	vst v63  }
0xcb: {  	_ =	swait.ge [sflag:s8], $0x2800  }
0xcc: {  	s17 =	rddreg [dreg:$0x5];
	[sflag:s8] =	ssyncset.done $0x0  }
0xcd: {  	s31 =	simm.s32 $0x400;
	[sflag:s8] =	ssyncadd.s32 $0xFFFFD800;
	s17 =	sadd.s32 s14, s17  }
0xce: {  	[hbm4b:s17+s31] =	stream.strided.scatter [tilespmem:s5], [sflag:$0x7], $0x2800, s6, s31, $0x38;
	[tilespmem:$0x12000] =	vst v63  }
0xcf: {  	_ =	swait.ge [sflag:s8], $0x2800  }
0xd0: {  	[sflag:s8] =	ssyncset.done $0x0  }
0xd1: {  	[sflag:s8] =	ssyncadd.s32 $0xFFFFD800  }
0xd2: {  	_ =	swait.ge [sflag:s7], $0x5000  }
0xd3: {  	s17 =	rddreg [dreg:$0x3];
	[sflag:s7] =	ssyncset.done $0x0  }
0xd4: {  	[sflag:s7] =	ssyncadd.s32 $0xFFFFB000;
	s17 =	sadd.s32 s14, s17  }
0xd5: {  	[hbm4b:s17+s10] =	stream.strided.scatter [tilespmem:s10], [sflag:$0x4], $0x5000, s6, s10, $0x38;
	[tilespmem:$0x12000] =	vst v63  }
0xd6: {  	_ =	swait.ge [sflag:s1], $0x5000  }
0xd7: {  	s17 =	rddreg [dreg:$0x4];
	[sflag:s1] =	ssyncset.done $0x0  }
0xd8: {  	[sflag:s1] =	ssyncadd.s32 $0xFFFFB000;
	s17 =	sadd.s32 s14, s17  }
0xd9: {  	[hbm4b:s17+s10] =	stream.strided.scatter [tilespmem:s20], [sflag:$0x6], $0x5000, s6, s10, $0x38;
	[tilespmem:$0x12000] =	vst v63  }
0xda: {  	_ =	swait.ge [sflag:s0], $0x5000  }
0xdb: {  	[sflag:s0] =	ssyncset.done $0x0  }
0xdc: {  	[sflag:s0] =	ssyncadd.s32 $0xFFFFB000  }
0xdd: {  	v3 =	vld [tilespmem:$0x480];
	_ =	sdelay $0x4  }
0xde: {  	v29 =	vshll.u32 v3, $0x1  }
0xdf: {  	v3 =	vand.u32 $0x7, v3;
	v4 =	vand.u32 $0xFFFFFFF0, v29  }
0xe0: {  	v3 =	vor.u32 v3, v4  }
0xe1: {  	v4 =	vperm.xlane v3, v0;
	_ =	sdelay $0x1  }
0xe2: {  	v3 =	vperm.xlane v3, v2;
	v4 =	vadd.s32 v1, v4;
	_ =	sdelay $0x1  }
0xe3: {  	v3 =	vadd.s32 v1, v3;
	_ =	sdelay $0x2  }
0xe4: {  	[tilespmem:s20], [sflag:$0x3] =	stream.indirect_vreg.gather [hbm4b:s2+s3], $0x80, v4, vm0, $0xb8;
	[tilespmem:$0x12000] =	vst v63  }
0xe5: {  	_ = 	snop  }
0xe6: {  	[tilespmem:s28], [sflag:$0x3] =	stream.indirect_vreg.gather [hbm4b:s2+s3], $0x80, v3, vm0, $0xb8;
	[tilespmem:$0x12000] =	vst v63  }
0xe7: {  	v3 =	vld [tilespmem:$0x490];
	_ =	sdelay $0x4  }
0xe8: {  	v30 =	vshll.u32 v3, $0x1  }
0xe9: {  	v3 =	vand.u32 $0x7, v3;
	v4 =	vand.u32 $0xFFFFFFF0, v30  }
0xea: {  	v3 =	vor.u32 v3, v4  }
0xeb: {  	v4 =	vperm.xlane v3, v0;
	_ =	sdelay $0x1  }
0xec: {  	v3 =	vperm.xlane v3, v2;
	v4 =	vadd.s32 v1, v4;
	_ =	sdelay $0x1  }
0xed: {  	v3 =	vadd.s32 v1, v3;
	_ =	sdelay $0x2  }
0xee: {  	[tilespmem:s29], [sflag:$0x3] =	stream.indirect_vreg.gather [hbm4b:s2+s3], $0x80, v4, vm0, $0xb8;
	[tilespmem:$0x12000] =	vst v63  }
0xef: {  	_ = 	snop  }
0xf0: {  	[tilespmem:s30], [sflag:$0x3] =	stream.indirect_vreg.gather [hbm4b:s2+s3], $0x80, v3, vm0, $0xb8;
	[tilespmem:$0x12000] =	vst v63  }
0xf1: {  	v3 =	vld [tilespmem:$0x4A0];
	_ =	sdelay $0x4  }
0xf2: {  	v31 =	vshll.u32 v3, $0x1  }
0xf3: {  	v3 =	vand.u32 $0x7, v3;
	v4 =	vand.u32 $0xFFFFFFF0, v31  }
0xf4: {  	v3 =	vor.u32 v3, v4  }
0xf5: {  	v4 =	vperm.xlane v3, v0;
	_ =	sdelay $0x1  }
0xf6: {  	v3 =	vperm.xlane v3, v2;
	v4 =	vadd.s32 v1, v4;
	_ =	sdelay $0x1  }
0xf7: {  	v3 =	vadd.s32 v1, v3;
	_ =	sdelay $0x2  }
0xf8: {  	[tilespmem:s22], [sflag:$0x3] =	stream.indirect_vreg.gather [hbm4b:s2+s3], $0x80, v4, vm0, $0xb8;
	[tilespmem:$0x12000] =	vst v63  }
0xf9: {  	_ = 	snop  }
0xfa: {  	[tilespmem:s9], [sflag:$0x3] =	stream.indirect_vreg.gather [hbm4b:s2+s3], $0x80, v3, vm0, $0xb8;
	[tilespmem:$0x12000] =	vst v63  }
0xfb: {  	v3 =	vld [tilespmem:$0x4B0];
	_ =	sdelay $0x4  }
0xfc: {  	v32 =	vshll.u32 v3, $0x1  }
0xfd: {  	v3 =	vand.u32 $0x7, v3;
	v4 =	vand.u32 $0xFFFFFFF0, v32  }
0xfe: {  	v3 =	vor.u32 v3, v4  }
0xff: {  	v4 =	vperm.xlane v3, v0;
	_ =	sdelay $0x1  }
0x100: {  	v3 =	vperm.xlane v3, v2;
	v4 =	vadd.s32 v1, v4;
	_ =	sdelay $0x1  }
0x101: {  	v3 =	vadd.s32 v1, v3;
	_ =	sdelay $0x2  }
0x102: {  	[tilespmem:s23], [sflag:$0x3] =	stream.indirect_vreg.gather [hbm4b:s2+s3], $0x80, v4, vm0, $0xb8;
	[tilespmem:$0x12000] =	vst v63  }
0x103: {  	_ = 	snop  }
0x104: {  	[tilespmem:s24], [sflag:$0x3] =	stream.indirect_vreg.gather [hbm4b:s2+s3], $0x80, v3, vm0, $0xb8;
	[tilespmem:$0x12000] =	vst v63  }
0x105: {  	v3 =	vld [tilespmem:$0x4C0];
	_ =	sdelay $0x4  }
0x106: {  	v33 =	vshll.u32 v3, $0x1  }
0x107: {  	v3 =	vand.u32 $0x7, v3;
	v4 =	vand.u32 $0xFFFFFFF0, v33  }
0x108: {  	v3 =	vor.u32 v3, v4  }
0x109: {  	v4 =	vperm.xlane v3, v0;
	_ =	sdelay $0x1  }
0x10a: {  	v3 =	vperm.xlane v3, v2;
	v4 =	vadd.s32 v1, v4;
	_ =	sdelay $0x1  }
0x10b: {  	v3 =	vadd.s32 v1, v3;
	_ =	sdelay $0x2  }
0x10c: {  	[tilespmem:s25], [sflag:$0x3] =	stream.indirect_vreg.gather [hbm4b:s2+s3], $0x80, v4, vm0, $0xb8;
	[tilespmem:$0x12000] =	vst v63  }
0x10d: {  	_ = 	snop  }
0x10e: {  	[tilespmem:s26], [sflag:$0x3] =	stream.indirect_vreg.gather [hbm4b:s2+s3], $0x80, v3, vm0, $0xb8;
	[tilespmem:$0x12000] =	vst v63  }
0x10f: {  	_ =	swait.ge [sflag:s4], $0x5000  }
0x110: {  	[sflag:s4] =	ssyncset.done $0x0  }
0x111: {  	[sflag:s4] =	ssyncadd.s32 $0xFFFFB000  }
0x112: {  	v3 =	vld [tilespmem:$0x100];
	_ =	sdelay $0x4  }
0x113: {  	v34 =	vshll.u32 v3, $0x1  }
0x114: {  	v3 =	vand.u32 $0x7, v3;
	v4 =	vand.u32 $0xFFFFFFF0, v34  }
0x115: {  	v3 =	vor.u32 v3, v4  }
0x116: {  	v4 =	vperm.xlane v3, v0;
	_ =	sdelay $0x1  }
0x117: {  	v3 =	vperm.xlane v3, v2;
	v4 =	vadd.s32 v1, v4;
	_ =	sdelay $0x1  }
0x118: {  	v3 =	vadd.s32 v1, v3;
	_ =	sdelay $0x2  }
0x119: {  	[tilespmem:s10], [sflag:$0x1] =	stream.indirect_vreg.gather [hbm4b:s2+s3], $0x80, v4, vm0, $0xb8;
	[tilespmem:$0x12000] =	vst v63  }
0x11a: {  	s17 =	simm.s32 $0x1000  }
0x11b: {  	[tilespmem:s17], [sflag:$0x1] =	stream.indirect_vreg.gather [hbm4b:s2+s3], $0x80, v3, vm0, $0xb8;
	[tilespmem:$0x12000] =	vst v63  }
0x11c: {  	v3 =	vld [tilespmem:$0x110];
	_ =	sdelay $0x4  }
0x11d: {  	v35 =	vshll.u32 v3, $0x1  }
0x11e: {  	v3 =	vand.u32 $0x7, v3;
	v4 =	vand.u32 $0xFFFFFFF0, v35  }
0x11f: {  	v3 =	vor.u32 v3, v4  }
0x120: {  	v4 =	vperm.xlane v3, v0;
	_ =	sdelay $0x1  }
0x121: {  	v3 =	vperm.xlane v3, v2;
	v4 =	vadd.s32 v1, v4;
	_ =	sdelay $0x1  }
0x122: {  	v3 =	vadd.s32 v1, v3;
	_ =	sdelay $0x1  }
0x123: {  	s18 =	simm.s32 $0x1800  }
0x124: {  	[tilespmem:s18], [sflag:$0x1] =	stream.indirect_vreg.gather [hbm4b:s2+s3], $0x80, v4, vm0, $0xb8;
	[tilespmem:$0x12000] =	vst v63  }
0x125: {  	s18 =	simm.s32 $0x2000  }
0x126: {  	[tilespmem:s18], [sflag:$0x1] =	stream.indirect_vreg.gather [hbm4b:s2+s3], $0x80, v3, vm0, $0xb8;
	[tilespmem:$0x12000] =	vst v63  }
0x127: {  	v3 =	vld [tilespmem:$0x120];
	_ =	sdelay $0x4  }
0x128: {  	v36 =	vshll.u32 v3, $0x1  }
0x129: {  	v3 =	vand.u32 $0x7, v3;
	v4 =	vand.u32 $0xFFFFFFF0, v36  }
0x12a: {  	v3 =	vor.u32 v3, v4  }
0x12b: {  	v4 =	vperm.xlane v3, v0;
	_ =	sdelay $0x1  }
0x12c: {  	v3 =	vperm.xlane v3, v2;
	v4 =	vadd.s32 v1, v4;
	_ =	sdelay $0x1  }
0x12d: {  	v3 =	vadd.s32 v1, v3;
	_ =	sdelay $0x1  }
0x12e: {  	s21 =	simm.s32 $0x2800  }
0x12f: {  	[tilespmem:s21], [sflag:$0x1] =	stream.indirect_vreg.gather [hbm4b:s2+s3], $0x80, v4, vm0, $0xb8;
	[tilespmem:$0x12000] =	vst v63  }
0x130: {  	s21 =	simm.s32 $0x3000  }
0x131: {  	[tilespmem:s21], [sflag:$0x1] =	stream.indirect_vreg.gather [hbm4b:s2+s3], $0x80, v3, vm0, $0xb8;
	[tilespmem:$0x12000] =	vst v63  }
0x132: {  	v3 =	vld [tilespmem:$0x130];
	_ =	sdelay $0x4  }
0x133: {  	v37 =	vshll.u32 v3, $0x1  }
0x134: {  	v3 =	vand.u32 $0x7, v3;
	v4 =	vand.u32 $0xFFFFFFF0, v37  }
0x135: {  	v3 =	vor.u32 v3, v4  }
0x136: {  	v4 =	vperm.xlane v3, v0;
	_ =	sdelay $0x1  }
0x137: {  	v3 =	vperm.xlane v3, v2;
	v4 =	vadd.s32 v1, v4;
	_ =	sdelay $0x1  }
0x138: {  	v3 =	vadd.s32 v1, v3;
	_ =	sdelay $0x1  }
0x139: {  	s18 =	simm.s32 $0x3800  }
0x13a: {  	[tilespmem:s18], [sflag:$0x1] =	stream.indirect_vreg.gather [hbm4b:s2+s3], $0x80, v4, vm0, $0xb8;
	[tilespmem:$0x12000] =	vst v63  }
0x13b: {  	s18 =	simm.s32 $0x4000  }
0x13c: {  	[tilespmem:s18], [sflag:$0x1] =	stream.indirect_vreg.gather [hbm4b:s2+s3], $0x80, v3, vm0, $0xb8;
	[tilespmem:$0x12000] =	vst v63  }
0x13d: {  	v3 =	vld [tilespmem:$0x140];
	_ =	sdelay $0x4  }
0x13e: {  	v38 =	vshll.u32 v3, $0x1  }
0x13f: {  	v3 =	vand.u32 $0x7, v3;
	v4 =	vand.u32 $0xFFFFFFF0, v38  }
0x140: {  	v3 =	vor.u32 v3, v4  }
0x141: {  	v4 =	vperm.xlane v3, v0;
	_ =	sdelay $0x1  }
0x142: {  	v3 =	vperm.xlane v3, v2;
	v4 =	vadd.s32 v1, v4;
	_ =	sdelay $0x1  }
0x143: {  	v3 =	vadd.s32 v1, v3;
	_ =	sdelay $0x1  }
0x144: {  	s18 =	simm.s32 $0x4800  }
0x145: {  	[tilespmem:s18], [sflag:$0x1] =	stream.indirect_vreg.gather [hbm4b:s2+s3], $0x80, v4, vm0, $0xb8;
	[tilespmem:$0x12000] =	vst v63  }
0x146: {  	s18 =	simm.s32 $0x5000  }
0x147: {  	[tilespmem:s18], [sflag:$0x1] =	stream.indirect_vreg.gather [hbm4b:s2+s3], $0x80, v3, vm0, $0xb8;
	[tilespmem:$0x12000] =	vst v63  }
0x148: {  	s18 =	sadd.s32 $0x500, s13  }
0x149: {  	[tilespmem:s5], [sflag:$0x7] =	stream.linear.gather [hbm4b:s18+s3], $0x2800, $0x38;
	[tilespmem:$0x12000] =	vst v63  }
0x14a: {  	_ =	swait.ge [sflag:s8], $0x2800  }
0x14b: {  	s18 =	rddreg [dreg:$0x9]  }
0x14c: {  	[sflag:s8] =	ssyncset.done $0x0;
	s17 =	sadd.s32 s14, s18  }
0x14d: {  	s31 =	simm.s32 $0x400;
	[sflag:s8] =	ssyncadd.s32 $0xFFFFD800;
	s18 =	sadd.s32 $0x200, s17  }
0x14e: {  	[hbm4b:s18+s31] =	stream.strided.scatter [tilespmem:s5], [sflag:$0x7], $0x2800, s6, s31, $0x38;
	[tilespmem:$0x12000] =	vst v63  }
0x14f: {  	_ =	swait.ge [sflag:s8], $0x2800  }
0x150: {  	[sflag:s8] =	ssyncset.done $0x0  }
0x151: {  	s12 =	simm.s32 $0x2;
	[sflag:s8] =	ssyncadd.s32 $0xFFFFD800  }
0x152: {  	_ =	swait.ge [sflag:s12], $0x5000  }
0x153: {  	[sflag:s12] =	ssyncset.done $0x0  }
0x154: {  	s18 =	simm.s32 $0x5800;
	[sflag:s12] =	ssyncadd.s32 $0xFFFFB000  }
0x155: {  	[hbm4b:s17+s10] =	stream.strided.scatter [tilespmem:s18], [sflag:$0x5], $0x5000, s6, s10, $0x38;
	[tilespmem:$0x12000] =	vst v63  }
0x156: {  	_ =	swait.ge [sflag:s1], $0x5000  }
0x157: {  	[sflag:s1] =	ssyncset.done $0x0  }
0x158: {  	s17 =	sadd.s32 $0x100, s17;
	[sflag:s1] =	ssyncadd.s32 $0xFFFFB000  }
0x159: {  	[hbm4b:s17+s10] =	stream.strided.scatter [tilespmem:s20], [sflag:$0x6], $0x5000, s6, s10, $0x38;
	[tilespmem:$0x12000] =	vst v63  }
0x15a: {  	_ =	swait.ge [sflag:s0], $0x5000  }
0x15b: {  	[sflag:s0] =	ssyncset.done $0x0  }
0x15c: {  	[sflag:s0] =	ssyncadd.s32 $0xFFFFB000  }
0x15d: {  	v3 =	vld [tilespmem:$0x500];
	_ =	sdelay $0x4  }
0x15e: {  	v39 =	vshll.u32 v3, $0x1  }
0x15f: {  	v3 =	vand.u32 $0x7, v3;
	v4 =	vand.u32 $0xFFFFFFF0, v39  }
0x160: {  	v3 =	vor.u32 v3, v4  }
0x161: {  	v4 =	vperm.xlane v3, v0;
	_ =	sdelay $0x1  }
0x162: {  	v3 =	vperm.xlane v3, v2;
	v4 =	vadd.s32 v1, v4;
	_ =	sdelay $0x1  }
0x163: {  	v3 =	vadd.s32 v1, v3;
	_ =	sdelay $0x2  }
0x164: {  	[tilespmem:s20], [sflag:$0x3] =	stream.indirect_vreg.gather [hbm4b:s2+s3], $0x80, v4, vm0, $0xb8;
	[tilespmem:$0x12000] =	vst v63  }
0x165: {  	_ = 	snop  }
0x166: {  	[tilespmem:s28], [sflag:$0x3] =	stream.indirect_vreg.gather [hbm4b:s2+s3], $0x80, v3, vm0, $0xb8;
	[tilespmem:$0x12000] =	vst v63  }
0x167: {  	v3 =	vld [tilespmem:$0x510];
	_ =	sdelay $0x4  }
0x168: {  	v40 =	vshll.u32 v3, $0x1  }
0x169: {  	v3 =	vand.u32 $0x7, v3;
	v4 =	vand.u32 $0xFFFFFFF0, v40  }
0x16a: {  	v3 =	vor.u32 v3, v4  }
0x16b: {  	v4 =	vperm.xlane v3, v0;
	_ =	sdelay $0x1  }
0x16c: {  	v3 =	vperm.xlane v3, v2;
	v4 =	vadd.s32 v1, v4;
	_ =	sdelay $0x1  }
0x16d: {  	v3 =	vadd.s32 v1, v3;
	_ =	sdelay $0x2  }
0x16e: {  	[tilespmem:s29], [sflag:$0x3] =	stream.indirect_vreg.gather [hbm4b:s2+s3], $0x80, v4, vm0, $0xb8;
	[tilespmem:$0x12000] =	vst v63  }
0x16f: {  	_ = 	snop  }
0x170: {  	[tilespmem:s30], [sflag:$0x3] =	stream.indirect_vreg.gather [hbm4b:s2+s3], $0x80, v3, vm0, $0xb8;
	[tilespmem:$0x12000] =	vst v63  }
0x171: {  	v3 =	vld [tilespmem:$0x520];
	_ =	sdelay $0x4  }
0x172: {  	v41 =	vshll.u32 v3, $0x1  }
0x173: {  	v3 =	vand.u32 $0x7, v3;
	v4 =	vand.u32 $0xFFFFFFF0, v41  }
0x174: {  	v3 =	vor.u32 v3, v4  }
0x175: {  	v4 =	vperm.xlane v3, v0;
	_ =	sdelay $0x1  }
0x176: {  	v3 =	vperm.xlane v3, v2;
	v4 =	vadd.s32 v1, v4;
	_ =	sdelay $0x1  }
0x177: {  	v3 =	vadd.s32 v1, v3;
	_ =	sdelay $0x2  }
0x178: {  	[tilespmem:s22], [sflag:$0x3] =	stream.indirect_vreg.gather [hbm4b:s2+s3], $0x80, v4, vm0, $0xb8;
	[tilespmem:$0x12000] =	vst v63  }
0x179: {  	_ = 	snop  }
0x17a: {  	[tilespmem:s9], [sflag:$0x3] =	stream.indirect_vreg.gather [hbm4b:s2+s3], $0x80, v3, vm0, $0xb8;
	[tilespmem:$0x12000] =	vst v63  }
0x17b: {  	v3 =	vld [tilespmem:$0x530];
	_ =	sdelay $0x4  }
0x17c: {  	v42 =	vshll.u32 v3, $0x1  }
0x17d: {  	v3 =	vand.u32 $0x7, v3;
	v4 =	vand.u32 $0xFFFFFFF0, v42  }
0x17e: {  	v3 =	vor.u32 v3, v4  }
0x17f: {  	v4 =	vperm.xlane v3, v0;
	_ =	sdelay $0x1  }
0x180: {  	v3 =	vperm.xlane v3, v2;
	v4 =	vadd.s32 v1, v4;
	_ =	sdelay $0x1  }
0x181: {  	v3 =	vadd.s32 v1, v3;
	_ =	sdelay $0x2  }
0x182: {  	[tilespmem:s23], [sflag:$0x3] =	stream.indirect_vreg.gather [hbm4b:s2+s3], $0x80, v4, vm0, $0xb8;
	[tilespmem:$0x12000] =	vst v63  }
0x183: {  	_ = 	snop  }
0x184: {  	[tilespmem:s24], [sflag:$0x3] =	stream.indirect_vreg.gather [hbm4b:s2+s3], $0x80, v3, vm0, $0xb8;
	[tilespmem:$0x12000] =	vst v63  }
0x185: {  	v3 =	vld [tilespmem:$0x540];
	_ =	sdelay $0x4  }
0x186: {  	v43 =	vshll.u32 v3, $0x1  }
0x187: {  	v3 =	vand.u32 $0x7, v3;
	v4 =	vand.u32 $0xFFFFFFF0, v43  }
0x188: {  	v3 =	vor.u32 v3, v4  }
0x189: {  	v4 =	vperm.xlane v3, v0;
	_ =	sdelay $0x1  }
0x18a: {  	v3 =	vperm.xlane v3, v2;
	v4 =	vadd.s32 v1, v4;
	_ =	sdelay $0x1  }
0x18b: {  	v3 =	vadd.s32 v1, v3;
	_ =	sdelay $0x2  }
0x18c: {  	[tilespmem:s25], [sflag:$0x3] =	stream.indirect_vreg.gather [hbm4b:s2+s3], $0x80, v4, vm0, $0xb8;
	[tilespmem:$0x12000] =	vst v63  }
0x18d: {  	s12 =	simm.s32 $0x5  }
0x18e: {  	[tilespmem:s26], [sflag:$0x3] =	stream.indirect_vreg.gather [hbm4b:s2+s3], $0x80, v3, vm0, $0xb8;
	[tilespmem:$0x12000] =	vst v63  }
0x18f: {  	_ =	swait.ge [sflag:s12], $0x5000  }
0x190: {  	[sflag:s12] =	ssyncset.done $0x0  }
0x191: {  	[sflag:s12] =	ssyncadd.s32 $0xFFFFB000  }
0x192: {  	v3 =	vld [tilespmem:$0x180];
	_ =	sdelay $0x4  }
0x193: {  	v44 =	vshll.u32 v3, $0x1  }
0x194: {  	v3 =	vand.u32 $0x7, v3;
	v4 =	vand.u32 $0xFFFFFFF0, v44  }
0x195: {  	v3 =	vor.u32 v3, v4  }
0x196: {  	v4 =	vperm.xlane v3, v0;
	_ =	sdelay $0x1  }
0x197: {  	v3 =	vperm.xlane v3, v2;
	v4 =	vadd.s32 v1, v4;
	_ =	sdelay $0x1  }
0x198: {  	v3 =	vadd.s32 v1, v3;
	_ =	sdelay $0x2  }
0x199: {  	[tilespmem:s18], [sflag:$0x2] =	stream.indirect_vreg.gather [hbm4b:s2+s3], $0x80, v4, vm0, $0xb8;
	[tilespmem:$0x12000] =	vst v63  }
0x19a: {  	_ = 	snop  }
0x19b: {  	[tilespmem:s11], [sflag:$0x2] =	stream.indirect_vreg.gather [hbm4b:s2+s3], $0x80, v3, vm0, $0xb8;
	[tilespmem:$0x12000] =	vst v63  }
0x19c: {  	v3 =	vld [tilespmem:$0x190];
	_ =	sdelay $0x4  }
0x19d: {  	v45 =	vshll.u32 v3, $0x1  }
0x19e: {  	v3 =	vand.u32 $0x7, v3;
	v4 =	vand.u32 $0xFFFFFFF0, v45  }
0x19f: {  	v3 =	vor.u32 v3, v4  }
0x1a0: {  	v4 =	vperm.xlane v3, v0;
	_ =	sdelay $0x1  }
0x1a1: {  	v3 =	vperm.xlane v3, v2;
	v4 =	vadd.s32 v1, v4;
	_ =	sdelay $0x1  }
0x1a2: {  	v3 =	vadd.s32 v1, v3;
	_ =	sdelay $0x2  }
0x1a3: {  	[tilespmem:s19], [sflag:$0x2] =	stream.indirect_vreg.gather [hbm4b:s2+s3], $0x80, v4, vm0, $0xb8;
	[tilespmem:$0x12000] =	vst v63  }
0x1a4: {  	s17 =	simm.s32 $0x7000  }
0x1a5: {  	[tilespmem:s17], [sflag:$0x2] =	stream.indirect_vreg.gather [hbm4b:s2+s3], $0x80, v3, vm0, $0xb8;
	[tilespmem:$0x12000] =	vst v63  }
0x1a6: {  	v3 =	vld [tilespmem:$0x1A0];
	_ =	sdelay $0x4  }
0x1a7: {  	v46 =	vshll.u32 v3, $0x1  }
0x1a8: {  	v3 =	vand.u32 $0x7, v3;
	v4 =	vand.u32 $0xFFFFFFF0, v46  }
0x1a9: {  	v3 =	vor.u32 v3, v4  }
0x1aa: {  	v4 =	vperm.xlane v3, v0;
	_ =	sdelay $0x1  }
0x1ab: {  	v3 =	vperm.xlane v3, v2;
	v4 =	vadd.s32 v1, v4;
	_ =	sdelay $0x1  }
0x1ac: {  	v3 =	vadd.s32 v1, v3;
	_ =	sdelay $0x1  }
0x1ad: {  	s18 =	simm.s32 $0x7800  }
0x1ae: {  	[tilespmem:s18], [sflag:$0x2] =	stream.indirect_vreg.gather [hbm4b:s2+s3], $0x80, v4, vm0, $0xb8;
	[tilespmem:$0x12000] =	vst v63  }
0x1af: {  	s19 =	simm.s32 $0x8000  }
0x1b0: {  	[tilespmem:s19], [sflag:$0x2] =	stream.indirect_vreg.gather [hbm4b:s2+s3], $0x80, v3, vm0, $0xb8;
	[tilespmem:$0x12000] =	vst v63  }
0x1b1: {  	v3 =	vld [tilespmem:$0x1B0];
	_ =	sdelay $0x4  }
0x1b2: {  	v47 =	vshll.u32 v3, $0x1  }
0x1b3: {  	v3 =	vand.u32 $0x7, v3;
	v4 =	vand.u32 $0xFFFFFFF0, v47  }
0x1b4: {  	v3 =	vor.u32 v3, v4  }
0x1b5: {  	v4 =	vperm.xlane v3, v0;
	_ =	sdelay $0x1  }
0x1b6: {  	v3 =	vperm.xlane v3, v2;
	v4 =	vadd.s32 v1, v4;
	_ =	sdelay $0x1  }
0x1b7: {  	v3 =	vadd.s32 v1, v3;
	_ =	sdelay $0x1  }
0x1b8: {  	s17 =	simm.s32 $0x8800  }
0x1b9: {  	[tilespmem:s17], [sflag:$0x2] =	stream.indirect_vreg.gather [hbm4b:s2+s3], $0x80, v4, vm0, $0xb8;
	[tilespmem:$0x12000] =	vst v63  }
0x1ba: {  	s18 =	simm.s32 $0x9000  }
0x1bb: {  	[tilespmem:s18], [sflag:$0x2] =	stream.indirect_vreg.gather [hbm4b:s2+s3], $0x80, v3, vm0, $0xb8;
	[tilespmem:$0x12000] =	vst v63  }
0x1bc: {  	v3 =	vld [tilespmem:$0x1C0];
	_ =	sdelay $0x4  }
0x1bd: {  	v48 =	vshll.u32 v3, $0x1  }
0x1be: {  	v3 =	vand.u32 $0x7, v3;
	v4 =	vand.u32 $0xFFFFFFF0, v48  }
0x1bf: {  	v3 =	vor.u32 v3, v4  }
0x1c0: {  	v4 =	vperm.xlane v3, v0;
	_ =	sdelay $0x1  }
0x1c1: {  	v3 =	vperm.xlane v3, v2;
	v4 =	vadd.s32 v1, v4;
	_ =	sdelay $0x1  }
0x1c2: {  	v3 =	vadd.s32 v1, v3;
	_ =	sdelay $0x1  }
0x1c3: {  	s19 =	simm.s32 $0x9800  }
0x1c4: {  	[tilespmem:s19], [sflag:$0x2] =	stream.indirect_vreg.gather [hbm4b:s2+s3], $0x80, v4, vm0, $0xb8;
	[tilespmem:$0x12000] =	vst v63  }
0x1c5: {  	s17 =	simm.s32 $0xA000  }
0x1c6: {  	[tilespmem:s17], [sflag:$0x2] =	stream.indirect_vreg.gather [hbm4b:s2+s3], $0x80, v3, vm0, $0xb8;
	[tilespmem:$0x12000] =	vst v63  }
0x1c7: {  	s18 =	sadd.s32 $0xA00, s13  }
0x1c8: {  	[tilespmem:s5], [sflag:$0x7] =	stream.linear.gather [hbm4b:s18+s3], $0x2800, $0x38;
	[tilespmem:$0x12000] =	vst v63  }
0x1c9: {  	_ =	swait.ge [sflag:s8], $0x2800  }
0x1ca: {  	s19 =	rddreg [dreg:$0x8]  }
0x1cb: {  	[sflag:s8] =	ssyncset.done $0x0;
	s17 =	sadd.s32 s14, s19  }
0x1cc: {  	[sflag:s8] =	ssyncadd.s32 $0xFFFFD800;
	s19 =	simm.s32 $0x400;
	s11 =	sadd.s32 $0x200, s17  }
0x1cd: {  	[hbm4b:s11+s19] =	stream.strided.scatter [tilespmem:s5], [sflag:$0x7], $0x2800, s6, s19, $0x38;
	[tilespmem:$0x12000] =	vst v63  }
0x1ce: {  	_ =	swait.ge [sflag:s8], $0x2800  }
0x1cf: {  	[sflag:s8] =	ssyncset.done $0x0  }
0x1d0: {  	[sflag:s8] =	ssyncadd.s32 $0xFFFFD800  }
0x1d1: {  	_ =	swait.ge [sflag:s7], $0x5000  }
0x1d2: {  	[sflag:s7] =	ssyncset.done $0x0  }
0x1d3: {  	[sflag:s7] =	ssyncadd.s32 $0xFFFFB000  }
0x1d4: {  	[hbm4b:s17+s10] =	stream.strided.scatter [tilespmem:s10], [sflag:$0x4], $0x5000, s6, s10, $0x38;
	[tilespmem:$0x12000] =	vst v63  }
0x1d5: {  	_ =	swait.ge [sflag:s1], $0x5000  }
0x1d6: {  	[sflag:s1] =	ssyncset.done $0x0  }
0x1d7: {  	s17 =	sadd.s32 $0x100, s17;
	[sflag:s1] =	ssyncadd.s32 $0xFFFFB000  }
0x1d8: {  	[hbm4b:s17+s10] =	stream.strided.scatter [tilespmem:s20], [sflag:$0x6], $0x5000, s6, s10, $0x38;
	[tilespmem:$0x12000] =	vst v63  }
0x1d9: {  	_ =	swait.ge [sflag:s0], $0x5000  }
0x1da: {  	[sflag:s0] =	ssyncset.done $0x0  }
0x1db: {  	[sflag:s0] =	ssyncadd.s32 $0xFFFFB000  }
0x1dc: {  	v3 =	vld [tilespmem:$0x580];
	_ =	sdelay $0x4  }
0x1dd: {  	v49 =	vshll.u32 v3, $0x1  }
0x1de: {  	v3 =	vand.u32 $0x7, v3;
	v4 =	vand.u32 $0xFFFFFFF0, v49  }
0x1df: {  	v3 =	vor.u32 v3, v4  }
0x1e0: {  	v4 =	vperm.xlane v3, v0;
	_ =	sdelay $0x1  }
0x1e1: {  	v3 =	vperm.xlane v3, v2;
	v4 =	vadd.s32 v1, v4;
	_ =	sdelay $0x1  }
0x1e2: {  	v3 =	vadd.s32 v1, v3;
	_ =	sdelay $0x2  }
0x1e3: {  	[tilespmem:s20], [sflag:$0x3] =	stream.indirect_vreg.gather [hbm4b:s2+s3], $0x80, v4, vm0, $0xb8;
	[tilespmem:$0x12000] =	vst v63  }
0x1e4: {  	_ = 	snop  }
0x1e5: {  	[tilespmem:s28], [sflag:$0x3] =	stream.indirect_vreg.gather [hbm4b:s2+s3], $0x80, v3, vm0, $0xb8;
	[tilespmem:$0x12000] =	vst v63  }
0x1e6: {  	v3 =	vld [tilespmem:$0x590];
	_ =	sdelay $0x4  }
0x1e7: {  	v50 =	vshll.u32 v3, $0x1  }
0x1e8: {  	v3 =	vand.u32 $0x7, v3;
	v4 =	vand.u32 $0xFFFFFFF0, v50  }
0x1e9: {  	v3 =	vor.u32 v3, v4  }
0x1ea: {  	v4 =	vperm.xlane v3, v0;
	_ =	sdelay $0x1  }
0x1eb: {  	v3 =	vperm.xlane v3, v2;
	v4 =	vadd.s32 v1, v4;
	_ =	sdelay $0x1  }
0x1ec: {  	v3 =	vadd.s32 v1, v3;
	_ =	sdelay $0x2  }
0x1ed: {  	[tilespmem:s29], [sflag:$0x3] =	stream.indirect_vreg.gather [hbm4b:s2+s3], $0x80, v4, vm0, $0xb8;
	[tilespmem:$0x12000] =	vst v63  }
0x1ee: {  	_ = 	snop  }
0x1ef: {  	[tilespmem:s30], [sflag:$0x3] =	stream.indirect_vreg.gather [hbm4b:s2+s3], $0x80, v3, vm0, $0xb8;
	[tilespmem:$0x12000] =	vst v63  }
0x1f0: {  	v3 =	vld [tilespmem:$0x5A0];
	_ =	sdelay $0x4  }
0x1f1: {  	v51 =	vshll.u32 v3, $0x1  }
0x1f2: {  	v3 =	vand.u32 $0x7, v3;
	v4 =	vand.u32 $0xFFFFFFF0, v51  }
0x1f3: {  	v3 =	vor.u32 v3, v4  }
0x1f4: {  	v4 =	vperm.xlane v3, v0;
	_ =	sdelay $0x1  }
0x1f5: {  	v3 =	vperm.xlane v3, v2;
	v4 =	vadd.s32 v1, v4;
	_ =	sdelay $0x1  }
0x1f6: {  	v3 =	vadd.s32 v1, v3;
	_ =	sdelay $0x2  }
0x1f7: {  	[tilespmem:s22], [sflag:$0x3] =	stream.indirect_vreg.gather [hbm4b:s2+s3], $0x80, v4, vm0, $0xb8;
	[tilespmem:$0x12000] =	vst v63  }
0x1f8: {  	_ = 	snop  }
0x1f9: {  	[tilespmem:s9], [sflag:$0x3] =	stream.indirect_vreg.gather [hbm4b:s2+s3], $0x80, v3, vm0, $0xb8;
	[tilespmem:$0x12000] =	vst v63  }
0x1fa: {  	v3 =	vld [tilespmem:$0x5B0];
	_ =	sdelay $0x4  }
0x1fb: {  	v52 =	vshll.u32 v3, $0x1  }
0x1fc: {  	v3 =	vand.u32 $0x7, v3;
	v4 =	vand.u32 $0xFFFFFFF0, v52  }
0x1fd: {  	v3 =	vor.u32 v3, v4  }
0x1fe: {  	v4 =	vperm.xlane v3, v0;
	_ =	sdelay $0x1  }
0x1ff: {  	v3 =	vperm.xlane v3, v2;
	v4 =	vadd.s32 v1, v4;
	_ =	sdelay $0x1  }
0x200: {  	v3 =	vadd.s32 v1, v3;
	_ =	sdelay $0x2  }
0x201: {  	[tilespmem:s23], [sflag:$0x3] =	stream.indirect_vreg.gather [hbm4b:s2+s3], $0x80, v4, vm0, $0xb8;
	[tilespmem:$0x12000] =	vst v63  }
0x202: {  	_ = 	snop  }
0x203: {  	[tilespmem:s24], [sflag:$0x3] =	stream.indirect_vreg.gather [hbm4b:s2+s3], $0x80, v3, vm0, $0xb8;
	[tilespmem:$0x12000] =	vst v63  }
0x204: {  	v3 =	vld [tilespmem:$0x5C0];
	_ =	sdelay $0x4  }
0x205: {  	v53 =	vshll.u32 v3, $0x1  }
0x206: {  	v3 =	vand.u32 $0x7, v3;
	v4 =	vand.u32 $0xFFFFFFF0, v53  }
0x207: {  	v3 =	vor.u32 v3, v4  }
0x208: {  	v4 =	vperm.xlane v3, v0;
	_ =	sdelay $0x1  }
0x209: {  	v3 =	vperm.xlane v3, v2;
	v4 =	vadd.s32 v1, v4;
	_ =	sdelay $0x1  }
0x20a: {  	v3 =	vadd.s32 v1, v3;
	_ =	sdelay $0x2  }
0x20b: {  	[tilespmem:s25], [sflag:$0x3] =	stream.indirect_vreg.gather [hbm4b:s2+s3], $0x80, v4, vm0, $0xb8;
	[tilespmem:$0x12000] =	vst v63  }
0x20c: {  	_ = 	snop  }
0x20d: {  	[tilespmem:s26], [sflag:$0x3] =	stream.indirect_vreg.gather [hbm4b:s2+s3], $0x80, v3, vm0, $0xb8;
	[tilespmem:$0x12000] =	vst v63  }
0x20e: {  	_ =	swait.ge [sflag:s4], $0x5000  }
0x20f: {  	[sflag:s4] =	ssyncset.done $0x0  }
0x210: {  	[sflag:s4] =	ssyncadd.s32 $0xFFFFB000  }
0x211: {  	v3 =	vld [tilespmem:$0x200];
	_ =	sdelay $0x4  }
0x212: {  	v54 =	vshll.u32 v3, $0x1  }
0x213: {  	v3 =	vand.u32 $0x7, v3;
	v4 =	vand.u32 $0xFFFFFFF0, v54  }
0x214: {  	v3 =	vor.u32 v3, v4  }
0x215: {  	v4 =	vperm.xlane v3, v0;
	_ =	sdelay $0x1  }
0x216: {  	v3 =	vperm.xlane v3, v2;
	v4 =	vadd.s32 v1, v4;
	_ =	sdelay $0x1  }
0x217: {  	v3 =	vadd.s32 v1, v3;
	_ =	sdelay $0x2  }
0x218: {  	[tilespmem:s10], [sflag:$0x1] =	stream.indirect_vreg.gather [hbm4b:s2+s3], $0x80, v4, vm0, $0xb8;
	[tilespmem:$0x12000] =	vst v63  }
0x219: {  	s19 =	simm.s32 $0x1000  }
0x21a: {  	[tilespmem:s19], [sflag:$0x1] =	stream.indirect_vreg.gather [hbm4b:s2+s3], $0x80, v3, vm0, $0xb8;
	[tilespmem:$0x12000] =	vst v63  }
0x21b: {  	v3 =	vld [tilespmem:$0x210];
	_ =	sdelay $0x4  }
0x21c: {  	v55 =	vshll.u32 v3, $0x1  }
0x21d: {  	v3 =	vand.u32 $0x7, v3;
	v4 =	vand.u32 $0xFFFFFFF0, v55  }
0x21e: {  	v3 =	vor.u32 v3, v4  }
0x21f: {  	v4 =	vperm.xlane v3, v0;
	_ =	sdelay $0x1  }
0x220: {  	v3 =	vperm.xlane v3, v2;
	v4 =	vadd.s32 v1, v4;
	_ =	sdelay $0x1  }
0x221: {  	v3 =	vadd.s32 v1, v3;
	_ =	sdelay $0x1  }
0x222: {  	s19 =	simm.s32 $0x1800  }
0x223: {  	[tilespmem:s19], [sflag:$0x1] =	stream.indirect_vreg.gather [hbm4b:s2+s3], $0x80, v4, vm0, $0xb8;
	[tilespmem:$0x12000] =	vst v63  }
0x224: {  	s17 =	simm.s32 $0x2000  }
0x225: {  	[tilespmem:s17], [sflag:$0x1] =	stream.indirect_vreg.gather [hbm4b:s2+s3], $0x80, v3, vm0, $0xb8;
	[tilespmem:$0x12000] =	vst v63  }
0x226: {  	v3 =	vld [tilespmem:$0x220];
	_ =	sdelay $0x4  }
0x227: {  	v56 =	vshll.u32 v3, $0x1  }
0x228: {  	v3 =	vand.u32 $0x7, v3;
	v4 =	vand.u32 $0xFFFFFFF0, v56  }
0x229: {  	v3 =	vor.u32 v3, v4  }
0x22a: {  	v4 =	vperm.xlane v3, v0;
	_ =	sdelay $0x1  }
0x22b: {  	v3 =	vperm.xlane v3, v2;
	v4 =	vadd.s32 v1, v4;
	_ =	sdelay $0x1  }
0x22c: {  	v3 =	vadd.s32 v1, v3;
	_ =	sdelay $0x1  }
0x22d: {  	s31 =	simm.s32 $0x2800  }
0x22e: {  	[tilespmem:s31], [sflag:$0x1] =	stream.indirect_vreg.gather [hbm4b:s2+s3], $0x80, v4, vm0, $0xb8;
	[tilespmem:$0x12000] =	vst v63  }
0x22f: {  	_ = 	snop  }
0x230: {  	[tilespmem:s21], [sflag:$0x1] =	stream.indirect_vreg.gather [hbm4b:s2+s3], $0x80, v3, vm0, $0xb8;
	[tilespmem:$0x12000] =	vst v63  }
0x231: {  	v3 =	vld [tilespmem:$0x230];
	_ =	sdelay $0x4  }
0x232: {  	v57 =	vshll.u32 v3, $0x1  }
0x233: {  	v3 =	vand.u32 $0x7, v3;
	v4 =	vand.u32 $0xFFFFFFF0, v57  }
0x234: {  	v3 =	vor.u32 v3, v4  }
0x235: {  	v4 =	vperm.xlane v3, v0;
	_ =	sdelay $0x1  }
0x236: {  	v3 =	vperm.xlane v3, v2;
	v4 =	vadd.s32 v1, v4;
	_ =	sdelay $0x1  }
0x237: {  	v3 =	vadd.s32 v1, v3;
	_ =	sdelay $0x1  }
0x238: {  	s18 =	simm.s32 $0x3800  }
0x239: {  	[tilespmem:s18], [sflag:$0x1] =	stream.indirect_vreg.gather [hbm4b:s2+s3], $0x80, v4, vm0, $0xb8;
	[tilespmem:$0x12000] =	vst v63  }
0x23a: {  	s17 =	simm.s32 $0x4000  }
0x23b: {  	[tilespmem:s17], [sflag:$0x1] =	stream.indirect_vreg.gather [hbm4b:s2+s3], $0x80, v3, vm0, $0xb8;
	[tilespmem:$0x12000] =	vst v63  }
0x23c: {  	v3 =	vld [tilespmem:$0x240];
	_ =	sdelay $0x4  }
0x23d: {  	v58 =	vshll.u32 v3, $0x1  }
0x23e: {  	v3 =	vand.u32 $0x7, v3;
	v4 =	vand.u32 $0xFFFFFFF0, v58  }
0x23f: {  	v3 =	vor.u32 v3, v4  }
0x240: {  	v4 =	vperm.xlane v3, v0;
	_ =	sdelay $0x1  }
0x241: {  	v3 =	vperm.xlane v3, v2;
	v4 =	vadd.s32 v1, v4;
	_ =	sdelay $0x1  }
0x242: {  	v3 =	vadd.s32 v1, v3;
	_ =	sdelay $0x1  }
0x243: {  	s18 =	simm.s32 $0x4800  }
0x244: {  	[tilespmem:s18], [sflag:$0x1] =	stream.indirect_vreg.gather [hbm4b:s2+s3], $0x80, v4, vm0, $0xb8;
	[tilespmem:$0x12000] =	vst v63  }
0x245: {  	s17 =	simm.s32 $0x5000  }
0x246: {  	[tilespmem:s17], [sflag:$0x1] =	stream.indirect_vreg.gather [hbm4b:s2+s3], $0x80, v3, vm0, $0xb8;
	[tilespmem:$0x12000] =	vst v63  }
0x247: {  	s18 =	sadd.s32 $0xF00, s13  }
0x248: {  	[tilespmem:s5], [sflag:$0x7] =	stream.linear.gather [hbm4b:s18+s3], $0x2800, $0x38;
	[tilespmem:$0x12000] =	vst v63  }
0x249: {  	_ =	swait.ge [sflag:s8], $0x2800  }
0x24a: {  	s11 =	rddreg [dreg:$0x7]  }
0x24b: {  	[sflag:s8] =	ssyncset.done $0x0;
	s17 =	sadd.s32 s14, s11  }
0x24c: {  	[sflag:s8] =	ssyncadd.s32 $0xFFFFD800;
	s11 =	simm.s32 $0x400;
	s18 =	sadd.s32 $0x200, s17  }
0x24d: {  	[hbm4b:s18+s11] =	stream.strided.scatter [tilespmem:s5], [sflag:$0x7], $0x2800, s6, s11, $0x38;
	[tilespmem:$0x12000] =	vst v63  }
0x24e: {  	_ =	swait.ge [sflag:s8], $0x2800  }
0x24f: {  	[sflag:s8] =	ssyncset.done $0x0  }
0x250: {  	s18 =	simm.s32 $0x2;
	[sflag:s8] =	ssyncadd.s32 $0xFFFFD800  }
0x251: {  	_ =	swait.ge [sflag:s18], $0x5000  }
0x252: {  	[sflag:s18] =	ssyncset.done $0x0  }
0x253: {  	[sflag:s18] =	ssyncadd.s32 $0xFFFFB000;
	s18 =	simm.s32 $0x5800  }
0x254: {  	[hbm4b:s17+s10] =	stream.strided.scatter [tilespmem:s18], [sflag:$0x5], $0x5000, s6, s10, $0x38;
	[tilespmem:$0x12000] =	vst v63  }
0x255: {  	_ =	swait.ge [sflag:s1], $0x5000  }
0x256: {  	[sflag:s1] =	ssyncset.done $0x0  }
0x257: {  	s17 =	sadd.s32 $0x100, s17;
	[sflag:s1] =	ssyncadd.s32 $0xFFFFB000  }
0x258: {  	[hbm4b:s17+s10] =	stream.strided.scatter [tilespmem:s20], [sflag:$0x6], $0x5000, s6, s10, $0x38;
	[tilespmem:$0x12000] =	vst v63  }
0x259: {  	_ =	swait.ge [sflag:s0], $0x5000  }
0x25a: {  	[sflag:s0] =	ssyncset.done $0x0  }
0x25b: {  	[sflag:s0] =	ssyncadd.s32 $0xFFFFB000  }
0x25c: {  	v3 =	vld [tilespmem:$0x600];
	_ =	sdelay $0x4  }
0x25d: {  	v59 =	vshll.u32 v3, $0x1  }
0x25e: {  	v3 =	vand.u32 $0x7, v3;
	v4 =	vand.u32 $0xFFFFFFF0, v59  }
0x25f: {  	v3 =	vor.u32 v3, v4  }
0x260: {  	v4 =	vperm.xlane v3, v0;
	_ =	sdelay $0x1  }
0x261: {  	v3 =	vperm.xlane v3, v2;
	v4 =	vadd.s32 v1, v4;
	_ =	sdelay $0x1  }
0x262: {  	v3 =	vadd.s32 v1, v3;
	_ =	sdelay $0x2  }
0x263: {  	[tilespmem:s20], [sflag:$0x3] =	stream.indirect_vreg.gather [hbm4b:s2+s3], $0x80, v4, vm0, $0xb8;
	[tilespmem:$0x12000] =	vst v63  }
0x264: {  	_ = 	snop  }
0x265: {  	[tilespmem:s28], [sflag:$0x3] =	stream.indirect_vreg.gather [hbm4b:s2+s3], $0x80, v3, vm0, $0xb8;
	[tilespmem:$0x12000] =	vst v63  }
0x266: {  	v3 =	vld [tilespmem:$0x610];
	_ =	sdelay $0x4  }
0x267: {  	v60 =	vshll.u32 v3, $0x1  }
0x268: {  	v3 =	vand.u32 $0x7, v3;
	v4 =	vand.u32 $0xFFFFFFF0, v60  }
0x269: {  	v3 =	vor.u32 v3, v4  }
0x26a: {  	v4 =	vperm.xlane v3, v0;
	_ =	sdelay $0x1  }
0x26b: {  	v3 =	vperm.xlane v3, v2;
	v4 =	vadd.s32 v1, v4;
	_ =	sdelay $0x1  }
0x26c: {  	v3 =	vadd.s32 v1, v3;
	_ =	sdelay $0x2  }
0x26d: {  	[tilespmem:s29], [sflag:$0x3] =	stream.indirect_vreg.gather [hbm4b:s2+s3], $0x80, v4, vm0, $0xb8;
	[tilespmem:$0x12000] =	vst v63  }
0x26e: {  	_ = 	snop  }
0x26f: {  	[tilespmem:s30], [sflag:$0x3] =	stream.indirect_vreg.gather [hbm4b:s2+s3], $0x80, v3, vm0, $0xb8;
	[tilespmem:$0x12000] =	vst v63  }
0x270: {  	v3 =	vld [tilespmem:$0x620];
	_ =	sdelay $0x4  }
0x271: {  	v61 =	vshll.u32 v3, $0x1  }
0x272: {  	v3 =	vand.u32 $0x7, v3;
	v4 =	vand.u32 $0xFFFFFFF0, v61  }
0x273: {  	v3 =	vor.u32 v3, v4  }
0x274: {  	v4 =	vperm.xlane v3, v0;
	_ =	sdelay $0x1  }
0x275: {  	v3 =	vperm.xlane v3, v2;
	v4 =	vadd.s32 v1, v4;
	_ =	sdelay $0x1  }
0x276: {  	v3 =	vadd.s32 v1, v3;
	_ =	sdelay $0x2  }
0x277: {  	[tilespmem:s22], [sflag:$0x3] =	stream.indirect_vreg.gather [hbm4b:s2+s3], $0x80, v4, vm0, $0xb8;
	[tilespmem:$0x12000] =	vst v63  }
0x278: {  	_ = 	snop  }
0x279: {  	[tilespmem:s9], [sflag:$0x3] =	stream.indirect_vreg.gather [hbm4b:s2+s3], $0x80, v3, vm0, $0xb8;
	[tilespmem:$0x12000] =	vst v63  }
0x27a: {  	v3 =	vld [tilespmem:$0x630];
	_ =	sdelay $0x4  }
0x27b: {  	v62 =	vshll.u32 v3, $0x1  }
0x27c: {  	v3 =	vand.u32 $0x7, v3;
	v4 =	vand.u32 $0xFFFFFFF0, v62  }
0x27d: {  	v3 =	vor.u32 v3, v4  }
0x27e: {  	v4 =	vperm.xlane v3, v0;
	_ =	sdelay $0x1  }
0x27f: {  	v3 =	vperm.xlane v3, v2;
	v4 =	vadd.s32 v1, v4;
	_ =	sdelay $0x1  }
0x280: {  	v3 =	vadd.s32 v1, v3;
	_ =	sdelay $0x2  }
0x281: {  	[tilespmem:s23], [sflag:$0x3] =	stream.indirect_vreg.gather [hbm4b:s2+s3], $0x80, v4, vm0, $0xb8;
	[tilespmem:$0x12000] =	vst v63  }
0x282: {  	_ = 	snop  }
0x283: {  	[tilespmem:s24], [sflag:$0x3] =	stream.indirect_vreg.gather [hbm4b:s2+s3], $0x80, v3, vm0, $0xb8;
	[tilespmem:$0x12000] =	vst v63  }
0x284: {  	v3 =	vld [tilespmem:$0x640];
	_ =	sdelay $0x4  }
0x285: {  	v63 =	vshll.u32 v3, $0x1  }
0x286: {  	v3 =	vand.u32 $0x7, v3;
	v4 =	vand.u32 $0xFFFFFFF0, v63  }
0x287: {  	v3 =	vor.u32 v3, v4  }
0x288: {  	v4 =	vperm.xlane v3, v0;
	_ =	sdelay $0x1  }
0x289: {  	v3 =	vperm.xlane v3, v2;
	v4 =	vadd.s32 v1, v4;
	_ =	sdelay $0x1  }
0x28a: {  	v3 =	vadd.s32 v1, v3;
	_ =	sdelay $0x2  }
0x28b: {  	[tilespmem:s25], [sflag:$0x3] =	stream.indirect_vreg.gather [hbm4b:s2+s3], $0x80, v4, vm0, $0xb8;
	[tilespmem:$0x12000] =	vst v63  }
0x28c: {  	_ = 	snop  }
0x28d: {  	[tilespmem:s26], [sflag:$0x3] =	stream.indirect_vreg.gather [hbm4b:s2+s3], $0x80, v3, vm0, $0xb8;
	[tilespmem:$0x12000] =	vst v63  }
0x28e: {  	s11 =	sadd.s32 $0x1400, s13  }
0x28f: {  	[tilespmem:s5], [sflag:$0x7] =	stream.linear.gather [hbm4b:s11+s3], $0x2800, $0x38;
	[tilespmem:$0x12000] =	vst v63  }
0x290: {  	_ =	swait.ge [sflag:s8], $0x2800  }
0x291: {  	s18 =	rddreg [dreg:$0x6]  }
0x292: {  	[sflag:s8] =	ssyncset.done $0x0;
	s17 =	sadd.s32 s14, s18  }
0x293: {  	s9 =	simm.s32 $0x400;
	[sflag:s8] =	ssyncadd.s32 $0xFFFFD800;
	s11 =	sadd.s32 $0x200, s17  }
0x294: {  	[hbm4b:s11+s9] =	stream.strided.scatter [tilespmem:s5], [sflag:$0x7], $0x2800, s6, s9, $0x38;
	[tilespmem:$0x12000] =	vst v63  }
0x295: {  	_ =	swait.ge [sflag:s8], $0x2800  }
0x296: {  	[sflag:s8] =	ssyncset.done $0x0  }
0x297: {  	[sflag:s8] =	ssyncadd.s32 $0xFFFFD800  }
0x298: {  	_ =	swait.ge [sflag:s7], $0x5000  }
0x299: {  	[sflag:s7] =	ssyncset.done $0x0  }
0x29a: {  	[sflag:s7] =	ssyncadd.s32 $0xFFFFB000  }
0x29b: {  	[hbm4b:s17+s10] =	stream.strided.scatter [tilespmem:s10], [sflag:$0x4], $0x5000, s6, s10, $0x38;
	[tilespmem:$0x12000] =	vst v63  }
0x29c: {  	_ =	swait.ge [sflag:s1], $0x5000  }
0x29d: {  	[sflag:s1] =	ssyncset.done $0x0  }
0x29e: {  	s17 =	sadd.s32 $0x100, s17;
	[sflag:s1] =	ssyncadd.s32 $0xFFFFB000  }
0x29f: {  	[hbm4b:s17+s10] =	stream.strided.scatter [tilespmem:s20], [sflag:$0x6], $0x5000, s6, s10, $0x38;
	[tilespmem:$0x12000] =	vst v63  }
0x2a0: {  	_ =	swait.ge [sflag:s4], $0x5000  }
0x2a1: {  	[sflag:s4] =	ssyncset.done $0x0  }
0x2a2: {  	[sflag:s4] =	ssyncadd.s32 $0xFFFFB000  }
0x2a3: {  	p0 =	sne.s32 s14, $0xBB800;
	_ =	swait.ge [sflag:s12], $0x5000  }
.Ltmp0:
0x2a4: {  	[sflag:s12] =	ssyncset.done $0x0;
	(pc) =	sbr.rel @p0 .LBB2_2-.Ltmp0, $4  }
0x2a5: {  	[sflag:s12] =	ssyncadd.s32 $0xFFFFB000  }
0x2a6: {  	s15 =	sadd.s32 $0x80, s15;
	s16 =	sadd.s32 $0x80, s16;
	_ =	swait.ge [sflag:s0], $0x5000  }
0x2a7: {  	s13 =	sadd.s32 $0x1900, s13;
	s18 =	simm.s32 $0x2000;
	[sflag:s0] =	ssyncset.done $0x0  }
0x2a8: {  	s14 =	sadd.s32 $0x7D00, s14;
	s17 =	simm.s32 $0x1000;
	[sflag:s0] =	ssyncadd.s32 $0xFFFFB000  }
0x2a9: {  	s14 =	rddreg [dreg:$0xe]  }
0x2aa: {  	s13 =	rddreg [dreg:$0xa];
	s14 =	sadd.s32 $0x1, s14  }
0x2ab: {  	p0 =	sne.s32 s14, s13  }
.Ltmp1:
0x2ac: {  	_ = 	snop;
	(pc) =	sbr.rel @p0 .LBB2_1-.Ltmp1, $1  }
0x2ad: {  	_ =	sdelay $0x3  }
0x2ae: {  	_ =	sfence.sel $0x180000  }
0x2af: {  	[bflag:$0x0] =	sbarrier.arrive $0xFFFF  }
0x2b0: {  	_ =	strace $0x9000004D  }
0x2b1: {  	s0 =	stileid.u32;
	[bflag:$0x2] =	sbarrier.arrive $0xFFFF  }
0x2b2: {  	p0 =	sne.s32 s0, $0x0;
	s0 =	rddreg [dreg:$0x2]  }
0x2b3: {  	s0 =	sadd.s32 @!p0 $0x100000, s0  }
0x2b4: {  	[sflag:s0] =	ssyncadd.tile.s32 @!p0 $0x1;
	_ =	shalt  }
.Lfunc_end2:
_tile_overlayer_lowered:
.L_overlay_start_2:
0x2b5: {  	(tag) =	ssettag $0x2  }
0x2b6: {  	s0 =	rddreg [dreg:$0x0];
	s2 =	stileid.u32  }
0x2b7: {  	s1 =	rddreg [dreg:$0x1];
	p0 =	sne.s32 s2, $0x0  }
0x2b8: {  	s3 =	rddreg [dreg:$0x2];
	[bflag:$0x3] =	sbarrier.arrive $0xFFFF;
	s2 =	simm.s32 @!p0 $0x1C07  }
0x2b9: {  	[timem:s3], [sflag:s2] =	dma.local @!p0 [hbm:s0], s1  }
0x2ba: {  	s0 =	simm.s32 @!p0 $0x7  }
0x2bb: {  	_ =	swait.ge @!p0 [sflag:s0], s1  }
0x2bc: {  	s1 =	ssub.s32 @!p0 $0x0, s1;
	[sflag:s0] =	ssyncset.done @!p0 $0x0  }
0x2bd: {  	[sflag:s0] =	ssyncadd.s32 @!p0 s1  }
0x2be: {  	[bflag:$0x3] =	sbarrier.arrive $0xFFFF  }
0x2bf: {  	_ =	shalt  }

// kernel: kernel.8.cloned.1.call-start
scs
__scs_entry_jumppad:
0x0: {  	(pc) =	sbr.rel $0x88, $3  }
0x1: {  	(tag) =	ssettag $0x0;
	lr =	simm.s32 $0x1  }
0x2: {  	[smem:$0x3F98] =	sst lr;
	_ =	strace $0xD0000000  }
0x3: {  	_ = 	snop  }
0x4: {  	_ = 	snop  }
0x5: {  	_ = 	snop  }
0x6: {  	_ = 	snop  }
0x7: {  	_ = 	snop  }
__scs_overlays_trampoline_lowered:
0x8: {  	[smem:$0x3FA7] =	sst s0  }
0x9: {  	[smem:$0x3FA8] =	sst s1  }
0xa: {  	[smem:$0x3FA9] =	sst s2  }
0xb: {  	[smem:$0x3FAA] =	sst s3  }
0xc: {  	[smem:$0x3FAB] =	sst s4  }
0xd: {  	[smem:$0x3FAC] =	sst s5  }
0xe: {  	[smem:$0x3FAD] =	sst s6  }
0xf: {  	[smem:$0x3FAE] =	sst s7  }
0x10: {  	[smem:$0x3FAF] =	sst s8  }
0x11: {  	[smem:$0x3FB0] =	sst s9;
	s0 =	simm.s32 @!p0 $0x0  }
0x12: {  	s1 =	sld [smem:$0x3F96];
	s0 =	simm.s32 @p0 $0x1  }
0x13: {  	[smem:$0x3FB1] =	sst s0;
	s0 =	simm.s32 @!p1 $0x0  }
0x14: {  	s2 =	sld [smem:$0x3F95];
	s0 =	simm.s32 @p1 $0x1  }
0x15: {  	[smem:$0x3FB2] =	sst s0;
	s0 =	simm.s32 @!p2 $0x0  }
0x16: {  	s3 =	sld [smem:$0x3FDB];
	s0 =	simm.s32 @p2 $0x1  }
0x17: {  	s4 =	simm.s32 $0x1BF5;
	[smem:$0x3FB4] =	sst s0  }
0x18: {  	s0 =	sld [smem:$0x3F97];
	_ =	swait.ge [sflag:s4], $0x0  }
0x19: {  	s7 =	sld [smem:$0x3F98]  }
0x1a: {  	s8 =	sadd.s32 $0xFFFFE003, lr  }
0x1b: {  	s9 =	sadd.s32 $0xFFFFFEF7, lr;
	s5 =	simm.s32 $0xFFFFFFFF;
	p2 =	slt.u32 s8, $0xFFFFF086  }
0x1c: {  	p1 =	slt.u32 s9, $0xF7A;
	s5 =	simm.s32 @!p2 $0x0  }
0x1d: {  	s5 =	simm.s32 @p1 $0x1;
	p0 =	seq.s32 s7, s2  }
0x1e: {  	s7 =	smul.u32 @!p0 $0xF7A, s2;
	p2 =	seq.s32 @!p0 s5, $0x0  }
0x1f: {  	s9 =	smul.u32 $0xF7A, s1;
	s8 =	simm.s32 @!p0 $0x1BF5;
	p2 =	por !p2, p0  }
0x20: {  	[sflag:s8] =	ssyncset.s32 @!p0 $0xFFFFF086;
	s6 =	sadd.s32 @!p0 s3, s7;
	s7 =	simm.s32 @!p0 $0x108  }
0x21: {  	s3 =	sadd.s32 s3, s9;
	s6 =	sadd.s32 @!p0 $0x88, s6;
	s7 =	simm.s32 @p2 $0x1082  }
0x22: {  	[simem:s7], [sflag:s8] =	dma.local @!p0 [hbm:s6], $0xF7A  }
0x23: {  	s9 =	sor.u32 $0xD0000000, s2;
	s6 =	simm.s32 $0x108;
	_ =	swait.ge @!p0 [sflag:s8], $0x0  }
0x24: {  	s3 =	sadd.s32 $0x88, s3;
	s6 =	simm.s32 @!p1 $0x1082;
	[sflag:s4] =	ssyncset.s32 $0xFFFFF086  }
0x25: {  	[simem:s6], [sflag:s4] =	dma.local [hbm:s3], $0xF7A  }
0x26: {  	[smem:$0x3F98] =	sst s1;
	(tag) =	ssettag s2;
	_ =	strace s9  }
0x27: {  	s1 =	sld [smem:$0x3FA8]  }
0x28: {  	s2 =	sld [smem:$0x3FA9]  }
0x29: {  	s4 =	sld [smem:$0x3FAB]  }
0x2a: {  	p0 =	seq.s32 s5, $0x0;
	s5 =	sld [smem:$0x3FAC]  }
0x2b: {  	s6 =	sld [smem:$0x3FAD]  }
0x2c: {  	s7 =	sld [smem:$0x3FAE]  }
0x2d: {  	s3 =	simm.s32 $0x108;
	s8 =	sld [smem:$0x3FAF]  }
0x2e: {  	s3 =	simm.s32 @!p0 $0x1082;
	s9 =	sld [smem:$0x3FB0]  }
0x2f: {  	lr =	sadd.s32 s0, s3;
	s0 =	sld [smem:$0x3FA7]  }
0x30: {  	s3 =	sld [smem:$0x3FAA]  }
0x31: {  	[smem:$0x3FB3] =	sst s10  }
0x32: {  	s10 =	sld [smem:$0x3FB1];
	_ =	sdelay $0x3  }
0x33: {  	p0 =	seq.s32 s10, $0x1;
	s10 =	sld [smem:$0x3FB3];
	_ =	sdelay $0x3  }
0x34: {  	[smem:$0x3FB3] =	sst s10  }
0x35: {  	s10 =	sld [smem:$0x3FB2];
	_ =	sdelay $0x3  }
0x36: {  	p1 =	seq.s32 s10, $0x1;
	s10 =	sld [smem:$0x3FB3];
	_ =	sdelay $0x3  }
0x37: {  	[smem:$0x3FB3] =	sst s10  }
0x38: {  	s10 =	sld [smem:$0x3FB4]  }
0x39: {  	_ = 	snop;
	(pc) =	sbr.ind lr, $3  }
0x3a: {  	_ = 	snop  }
0x3b: {  	_ = 	snop  }
0x3c: {  	p2 =	seq.s32 s10, $0x1;
	s10 =	sld [smem:$0x3FB3]  }
0x3d: {  	_ =	shalt  }
0x3e: {  	_ =	shalt  }
0x3f: {  	_ =	shalt  }
0x40: {  	_ =	shalt  }
0x41: {  	_ =	shalt  }
0x42: {  	_ =	shalt  }
0x43: {  	_ =	shalt  }
0x44: {  	_ =	shalt  }
0x45: {  	_ =	shalt  }
0x46: {  	_ =	shalt  }
0x47: {  	_ =	shalt  }
0x48: {  	_ =	shalt  }
0x49: {  	_ =	shalt  }
0x4a: {  	_ =	shalt  }
0x4b: {  	_ =	shalt  }
0x4c: {  	_ =	shalt  }
0x4d: {  	_ =	shalt  }
0x4e: {  	_ =	shalt  }
0x4f: {  	_ =	shalt  }
0x50: {  	_ =	shalt  }
0x51: {  	_ =	shalt  }
0x52: {  	_ =	shalt  }
0x53: {  	_ =	shalt  }
0x54: {  	_ =	shalt  }
0x55: {  	_ =	shalt  }
0x56: {  	_ =	shalt  }
0x57: {  	_ =	shalt  }
0x58: {  	_ =	shalt  }
0x59: {  	_ =	shalt  }
0x5a: {  	_ =	shalt  }
0x5b: {  	_ =	shalt  }
0x5c: {  	_ =	shalt  }
0x5d: {  	_ =	shalt  }
0x5e: {  	_ =	shalt  }
0x5f: {  	_ =	shalt  }
0x60: {  	_ =	shalt  }
0x61: {  	_ =	shalt  }
0x62: {  	_ =	shalt  }
0x63: {  	_ =	shalt  }
0x64: {  	_ =	shalt  }
0x65: {  	_ =	shalt  }
0x66: {  	_ =	shalt  }
0x67: {  	_ =	shalt  }
0x68: {  	_ =	shalt  }
0x69: {  	_ =	shalt  }
0x6a: {  	_ =	shalt  }
0x6b: {  	_ =	shalt  }
0x6c: {  	_ =	shalt  }
0x6d: {  	_ =	shalt  }
0x6e: {  	_ =	shalt  }
0x6f: {  	_ =	shalt  }
0x70: {  	_ =	shalt  }
0x71: {  	_ =	shalt  }
0x72: {  	_ =	shalt  }
0x73: {  	_ =	shalt  }
0x74: {  	_ =	shalt  }
0x75: {  	_ =	shalt  }
0x76: {  	_ =	shalt  }
0x77: {  	_ =	shalt  }
0x78: {  	_ =	shalt  }
0x79: {  	_ =	shalt  }
0x7a: {  	_ =	shalt  }
0x7b: {  	_ =	shalt  }
0x7c: {  	_ =	shalt  }
0x7d: {  	_ =	shalt  }
0x7e: {  	_ =	shalt  }
0x7f: {  	_ =	shalt  }
0x80: {  	_ =	shalt  }
0x81: {  	_ =	shalt  }
0x82: {  	_ =	shalt  }
0x83: {  	_ =	shalt  }
0x84: {  	_ =	shalt  }
0x85: {  	_ =	shalt  }
0x86: {  	_ =	shalt  }
0x87: {  	_ =	shalt  }
.Lfunc_end0:
.L_simem_size_0:
called_computation_lowered:
.L_overlay_start_0:
0x88: {  	s2 =	sld [smem:$0x3FD9]  }
0x89: {  	s3 =	sld [smem:$0x3FFE];
	_ =	sdelay $0x1  }
0x8a: {  	s1 =	srdreg.scid  }
0x8b: {  	s0 =	sand.u32 $0x1, s1  }
0x8c: {  	s17 =	sshll.u32 s0, $0xA;
	s2 =	sadd.s32 s3, s2  }
0x8d: {  	s2 =	sadd.s32 s2, s17  }
0x8e: {  	[smem:$0x3FBF] =	sst s2  }
0x8f: {  	_ = 	snop  }
0x90: {  	s2 =	sld [smem:$0x3FC9]  }
0x91: {  	s18 =	sld [smem:$0x3FD0];
	(tm) =	ssettm $0x1  }
0x92: {  	s4 =	sld [smem:$0x3FFB];
	_ =	sdelay $0x3  }
0x93: {  	_ =	strace s4  }
0x94: {  	s4 =	sld [smem:$0x3FFC];
	_ =	sdelay $0x3  }
0x95: {  	_ =	strace s4  }
0x96: {  	s4 =	sld [smem:$0x3FFD];
	_ =	sdelay $0x3  }
0x97: {  	_ =	strace s4  }
0x98: {  	_ =	strace $0x8FFFFFFF  }
0x99: {  	s19 =	sld [smem:$0x3FDB];
	_ =	sdelay $0x1  }
0x9a: {  	s5 =	simm.s32 $_scs_section_size  }
0x9b: {  	s6 =	simm.s32 $_size__tile_overlayer_lowered;
	s7 =	simm.s32 $_tile_overlayer_lowered  }
0x9c: {  	s22 =	simm.s32 $0x1BFF;
	s21 =	sshll.u32 s7, $0x1;
	s4 =	sadd.s32 s5, s19  }
0x9d: {  	s8 =	simm.s32 $0x0;
	s20 =	sshll.u32 s6, $0x1;
	s6 =	sadd.s32 s21, s4  }
0x9e: {  	[timem:s8], [sflag:s22] =	dma.local [hbm:s6], s20  }
0x9f: {  	_ =	swait.ge [sflag:s22], s20  }
0xa0: {  	s5 =	ssub.s32 $0x0, s20;
	[sflag:s22] =	ssyncset.done $0x0  }
0xa1: {  	[sflag:s22] =	ssyncadd.s32 s5;
	_ =	sdelay $0x1  }
0xa2: {  	s23 =	simm.s32 $0x1B8B  }
0xa3: {  	_ =	swait.ge [sflag:s23], $0x1  }
0xa4: {  	[sflag:s23] =	ssyncset.done $0x0  }
0xa5: {  	s25 =	simm.s32 $0x1B8E;
	s24 =	sld [smem:$0x3FFE];
	[sflag:s23] =	ssyncadd.s32 $0xFFFFFFFF  }
0xa6: {  	s26 =	simm.s32 $execute0_lowered;
	[smem:$0x3FD2] =	sst s25  }
0xa7: {  	s6 =	sshll.u32 s26, $0x1;
	_ =	strace $0x80000046;
	[dreg:$0x1] =	wrdreg $0xFFFFFFFF  }
0xa8: {  	s28 =	simm.s32 $_size_execute0_lowered;
	s4 =	sadd.s32 s4, s6;
	[dreg:$0x0] =	wrdreg $0x0  }
0xa9: {  	s6 =	sshll.u32 s28, $0x1;
	[dreg:$0x2] =	wrdreg s4  }
0xaa: {  	[dreg:$0x3] =	wrdreg s6  }
0xab: {  	[dreg:$0x4] =	wrdreg $0xC0  }
0xac: {  	_ =	task [dreg:s8], $0x5FFFF  }
0xad: {  	[dreg:$0x1] =	wrdreg $0xFFFFFFFF  }
0xae: {  	[dreg:$0x0] =	wrdreg $0x60  }
0xaf: {  	[dreg:$0x2] =	wrdreg s2  }
0xb0: {  	[dreg:$0x3] =	wrdreg s24  }
0xb1: {  	[dreg:$0x4] =	wrdreg s18  }
0xb2: {  	[dreg:$0x5] =	wrdreg $0x0  }
0xb3: {  	[dreg:$0x6] =	wrdreg $0x9  }
0xb4: {  	_ =	task.clear_ibuf [dreg:s8], $0x7FFFF;
	_ =	strace $0x90000046  }
0xb5: {  	s29 =	simm.s32 $0x9;
	_ =	strace $0x80000048  }
0xb6: {  	_ =	swait.ge [sflag:s29], $0x1  }
0xb7: {  	[sflag:s29] =	ssyncadd.s32 $0xFFFFFFFF  }
0xb8: {  	_ =	strace $0x90000048  }
0xb9: {  	_ =	sfence  }
0xba: {  	s30 =	sld [smem:$0x0];
	_ =	sdelay $0x2  }
0xbb: {  	s31 =	sshll.u32 s1, $0xD;
	s1 =	sshrl.u32 s1, $0x2  }
0xbc: {  	s3 =	sand.u32 $0x4000, s31;
	s1 =	sadd.s32 s1, s30  }
0xbd: {  	s0 =	sor.u32 s3, s0;
	s1 =	sshll.u32 s1, $0x11  }
0xbe: {  	s0 =	sor.u32 s1, s0  }
0xbf: {  	s0 =	sadd.s32 $0x8F2B, s0  }
0xc0: {  	[sflag:s0] =	ssyncadd.remote.s32 $0x1  }
0xc1: {  	_ =	sfence.sel $0xFFFF  }
0xc2: {  	[dreg:$0x0] =	wrdreg $0xFFFFFFFF;
	(pc) =	sbr.abs _section_cstart, $3  }
0xc3: {  	[dreg:$0x1] =	wrdreg $0xFFFFFFFF  }
0xc4: {  	_ =	task.clear_ibuf [dreg:s8], $0x2FFFF;
	_ =	strace $0x9FFFFFFF  }
0xc5: {  	(tm) =	ssettm $0x7FFFFFFF  }
tec
execute0_lowered:
.L_overlay_start_1:
0x0: {  	(tag) =	ssettag $0x1  }
0x1: {  	s1 =	rddreg [dreg:$0x0]  }
0x2: {  	s0 =	rddreg [dreg:$0x1]  }
0x3: {  	s2 =	rddreg [dreg:$0x2]  }
0x4: {  	s3 =	rddreg [dreg:$0x3]  }
0x5: {  	s12 =	stileid.u32;
	s6 =	srdreg.scid  }
0x6: {  	s4 =	simm.s32 $0x0;
	s13 =	simm.s32 $0x3;
	s24 =	simm.s32 $0xA080  }
0x7: {  	s25 =	simm.s32 $0xA100;
	s26 =	simm.s32 $0xA180;
	s5 =	smul.u32 $0xA000, s12  }
0x8: {  	s28 =	simm.s32 $0x2;
	s29 =	simm.s32 $0xA000;
	s7 =	smul.u32 $0x1900, s12  }
0x9: {  	s30 =	simm.s32 $0xD800;
	s31 =	simm.s32 $0xA200;
	s11 =	smul.u32 $0x28000, s12  }
0xa: {  	s6 =	sand.u32 $0x1, s6;
	[smem:$0x7FF] =	sst s4;
	s19 =	smul.u32 $0xC800, s12  }
0xb: {  	s10 =	sadd.s32 $0x1C200, s0;
	s18 =	sshll.u32 s12, $0x6;
	s9 =	smul.u32 $0xA0000, s6  }
0xc: {  	_ =	strace $0x80000047;
	[dreg:$0x9] =	wrdreg s10;
	s14 =	ssub.s32 $0x2, s6  }
0xd: {  	s6 =	smul.u32 $0xC8000, s6;
	s10 =	sor.u32 $0x1C03, s18;
	[dreg:$0x6] =	wrdreg s24  }
0xe: {  	s18 =	simm.s32 $0xA900;
	[dreg:$0x7] =	wrdreg s25;
	s24 =	simm.s32 $0xAC00  }
0xf: {  	[dreg:$0x8] =	wrdreg s26;
	s25 =	simm.s32 $0xAC80;
	s26 =	simm.s32 $0x1  }
0x10: {  	s8 =	sshrl.u32 s5, $0x3;
	s7 =	sadd.s32 s7, s0;
	s15 =	sshrl.u32 s14, $0x1  }
0x11: {  	s17 =	sshrl.u32 s11, $0x2;
	[dreg:$0xb] =	wrdreg s10;
	s8 =	sadd.s32 s8, s0  }
0x12: {  	s5 =	sadd.s32 s5, s9;
	s16 =	ssub.s32 s14, s15;
	s9 =	sadd.s32 s17, s3  }
0x13: {  	s6 =	sadd.s32 s19, s6;
	s23 =	sadd.s32 $0x3200, s7;
	s14 =	simm.s32 $0xB000  }
0x14: {  	s15 =	simm.s32 $0xA800;
	s17 =	simm.s32 $0xA880;
	s19 =	simm.s32 $0xA980  }
0x15: {  	s5 =	sshrl.u32 s5, $0x3;
	s12 =	sadd.s32 $0x1C800, s8;
	s21 =	smax.u32 s16, $0x1  }
0x16: {  	s22 =	sshrl.u32 s6, $0x3;
	[dreg:$0x5] =	wrdreg s23;
	s7 =	sshrl.u32 s9, $0x3  }
0x17: {  	s16 =	simm.s32 $0x50;
	s23 =	simm.s32 $0xAB80;
	s8 =	simm.s32 $0xA400  }
0x18: {  	s9 =	simm.s32 $0xA480;
	s6 =	simm.s32 $0x0;
	[dreg:$0xe] =	wrdreg s21  }
0x19: {  	s0 =	sadd.s32 s5, s0;
	s11 =	sadd.s32 s22, s2;
	[dreg:$0x10] =	wrdreg s6  }
0x1a: {  	s21 =	simm.s32 $0xAA80;
	s22 =	simm.s32 $0xAB00;
	[dreg:$0xa] =	wrdreg s12  }
0x1b: {  	s2 =	simm.s32 $0xA300;
	[dreg:$0xf] =	wrdreg s7;
	s20 =	sadd.s32 $0x6C800, s0  }
0x1c: {  	s5 =	simm.s32 $0xA380;
	s0 =	sadd.s32 $0x44800, s0;
	[dreg:$0xc] =	wrdreg s20  }
0x1d: {  	[dreg:$0xd] =	wrdreg s0;
	s20 =	simm.s32 $0xAA00;
	s0 =	simm.s32 $0xA280  }
.LBB2_1:
0x1e: {  	[spmem:s7], [sflag:s10] =	dma.local [hbm:s12], $0x1400  }
0x1f: {  	_ =	swait.ge [sflag:s13], $0x1400  }
0x20: {  	[sflag:s13] =	ssyncset.done $0x0  }
0x21: {  	s6 =	rddreg [dreg:$0x9];
	[sflag:s13] =	ssyncadd.s32 $0xFFFFEC00  }
0x22: {  	[tilespmem:s14], [sflag:$0x3] =	stream.linear.gather [hbm4b:s6+s4], $0x2800, $0x38;
	[tilespmem:$0x10000] =	vst v63  }
0x23: {  	_ =	swait.ge [sflag:s13], $0x2800  }
0x24: {  	[sflag:s13] =	ssyncset.done $0x0  }
0x25: {  	[sflag:s13] =	ssyncadd.s32 $0xFFFFD800  }
0x26: {  	s12 =	sadd.s32 $0x0, s11;
	[bflag:$0x0] =	sbarrier.arrive $0xFFFF  }
0x27: {  	[tilespmem:s15], [sflag:$0x3] =	stream.linear.gather [hbm4b:s12+s4], $0x500, $0x38;
	[tilespmem:$0x10000] =	vst v63  }
0x28: {  	_ =	swait.ge [sflag:s13], $0x500  }
0x29: {  	[sflag:s13] =	ssyncset.done $0x0  }
0x2a: {  	[sflag:s13] =	ssyncadd.s32 $0xFFFFFB00  }
0x2b: {  	[spmem:s3] =	stream.indirect.scatter.add.f32 [tilespmem:s14], [sflag:$0x1], $0x80, s15, s16, $0xb8;
	[tilespmem:$0x10000] =	vst v63  }
0x2c: {  	_ = 	snop  }
0x2d: {  	[spmem:s3] =	stream.indirect.scatter.add.f32 [tilespmem:s14], [sflag:$0x2], $0x80, s17, s16, $0xb8;
	[tilespmem:$0x10000] =	vst v63  }
0x2e: {  	_ = 	snop  }
0x2f: {  	[spmem:s3] =	stream.indirect.scatter.add.f32 [tilespmem:s14], [sflag:$0x1], $0x80, s18, s16, $0xb8;
	[tilespmem:$0x10000] =	vst v63  }
0x30: {  	_ = 	snop  }
0x31: {  	[spmem:s3] =	stream.indirect.scatter.add.f32 [tilespmem:s14], [sflag:$0x2], $0x80, s19, s16, $0xb8;
	[tilespmem:$0x10000] =	vst v63  }
0x32: {  	_ = 	snop  }
0x33: {  	[spmem:s3] =	stream.indirect.scatter.add.f32 [tilespmem:s14], [sflag:$0x1], $0x80, s20, s16, $0xb8;
	[tilespmem:$0x10000] =	vst v63  }
0x34: {  	_ = 	snop  }
0x35: {  	[spmem:s3] =	stream.indirect.scatter.add.f32 [tilespmem:s14], [sflag:$0x2], $0x80, s21, s16, $0xb8;
	[tilespmem:$0x10000] =	vst v63  }
0x36: {  	_ = 	snop  }
0x37: {  	[spmem:s3] =	stream.indirect.scatter.add.f32 [tilespmem:s14], [sflag:$0x1], $0x80, s22, s16, $0xb8;
	[tilespmem:$0x10000] =	vst v63  }
0x38: {  	_ = 	snop  }
0x39: {  	[spmem:s3] =	stream.indirect.scatter.add.f32 [tilespmem:s14], [sflag:$0x2], $0x80, s23, s16, $0xb8;
	[tilespmem:$0x10000] =	vst v63  }
0x3a: {  	_ = 	snop  }
0x3b: {  	[spmem:s3] =	stream.indirect.scatter.add.f32 [tilespmem:s14], [sflag:$0x1], $0x80, s24, s16, $0xb8;
	[tilespmem:$0x10000] =	vst v63  }
0x3c: {  	_ = 	snop  }
0x3d: {  	[spmem:s3] =	stream.indirect.scatter.add.f32 [tilespmem:s14], [sflag:$0x2], $0x80, s25, s16, $0xb8;
	[tilespmem:$0x10000] =	vst v63  }
0x3e: {  	_ =	swait.ge [sflag:s26], $0x2800  }
0x3f: {  	[sflag:s26] =	ssyncset.done $0x0  }
0x40: {  	[sflag:s26] =	ssyncadd.s32 $0xFFFFD800  }
0x41: {  	_ =	swait.ge [sflag:s28], $0x2800  }
0x42: {  	[sflag:s28] =	ssyncset.done $0x0  }
0x43: {  	[sflag:s28] =	ssyncadd.s32 $0xFFFFD800  }
0x44: {  	_ =	swait.ge [sflag:s26], $0x2800  }
0x45: {  	[sflag:s26] =	ssyncset.done $0x0  }
0x46: {  	[sflag:s26] =	ssyncadd.s32 $0xFFFFD800  }
0x47: {  	_ =	swait.ge [sflag:s28], $0x2800  }
0x48: {  	[sflag:s28] =	ssyncset.done $0x0  }
0x49: {  	[sflag:s28] =	ssyncadd.s32 $0xFFFFD800  }
0x4a: {  	_ =	swait.ge [sflag:s26], $0x2800  }
0x4b: {  	[sflag:s26] =	ssyncset.done $0x0  }
0x4c: {  	[sflag:s26] =	ssyncadd.s32 $0xFFFFD800  }
0x4d: {  	_ =	swait.ge [sflag:s28], $0x2800  }
0x4e: {  	[sflag:s28] =	ssyncset.done $0x0  }
0x4f: {  	[sflag:s28] =	ssyncadd.s32 $0xFFFFD800  }
0x50: {  	_ =	swait.ge [sflag:s26], $0x2800  }
0x51: {  	[sflag:s26] =	ssyncset.done $0x0  }
0x52: {  	[sflag:s26] =	ssyncadd.s32 $0xFFFFD800  }
0x53: {  	_ =	swait.ge [sflag:s28], $0x2800  }
0x54: {  	[sflag:s28] =	ssyncset.done $0x0  }
0x55: {  	[sflag:s28] =	ssyncadd.s32 $0xFFFFD800  }
0x56: {  	_ =	swait.ge [sflag:s26], $0x2800  }
0x57: {  	[sflag:s26] =	ssyncset.done $0x0  }
0x58: {  	[sflag:s26] =	ssyncadd.s32 $0xFFFFD800  }
0x59: {  	_ =	swait.ge [sflag:s28], $0x2800  }
0x5a: {  	s7 =	simm.s32 $0x200;
	s6 =	simm.s32 $0x100;
	[sflag:s28] =	ssyncset.done $0x0  }
.LBB2_2:
0x5b: {  	s10 =	sadd.s32 s6, s11  }
0x5c: {  	[sflag:s28] =	ssyncadd.s32 $0xFFFFD800;
	s6 =	smov.u32 s7;
	s12 =	sadd.s32 $0x100, s7  }
0x5d: {  	[tilespmem:s15], [sflag:$0x3] =	stream.linear.gather [hbm4b:s10+s4], $0x500, $0x38;
	[tilespmem:$0x10000] =	vst v63  }
0x5e: {  	p0 =	sne.s32 s7, $0x1800;
	_ =	swait.ge [sflag:s13], $0x500  }
0x5f: {  	[sflag:s13] =	ssyncset.done $0x0  }
0x60: {  	[sflag:s13] =	ssyncadd.s32 $0xFFFFFB00  }
0x61: {  	[spmem:s3] =	stream.indirect.scatter.add.f32 [tilespmem:s14], [sflag:$0x1], $0x80, s15, s16, $0xb8;
	[tilespmem:$0x10000] =	vst v63  }
0x62: {  	_ = 	snop  }
0x63: {  	[spmem:s3] =	stream.indirect.scatter.add.f32 [tilespmem:s14], [sflag:$0x2], $0x80, s17, s16, $0xb8;
	[tilespmem:$0x10000] =	vst v63  }
0x64: {  	_ = 	snop  }
0x65: {  	[spmem:s3] =	stream.indirect.scatter.add.f32 [tilespmem:s14], [sflag:$0x1], $0x80, s18, s16, $0xb8;
	[tilespmem:$0x10000] =	vst v63  }
0x66: {  	_ = 	snop  }
0x67: {  	[spmem:s3] =	stream.indirect.scatter.add.f32 [tilespmem:s14], [sflag:$0x2], $0x80, s19, s16, $0xb8;
	[tilespmem:$0x10000] =	vst v63  }
0x68: {  	_ = 	snop  }
0x69: {  	[spmem:s3] =	stream.indirect.scatter.add.f32 [tilespmem:s14], [sflag:$0x1], $0x80, s20, s16, $0xb8;
	[tilespmem:$0x10000] =	vst v63  }
0x6a: {  	_ = 	snop  }
0x6b: {  	[spmem:s3] =	stream.indirect.scatter.add.f32 [tilespmem:s14], [sflag:$0x2], $0x80, s21, s16, $0xb8;
	[tilespmem:$0x10000] =	vst v63  }
0x6c: {  	_ = 	snop  }
0x6d: {  	[spmem:s3] =	stream.indirect.scatter.add.f32 [tilespmem:s14], [sflag:$0x1], $0x80, s22, s16, $0xb8;
	[tilespmem:$0x10000] =	vst v63  }
0x6e: {  	_ = 	snop  }
0x6f: {  	[spmem:s3] =	stream.indirect.scatter.add.f32 [tilespmem:s14], [sflag:$0x2], $0x80, s23, s16, $0xb8;
	[tilespmem:$0x10000] =	vst v63  }
0x70: {  	_ = 	snop  }
0x71: {  	[spmem:s3] =	stream.indirect.scatter.add.f32 [tilespmem:s14], [sflag:$0x1], $0x80, s24, s16, $0xb8;
	[tilespmem:$0x10000] =	vst v63  }
0x72: {  	_ = 	snop  }
0x73: {  	[spmem:s3] =	stream.indirect.scatter.add.f32 [tilespmem:s14], [sflag:$0x2], $0x80, s25, s16, $0xb8;
	[tilespmem:$0x10000] =	vst v63  }
0x74: {  	_ =	swait.ge [sflag:s26], $0x2800  }
0x75: {  	[sflag:s26] =	ssyncset.done $0x0  }
0x76: {  	[sflag:s26] =	ssyncadd.s32 $0xFFFFD800  }
0x77: {  	_ =	swait.ge [sflag:s28], $0x2800  }
0x78: {  	[sflag:s28] =	ssyncset.done $0x0  }
0x79: {  	[sflag:s28] =	ssyncadd.s32 $0xFFFFD800  }
0x7a: {  	_ =	swait.ge [sflag:s26], $0x2800  }
0x7b: {  	[sflag:s26] =	ssyncset.done $0x0  }
0x7c: {  	[sflag:s26] =	ssyncadd.s32 $0xFFFFD800  }
0x7d: {  	_ =	swait.ge [sflag:s28], $0x2800  }
0x7e: {  	[sflag:s28] =	ssyncset.done $0x0  }
0x7f: {  	[sflag:s28] =	ssyncadd.s32 $0xFFFFD800  }
0x80: {  	_ =	swait.ge [sflag:s26], $0x2800  }
0x81: {  	[sflag:s26] =	ssyncset.done $0x0  }
0x82: {  	[sflag:s26] =	ssyncadd.s32 $0xFFFFD800  }
0x83: {  	_ =	swait.ge [sflag:s28], $0x2800  }
0x84: {  	[sflag:s28] =	ssyncset.done $0x0  }
0x85: {  	[sflag:s28] =	ssyncadd.s32 $0xFFFFD800  }
0x86: {  	_ =	swait.ge [sflag:s26], $0x2800  }
0x87: {  	[sflag:s26] =	ssyncset.done $0x0  }
0x88: {  	[sflag:s26] =	ssyncadd.s32 $0xFFFFD800  }
0x89: {  	_ =	swait.ge [sflag:s28], $0x2800  }
0x8a: {  	[sflag:s28] =	ssyncset.done $0x0  }
0x8b: {  	[sflag:s28] =	ssyncadd.s32 $0xFFFFD800  }
.Ltmp0:
0x8c: {  	_ =	swait.ge [sflag:s26], $0x2800;
	(pc) =	sbr.rel @p0 .LBB2_2-.Ltmp0, $4  }
0x8d: {  	[sflag:s26] =	ssyncset.done $0x0  }
0x8e: {  	[sflag:s26] =	ssyncadd.s32 $0xFFFFD800  }
0x8f: {  	_ =	swait.ge [sflag:s28], $0x2800  }
0x90: {  	s7 =	smov.u32 s12;
	[sflag:s28] =	ssyncset.done $0x0  }
0x91: {  	s6 =	sadd.s32 s6, s11;
	[sflag:s28] =	ssyncadd.s32 $0xFFFFD800  }
0x92: {  	[tilespmem:s15], [sflag:$0x3] =	stream.linear.gather [hbm4b:s6+s4], $0x500, $0x38;
	[tilespmem:$0x10000] =	vst v63  }
0x93: {  	_ =	swait.ge [sflag:s13], $0x500  }
0x94: {  	[sflag:s13] =	ssyncset.done $0x0  }
0x95: {  	[sflag:s13] =	ssyncadd.s32 $0xFFFFFB00  }
0x96: {  	[spmem:s3] =	stream.indirect.scatter.add.f32 [tilespmem:s14], [sflag:$0x1], $0x80, s15, s16, $0xb8;
	[tilespmem:$0x10000] =	vst v63  }
0x97: {  	_ = 	snop  }
0x98: {  	[spmem:s3] =	stream.indirect.scatter.add.f32 [tilespmem:s14], [sflag:$0x2], $0x80, s17, s16, $0xb8;
	[tilespmem:$0x10000] =	vst v63  }
0x99: {  	_ = 	snop  }
0x9a: {  	[spmem:s3] =	stream.indirect.scatter.add.f32 [tilespmem:s14], [sflag:$0x1], $0x80, s18, s16, $0xb8;
	[tilespmem:$0x10000] =	vst v63  }
0x9b: {  	_ = 	snop  }
0x9c: {  	[spmem:s3] =	stream.indirect.scatter.add.f32 [tilespmem:s14], [sflag:$0x2], $0x80, s19, s16, $0xb8;
	[tilespmem:$0x10000] =	vst v63  }
0x9d: {  	_ = 	snop  }
0x9e: {  	[spmem:s3] =	stream.indirect.scatter.add.f32 [tilespmem:s14], [sflag:$0x1], $0x80, s20, s16, $0xb8;
	[tilespmem:$0x10000] =	vst v63  }
0x9f: {  	_ = 	snop  }
0xa0: {  	[spmem:s3] =	stream.indirect.scatter.add.f32 [tilespmem:s14], [sflag:$0x2], $0x80, s21, s16, $0xb8;
	[tilespmem:$0x10000] =	vst v63  }
0xa1: {  	_ = 	snop  }
0xa2: {  	[spmem:s3] =	stream.indirect.scatter.add.f32 [tilespmem:s14], [sflag:$0x1], $0x80, s22, s16, $0xb8;
	[tilespmem:$0x10000] =	vst v63  }
0xa3: {  	_ = 	snop  }
0xa4: {  	[spmem:s3] =	stream.indirect.scatter.add.f32 [tilespmem:s14], [sflag:$0x2], $0x80, s23, s16, $0xb8;
	[tilespmem:$0x10000] =	vst v63  }
0xa5: {  	_ = 	snop  }
0xa6: {  	[spmem:s3] =	stream.indirect.scatter.add.f32 [tilespmem:s14], [sflag:$0x1], $0x80, s24, s16, $0xb8;
	[tilespmem:$0x10000] =	vst v63  }
0xa7: {  	_ = 	snop  }
0xa8: {  	[spmem:s3] =	stream.indirect.scatter.add.f32 [tilespmem:s14], [sflag:$0x2], $0x80, s25, s16, $0xb8;
	[tilespmem:$0x10000] =	vst v63  }
0xa9: {  	_ =	swait.ge [sflag:s26], $0x2800  }
0xaa: {  	[sflag:s26] =	ssyncset.done $0x0  }
0xab: {  	[sflag:s26] =	ssyncadd.s32 $0xFFFFD800  }
0xac: {  	_ =	swait.ge [sflag:s28], $0x2800  }
0xad: {  	[sflag:s28] =	ssyncset.done $0x0  }
0xae: {  	[sflag:s28] =	ssyncadd.s32 $0xFFFFD800  }
0xaf: {  	_ =	swait.ge [sflag:s26], $0x2800  }
0xb0: {  	[sflag:s26] =	ssyncset.done $0x0  }
0xb1: {  	[sflag:s26] =	ssyncadd.s32 $0xFFFFD800  }
0xb2: {  	_ =	swait.ge [sflag:s28], $0x2800  }
0xb3: {  	[sflag:s28] =	ssyncset.done $0x0  }
0xb4: {  	[sflag:s28] =	ssyncadd.s32 $0xFFFFD800  }
0xb5: {  	_ =	swait.ge [sflag:s26], $0x2800  }
0xb6: {  	[sflag:s26] =	ssyncset.done $0x0  }
0xb7: {  	[sflag:s26] =	ssyncadd.s32 $0xFFFFD800  }
0xb8: {  	_ =	swait.ge [sflag:s28], $0x2800  }
0xb9: {  	[sflag:s28] =	ssyncset.done $0x0  }
0xba: {  	[sflag:s28] =	ssyncadd.s32 $0xFFFFD800  }
0xbb: {  	_ =	swait.ge [sflag:s26], $0x2800  }
0xbc: {  	[sflag:s26] =	ssyncset.done $0x0  }
0xbd: {  	[sflag:s26] =	ssyncadd.s32 $0xFFFFD800  }
0xbe: {  	_ =	swait.ge [sflag:s28], $0x2800  }
0xbf: {  	[sflag:s28] =	ssyncset.done $0x0  }
0xc0: {  	[sflag:s28] =	ssyncadd.s32 $0xFFFFD800  }
0xc1: {  	_ =	swait.ge [sflag:s26], $0x2800  }
0xc2: {  	[sflag:s26] =	ssyncset.done $0x0  }
0xc3: {  	[sflag:s26] =	ssyncadd.s32 $0xFFFFD800  }
0xc4: {  	_ =	swait.ge [sflag:s28], $0x2800  }
0xc5: {  	[sflag:s28] =	ssyncset.done $0x0  }
0xc6: {  	[sflag:s28] =	ssyncadd.s32 $0xFFFFD800  }
0xc7: {  	[bflag:$0x0] =	sbarrier.arrive $0xFFFF  }
0xc8: {  	s6 =	rddreg [dreg:$0xb]  }
0xc9: {  	s7 =	rddreg [dreg:$0xc]  }
0xca: {  	s10 =	rddreg [dreg:$0xf]  }
0xcb: {  	[hbm:s7], [sflag:s6] =	dma.local [spmem:s10], $0x1400  }
0xcc: {  	_ =	swait.ge [sflag:s13], $0x1400  }
0xcd: {  	[sflag:s13] =	ssyncset.done $0x0  }
0xce: {  	s12 =	rddreg [dreg:$0xa];
	[sflag:s13] =	ssyncadd.s32 $0xFFFFEC00  }
0xcf: {  	[spmem:s10], [sflag:s6] =	dma.local [hbm:s12], $0x1400  }
0xd0: {  	_ =	swait.ge [sflag:s13], $0x1400  }
0xd1: {  	[sflag:s13] =	ssyncset.done $0x0  }
0xd2: {  	[sflag:s13] =	ssyncadd.s32 $0xFFFFEC00  }
0xd3: {  	[bflag:$0x0] =	sbarrier.arrive $0xFFFF  }
0xd4: {  	s10 =	rddreg [dreg:$0x5]  }
0xd5: {  	s6 =	sadd.s32 $0x0, s10  }
0xd6: {  	[tilespmem:s29], [sflag:$0x3] =	stream.linear.gather [hbm4b:s6+s4], $0x500, $0x38;
	[tilespmem:$0x10000] =	vst v63  }
0xd7: {  	_ =	swait.ge [sflag:s13], $0x500  }
0xd8: {  	[sflag:s13] =	ssyncset.done $0x0  }
0xd9: {  	s12 =	sadd.s32 $0x0, s11;
	[sflag:s13] =	ssyncadd.s32 $0xFFFFFB00  }
0xda: {  	[tilespmem:s15], [sflag:$0x3] =	stream.linear.gather [hbm4b:s12+s4], $0x500, $0x38;
	[tilespmem:$0x10000] =	vst v63  }
0xdb: {  	_ =	swait.ge [sflag:s13], $0x500  }
0xdc: {  	[sflag:s13] =	ssyncset.done $0x0  }
0xdd: {  	[sflag:s13] =	ssyncadd.s32 $0xFFFFFB00  }
0xde: {  	[tilespmem:s14], [sflag:$0x1] =	stream.indirect.gather [hbm4b:s1+s16], $0x80, s29, s16, $0xb8;
	[tilespmem:$0x10000] =	vst v63  }
0xdf: {  	s7 =	rddreg [dreg:$0x6]  }
0xe0: {  	[tilespmem:s30], [sflag:$0x2] =	stream.indirect.gather [hbm4b:s1+s16], $0x80, s7, s16, $0xb8;
	[tilespmem:$0x10000] =	vst v63  }
0xe1: {  	_ =	swait.ge [sflag:s26], $0x2800  }
0xe2: {  	[sflag:s26] =	ssyncset.done $0x0  }
0xe3: {  	[sflag:s26] =	ssyncadd.s32 $0xFFFFD800  }
0xe4: {  	[spmem:s3] =	stream.indirect.scatter.add.f32 [tilespmem:s14], [sflag:$0x3], $0x80, s15, s16, $0xb8;
	[tilespmem:$0x10000] =	vst v63  }
0xe5: {  	_ =	swait.ge [sflag:s13], $0x2800  }
0xe6: {  	[sflag:s13] =	ssyncset.done $0x0  }
0xe7: {  	s10 =	rddreg [dreg:$0x7];
	[sflag:s13] =	ssyncadd.s32 $0xFFFFD800  }
0xe8: {  	[tilespmem:s14], [sflag:$0x1] =	stream.indirect.gather [hbm4b:s1+s16], $0x80, s10, s16, $0xb8;
	[tilespmem:$0x10000] =	vst v63  }
0xe9: {  	_ =	swait.ge [sflag:s28], $0x2800  }
0xea: {  	[sflag:s28] =	ssyncset.done $0x0  }
0xeb: {  	[sflag:s28] =	ssyncadd.s32 $0xFFFFD800  }
0xec: {  	[spmem:s3] =	stream.indirect.scatter.add.f32 [tilespmem:s30], [sflag:$0x3], $0x80, s17, s16, $0xb8;
	[tilespmem:$0x10000] =	vst v63  }
0xed: {  	_ =	swait.ge [sflag:s13], $0x2800  }
0xee: {  	[sflag:s13] =	ssyncset.done $0x0  }
0xef: {  	s12 =	rddreg [dreg:$0x8];
	[sflag:s13] =	ssyncadd.s32 $0xFFFFD800  }
0xf0: {  	[tilespmem:s30], [sflag:$0x2] =	stream.indirect.gather [hbm4b:s1+s16], $0x80, s12, s16, $0xb8;
	[tilespmem:$0x10000] =	vst v63  }
0xf1: {  	_ =	swait.ge [sflag:s26], $0x2800  }
0xf2: {  	[sflag:s26] =	ssyncset.done $0x0  }
0xf3: {  	[sflag:s26] =	ssyncadd.s32 $0xFFFFD800  }
0xf4: {  	[spmem:s3] =	stream.indirect.scatter.add.f32 [tilespmem:s14], [sflag:$0x3], $0x80, s18, s16, $0xb8;
	[tilespmem:$0x10000] =	vst v63  }
0xf5: {  	_ =	swait.ge [sflag:s13], $0x2800  }
0xf6: {  	[sflag:s13] =	ssyncset.done $0x0  }
0xf7: {  	[sflag:s13] =	ssyncadd.s32 $0xFFFFD800  }
0xf8: {  	[tilespmem:s14], [sflag:$0x1] =	stream.indirect.gather [hbm4b:s1+s16], $0x80, s31, s16, $0xb8;
	[tilespmem:$0x10000] =	vst v63  }
0xf9: {  	_ =	swait.ge [sflag:s28], $0x2800  }
0xfa: {  	[sflag:s28] =	ssyncset.done $0x0  }
0xfb: {  	[sflag:s28] =	ssyncadd.s32 $0xFFFFD800  }
0xfc: {  	[spmem:s3] =	stream.indirect.scatter.add.f32 [tilespmem:s30], [sflag:$0x3], $0x80, s19, s16, $0xb8;
	[tilespmem:$0x10000] =	vst v63  }
0xfd: {  	_ =	swait.ge [sflag:s13], $0x2800  }
0xfe: {  	[sflag:s13] =	ssyncset.done $0x0  }
0xff: {  	[sflag:s13] =	ssyncadd.s32 $0xFFFFD800  }
0x100: {  	[tilespmem:s30], [sflag:$0x2] =	stream.indirect.gather [hbm4b:s1+s16], $0x80, s0, s16, $0xb8;
	[tilespmem:$0x10000] =	vst v63  }
0x101: {  	_ =	swait.ge [sflag:s26], $0x2800  }
0x102: {  	[sflag:s26] =	ssyncset.done $0x0  }
0x103: {  	[sflag:s26] =	ssyncadd.s32 $0xFFFFD800  }
0x104: {  	[spmem:s3] =	stream.indirect.scatter.add.f32 [tilespmem:s14], [sflag:$0x3], $0x80, s20, s16, $0xb8;
	[tilespmem:$0x10000] =	vst v63  }
0x105: {  	_ =	swait.ge [sflag:s13], $0x2800  }
0x106: {  	[sflag:s13] =	ssyncset.done $0x0  }
0x107: {  	[sflag:s13] =	ssyncadd.s32 $0xFFFFD800  }
0x108: {  	[tilespmem:s14], [sflag:$0x1] =	stream.indirect.gather [hbm4b:s1+s16], $0x80, s2, s16, $0xb8;
	[tilespmem:$0x10000] =	vst v63  }
0x109: {  	_ =	swait.ge [sflag:s28], $0x2800  }
0x10a: {  	[sflag:s28] =	ssyncset.done $0x0  }
0x10b: {  	[sflag:s28] =	ssyncadd.s32 $0xFFFFD800  }
0x10c: {  	[spmem:s3] =	stream.indirect.scatter.add.f32 [tilespmem:s30], [sflag:$0x3], $0x80, s21, s16, $0xb8;
	[tilespmem:$0x10000] =	vst v63  }
0x10d: {  	_ =	swait.ge [sflag:s13], $0x2800  }
0x10e: {  	[sflag:s13] =	ssyncset.done $0x0  }
0x10f: {  	[sflag:s13] =	ssyncadd.s32 $0xFFFFD800  }
0x110: {  	[tilespmem:s30], [sflag:$0x2] =	stream.indirect.gather [hbm4b:s1+s16], $0x80, s5, s16, $0xb8;
	[tilespmem:$0x10000] =	vst v63  }
0x111: {  	_ =	swait.ge [sflag:s26], $0x2800  }
0x112: {  	[sflag:s26] =	ssyncset.done $0x0  }
0x113: {  	[sflag:s26] =	ssyncadd.s32 $0xFFFFD800  }
0x114: {  	[spmem:s3] =	stream.indirect.scatter.add.f32 [tilespmem:s14], [sflag:$0x3], $0x80, s22, s16, $0xb8;
	[tilespmem:$0x10000] =	vst v63  }
0x115: {  	_ =	swait.ge [sflag:s13], $0x2800  }
0x116: {  	[sflag:s13] =	ssyncset.done $0x0  }
0x117: {  	[sflag:s13] =	ssyncadd.s32 $0xFFFFD800  }
0x118: {  	[tilespmem:s14], [sflag:$0x1] =	stream.indirect.gather [hbm4b:s1+s16], $0x80, s8, s16, $0xb8;
	[tilespmem:$0x10000] =	vst v63  }
0x119: {  	_ =	swait.ge [sflag:s28], $0x2800  }
0x11a: {  	[sflag:s28] =	ssyncset.done $0x0  }
0x11b: {  	[sflag:s28] =	ssyncadd.s32 $0xFFFFD800  }
0x11c: {  	[spmem:s3] =	stream.indirect.scatter.add.f32 [tilespmem:s30], [sflag:$0x3], $0x80, s23, s16, $0xb8;
	[tilespmem:$0x10000] =	vst v63  }
0x11d: {  	_ =	swait.ge [sflag:s13], $0x2800  }
0x11e: {  	[sflag:s13] =	ssyncset.done $0x0  }
0x11f: {  	[sflag:s13] =	ssyncadd.s32 $0xFFFFD800  }
0x120: {  	[tilespmem:s30], [sflag:$0x2] =	stream.indirect.gather [hbm4b:s1+s16], $0x80, s9, s16, $0xb8;
	[tilespmem:$0x10000] =	vst v63  }
0x121: {  	_ =	swait.ge [sflag:s26], $0x2800  }
0x122: {  	[sflag:s26] =	ssyncset.done $0x0  }
0x123: {  	[sflag:s26] =	ssyncadd.s32 $0xFFFFD800  }
0x124: {  	[spmem:s3] =	stream.indirect.scatter.add.f32 [tilespmem:s14], [sflag:$0x3], $0x80, s24, s16, $0xb8;
	[tilespmem:$0x10000] =	vst v63  }
0x125: {  	_ =	swait.ge [sflag:s13], $0x2800  }
0x126: {  	[sflag:s13] =	ssyncset.done $0x0  }
0x127: {  	[sflag:s13] =	ssyncadd.s32 $0xFFFFD800  }
0x128: {  	_ =	swait.ge [sflag:s28], $0x2800  }
0x129: {  	[sflag:s28] =	ssyncset.done $0x0  }
0x12a: {  	[sflag:s28] =	ssyncadd.s32 $0xFFFFD800  }
0x12b: {  	[spmem:s3] =	stream.indirect.scatter.add.f32 [tilespmem:s30], [sflag:$0x3], $0x80, s25, s16, $0xb8;
	[tilespmem:$0x10000] =	vst v63  }
0x12c: {  	s6 =	simm.s32 $0x100;
	_ =	swait.ge [sflag:s13], $0x2800  }
.LBB2_4:
0x12d: {  	s7 =	rddreg [dreg:$0x5];
	s10 =	smov.u32 s6;
	[sflag:s13] =	ssyncset.done $0x0  }
0x12e: {  	s7 =	sadd.s32 s10, s7;
	[sflag:s13] =	ssyncadd.s32 $0xFFFFD800  }
0x12f: {  	[tilespmem:s29], [sflag:$0x3] =	stream.linear.gather [hbm4b:s7+s4], $0x500, $0x38;
	[tilespmem:$0x10000] =	vst v63  }
0x130: {  	_ =	swait.ge [sflag:s13], $0x500  }
0x131: {  	[sflag:s13] =	ssyncset.done $0x0  }
0x132: {  	s10 =	sadd.s32 s10, s11;
	[sflag:s13] =	ssyncadd.s32 $0xFFFFFB00  }
0x133: {  	[tilespmem:s15], [sflag:$0x3] =	stream.linear.gather [hbm4b:s10+s4], $0x500, $0x38;
	[tilespmem:$0x10000] =	vst v63  }
0x134: {  	_ =	swait.ge [sflag:s13], $0x500  }
0x135: {  	[sflag:s13] =	ssyncset.done $0x0  }
0x136: {  	[sflag:s13] =	ssyncadd.s32 $0xFFFFFB00  }
0x137: {  	[tilespmem:s14], [sflag:$0x1] =	stream.indirect.gather [hbm4b:s1+s16], $0x80, s29, s16, $0xb8;
	[tilespmem:$0x10000] =	vst v63  }
0x138: {  	s12 =	rddreg [dreg:$0x6]  }
0x139: {  	[tilespmem:s30], [sflag:$0x2] =	stream.indirect.gather [hbm4b:s1+s16], $0x80, s12, s16, $0xb8;
	[tilespmem:$0x10000] =	vst v63  }
0x13a: {  	_ =	swait.ge [sflag:s26], $0x2800  }
0x13b: {  	[sflag:s26] =	ssyncset.done $0x0  }
0x13c: {  	[sflag:s26] =	ssyncadd.s32 $0xFFFFD800  }
0x13d: {  	[spmem:s3] =	stream.indirect.scatter.add.f32 [tilespmem:s14], [sflag:$0x3], $0x80, s15, s16, $0xb8;
	[tilespmem:$0x10000] =	vst v63  }
0x13e: {  	_ =	swait.ge [sflag:s13], $0x2800  }
0x13f: {  	[sflag:s13] =	ssyncset.done $0x0  }
0x140: {  	s10 =	rddreg [dreg:$0x7];
	[sflag:s13] =	ssyncadd.s32 $0xFFFFD800  }
0x141: {  	[tilespmem:s14], [sflag:$0x1] =	stream.indirect.gather [hbm4b:s1+s16], $0x80, s10, s16, $0xb8;
	[tilespmem:$0x10000] =	vst v63  }
0x142: {  	_ =	swait.ge [sflag:s28], $0x2800  }
0x143: {  	[sflag:s28] =	ssyncset.done $0x0  }
0x144: {  	[sflag:s28] =	ssyncadd.s32 $0xFFFFD800  }
0x145: {  	[spmem:s3] =	stream.indirect.scatter.add.f32 [tilespmem:s30], [sflag:$0x3], $0x80, s17, s16, $0xb8;
	[tilespmem:$0x10000] =	vst v63  }
0x146: {  	_ =	swait.ge [sflag:s13], $0x2800  }
0x147: {  	[sflag:s13] =	ssyncset.done $0x0  }
0x148: {  	s12 =	rddreg [dreg:$0x8];
	[sflag:s13] =	ssyncadd.s32 $0xFFFFD800  }
0x149: {  	[tilespmem:s30], [sflag:$0x2] =	stream.indirect.gather [hbm4b:s1+s16], $0x80, s12, s16, $0xb8;
	[tilespmem:$0x10000] =	vst v63  }
0x14a: {  	_ =	swait.ge [sflag:s26], $0x2800  }
0x14b: {  	[sflag:s26] =	ssyncset.done $0x0  }
0x14c: {  	[sflag:s26] =	ssyncadd.s32 $0xFFFFD800  }
0x14d: {  	[spmem:s3] =	stream.indirect.scatter.add.f32 [tilespmem:s14], [sflag:$0x3], $0x80, s18, s16, $0xb8;
	[tilespmem:$0x10000] =	vst v63  }
0x14e: {  	_ =	swait.ge [sflag:s13], $0x2800  }
0x14f: {  	[sflag:s13] =	ssyncset.done $0x0  }
0x150: {  	[sflag:s13] =	ssyncadd.s32 $0xFFFFD800  }
0x151: {  	[tilespmem:s14], [sflag:$0x1] =	stream.indirect.gather [hbm4b:s1+s16], $0x80, s31, s16, $0xb8;
	[tilespmem:$0x10000] =	vst v63  }
0x152: {  	_ =	swait.ge [sflag:s28], $0x2800  }
0x153: {  	[sflag:s28] =	ssyncset.done $0x0  }
0x154: {  	[sflag:s28] =	ssyncadd.s32 $0xFFFFD800  }
0x155: {  	[spmem:s3] =	stream.indirect.scatter.add.f32 [tilespmem:s30], [sflag:$0x3], $0x80, s19, s16, $0xb8;
	[tilespmem:$0x10000] =	vst v63  }
0x156: {  	_ =	swait.ge [sflag:s13], $0x2800  }
0x157: {  	[sflag:s13] =	ssyncset.done $0x0  }
0x158: {  	[sflag:s13] =	ssyncadd.s32 $0xFFFFD800  }
0x159: {  	[tilespmem:s30], [sflag:$0x2] =	stream.indirect.gather [hbm4b:s1+s16], $0x80, s0, s16, $0xb8;
	[tilespmem:$0x10000] =	vst v63  }
0x15a: {  	_ =	swait.ge [sflag:s26], $0x2800  }
0x15b: {  	[sflag:s26] =	ssyncset.done $0x0  }
0x15c: {  	[sflag:s26] =	ssyncadd.s32 $0xFFFFD800  }
0x15d: {  	[spmem:s3] =	stream.indirect.scatter.add.f32 [tilespmem:s14], [sflag:$0x3], $0x80, s20, s16, $0xb8;
	[tilespmem:$0x10000] =	vst v63  }
0x15e: {  	_ =	swait.ge [sflag:s13], $0x2800  }
0x15f: {  	[sflag:s13] =	ssyncset.done $0x0  }
0x160: {  	[sflag:s13] =	ssyncadd.s32 $0xFFFFD800  }
0x161: {  	[tilespmem:s14], [sflag:$0x1] =	stream.indirect.gather [hbm4b:s1+s16], $0x80, s2, s16, $0xb8;
	[tilespmem:$0x10000] =	vst v63  }
0x162: {  	_ =	swait.ge [sflag:s28], $0x2800  }
0x163: {  	[sflag:s28] =	ssyncset.done $0x0  }
0x164: {  	[sflag:s28] =	ssyncadd.s32 $0xFFFFD800  }
0x165: {  	[spmem:s3] =	stream.indirect.scatter.add.f32 [tilespmem:s30], [sflag:$0x3], $0x80, s21, s16, $0xb8;
	[tilespmem:$0x10000] =	vst v63  }
0x166: {  	_ =	swait.ge [sflag:s13], $0x2800  }
0x167: {  	[sflag:s13] =	ssyncset.done $0x0  }
0x168: {  	[sflag:s13] =	ssyncadd.s32 $0xFFFFD800  }
0x169: {  	[tilespmem:s30], [sflag:$0x2] =	stream.indirect.gather [hbm4b:s1+s16], $0x80, s5, s16, $0xb8;
	[tilespmem:$0x10000] =	vst v63  }
0x16a: {  	_ =	swait.ge [sflag:s26], $0x2800  }
0x16b: {  	[sflag:s26] =	ssyncset.done $0x0  }
0x16c: {  	[sflag:s26] =	ssyncadd.s32 $0xFFFFD800  }
0x16d: {  	[spmem:s3] =	stream.indirect.scatter.add.f32 [tilespmem:s14], [sflag:$0x3], $0x80, s22, s16, $0xb8;
	[tilespmem:$0x10000] =	vst v63  }
0x16e: {  	_ =	swait.ge [sflag:s13], $0x2800  }
0x16f: {  	[sflag:s13] =	ssyncset.done $0x0  }
0x170: {  	[sflag:s13] =	ssyncadd.s32 $0xFFFFD800  }
0x171: {  	[tilespmem:s14], [sflag:$0x1] =	stream.indirect.gather [hbm4b:s1+s16], $0x80, s8, s16, $0xb8;
	[tilespmem:$0x10000] =	vst v63  }
0x172: {  	_ =	swait.ge [sflag:s28], $0x2800  }
0x173: {  	[sflag:s28] =	ssyncset.done $0x0  }
0x174: {  	[sflag:s28] =	ssyncadd.s32 $0xFFFFD800  }
0x175: {  	[spmem:s3] =	stream.indirect.scatter.add.f32 [tilespmem:s30], [sflag:$0x3], $0x80, s23, s16, $0xb8;
	[tilespmem:$0x10000] =	vst v63  }
0x176: {  	_ =	swait.ge [sflag:s13], $0x2800  }
0x177: {  	[sflag:s13] =	ssyncset.done $0x0  }
0x178: {  	[sflag:s13] =	ssyncadd.s32 $0xFFFFD800  }
0x179: {  	[tilespmem:s30], [sflag:$0x2] =	stream.indirect.gather [hbm4b:s1+s16], $0x80, s9, s16, $0xb8;
	[tilespmem:$0x10000] =	vst v63  }
0x17a: {  	_ =	swait.ge [sflag:s26], $0x2800  }
0x17b: {  	[sflag:s26] =	ssyncset.done $0x0  }
0x17c: {  	[sflag:s26] =	ssyncadd.s32 $0xFFFFD800  }
0x17d: {  	[spmem:s3] =	stream.indirect.scatter.add.f32 [tilespmem:s14], [sflag:$0x3], $0x80, s24, s16, $0xb8;
	[tilespmem:$0x10000] =	vst v63  }
0x17e: {  	_ =	swait.ge [sflag:s13], $0x2800  }
0x17f: {  	[sflag:s13] =	ssyncset.done $0x0  }
0x180: {  	p0 =	sne.s32 s6, $0x1800;
	[sflag:s13] =	ssyncadd.s32 $0xFFFFD800  }
.Ltmp1:
0x181: {  	_ =	swait.ge [sflag:s28], $0x2800;
	(pc) =	sbr.rel @p0 .LBB2_4-.Ltmp1, $4  }
0x182: {  	[sflag:s28] =	ssyncset.done $0x0  }
0x183: {  	[sflag:s28] =	ssyncadd.s32 $0xFFFFD800  }
0x184: {  	[spmem:s3] =	stream.indirect.scatter.add.f32 [tilespmem:s30], [sflag:$0x3], $0x80, s25, s16, $0xb8;
	[tilespmem:$0x10000] =	vst v63  }
0x185: {  	s6 =	sadd.s32 $0x100, s6;
	_ =	swait.ge [sflag:s13], $0x2800  }
0x186: {  	[sflag:s13] =	ssyncset.done $0x0  }
0x187: {  	[sflag:s13] =	ssyncadd.s32 $0xFFFFD800  }
0x188: {  	[bflag:$0x0] =	sbarrier.arrive $0xFFFF  }
0x189: {  	s10 =	rddreg [dreg:$0xb]  }
0x18a: {  	s6 =	rddreg [dreg:$0xd]  }
0x18b: {  	s7 =	rddreg [dreg:$0xf]  }
0x18c: {  	[hbm:s6], [sflag:s10] =	dma.local [spmem:s7], $0x1400  }
0x18d: {  	_ =	swait.ge [sflag:s13], $0x1400  }
0x18e: {  	s12 =	rddreg [dreg:$0x10]  }
0x18f: {  	s6 =	rddreg [dreg:$0xe];
	s12 =	sadd.s32 $0x1, s12  }
0x190: {  	p0 =	sne.s32 s12, s6  }
.Ltmp2:
0x191: {  	_ = 	snop;
	(pc) =	sbr.rel @p0 .LBB2_1-.Ltmp2, $3  }
0x192: {  	_ =	sdelay $0x1  }
0x193: {  	[sflag:s13] =	ssyncset.done $0x0;
	[dreg:$0x10] =	wrdreg s12  }
0x194: {  	[sflag:s13] =	ssyncadd.s32 $0xFFFFEC00;
	s12 =	rddreg [dreg:$0xa]  }
0x195: {  	_ =	sfence.sel $0x180000  }
0x196: {  	[bflag:$0x0] =	sbarrier.arrive $0xFFFF  }
0x197: {  	_ =	strace $0x90000047  }
0x198: {  	s0 =	stileid.u32;
	[bflag:$0x2] =	sbarrier.arrive $0xFFFF  }
0x199: {  	p0 =	sne.s32 s0, $0x0;
	s0 =	rddreg [dreg:$0x4]  }
0x19a: {  	s0 =	sadd.s32 @!p0 $0x100000, s0  }
0x19b: {  	[sflag:s0] =	ssyncadd.tile.s32 @!p0 $0x1;
	_ =	shalt  }
.Lfunc_end2:
_tile_overlayer_lowered:
.L_overlay_start_2:
0x19c: {  	(tag) =	ssettag $0x2  }
0x19d: {  	s0 =	rddreg [dreg:$0x0];
	s2 =	stileid.u32  }
0x19e: {  	s1 =	rddreg [dreg:$0x1];
	p0 =	sne.s32 s2, $0x0  }
0x19f: {  	s3 =	rddreg [dreg:$0x2];
	[bflag:$0x3] =	sbarrier.arrive $0xFFFF;
	s2 =	simm.s32 @!p0 $0x1C03  }
0x1a0: {  	[timem:s3], [sflag:s2] =	dma.local @!p0 [hbm:s0], s1  }
0x1a1: {  	s0 =	simm.s32 @!p0 $0x3  }
0x1a2: {  	_ =	swait.ge @!p0 [sflag:s0], s1  }
0x1a3: {  	s1 =	ssub.s32 @!p0 $0x0, s1;
	[sflag:s0] =	ssyncset.done @!p0 $0x0  }
0x1a4: {  	[sflag:s0] =	ssyncadd.s32 @!p0 s1  }
0x1a5: {  	[bflag:$0x3] =	sbarrier.arrive $0xFFFF  }
0x1a6: {  	_ =	shalt  }

</sc_bundles>
